<compile_context>
chip_gen: v7x
topology: tpu7x:2x2x1
jax: 0.10.2.dev20260603
libtpu: 0.0.44.dev20260713+nightly
codegen_flags: <defaults>
</compile_context>

<pallas_src>
import functools

import jax
import jax.numpy as jnp
from jax import lax
from jax.experimental import pallas as pl
from jax.experimental.pallas import tpu as pltpu
from jax.experimental.pallas import tpu_sc as plsc

N = 10000
E = 320000
H = 128
HD = H // 2
G = 64

NC = 2
NS = 16
CW = 125
CHT = 160
RPT = 624
TAIL = N - NS * RPT
ZB = 208

_mesh = plsc.VectorSubcoreMesh(core_axis_name="c", subcore_axis_name="s")



@functools.partial(
    pl.kernel,
    out_type=jax.ShapeDtypeStruct((NC, N, 16), jnp.float32),
    mesh=_mesh,
    scratch_types=[
        pltpu.VMEM((CHT, CW), jnp.int32),
        pltpu.VMEM((CW, 16), jnp.float32),
        pltpu.VMEM((RPT, 16), jnp.float32),
        pltpu.VMEM_SHARED((N, 16), jnp.float32),
    ],
    compiler_params=pltpu.CompilerParams(use_tc_tiling_on_sc=False),
)
def _sc_deg(er_hbm, out_hbm, dst_v, ones_v, zero_v, acc_sh):
    c = lax.axis_index("c")
    s = lax.axis_index("s")

    @pl.loop(0, CW)
    def _(i):
        ones_v[i, :] = jnp.ones((16,), jnp.float32)

    @pl.loop(0, RPT)
    def _(i):
        zero_v[i, :] = jnp.zeros((16,), jnp.float32)

    pltpu.sync_copy(zero_v, acc_sh.at[pl.ds(s * RPT, RPT)])

    @pl.when(s == NS - 1)
    def _():
        pltpu.sync_copy(zero_v.at[pl.ds(0, TAIL)],
                        acc_sh.at[pl.ds(NS * RPT, TAIL)])

    plsc.subcore_barrier()

    pltpu.sync_copy(er_hbm.at[2, s], dst_v)

    @pl.loop(0, CHT // NC)
    def _(j):
        pltpu.sync_copy(ones_v, acc_sh.at[dst_v.at[c * (CHT // NC) + j]],
                        add=True)

    plsc.subcore_barrier()
    pltpu.sync_copy(acc_sh.at[pl.ds(s * RPT, RPT)],
                    out_hbm.at[c, pl.ds(s * RPT, RPT)])

    @pl.when(s == NS - 1)
    def _():
        pltpu.sync_copy(acc_sh.at[pl.ds(NS * RPT, TAIL)],
                        out_hbm.at[c, pl.ds(NS * RPT, TAIL)])


@functools.partial(
    pl.kernel,
    out_type=jax.ShapeDtypeStruct((NC, N, HD), jnp.float32),
    mesh=_mesh,
    scratch_types=[
        pltpu.VMEM((CHT, CW), jnp.int32),
        pltpu.VMEM((CHT, CW), jnp.int32),
        pltpu.VMEM((4, CW, HD), jnp.float32),
        pltpu.VMEM((ZB, HD), jnp.float32),
        pltpu.VMEM_SHARED((N, HD), jnp.float32),
        pltpu.SemaphoreType.DMA((4,)),
        pltpu.SemaphoreType.DMA((4,)),
    ],
    compiler_params=pltpu.CompilerParams(use_tc_tiling_on_sc=False),
)
def _sc_agg(u_hbm, er_hbm, out_hbm, src_v, dst_v, rows_v, zero_v, acc_sh,
            gsem, ssem):
    c = lax.axis_index("c")
    s = lax.axis_index("s")

    @pl.loop(0, ZB)
    def _(i):
        for k in range(HD // 16):
            zero_v[i, pl.ds(16 * k, 16)] = jnp.zeros((16,), jnp.float32)

    for t in range(RPT // ZB):
        pltpu.sync_copy(zero_v, acc_sh.at[pl.ds(s * RPT + t * ZB, ZB)])

    @pl.when(s == NS - 1)
    def _():
        pltpu.sync_copy(zero_v.at[pl.ds(0, TAIL)],
                        acc_sh.at[pl.ds(NS * RPT, TAIL)])

    plsc.subcore_barrier()

    pltpu.sync_copy(er_hbm.at[c, s], src_v)
    pltpu.sync_copy(er_hbm.at[2, s], dst_v)

    def g_start(ch, b):
        pltpu.async_copy(u_hbm.at[src_v.at[ch]], rows_v.at[b], gsem.at[b])

    def g_wait(ch, b):
        pltpu.make_async_copy(u_hbm.at[src_v.at[ch]], rows_v.at[b],
                              gsem.at[b]).wait()

    def s_start(ch, b):
        pltpu.async_copy(rows_v.at[b], acc_sh.at[dst_v.at[ch]], ssem.at[b],
                         add=True)

    def s_wait(ch, b):
        pltpu.make_async_copy(rows_v.at[b], acc_sh.at[dst_v.at[ch]],
                              ssem.at[b]).wait()

    g_start(0, 0)
    g_start(1, 1)
    g_start(2, 2)

    @pl.loop(0, CHT, step=4)
    def _(j):
        for b in range(4):
            ch = j + b
            g_wait(ch, b)
            s_start(ch, b)
            nb = (b + 3) % 4

            @pl.when(ch + 3 < CHT)
            def _():
                @pl.when(ch >= 1)
                def _():
                    s_wait(ch - 1, nb)

                g_start(ch + 3, nb)

    for k in range(4):
        s_wait(CHT - 4 + k, k)

    plsc.subcore_barrier()
    pltpu.sync_copy(acc_sh.at[pl.ds(s * RPT, RPT)],
                    out_hbm.at[c, pl.ds(s * RPT, RPT)])

    @pl.when(s == NS - 1)
    def _():
        pltpu.sync_copy(acc_sh.at[pl.ds(NS * RPT, TAIL)],
                        out_hbm.at[c, pl.ds(NS * RPT, TAIL)])



_RB = 2000


def _dinv_of(dref):
    deg = dref[0, :, 0:1] + dref[1, :, 0:1] + 1.0
    return lax.rsqrt(deg)


def _tc_layer0_body(x_ref, d_ref, w_ref, o_ref):
    dinv = _dinv_of(d_ref)
    t = jnp.dot(x_ref[...], w_ref[...], preferred_element_type=jnp.float32)
    o_ref[...] = t * dinv


def _tc_layer0(x, deg2, W0):
    grid = (N // _RB,)
    return pl.pallas_call(
        _tc_layer0_body,
        grid=grid,
        in_specs=[
            pl.BlockSpec((_RB, H), lambda i: (i, 0)),
            pl.BlockSpec((NC, _RB, 16), lambda i: (0, i, 0)),
            pl.BlockSpec((H, H), lambda i: (0, 0)),
        ],
        out_specs=pl.BlockSpec((_RB, H), lambda i: (i, 0)),
        out_shape=jax.ShapeDtypeStruct((N, H), jnp.float32),
    )(x, deg2, W0)


def _hcat(a_ref):
    return jnp.concatenate([a_ref[0], a_ref[1]], axis=1)


def _tc_layer_body(a_ref, u_ref, d_ref, b_ref, w_ref, o_ref):
    dinv = _dinv_of(d_ref)
    h = jnp.tanh(dinv * (_hcat(a_ref) + u_ref[...]) + b_ref[...])
    t = jnp.dot(h, w_ref[...], preferred_element_type=jnp.float32)
    o_ref[...] = t * dinv


def _tc_layer(agg, u, deg2, b, Wnext):
    grid = (N // _RB,)
    return pl.pallas_call(
        _tc_layer_body,
        grid=grid,
        in_specs=[
            pl.BlockSpec((NC, _RB, HD), lambda i: (0, i, 0)),
            pl.BlockSpec((_RB, H), lambda i: (i, 0)),
            pl.BlockSpec((NC, _RB, 16), lambda i: (0, i, 0)),
            pl.BlockSpec((1, H), lambda i: (0, 0)),
            pl.BlockSpec((H, H), lambda i: (0, 0)),
        ],
        out_specs=pl.BlockSpec((_RB, H), lambda i: (i, 0)),
        out_shape=jax.ShapeDtypeStruct((N, H), jnp.float32),
    )(agg, u, deg2, b.reshape(1, H), Wnext)


_PB = 1000
_NPB = N // _PB


def _tc_final_body(a_ref, u_ref, d_ref, b_ref, batch_ref, bcol_ref, w_ref,
                   bo_ref, o_ref, smax, ssum, scnt):
    i = pl.program_id(0)

    @pl.when(i == 0)
    def _():
        smax[...] = jnp.full((G, H), -jnp.inf, jnp.float32)
        ssum[...] = jnp.zeros((G, H), jnp.float32)
        scnt[...] = jnp.zeros((G, H), jnp.float32)

    dinv = _dinv_of(d_ref)
    h = jnp.tanh(dinv * (_hcat(a_ref) + u_ref[...]) + b_ref[...])

    bid_row = batch_ref[0, :, :]
    ids = lax.broadcasted_iota(jnp.int32, (G, _PB), 0)
    onehot = (bid_row == ids).astype(jnp.float32)
    ssum[...] += jnp.dot(onehot, h, preferred_element_type=jnp.float32)
    scnt[...] += jnp.dot(onehot, jnp.ones((_PB, H), jnp.float32),
                         preferred_element_type=jnp.float32)

    gids = lax.broadcasted_iota(jnp.int32, (G, 1), 0)

    def maxbody(g, _):
        m = bcol_ref[...] == g
        contrib = jnp.max(jnp.where(m, h, -jnp.inf), axis=0, keepdims=True)
        rowm = gids == g
        smax[...] = jnp.where(rowm, jnp.maximum(smax[...], contrib), smax[...])
        return 0

    lax.fori_loop(batch_ref[0, 0, 0], batch_ref[0, 0, _PB - 1] + 1, maxbody, 0)

    @pl.when(i == _NPB - 1)
    def _():
        gmax = jnp.where(scnt[...] > 0, smax[...], 0.0)
        gmean = ssum[...] / jnp.maximum(scnt[...], 1.0)
        res = jnp.sum(gmax * w_ref[0:1, :] + gmean * w_ref[1:2, :],
                      axis=1, keepdims=True) + bo_ref[:, 0:1]
        o_ref[...] = jnp.broadcast_to(res, (G, H))


def _tc_final(agg, u, deg2, b, batch, wcat, boutb):
    grid = (_NPB,)
    out = pl.pallas_call(
        _tc_final_body,
        grid=grid,
        in_specs=[
            pl.BlockSpec((NC, _PB, HD), lambda i: (0, i, 0)),
            pl.BlockSpec((_PB, H), lambda i: (i, 0)),
            pl.BlockSpec((NC, _PB, 16), lambda i: (0, i, 0)),
            pl.BlockSpec((1, H), lambda i: (0, 0)),
            pl.BlockSpec((1, 1, _PB), lambda i: (i, 0, 0)),
            pl.BlockSpec((_PB, 1), lambda i: (i, 0)),
            pl.BlockSpec((2, H), lambda i: (0, 0)),
            pl.BlockSpec((1, H), lambda i: (0, 0)),
        ],
        out_specs=pl.BlockSpec((G, H), lambda i: (0, 0)),
        out_shape=jax.ShapeDtypeStruct((G, H), jnp.float32),
        scratch_shapes=[
            pltpu.VMEM((G, H), jnp.float32),
            pltpu.VMEM((G, H), jnp.float32),
            pltpu.VMEM((G, H), jnp.float32),
        ],
    )(agg, u, deg2, b.reshape(1, H), batch.reshape(_NPB, 1, _PB),
      batch.reshape(N, 1), wcat, boutb)
    return out[:, 0:1]



def kernel(x, edge_index, batch, W0, b0, W1, b1, W2, b2, W3, b3, Wout, bout):
    src = edge_index[0:1]
    dst = edge_index[1:2]
    er = jnp.concatenate([2 * src, 2 * src + 1, dst],
                         axis=0).reshape(3, NS, CHT, CW)
    wcat = Wout.reshape(2, H)
    boutb = jnp.broadcast_to(bout.reshape(1, 1), (1, H))

    deg2 = _sc_deg(er)
    u = _tc_layer0(x, deg2, W0)
    bs = [b0, b1, b2, b3]
    Ws = [W1, W2, W3]
    for l in range(4):
        agg = _sc_agg(u.reshape(2 * N, HD), er)
        if l < 3:
            u = _tc_layer(agg, u, deg2, bs[l], Ws[l])
    return _tc_final(agg, u, deg2, b3, batch, wcat, boutb)

# --- scband reference (transcript-rebuilt; emitter-appended) ---
"""Pipeline reference for scband-net-6107443494973 (READ-ONLY COPY).

The authoritative reference and input builder live on the scoring server;
editing this copy changes nothing except your own understanding.
"""

import jax, jax.numpy as jnp
import numpy as np

N = 10000
E = 320000
F_IN = 128
H = 128
G = 64


def setup_inputs(seed: int = 0) -> dict:
    key = jax.random.key(seed)
    ks = jax.random.split(key, 16)
    x = jax.random.normal(ks[0], (N, F_IN), dtype=jnp.float32)
    edge_index = jax.random.randint(ks[1], (2, E), 0, N, dtype=jnp.int32)
    batch = jnp.sort(jax.random.randint(ks[2], (N,), 0, G, dtype=jnp.int32))
    s = 0.1
    W0 = jax.random.normal(ks[3], (F_IN, H), dtype=jnp.float32) * s
    b0 = jnp.zeros((H,), dtype=jnp.float32)
    W1 = jax.random.normal(ks[4], (H, H), dtype=jnp.float32) * s
    b1 = jnp.zeros((H,), dtype=jnp.float32)
    W2 = jax.random.normal(ks[5], (H, H), dtype=jnp.float32) * s
    b2 = jnp.zeros((H,), dtype=jnp.float32)
    W3 = jax.random.normal(ks[6], (H, H), dtype=jnp.float32) * s
    b3 = jnp.zeros((H,), dtype=jnp.float32)
    Wout = jax.random.normal(ks[7], (2 * H, 1), dtype=jnp.float32) * s
    bout = jnp.zeros((1,), dtype=jnp.float32)
    return {"x": x, "edge_index": edge_index, "batch": batch,
            "W0": W0, "b0": b0, "W1": W1, "b1": b1, "W2": W2, "b2": b2,
            "W3": W3, "b3": b3, "Wout": Wout, "bout": bout}


def gcn_conv(x, edge_index, W, b):
    # GCNConv: add self-loops, symmetric normalization D^-1/2 A_hat D^-1/2 x W + b
    n = x.shape[0]
    src = edge_index[0]
    dst = edge_index[1]
    loop = jnp.arange(n, dtype=src.dtype)
    src = jnp.concatenate([src, loop])
    dst = jnp.concatenate([dst, loop])
    deg = jax.ops.segment_sum(jnp.ones_like(src, dtype=x.dtype), dst, num_segments=n)
    dinv = jnp.where(deg > 0, deg ** -0.5, 0.0)
    norm = dinv[src] * dinv[dst]
    h = x @ W
    msg = h[src] * norm[:, None]
    out = jax.ops.segment_sum(msg, dst, num_segments=n)
    return out + b


def reference(x, edge_index, batch, W0, b0, W1, b1, W2, b2, W3, b3, Wout, bout):
    h = jnp.tanh(gcn_conv(x.astype(jnp.float32), edge_index, W0, b0))
    h = jnp.tanh(gcn_conv(h, edge_index, W1, b1))
    h = jnp.tanh(gcn_conv(h, edge_index, W2, b2))
    h = jnp.tanh(gcn_conv(h, edge_index, W3, b3))
    gmax = jax.ops.segment_max(h, batch, num_segments=G)
    gmax = jnp.where(jnp.isfinite(gmax), gmax, 0.0)
    s = jax.ops.segment_sum(h, batch, num_segments=G)
    cnt = jax.ops.segment_sum(jnp.ones((h.shape[0], 1), dtype=h.dtype), batch, num_segments=G)
    gmean = s / jnp.maximum(cnt, 1.0)
    pooled = jnp.concatenate([gmax, gmean], axis=1)
    return pooled @ Wout + bout

if __name__ == "__main__":
    import jax
    _d = setup_inputs()
    print(jax.jit(kernel)(*tuple(_d.values())))

</pallas_src>

<mosaic_0001>
#map = affine_map<(d0, d1) -> (0, 0, 0, 0)>
#map1 = affine_map<(d0, d1) -> (0, 0, 0)>
module attributes {stable_mosaic.version = 14 : i64} {
  func.func @_sc_deg(%arg0: i32, %arg1: i32, %arg2: memref<3x16x160x125xi32, #tpu.memory_space<hbm>>, %arg3: memref<2x10000x16xf32, #tpu.memory_space<hbm>>, %arg4: memref<160x125xi32, #tpu.memory_space<vmem>>, %arg5: memref<125x16xf32, #tpu.memory_space<vmem>>, %arg6: memref<624x16xf32, #tpu.memory_space<vmem>>, %arg7: memref<10000x16xf32, #tpu.memory_space<vmem_shared>>) attributes {dimension_semantics = [#tpu.dimension_semantics<core_parallel>, #tpu.dimension_semantics<subcore_parallel>], iteration_bounds = array<i64: 2, 16>, scalar_prefetch = 0 : i64, scratch_operands = 4 : i64, tpu.core_type = #tpu.core_type<sc_vector_subcore>, window_params = [{transform_indices = #map}, {transform_indices = #map1}]} {
    %scan3A = arith.constant 0 : i32
    %scan3A_0 = arith.constant 125 : i32
    %scan3A_1 = arith.addi %scan3A, %scan3A_0 : i32
    %scan3A_2 = arith.constant 1 : i32
    scf.for %scan3A_27 = %scan3A to %scan3A_1 step %scan3A_2  : i32 {
      %mul3A_28 = arith.constant 1 : i32
      %mul3A_29 = arith.muli %scan3A_27, %mul3A_28 : i32
      %add3A = arith.constant 0 : i32
      %add3A_30 = arith.addi %add3A, %mul3A_29 : i32
      %broadcast_in_dim3A = arith.constant 1.000000e+00 : f32
      %broadcast_in_dim3A_31 = vector.broadcast %broadcast_in_dim3A : f32 to vector<16xf32>
      %swap3A = arith.index_cast %add3A_30 : i32 to index
      %swap3A_32 = arith.constant 0 : index
      %swap3A_33 = tpu.vector_load %arg5[%swap3A, %swap3A_32] {strides = array<i32>} : memref<125x16xf32, #tpu.memory_space<vmem>>, vector<1x16xf32>,
      %swap3A_34 = vector.shape_cast %swap3A_33 : vector<1x16xf32> to vector<16xf32>
      %swap3A_35 = vector.shape_cast %broadcast_in_dim3A_31 : vector<16xf32> to vector<1x16xf32>
      tpu.vector_store %arg5[%swap3A, %swap3A_32], %swap3A_35 {strides = array<i32>} : memref<125x16xf32, #tpu.memory_space<vmem>>, vector<1x16xf32>,
    }
    %scan3A_3 = arith.constant 125 : i32
    %scan3A_4 = arith.constant 0 : i32
    %scan3A_5 = arith.constant 624 : i32
    %scan3A_6 = arith.addi %scan3A_4, %scan3A_5 : i32
    %scan3A_7 = arith.constant 1 : i32
    scf.for %scan3A_27 = %scan3A_4 to %scan3A_6 step %scan3A_7  : i32 {
      %mul3A_28 = arith.constant 1 : i32
      %mul3A_29 = arith.muli %scan3A_27, %mul3A_28 : i32
      %add3A = arith.constant 0 : i32
      %add3A_30 = arith.addi %add3A, %mul3A_29 : i32
      %broadcast_in_dim3A = arith.constant 0.000000e+00 : f32
      %broadcast_in_dim3A_31 = vector.broadcast %broadcast_in_dim3A : f32 to vector<16xf32>
      %swap3A = arith.index_cast %add3A_30 : i32 to index
      %swap3A_32 = arith.constant 0 : index
      %swap3A_33 = tpu.vector_load %arg6[%swap3A, %swap3A_32] {strides = array<i32>} : memref<624x16xf32, #tpu.memory_space<vmem>>, vector<1x16xf32>,
      %swap3A_34 = vector.shape_cast %swap3A_33 : vector<1x16xf32> to vector<16xf32>
      %swap3A_35 = vector.shape_cast %broadcast_in_dim3A_31 : vector<16xf32> to vector<1x16xf32>
      tpu.vector_store %arg6[%swap3A, %swap3A_32], %swap3A_35 {strides = array<i32>} : memref<624x16xf32, #tpu.memory_space<vmem>>, vector<1x16xf32>,
    }
    %scan3A_8 = arith.constant 624 : i32
    %mul3A = arith.constant 624 : i32
    %mul3A_9 = arith.muli %arg1, %mul3A : i32
    "tpu.region"() ({
      %run_scoped3A_27 = tpu.sem_alloc : memref<!tpu.dma_semaphore, #tpu.memory_space<semaphore_mem>>
      %dma_start3A = arith.constant 0 : i32
      %dma_start3A_28 = tpu.memref_slice %arg7[%mul3A_9, %dma_start3A] : memref<10000x16xf32, #tpu.memory_space<vmem_shared>> -> memref<624x16xf32, #tpu.memory_space<vmem_shared>>
      %dma_start3A_29 = arith.constant 0 : i32
      %dma_start3A_30 = tpu.memref_slice %arg7[%mul3A_9, %dma_start3A_29] : memref<10000x16xf32, #tpu.memory_space<vmem_shared>> -> memref<624x16xf32, #tpu.memory_space<vmem_shared>>
      tpu.enqueue_dma source(%arg6 : memref<624x16xf32, #tpu.memory_space<vmem>>) target(%dma_start3A_30 : memref<624x16xf32, #tpu.memory_space<vmem_shared>>) target_semaphore(%run_scoped3A_27 : memref<!tpu.dma_semaphore, #tpu.memory_space<semaphore_mem>>)
      %dma_wait3A = arith.constant 0 : i32
      %dma_wait3A_31 = tpu.memref_slice %arg7[%mul3A_9, %dma_wait3A] : memref<10000x16xf32, #tpu.memory_space<vmem_shared>> -> memref<624x16xf32, #tpu.memory_space<vmem_shared>>
      %dma_wait3A_32 = arith.constant 0 : i32
      %dma_wait3A_33 = tpu.memref_slice %arg7[%mul3A_9, %dma_wait3A_32] : memref<10000x16xf32, #tpu.memory_space<vmem_shared>> -> memref<624x16xf32, #tpu.memory_space<vmem_shared>>
      tpu.wait_dma2 semaphore(%run_scoped3A_27 : memref<!tpu.dma_semaphore, #tpu.memory_space<semaphore_mem>>) src(%arg6 : memref<624x16xf32, #tpu.memory_space<vmem>>) dst(%dma_wait3A_33 : memref<624x16xf32, #tpu.memory_space<vmem_shared>>)
      tpu.yield
    }) : () -> ()
    %eq3A = arith.constant 15 : i32
    %eq3A_10 = arith.cmpi eq, %arg1, %eq3A : i32
    %convert_element_type3A = arith.extui %eq3A_10 : i1 to i32
    %cond3A = arith.constant 0 : i32
    %cond3A_11 = arith.cmpi ne, %convert_element_type3A, %cond3A : i32
    scf.if %cond3A_11 {
      "tpu.region"() ({
        %run_scoped3A_27 = tpu.sem_alloc : memref<!tpu.dma_semaphore, #tpu.memory_space<semaphore_mem>>
        %dma_start3A = arith.constant 0 : i32
        %dma_start3A_28 = arith.constant 0 : i32
        %dma_start3A_29 = tpu.memref_slice %arg6[%dma_start3A, %dma_start3A_28] : memref<624x16xf32, #tpu.memory_space<vmem>> -> memref<16x16xf32, #tpu.memory_space<vmem>>
        %dma_start3A_30 = arith.constant 9984 : i32
        %dma_start3A_31 = arith.constant 0 : i32
        %dma_start3A_32 = tpu.memref_slice %arg7[%dma_start3A_30, %dma_start3A_31] : memref<10000x16xf32, #tpu.memory_space<vmem_shared>> -> memref<16x16xf32, #tpu.memory_space<vmem_shared>>
        %dma_start3A_33 = arith.constant 9984 : i32
        %dma_start3A_34 = arith.constant 0 : i32
        %dma_start3A_35 = tpu.memref_slice %arg7[%dma_start3A_33, %dma_start3A_34] : memref<10000x16xf32, #tpu.memory_space<vmem_shared>> -> memref<16x16xf32, #tpu.memory_space<vmem_shared>>
        %dma_start3A_36 = arith.constant 0 : i32
        %dma_start3A_37 = arith.constant 0 : i32
        %dma_start3A_38 = tpu.memref_slice %arg6[%dma_start3A_36, %dma_start3A_37] : memref<624x16xf32, #tpu.memory_space<vmem>> -> memref<16x16xf32, #tpu.memory_space<vmem>>
        tpu.enqueue_dma source(%dma_start3A_38 : memref<16x16xf32, #tpu.memory_space<vmem>>) target(%dma_start3A_35 : memref<16x16xf32, #tpu.memory_space<vmem_shared>>) target_semaphore(%run_scoped3A_27 : memref<!tpu.dma_semaphore, #tpu.memory_space<semaphore_mem>>)
        %dma_wait3A = arith.constant 0 : i32
        %dma_wait3A_39 = arith.constant 0 : i32
        %dma_wait3A_40 = tpu.memref_slice %arg6[%dma_wait3A, %dma_wait3A_39] : memref<624x16xf32, #tpu.memory_space<vmem>> -> memref<16x16xf32, #tpu.memory_space<vmem>>
        %dma_wait3A_41 = arith.constant 9984 : i32
        %dma_wait3A_42 = arith.constant 0 : i32
        %dma_wait3A_43 = tpu.memref_slice %arg7[%dma_wait3A_41, %dma_wait3A_42] : memref<10000x16xf32, #tpu.memory_space<vmem_shared>> -> memref<16x16xf32, #tpu.memory_space<vmem_shared>>
        %dma_wait3A_44 = arith.constant 9984 : i32
        %dma_wait3A_45 = arith.constant 0 : i32
        %dma_wait3A_46 = tpu.memref_slice %arg7[%dma_wait3A_44, %dma_wait3A_45] : memref<10000x16xf32, #tpu.memory_space<vmem_shared>> -> memref<16x16xf32, #tpu.memory_space<vmem_shared>>
        %dma_wait3A_47 = arith.constant 0 : i32
        %dma_wait3A_48 = arith.constant 0 : i32
        %dma_wait3A_49 = tpu.memref_slice %arg6[%dma_wait3A_47, %dma_wait3A_48] : memref<624x16xf32, #tpu.memory_space<vmem>> -> memref<16x16xf32, #tpu.memory_space<vmem>>
        tpu.wait_dma2 semaphore(%run_scoped3A_27 : memref<!tpu.dma_semaphore, #tpu.memory_space<semaphore_mem>>) src(%dma_wait3A_49 : memref<16x16xf32, #tpu.memory_space<vmem>>) dst(%dma_wait3A_46 : memref<16x16xf32, #tpu.memory_space<vmem_shared>>)
        tpu.yield
      }) : () -> ()
    } else {
    }
    %barrier3A = arith.constant 0 : index
    tpu.barrier barrier_id(%barrier3A)
    %run_scoped3A = arith.constant 2 : i32
    "tpu.region"() ({
      %run_scoped3A_27 = tpu.sem_alloc : memref<!tpu.dma_semaphore, #tpu.memory_space<semaphore_mem>>
      %dma_start3A = arith.constant 0 : i32
      %dma_start3A_28 = arith.constant 0 : i32
      %dma_start3A_29 = tpu.memref_slice %arg2[%run_scoped3A, %arg1, %dma_start3A, %dma_start3A_28] : memref<3x16x160x125xi32, #tpu.memory_space<hbm>> -> memref<1x1x160x125xi32, #tpu.memory_space<hbm>>
      %dma_start3A_30 = tpu.memref_squeeze %dma_start3A_29 : memref<1x1x160x125xi32, #tpu.memory_space<hbm>> -> memref<160x125xi32, #tpu.memory_space<hbm>>
      %dma_start3A_31 = arith.constant 0 : i32
      %dma_start3A_32 = arith.constant 0 : i32
      %dma_start3A_33 = tpu.memref_slice %arg2[%run_scoped3A, %arg1, %dma_start3A_31, %dma_start3A_32] : memref<3x16x160x125xi32, #tpu.memory_space<hbm>> -> memref<1x1x160x125xi32, #tpu.memory_space<hbm>>
      %dma_start3A_34 = tpu.memref_squeeze %dma_start3A_33 : memref<1x1x160x125xi32, #tpu.memory_space<hbm>> -> memref<160x125xi32, #tpu.memory_space<hbm>>
      tpu.enqueue_dma source(%dma_start3A_34 : memref<160x125xi32, #tpu.memory_space<hbm>>) target(%arg4 : memref<160x125xi32, #tpu.memory_space<vmem>>) target_semaphore(%run_scoped3A_27 : memref<!tpu.dma_semaphore, #tpu.memory_space<semaphore_mem>>)
      %dma_wait3A = arith.constant 0 : i32
      %dma_wait3A_35 = arith.constant 0 : i32
      %dma_wait3A_36 = tpu.memref_slice %arg2[%run_scoped3A, %arg1, %dma_wait3A, %dma_wait3A_35] : memref<3x16x160x125xi32, #tpu.memory_space<hbm>> -> memref<1x1x160x125xi32, #tpu.memory_space<hbm>>
      %dma_wait3A_37 = tpu.memref_squeeze %dma_wait3A_36 : memref<1x1x160x125xi32, #tpu.memory_space<hbm>> -> memref<160x125xi32, #tpu.memory_space<hbm>>
      %dma_wait3A_38 = arith.constant 0 : i32
      %dma_wait3A_39 = arith.constant 0 : i32
      %dma_wait3A_40 = tpu.memref_slice %arg2[%run_scoped3A, %arg1, %dma_wait3A_38, %dma_wait3A_39] : memref<3x16x160x125xi32, #tpu.memory_space<hbm>> -> memref<1x1x160x125xi32, #tpu.memory_space<hbm>>
      %dma_wait3A_41 = tpu.memref_squeeze %dma_wait3A_40 : memref<1x1x160x125xi32, #tpu.memory_space<hbm>> -> memref<160x125xi32, #tpu.memory_space<hbm>>
      tpu.wait_dma2 semaphore(%run_scoped3A_27 : memref<!tpu.dma_semaphore, #tpu.memory_space<semaphore_mem>>) src(%dma_wait3A_41 : memref<160x125xi32, #tpu.memory_space<hbm>>) dst(%arg4 : memref<160x125xi32, #tpu.memory_space<vmem>>)
      tpu.yield
    }) : () -> ()
    %scan3A_12 = arith.constant 0 : i32
    %scan3A_13 = arith.constant 80 : i32
    %scan3A_14 = arith.addi %scan3A_12, %scan3A_13 : i32
    %scan3A_15 = arith.constant 1 : i32
    scf.for %scan3A_27 = %scan3A_12 to %scan3A_14 step %scan3A_15  : i32 {
      %mul3A_28 = arith.constant 1 : i32
      %mul3A_29 = arith.muli %scan3A_27, %mul3A_28 : i32
      %add3A = arith.constant 0 : i32
      %add3A_30 = arith.addi %add3A, %mul3A_29 : i32
      %mul3A_31 = arith.constant 80 : i32
      %mul3A_32 = arith.muli %arg0, %mul3A_31 : i32
      %add3A_33 = arith.addi %mul3A_32, %add3A_30 : i32
      "tpu.region"() ({
        %run_scoped3A_34 = tpu.sem_alloc : memref<!tpu.dma_semaphore, #tpu.memory_space<semaphore_mem>>
        %dma_start3A = arith.constant 0 : i32
        %dma_start3A_35 = tpu.memref_slice %arg4[%add3A_33, %dma_start3A] : memref<160x125xi32, #tpu.memory_space<vmem>> -> memref<1x125xi32, #tpu.memory_space<vmem>>
        %dma_start3A_36 = tpu.memref_squeeze %dma_start3A_35 : memref<1x125xi32, #tpu.memory_space<vmem>> -> memref<125xi32, #tpu.memory_space<vmem>>
        %dma_start3A_37 = arith.constant 0 : i32
        %dma_start3A_38 = arith.constant 0 : i32
        %dma_start3A_39 = tpu.memref_slice %arg7[%dma_start3A_37, %dma_start3A_38] : memref<10000x16xf32, #tpu.memory_space<vmem_shared>> -> memref<10000x16xf32, #tpu.memory_space<vmem_shared>>
        tpu.enqueue_indirect_dma source(%arg5 : memref<125x16xf32, #tpu.memory_space<vmem>>) target(%dma_start3A_39 : memref<10000x16xf32, #tpu.memory_space<vmem_shared>>) offsets(%dma_start3A_36 : memref<125xi32, #tpu.memory_space<vmem>>) semaphore(%run_scoped3A_34 : memref<!tpu.dma_semaphore, #tpu.memory_space<semaphore_mem>>) {add = true}
        %dma_wait3A = arith.constant 0 : i32
        %dma_wait3A_40 = tpu.memref_slice %arg4[%add3A_33, %dma_wait3A] : memref<160x125xi32, #tpu.memory_space<vmem>> -> memref<1x125xi32, #tpu.memory_space<vmem>>
        %dma_wait3A_41 = tpu.memref_squeeze %dma_wait3A_40 : memref<1x125xi32, #tpu.memory_space<vmem>> -> memref<125xi32, #tpu.memory_space<vmem>>
        %dma_wait3A_42 = arith.constant 0 : i32
        %dma_wait3A_43 = arith.constant 0 : i32
        %dma_wait3A_44 = tpu.memref_slice %arg7[%dma_wait3A_42, %dma_wait3A_43] : memref<10000x16xf32, #tpu.memory_space<vmem_shared>> -> memref<10000x16xf32, #tpu.memory_space<vmem_shared>>
        tpu.wait_indirect_dma semaphore(%run_scoped3A_34 : memref<!tpu.dma_semaphore, #tpu.memory_space<semaphore_mem>>) src(%arg5 : memref<125x16xf32, #tpu.memory_space<vmem>>) dst(%dma_wait3A_44 : memref<10000x16xf32, #tpu.memory_space<vmem_shared>>)
        tpu.yield
      }) : () -> ()
    }
    %scan3A_16 = arith.constant 80 : i32
    %barrier3A_17 = arith.constant 0 : index
    tpu.barrier barrier_id(%barrier3A_17)
    %mul3A_18 = arith.constant 624 : i32
    %mul3A_19 = arith.muli %arg1, %mul3A_18 : i32
    %mul3A_20 = arith.constant 624 : i32
    %mul3A_21 = arith.muli %arg1, %mul3A_20 : i32
    "tpu.region"() ({
      %run_scoped3A_27 = tpu.sem_alloc : memref<!tpu.dma_semaphore, #tpu.memory_space<semaphore_mem>>
      %dma_start3A = arith.constant 0 : i32
      %dma_start3A_28 = tpu.memref_slice %arg3[%arg0, %mul3A_21, %dma_start3A] : memref<2x10000x16xf32, #tpu.memory_space<hbm>> -> memref<1x624x16xf32, #tpu.memory_space<hbm>>
      %dma_start3A_29 = tpu.memref_squeeze %dma_start3A_28 : memref<1x624x16xf32, #tpu.memory_space<hbm>> -> memref<624x16xf32, #tpu.memory_space<hbm>>
      %dma_start3A_30 = arith.constant 0 : i32
      %dma_start3A_31 = tpu.memref_slice %arg7[%mul3A_19, %dma_start3A_30] : memref<10000x16xf32, #tpu.memory_space<vmem_shared>> -> memref<624x16xf32, #tpu.memory_space<vmem_shared>>
      tpu.enqueue_dma source(%dma_start3A_31 : memref<624x16xf32, #tpu.memory_space<vmem_shared>>) target(%dma_start3A_29 : memref<624x16xf32, #tpu.memory_space<hbm>>) target_semaphore(%run_scoped3A_27 : memref<!tpu.dma_semaphore, #tpu.memory_space<semaphore_mem>>)
      %dma_wait3A = arith.constant 0 : i32
      %dma_wait3A_32 = tpu.memref_slice %arg3[%arg0, %mul3A_21, %dma_wait3A] : memref<2x10000x16xf32, #tpu.memory_space<hbm>> -> memref<1x624x16xf32, #tpu.memory_space<hbm>>
      %dma_wait3A_33 = tpu.memref_squeeze %dma_wait3A_32 : memref<1x624x16xf32, #tpu.memory_space<hbm>> -> memref<624x16xf32, #tpu.memory_space<hbm>>
      %dma_wait3A_34 = arith.constant 0 : i32
      %dma_wait3A_35 = tpu.memref_slice %arg7[%mul3A_19, %dma_wait3A_34] : memref<10000x16xf32, #tpu.memory_space<vmem_shared>> -> memref<624x16xf32, #tpu.memory_space<vmem_shared>>
      tpu.wait_dma2 semaphore(%run_scoped3A_27 : memref<!tpu.dma_semaphore, #tpu.memory_space<semaphore_mem>>) src(%dma_wait3A_35 : memref<624x16xf32, #tpu.memory_space<vmem_shared>>) dst(%dma_wait3A_33 : memref<624x16xf32, #tpu.memory_space<hbm>>)
      tpu.yield
    }) : () -> ()
    %eq3A_22 = arith.constant 15 : i32
    %eq3A_23 = arith.cmpi eq, %arg1, %eq3A_22 : i32
    %convert_element_type3A_24 = arith.extui %eq3A_23 : i1 to i32
    %cond3A_25 = arith.constant 0 : i32
    %cond3A_26 = arith.cmpi ne, %convert_element_type3A_24, %cond3A_25 : i32
    scf.if %cond3A_26 {
      "tpu.region"() ({
        %run_scoped3A_27 = tpu.sem_alloc : memref<!tpu.dma_semaphore, #tpu.memory_space<semaphore_mem>>
        %dma_start3A = arith.constant 9984 : i32
        %dma_start3A_28 = arith.constant 0 : i32
        %dma_start3A_29 = tpu.memref_slice %arg3[%arg0, %dma_start3A, %dma_start3A_28] : memref<2x10000x16xf32, #tpu.memory_space<hbm>> -> memref<1x16x16xf32, #tpu.memory_space<hbm>>
        %dma_start3A_30 = tpu.memref_squeeze %dma_start3A_29 : memref<1x16x16xf32, #tpu.memory_space<hbm>> -> memref<16x16xf32, #tpu.memory_space<hbm>>
        %dma_start3A_31 = arith.constant 9984 : i32
        %dma_start3A_32 = arith.constant 0 : i32
        %dma_start3A_33 = tpu.memref_slice %arg7[%dma_start3A_31, %dma_start3A_32] : memref<10000x16xf32, #tpu.memory_space<vmem_shared>> -> memref<16x16xf32, #tpu.memory_space<vmem_shared>>
        tpu.enqueue_dma source(%dma_start3A_33 : memref<16x16xf32, #tpu.memory_space<vmem_shared>>) target(%dma_start3A_30 : memref<16x16xf32, #tpu.memory_space<hbm>>) target_semaphore(%run_scoped3A_27 : memref<!tpu.dma_semaphore, #tpu.memory_space<semaphore_mem>>)
        %dma_wait3A = arith.constant 9984 : i32
        %dma_wait3A_34 = arith.constant 0 : i32
        %dma_wait3A_35 = tpu.memref_slice %arg3[%arg0, %dma_wait3A, %dma_wait3A_34] : memref<2x10000x16xf32, #tpu.memory_space<hbm>> -> memref<1x16x16xf32, #tpu.memory_space<hbm>>
        %dma_wait3A_36 = tpu.memref_squeeze %dma_wait3A_35 : memref<1x16x16xf32, #tpu.memory_space<hbm>> -> memref<16x16xf32, #tpu.memory_space<hbm>>
        %dma_wait3A_37 = arith.constant 9984 : i32
        %dma_wait3A_38 = arith.constant 0 : i32
        %dma_wait3A_39 = tpu.memref_slice %arg7[%dma_wait3A_37, %dma_wait3A_38] : memref<10000x16xf32, #tpu.memory_space<vmem_shared>> -> memref<16x16xf32, #tpu.memory_space<vmem_shared>>
        tpu.wait_dma2 semaphore(%run_scoped3A_27 : memref<!tpu.dma_semaphore, #tpu.memory_space<semaphore_mem>>) src(%dma_wait3A_39 : memref<16x16xf32, #tpu.memory_space<vmem_shared>>) dst(%dma_wait3A_36 : memref<16x16xf32, #tpu.memory_space<hbm>>)
        tpu.yield
      }) : () -> ()
    } else {
    }
    return
  }
}

#map = affine_map<(d0, d1) -> (0, 0)>
#map1 = affine_map<(d0, d1) -> (0, 0, 0, 0)>
#map2 = affine_map<(d0, d1) -> (0, 0, 0)>
module attributes {stable_mosaic.version = 14 : i64} {
  func.func @_sc_agg(%arg0: i32, %arg1: i32, %arg2: memref<20000x64xf32, #tpu.memory_space<hbm>>, %arg3: memref<3x16x160x125xi32, #tpu.memory_space<hbm>>, %arg4: memref<2x10000x64xf32, #tpu.memory_space<hbm>>, %arg5: memref<160x125xi32, #tpu.memory_space<vmem>>, %arg6: memref<160x125xi32, #tpu.memory_space<vmem>>, %arg7: memref<4x125x64xf32, #tpu.memory_space<vmem>>, %arg8: memref<208x64xf32, #tpu.memory_space<vmem>>, %arg9: memref<10000x64xf32, #tpu.memory_space<vmem_shared>>, %arg10: memref<4x!tpu.dma_semaphore, #tpu.memory_space<semaphore_mem>>, %arg11: memref<4x!tpu.dma_semaphore, #tpu.memory_space<semaphore_mem>>) attributes {dimension_semantics = [#tpu.dimension_semantics<core_parallel>, #tpu.dimension_semantics<subcore_parallel>], iteration_bounds = array<i64: 2, 16>, scalar_prefetch = 0 : i64, scratch_operands = 7 : i64, tpu.core_type = #tpu.core_type<sc_vector_subcore>, window_params = [{transform_indices = #map}, {transform_indices = #map1}, {transform_indices = #map2}]} {
    %scan3A = arith.constant 0 : i32
    %scan3A_0 = arith.constant 208 : i32
    %scan3A_1 = arith.addi %scan3A, %scan3A_0 : i32
    %scan3A_2 = arith.constant 1 : i32
    scf.for %scan3A_134 = %scan3A to %scan3A_1 step %scan3A_2  : i32 {
      %mul3A_135 = arith.constant 1 : i32
      %mul3A_136 = arith.muli %scan3A_134, %mul3A_135 : i32
      %add3A_137 = arith.constant 0 : i32
      %add3A_138 = arith.addi %add3A_137, %mul3A_136 : i32
      %broadcast_in_dim3A = arith.constant 0.000000e+00 : f32
      %broadcast_in_dim3A_139 = vector.broadcast %broadcast_in_dim3A : f32 to vector<16xf32>
      %swap3A = arith.index_cast %add3A_138 : i32 to index
      %swap3A_140 = arith.constant 0 : index
      %swap3A_141 = tpu.vector_load %arg8[%swap3A, %swap3A_140] {strides = array<i32>} : memref<208x64xf32, #tpu.memory_space<vmem>>, vector<1x16xf32>,
      %swap3A_142 = vector.shape_cast %swap3A_141 : vector<1x16xf32> to vector<16xf32>
      %swap3A_143 = vector.shape_cast %broadcast_in_dim3A_139 : vector<16xf32> to vector<1x16xf32>
      tpu.vector_store %arg8[%swap3A, %swap3A_140], %swap3A_143 {strides = array<i32>} : memref<208x64xf32, #tpu.memory_space<vmem>>, vector<1x16xf32>,
      %broadcast_in_dim3A_144 = arith.constant 0.000000e+00 : f32
      %broadcast_in_dim3A_145 = vector.broadcast %broadcast_in_dim3A_144 : f32 to vector<16xf32>
      %swap3A_146 = arith.index_cast %add3A_138 : i32 to index
      %swap3A_147 = arith.constant 16 : index
      %swap3A_148 = tpu.vector_load %arg8[%swap3A_146, %swap3A_147] {strides = array<i32>} : memref<208x64xf32, #tpu.memory_space<vmem>>, vector<1x16xf32>,
      %swap3A_149 = vector.shape_cast %swap3A_148 : vector<1x16xf32> to vector<16xf32>
      %swap3A_150 = vector.shape_cast %broadcast_in_dim3A_145 : vector<16xf32> to vector<1x16xf32>
      tpu.vector_store %arg8[%swap3A_146, %swap3A_147], %swap3A_150 {strides = array<i32>} : memref<208x64xf32, #tpu.memory_space<vmem>>, vector<1x16xf32>,
      %broadcast_in_dim3A_151 = arith.constant 0.000000e+00 : f32
      %broadcast_in_dim3A_152 = vector.broadcast %broadcast_in_dim3A_151 : f32 to vector<16xf32>
      %swap3A_153 = arith.index_cast %add3A_138 : i32 to index
      %swap3A_154 = arith.constant 32 : index
      %swap3A_155 = tpu.vector_load %arg8[%swap3A_153, %swap3A_154] {strides = array<i32>} : memref<208x64xf32, #tpu.memory_space<vmem>>, vector<1x16xf32>,
      %swap3A_156 = vector.shape_cast %swap3A_155 : vector<1x16xf32> to vector<16xf32>
      %swap3A_157 = vector.shape_cast %broadcast_in_dim3A_152 : vector<16xf32> to vector<1x16xf32>
      tpu.vector_store %arg8[%swap3A_153, %swap3A_154], %swap3A_157 {strides = array<i32>} : memref<208x64xf32, #tpu.memory_space<vmem>>, vector<1x16xf32>,
      %broadcast_in_dim3A_158 = arith.constant 0.000000e+00 : f32
      %broadcast_in_dim3A_159 = vector.broadcast %broadcast_in_dim3A_158 : f32 to vector<16xf32>
      %swap3A_160 = arith.index_cast %add3A_138 : i32 to index
      %swap3A_161 = arith.constant 48 : index
      %swap3A_162 = tpu.vector_load %arg8[%swap3A_160, %swap3A_161] {strides = array<i32>} : memref<208x64xf32, #tpu.memory_space<vmem>>, vector<1x16xf32>,
      %swap3A_163 = vector.shape_cast %swap3A_162 : vector<1x16xf32> to vector<16xf32>
      %swap3A_164 = vector.shape_cast %broadcast_in_dim3A_159 : vector<16xf32> to vector<1x16xf32>
      tpu.vector_store %arg8[%swap3A_160, %swap3A_161], %swap3A_164 {strides = array<i32>} : memref<208x64xf32, #tpu.memory_space<vmem>>, vector<1x16xf32>,
    }
    %scan3A_3 = arith.constant 208 : i32
    %mul3A = arith.constant 624 : i32
    %mul3A_4 = arith.muli %arg1, %mul3A : i32
    %add3A = arith.constant 0 : i32
    %add3A_5 = arith.addi %mul3A_4, %add3A : i32
    "tpu.region"() ({
      %run_scoped3A_134 = tpu.sem_alloc : memref<!tpu.dma_semaphore, #tpu.memory_space<semaphore_mem>>
      %dma_start3A_135 = arith.constant 0 : i32
      %dma_start3A_136 = tpu.memref_slice %arg9[%add3A_5, %dma_start3A_135] : memref<10000x64xf32, #tpu.memory_space<vmem_shared>> -> memref<208x64xf32, #tpu.memory_space<vmem_shared>>
      %dma_start3A_137 = arith.constant 0 : i32
      %dma_start3A_138 = tpu.memref_slice %arg9[%add3A_5, %dma_start3A_137] : memref<10000x64xf32, #tpu.memory_space<vmem_shared>> -> memref<208x64xf32, #tpu.memory_space<vmem_shared>>
      tpu.enqueue_dma source(%arg8 : memref<208x64xf32, #tpu.memory_space<vmem>>) target(%dma_start3A_138 : memref<208x64xf32, #tpu.memory_space<vmem_shared>>) target_semaphore(%run_scoped3A_134 : memref<!tpu.dma_semaphore, #tpu.memory_space<semaphore_mem>>)
      %dma_wait3A_139 = arith.constant 0 : i32
      %dma_wait3A_140 = tpu.memref_slice %arg9[%add3A_5, %dma_wait3A_139] : memref<10000x64xf32, #tpu.memory_space<vmem_shared>> -> memref<208x64xf32, #tpu.memory_space<vmem_shared>>
      %dma_wait3A_141 = arith.constant 0 : i32
      %dma_wait3A_142 = tpu.memref_slice %arg9[%add3A_5, %dma_wait3A_141] : memref<10000x64xf32, #tpu.memory_space<vmem_shared>> -> memref<208x64xf32, #tpu.memory_space<vmem_shared>>
      tpu.wait_dma2 semaphore(%run_scoped3A_134 : memref<!tpu.dma_semaphore, #tpu.memory_space<semaphore_mem>>) src(%arg8 : memref<208x64xf32, #tpu.memory_space<vmem>>) dst(%dma_wait3A_142 : memref<208x64xf32, #tpu.memory_space<vmem_shared>>)
      tpu.yield
    }) : () -> ()
    %mul3A_6 = arith.constant 624 : i32
    %mul3A_7 = arith.muli %arg1, %mul3A_6 : i32
    %add3A_8 = arith.constant 208 : i32
    %add3A_9 = arith.addi %mul3A_7, %add3A_8 : i32
    "tpu.region"() ({
      %run_scoped3A_134 = tpu.sem_alloc : memref<!tpu.dma_semaphore, #tpu.memory_space<semaphore_mem>>
      %dma_start3A_135 = arith.constant 0 : i32
      %dma_start3A_136 = tpu.memref_slice %arg9[%add3A_9, %dma_start3A_135] : memref<10000x64xf32, #tpu.memory_space<vmem_shared>> -> memref<208x64xf32, #tpu.memory_space<vmem_shared>>
      %dma_start3A_137 = arith.constant 0 : i32
      %dma_start3A_138 = tpu.memref_slice %arg9[%add3A_9, %dma_start3A_137] : memref<10000x64xf32, #tpu.memory_space<vmem_shared>> -> memref<208x64xf32, #tpu.memory_space<vmem_shared>>
      tpu.enqueue_dma source(%arg8 : memref<208x64xf32, #tpu.memory_space<vmem>>) target(%dma_start3A_138 : memref<208x64xf32, #tpu.memory_space<vmem_shared>>) target_semaphore(%run_scoped3A_134 : memref<!tpu.dma_semaphore, #tpu.memory_space<semaphore_mem>>)
      %dma_wait3A_139 = arith.constant 0 : i32
      %dma_wait3A_140 = tpu.memref_slice %arg9[%add3A_9, %dma_wait3A_139] : memref<10000x64xf32, #tpu.memory_space<vmem_shared>> -> memref<208x64xf32, #tpu.memory_space<vmem_shared>>
      %dma_wait3A_141 = arith.constant 0 : i32
      %dma_wait3A_142 = tpu.memref_slice %arg9[%add3A_9, %dma_wait3A_141] : memref<10000x64xf32, #tpu.memory_space<vmem_shared>> -> memref<208x64xf32, #tpu.memory_space<vmem_shared>>
      tpu.wait_dma2 semaphore(%run_scoped3A_134 : memref<!tpu.dma_semaphore, #tpu.memory_space<semaphore_mem>>) src(%arg8 : memref<208x64xf32, #tpu.memory_space<vmem>>) dst(%dma_wait3A_142 : memref<208x64xf32, #tpu.memory_space<vmem_shared>>)
      tpu.yield
    }) : () -> ()
    %mul3A_10 = arith.constant 624 : i32
    %mul3A_11 = arith.muli %arg1, %mul3A_10 : i32
    %add3A_12 = arith.constant 416 : i32
    %add3A_13 = arith.addi %mul3A_11, %add3A_12 : i32
    "tpu.region"() ({
      %run_scoped3A_134 = tpu.sem_alloc : memref<!tpu.dma_semaphore, #tpu.memory_space<semaphore_mem>>
      %dma_start3A_135 = arith.constant 0 : i32
      %dma_start3A_136 = tpu.memref_slice %arg9[%add3A_13, %dma_start3A_135] : memref<10000x64xf32, #tpu.memory_space<vmem_shared>> -> memref<208x64xf32, #tpu.memory_space<vmem_shared>>
      %dma_start3A_137 = arith.constant 0 : i32
      %dma_start3A_138 = tpu.memref_slice %arg9[%add3A_13, %dma_start3A_137] : memref<10000x64xf32, #tpu.memory_space<vmem_shared>> -> memref<208x64xf32, #tpu.memory_space<vmem_shared>>
      tpu.enqueue_dma source(%arg8 : memref<208x64xf32, #tpu.memory_space<vmem>>) target(%dma_start3A_138 : memref<208x64xf32, #tpu.memory_space<vmem_shared>>) target_semaphore(%run_scoped3A_134 : memref<!tpu.dma_semaphore, #tpu.memory_space<semaphore_mem>>)
      %dma_wait3A_139 = arith.constant 0 : i32
      %dma_wait3A_140 = tpu.memref_slice %arg9[%add3A_13, %dma_wait3A_139] : memref<10000x64xf32, #tpu.memory_space<vmem_shared>> -> memref<208x64xf32, #tpu.memory_space<vmem_shared>>
      %dma_wait3A_141 = arith.constant 0 : i32
      %dma_wait3A_142 = tpu.memref_slice %arg9[%add3A_13, %dma_wait3A_141] : memref<10000x64xf32, #tpu.memory_space<vmem_shared>> -> memref<208x64xf32, #tpu.memory_space<vmem_shared>>
      tpu.wait_dma2 semaphore(%run_scoped3A_134 : memref<!tpu.dma_semaphore, #tpu.memory_space<semaphore_mem>>) src(%arg8 : memref<208x64xf32, #tpu.memory_space<vmem>>) dst(%dma_wait3A_142 : memref<208x64xf32, #tpu.memory_space<vmem_shared>>)
      tpu.yield
    }) : () -> ()
    %eq3A = arith.constant 15 : i32
    %eq3A_14 = arith.cmpi eq, %arg1, %eq3A : i32
    %convert_element_type3A = arith.extui %eq3A_14 : i1 to i32
    %cond3A = arith.constant 0 : i32
    %cond3A_15 = arith.cmpi ne, %convert_element_type3A, %cond3A : i32
    scf.if %cond3A_15 {
      "tpu.region"() ({
        %run_scoped3A_134 = tpu.sem_alloc : memref<!tpu.dma_semaphore, #tpu.memory_space<semaphore_mem>>
        %dma_start3A_135 = arith.constant 0 : i32
        %dma_start3A_136 = arith.constant 0 : i32
        %dma_start3A_137 = tpu.memref_slice %arg8[%dma_start3A_135, %dma_start3A_136] : memref<208x64xf32, #tpu.memory_space<vmem>> -> memref<16x64xf32, #tpu.memory_space<vmem>>
        %dma_start3A_138 = arith.constant 9984 : i32
        %dma_start3A_139 = arith.constant 0 : i32
        %dma_start3A_140 = tpu.memref_slice %arg9[%dma_start3A_138, %dma_start3A_139] : memref<10000x64xf32, #tpu.memory_space<vmem_shared>> -> memref<16x64xf32, #tpu.memory_space<vmem_shared>>
        %dma_start3A_141 = arith.constant 9984 : i32
        %dma_start3A_142 = arith.constant 0 : i32
        %dma_start3A_143 = tpu.memref_slice %arg9[%dma_start3A_141, %dma_start3A_142] : memref<10000x64xf32, #tpu.memory_space<vmem_shared>> -> memref<16x64xf32, #tpu.memory_space<vmem_shared>>
        %dma_start3A_144 = arith.constant 0 : i32
        %dma_start3A_145 = arith.constant 0 : i32
        %dma_start3A_146 = tpu.memref_slice %arg8[%dma_start3A_144, %dma_start3A_145] : memref<208x64xf32, #tpu.memory_space<vmem>> -> memref<16x64xf32, #tpu.memory_space<vmem>>
        tpu.enqueue_dma source(%dma_start3A_146 : memref<16x64xf32, #tpu.memory_space<vmem>>) target(%dma_start3A_143 : memref<16x64xf32, #tpu.memory_space<vmem_shared>>) target_semaphore(%run_scoped3A_134 : memref<!tpu.dma_semaphore, #tpu.memory_space<semaphore_mem>>)
        %dma_wait3A_147 = arith.constant 0 : i32
        %dma_wait3A_148 = arith.constant 0 : i32
        %dma_wait3A_149 = tpu.memref_slice %arg8[%dma_wait3A_147, %dma_wait3A_148] : memref<208x64xf32, #tpu.memory_space<vmem>> -> memref<16x64xf32, #tpu.memory_space<vmem>>
        %dma_wait3A_150 = arith.constant 9984 : i32
        %dma_wait3A_151 = arith.constant 0 : i32
        %dma_wait3A_152 = tpu.memref_slice %arg9[%dma_wait3A_150, %dma_wait3A_151] : memref<10000x64xf32, #tpu.memory_space<vmem_shared>> -> memref<16x64xf32, #tpu.memory_space<vmem_shared>>
        %dma_wait3A_153 = arith.constant 9984 : i32
        %dma_wait3A_154 = arith.constant 0 : i32
        %dma_wait3A_155 = tpu.memref_slice %arg9[%dma_wait3A_153, %dma_wait3A_154] : memref<10000x64xf32, #tpu.memory_space<vmem_shared>> -> memref<16x64xf32, #tpu.memory_space<vmem_shared>>
        %dma_wait3A_156 = arith.constant 0 : i32
        %dma_wait3A_157 = arith.constant 0 : i32
        %dma_wait3A_158 = tpu.memref_slice %arg8[%dma_wait3A_156, %dma_wait3A_157] : memref<208x64xf32, #tpu.memory_space<vmem>> -> memref<16x64xf32, #tpu.memory_space<vmem>>
        tpu.wait_dma2 semaphore(%run_scoped3A_134 : memref<!tpu.dma_semaphore, #tpu.memory_space<semaphore_mem>>) src(%dma_wait3A_158 : memref<16x64xf32, #tpu.memory_space<vmem>>) dst(%dma_wait3A_155 : memref<16x64xf32, #tpu.memory_space<vmem_shared>>)
        tpu.yield
      }) : () -> ()
    } else {
    }
    %barrier3A = arith.constant 0 : index
    tpu.barrier barrier_id(%barrier3A)
    "tpu.region"() ({
      %run_scoped3A_134 = tpu.sem_alloc : memref<!tpu.dma_semaphore, #tpu.memory_space<semaphore_mem>>
      %dma_start3A_135 = arith.constant 0 : i32
      %dma_start3A_136 = arith.constant 0 : i32
      %dma_start3A_137 = tpu.memref_slice %arg3[%arg0, %arg1, %dma_start3A_135, %dma_start3A_136] : memref<3x16x160x125xi32, #tpu.memory_space<hbm>> -> memref<1x1x160x125xi32, #tpu.memory_space<hbm>>
      %dma_start3A_138 = tpu.memref_squeeze %dma_start3A_137 : memref<1x1x160x125xi32, #tpu.memory_space<hbm>> -> memref<160x125xi32, #tpu.memory_space<hbm>>
      %dma_start3A_139 = arith.constant 0 : i32
      %dma_start3A_140 = arith.constant 0 : i32
      %dma_start3A_141 = tpu.memref_slice %arg3[%arg0, %arg1, %dma_start3A_139, %dma_start3A_140] : memref<3x16x160x125xi32, #tpu.memory_space<hbm>> -> memref<1x1x160x125xi32, #tpu.memory_space<hbm>>
      %dma_start3A_142 = tpu.memref_squeeze %dma_start3A_141 : memref<1x1x160x125xi32, #tpu.memory_space<hbm>> -> memref<160x125xi32, #tpu.memory_space<hbm>>
      tpu.enqueue_dma source(%dma_start3A_142 : memref<160x125xi32, #tpu.memory_space<hbm>>) target(%arg5 : memref<160x125xi32, #tpu.memory_space<vmem>>) target_semaphore(%run_scoped3A_134 : memref<!tpu.dma_semaphore, #tpu.memory_space<semaphore_mem>>)
      %dma_wait3A_143 = arith.constant 0 : i32
      %dma_wait3A_144 = arith.constant 0 : i32
      %dma_wait3A_145 = tpu.memref_slice %arg3[%arg0, %arg1, %dma_wait3A_143, %dma_wait3A_144] : memref<3x16x160x125xi32, #tpu.memory_space<hbm>> -> memref<1x1x160x125xi32, #tpu.memory_space<hbm>>
      %dma_wait3A_146 = tpu.memref_squeeze %dma_wait3A_145 : memref<1x1x160x125xi32, #tpu.memory_space<hbm>> -> memref<160x125xi32, #tpu.memory_space<hbm>>
      %dma_wait3A_147 = arith.constant 0 : i32
      %dma_wait3A_148 = arith.constant 0 : i32
      %dma_wait3A_149 = tpu.memref_slice %arg3[%arg0, %arg1, %dma_wait3A_147, %dma_wait3A_148] : memref<3x16x160x125xi32, #tpu.memory_space<hbm>> -> memref<1x1x160x125xi32, #tpu.memory_space<hbm>>
      %dma_wait3A_150 = tpu.memref_squeeze %dma_wait3A_149 : memref<1x1x160x125xi32, #tpu.memory_space<hbm>> -> memref<160x125xi32, #tpu.memory_space<hbm>>
      tpu.wait_dma2 semaphore(%run_scoped3A_134 : memref<!tpu.dma_semaphore, #tpu.memory_space<semaphore_mem>>) src(%dma_wait3A_150 : memref<160x125xi32, #tpu.memory_space<hbm>>) dst(%arg5 : memref<160x125xi32, #tpu.memory_space<vmem>>)
      tpu.yield
    }) : () -> ()
    %run_scoped3A = arith.constant 2 : i32
    "tpu.region"() ({
      %run_scoped3A_134 = tpu.sem_alloc : memref<!tpu.dma_semaphore, #tpu.memory_space<semaphore_mem>>
      %dma_start3A_135 = arith.constant 0 : i32
      %dma_start3A_136 = arith.constant 0 : i32
      %dma_start3A_137 = tpu.memref_slice %arg3[%run_scoped3A, %arg1, %dma_start3A_135, %dma_start3A_136] : memref<3x16x160x125xi32, #tpu.memory_space<hbm>> -> memref<1x1x160x125xi32, #tpu.memory_space<hbm>>
      %dma_start3A_138 = tpu.memref_squeeze %dma_start3A_137 : memref<1x1x160x125xi32, #tpu.memory_space<hbm>> -> memref<160x125xi32, #tpu.memory_space<hbm>>
      %dma_start3A_139 = arith.constant 0 : i32
      %dma_start3A_140 = arith.constant 0 : i32
      %dma_start3A_141 = tpu.memref_slice %arg3[%run_scoped3A, %arg1, %dma_start3A_139, %dma_start3A_140] : memref<3x16x160x125xi32, #tpu.memory_space<hbm>> -> memref<1x1x160x125xi32, #tpu.memory_space<hbm>>
      %dma_start3A_142 = tpu.memref_squeeze %dma_start3A_141 : memref<1x1x160x125xi32, #tpu.memory_space<hbm>> -> memref<160x125xi32, #tpu.memory_space<hbm>>
      tpu.enqueue_dma source(%dma_start3A_142 : memref<160x125xi32, #tpu.memory_space<hbm>>) target(%arg6 : memref<160x125xi32, #tpu.memory_space<vmem>>) target_semaphore(%run_scoped3A_134 : memref<!tpu.dma_semaphore, #tpu.memory_space<semaphore_mem>>)
      %dma_wait3A_143 = arith.constant 0 : i32
      %dma_wait3A_144 = arith.constant 0 : i32
      %dma_wait3A_145 = tpu.memref_slice %arg3[%run_scoped3A, %arg1, %dma_wait3A_143, %dma_wait3A_144] : memref<3x16x160x125xi32, #tpu.memory_space<hbm>> -> memref<1x1x160x125xi32, #tpu.memory_space<hbm>>
      %dma_wait3A_146 = tpu.memref_squeeze %dma_wait3A_145 : memref<1x1x160x125xi32, #tpu.memory_space<hbm>> -> memref<160x125xi32, #tpu.memory_space<hbm>>
      %dma_wait3A_147 = arith.constant 0 : i32
      %dma_wait3A_148 = arith.constant 0 : i32
      %dma_wait3A_149 = tpu.memref_slice %arg3[%run_scoped3A, %arg1, %dma_wait3A_147, %dma_wait3A_148] : memref<3x16x160x125xi32, #tpu.memory_space<hbm>> -> memref<1x1x160x125xi32, #tpu.memory_space<hbm>>
      %dma_wait3A_150 = tpu.memref_squeeze %dma_wait3A_149 : memref<1x1x160x125xi32, #tpu.memory_space<hbm>> -> memref<160x125xi32, #tpu.memory_space<hbm>>
      tpu.wait_dma2 semaphore(%run_scoped3A_134 : memref<!tpu.dma_semaphore, #tpu.memory_space<semaphore_mem>>) src(%dma_wait3A_150 : memref<160x125xi32, #tpu.memory_space<hbm>>) dst(%arg6 : memref<160x125xi32, #tpu.memory_space<vmem>>)
      tpu.yield
    }) : () -> ()
    %dma_start3A = arith.constant 0 : i32
    %dma_start3A_16 = arith.constant 0 : i32
    %dma_start3A_17 = arith.constant 0 : i32
    %dma_start3A_18 = arith.constant 0 : i32
    %dma_start3A_19 = arith.constant 0 : i32
    %dma_start3A_20 = tpu.memref_slice %arg7[%dma_start3A_16, %dma_start3A_18, %dma_start3A_19] : memref<4x125x64xf32, #tpu.memory_space<vmem>> -> memref<1x125x64xf32, #tpu.memory_space<vmem>>
    %dma_start3A_21 = tpu.memref_squeeze %dma_start3A_20 : memref<1x125x64xf32, #tpu.memory_space<vmem>> -> memref<125x64xf32, #tpu.memory_space<vmem>>
    %dma_start3A_22 = arith.constant 0 : i32
    %dma_start3A_23 = tpu.memref_slice %arg5[%dma_start3A, %dma_start3A_22] : memref<160x125xi32, #tpu.memory_space<vmem>> -> memref<1x125xi32, #tpu.memory_space<vmem>>
    %dma_start3A_24 = tpu.memref_squeeze %dma_start3A_23 : memref<1x125xi32, #tpu.memory_space<vmem>> -> memref<125xi32, #tpu.memory_space<vmem>>
    %dma_start3A_25 = arith.constant 0 : i32
    %dma_start3A_26 = arith.constant 0 : i32
    %dma_start3A_27 = tpu.memref_slice %arg2[%dma_start3A_25, %dma_start3A_26] : memref<20000x64xf32, #tpu.memory_space<hbm>> -> memref<20000x64xf32, #tpu.memory_space<hbm>>
    %dma_start3A_28 = tpu.memref_slice %arg10[%dma_start3A_17] : memref<4x!tpu.dma_semaphore, #tpu.memory_space<semaphore_mem>> -> memref<1x!tpu.dma_semaphore, #tpu.memory_space<semaphore_mem>>
    %dma_start3A_29 = tpu.memref_squeeze %dma_start3A_28 : memref<1x!tpu.dma_semaphore, #tpu.memory_space<semaphore_mem>> -> memref<!tpu.dma_semaphore, #tpu.memory_space<semaphore_mem>>
    tpu.enqueue_indirect_dma source(%dma_start3A_27 : memref<20000x64xf32, #tpu.memory_space<hbm>>) target(%dma_start3A_21 : memref<125x64xf32, #tpu.memory_space<vmem>>) offsets(%dma_start3A_24 : memref<125xi32, #tpu.memory_space<vmem>>) semaphore(%dma_start3A_29 : memref<!tpu.dma_semaphore, #tpu.memory_space<semaphore_mem>>)
    %dma_start3A_30 = arith.constant 1 : i32
    %dma_start3A_31 = arith.constant 1 : i32
    %dma_start3A_32 = arith.constant 1 : i32
    %dma_start3A_33 = arith.constant 0 : i32
    %dma_start3A_34 = arith.constant 0 : i32
    %dma_start3A_35 = tpu.memref_slice %arg7[%dma_start3A_31, %dma_start3A_33, %dma_start3A_34] : memref<4x125x64xf32, #tpu.memory_space<vmem>> -> memref<1x125x64xf32, #tpu.memory_space<vmem>>
    %dma_start3A_36 = tpu.memref_squeeze %dma_start3A_35 : memref<1x125x64xf32, #tpu.memory_space<vmem>> -> memref<125x64xf32, #tpu.memory_space<vmem>>
    %dma_start3A_37 = arith.constant 0 : i32
    %dma_start3A_38 = tpu.memref_slice %arg5[%dma_start3A_30, %dma_start3A_37] : memref<160x125xi32, #tpu.memory_space<vmem>> -> memref<1x125xi32, #tpu.memory_space<vmem>>
    %dma_start3A_39 = tpu.memref_squeeze %dma_start3A_38 : memref<1x125xi32, #tpu.memory_space<vmem>> -> memref<125xi32, #tpu.memory_space<vmem>>
    %dma_start3A_40 = arith.constant 0 : i32
    %dma_start3A_41 = arith.constant 0 : i32
    %dma_start3A_42 = tpu.memref_slice %arg2[%dma_start3A_40, %dma_start3A_41] : memref<20000x64xf32, #tpu.memory_space<hbm>> -> memref<20000x64xf32, #tpu.memory_space<hbm>>
    %dma_start3A_43 = tpu.memref_slice %arg10[%dma_start3A_32] : memref<4x!tpu.dma_semaphore, #tpu.memory_space<semaphore_mem>> -> memref<1x!tpu.dma_semaphore, #tpu.memory_space<semaphore_mem>>
    %dma_start3A_44 = tpu.memref_squeeze %dma_start3A_43 : memref<1x!tpu.dma_semaphore, #tpu.memory_space<semaphore_mem>> -> memref<!tpu.dma_semaphore, #tpu.memory_space<semaphore_mem>>
    tpu.enqueue_indirect_dma source(%dma_start3A_42 : memref<20000x64xf32, #tpu.memory_space<hbm>>) target(%dma_start3A_36 : memref<125x64xf32, #tpu.memory_space<vmem>>) offsets(%dma_start3A_39 : memref<125xi32, #tpu.memory_space<vmem>>) semaphore(%dma_start3A_44 : memref<!tpu.dma_semaphore, #tpu.memory_space<semaphore_mem>>)
    %dma_start3A_45 = arith.constant 2 : i32
    %dma_start3A_46 = arith.constant 2 : i32
    %dma_start3A_47 = arith.constant 2 : i32
    %dma_start3A_48 = arith.constant 0 : i32
    %dma_start3A_49 = arith.constant 0 : i32
    %dma_start3A_50 = tpu.memref_slice %arg7[%dma_start3A_46, %dma_start3A_48, %dma_start3A_49] : memref<4x125x64xf32, #tpu.memory_space<vmem>> -> memref<1x125x64xf32, #tpu.memory_space<vmem>>
    %dma_start3A_51 = tpu.memref_squeeze %dma_start3A_50 : memref<1x125x64xf32, #tpu.memory_space<vmem>> -> memref<125x64xf32, #tpu.memory_space<vmem>>
    %dma_start3A_52 = arith.constant 0 : i32
    %dma_start3A_53 = tpu.memref_slice %arg5[%dma_start3A_45, %dma_start3A_52] : memref<160x125xi32, #tpu.memory_space<vmem>> -> memref<1x125xi32, #tpu.memory_space<vmem>>
    %dma_start3A_54 = tpu.memref_squeeze %dma_start3A_53 : memref<1x125xi32, #tpu.memory_space<vmem>> -> memref<125xi32, #tpu.memory_space<vmem>>
    %dma_start3A_55 = arith.constant 0 : i32
    %dma_start3A_56 = arith.constant 0 : i32
    %dma_start3A_57 = tpu.memref_slice %arg2[%dma_start3A_55, %dma_start3A_56] : memref<20000x64xf32, #tpu.memory_space<hbm>> -> memref<20000x64xf32, #tpu.memory_space<hbm>>
    %dma_start3A_58 = tpu.memref_slice %arg10[%dma_start3A_47] : memref<4x!tpu.dma_semaphore, #tpu.memory_space<semaphore_mem>> -> memref<1x!tpu.dma_semaphore, #tpu.memory_space<semaphore_mem>>
    %dma_start3A_59 = tpu.memref_squeeze %dma_start3A_58 : memref<1x!tpu.dma_semaphore, #tpu.memory_space<semaphore_mem>> -> memref<!tpu.dma_semaphore, #tpu.memory_space<semaphore_mem>>
    tpu.enqueue_indirect_dma source(%dma_start3A_57 : memref<20000x64xf32, #tpu.memory_space<hbm>>) target(%dma_start3A_51 : memref<125x64xf32, #tpu.memory_space<vmem>>) offsets(%dma_start3A_54 : memref<125xi32, #tpu.memory_space<vmem>>) semaphore(%dma_start3A_59 : memref<!tpu.dma_semaphore, #tpu.memory_space<semaphore_mem>>)
    %scan3A_60 = arith.constant 0 : i32
    %scan3A_61 = arith.constant 40 : i32
    %scan3A_62 = arith.addi %scan3A_60, %scan3A_61 : i32
    %scan3A_63 = arith.constant 1 : i32
    scf.for %scan3A_134 = %scan3A_60 to %scan3A_62 step %scan3A_63  : i32 {
      %mul3A_135 = arith.constant 4 : i32
      %mul3A_136 = arith.muli %scan3A_134, %mul3A_135 : i32
      %add3A_137 = arith.constant 0 : i32
      %add3A_138 = arith.addi %add3A_137, %mul3A_136 : i32
      %add3A_139 = arith.constant 0 : i32
      %add3A_140 = arith.addi %add3A_138, %add3A_139 : i32
      %dma_wait3A_141 = arith.constant 0 : i32
      %dma_wait3A_142 = arith.constant 0 : i32
      %dma_wait3A_143 = arith.constant 0 : i32
      %dma_wait3A_144 = arith.constant 0 : i32
      %dma_wait3A_145 = tpu.memref_slice %arg7[%dma_wait3A_141, %dma_wait3A_143, %dma_wait3A_144] : memref<4x125x64xf32, #tpu.memory_space<vmem>> -> memref<1x125x64xf32, #tpu.memory_space<vmem>>
      %dma_wait3A_146 = tpu.memref_squeeze %dma_wait3A_145 : memref<1x125x64xf32, #tpu.memory_space<vmem>> -> memref<125x64xf32, #tpu.memory_space<vmem>>
      %dma_wait3A_147 = arith.constant 0 : i32
      %dma_wait3A_148 = tpu.memref_slice %arg5[%add3A_140, %dma_wait3A_147] : memref<160x125xi32, #tpu.memory_space<vmem>> -> memref<1x125xi32, #tpu.memory_space<vmem>>
      %dma_wait3A_149 = tpu.memref_squeeze %dma_wait3A_148 : memref<1x125xi32, #tpu.memory_space<vmem>> -> memref<125xi32, #tpu.memory_space<vmem>>
      %dma_wait3A_150 = arith.constant 0 : i32
      %dma_wait3A_151 = arith.constant 0 : i32
      %dma_wait3A_152 = tpu.memref_slice %arg2[%dma_wait3A_150, %dma_wait3A_151] : memref<20000x64xf32, #tpu.memory_space<hbm>> -> memref<20000x64xf32, #tpu.memory_space<hbm>>
      %dma_wait3A_153 = tpu.memref_slice %arg10[%dma_wait3A_142] : memref<4x!tpu.dma_semaphore, #tpu.memory_space<semaphore_mem>> -> memref<1x!tpu.dma_semaphore, #tpu.memory_space<semaphore_mem>>
      %dma_wait3A_154 = tpu.memref_squeeze %dma_wait3A_153 : memref<1x!tpu.dma_semaphore, #tpu.memory_space<semaphore_mem>> -> memref<!tpu.dma_semaphore, #tpu.memory_space<semaphore_mem>>
      tpu.wait_indirect_dma semaphore(%dma_wait3A_154 : memref<!tpu.dma_semaphore, #tpu.memory_space<semaphore_mem>>) src(%dma_wait3A_152 : memref<20000x64xf32, #tpu.memory_space<hbm>>) dst(%dma_wait3A_146 : memref<125x64xf32, #tpu.memory_space<vmem>>)
      %dma_start3A_155 = arith.constant 0 : i32
      %dma_start3A_156 = arith.constant 0 : i32
      %dma_start3A_157 = arith.constant 0 : i32
      %dma_start3A_158 = arith.constant 0 : i32
      %dma_start3A_159 = tpu.memref_slice %arg7[%dma_start3A_155, %dma_start3A_157, %dma_start3A_158] : memref<4x125x64xf32, #tpu.memory_space<vmem>> -> memref<1x125x64xf32, #tpu.memory_space<vmem>>
      %dma_start3A_160 = tpu.memref_squeeze %dma_start3A_159 : memref<1x125x64xf32, #tpu.memory_space<vmem>> -> memref<125x64xf32, #tpu.memory_space<vmem>>
      %dma_start3A_161 = arith.constant 0 : i32
      %dma_start3A_162 = tpu.memref_slice %arg6[%add3A_140, %dma_start3A_161] : memref<160x125xi32, #tpu.memory_space<vmem>> -> memref<1x125xi32, #tpu.memory_space<vmem>>
      %dma_start3A_163 = tpu.memref_squeeze %dma_start3A_162 : memref<1x125xi32, #tpu.memory_space<vmem>> -> memref<125xi32, #tpu.memory_space<vmem>>
      %dma_start3A_164 = arith.constant 0 : i32
      %dma_start3A_165 = arith.constant 0 : i32
      %dma_start3A_166 = tpu.memref_slice %arg9[%dma_start3A_164, %dma_start3A_165] : memref<10000x64xf32, #tpu.memory_space<vmem_shared>> -> memref<10000x64xf32, #tpu.memory_space<vmem_shared>>
      %dma_start3A_167 = tpu.memref_slice %arg11[%dma_start3A_156] : memref<4x!tpu.dma_semaphore, #tpu.memory_space<semaphore_mem>> -> memref<1x!tpu.dma_semaphore, #tpu.memory_space<semaphore_mem>>
      %dma_start3A_168 = tpu.memref_squeeze %dma_start3A_167 : memref<1x!tpu.dma_semaphore, #tpu.memory_space<semaphore_mem>> -> memref<!tpu.dma_semaphore, #tpu.memory_space<semaphore_mem>>
      tpu.enqueue_indirect_dma source(%dma_start3A_160 : memref<125x64xf32, #tpu.memory_space<vmem>>) target(%dma_start3A_166 : memref<10000x64xf32, #tpu.memory_space<vmem_shared>>) offsets(%dma_start3A_163 : memref<125xi32, #tpu.memory_space<vmem>>) semaphore(%dma_start3A_168 : memref<!tpu.dma_semaphore, #tpu.memory_space<semaphore_mem>>) {add = true}
      %add3A_169 = arith.constant 3 : i32
      %add3A_170 = arith.addi %add3A_140, %add3A_169 : i32
      %lt3A = arith.constant 160 : i32
      %lt3A_171 = arith.cmpi slt, %add3A_170, %lt3A : i32
      %convert_element_type3A_172 = arith.extui %lt3A_171 : i1 to i32
      %cond3A_173 = arith.constant 0 : i32
      %cond3A_174 = arith.cmpi ne, %convert_element_type3A_172, %cond3A_173 : i32
      scf.if %cond3A_174 {
        %ge3A = arith.constant 1 : i32
        %ge3A_286 = arith.cmpi sge, %add3A_140, %ge3A : i32
        %convert_element_type3A_287 = arith.extui %ge3A_286 : i1 to i32
        %cond3A_288 = arith.constant 0 : i32
        %cond3A_289 = arith.cmpi ne, %convert_element_type3A_287, %cond3A_288 : i32
        scf.if %cond3A_289 {
          %sub3A = arith.constant 1 : i32
          %sub3A_306 = arith.subi %add3A_140, %sub3A : i32
          %dma_wait3A_307 = arith.constant 3 : i32
          %dma_wait3A_308 = arith.constant 3 : i32
          %dma_wait3A_309 = arith.constant 0 : i32
          %dma_wait3A_310 = arith.constant 0 : i32
          %dma_wait3A_311 = tpu.memref_slice %arg7[%dma_wait3A_307, %dma_wait3A_309, %dma_wait3A_310] : memref<4x125x64xf32, #tpu.memory_space<vmem>> -> memref<1x125x64xf32, #tpu.memory_space<vmem>>
          %dma_wait3A_312 = tpu.memref_squeeze %dma_wait3A_311 : memref<1x125x64xf32, #tpu.memory_space<vmem>> -> memref<125x64xf32, #tpu.memory_space<vmem>>
          %dma_wait3A_313 = arith.constant 0 : i32
          %dma_wait3A_314 = tpu.memref_slice %arg6[%sub3A_306, %dma_wait3A_313] : memref<160x125xi32, #tpu.memory_space<vmem>> -> memref<1x125xi32, #tpu.memory_space<vmem>>
          %dma_wait3A_315 = tpu.memref_squeeze %dma_wait3A_314 : memref<1x125xi32, #tpu.memory_space<vmem>> -> memref<125xi32, #tpu.memory_space<vmem>>
          %dma_wait3A_316 = arith.constant 0 : i32
          %dma_wait3A_317 = arith.constant 0 : i32
          %dma_wait3A_318 = tpu.memref_slice %arg9[%dma_wait3A_316, %dma_wait3A_317] : memref<10000x64xf32, #tpu.memory_space<vmem_shared>> -> memref<10000x64xf32, #tpu.memory_space<vmem_shared>>
          %dma_wait3A_319 = tpu.memref_slice %arg11[%dma_wait3A_308] : memref<4x!tpu.dma_semaphore, #tpu.memory_space<semaphore_mem>> -> memref<1x!tpu.dma_semaphore, #tpu.memory_space<semaphore_mem>>
          %dma_wait3A_320 = tpu.memref_squeeze %dma_wait3A_319 : memref<1x!tpu.dma_semaphore, #tpu.memory_space<semaphore_mem>> -> memref<!tpu.dma_semaphore, #tpu.memory_space<semaphore_mem>>
          tpu.wait_indirect_dma semaphore(%dma_wait3A_320 : memref<!tpu.dma_semaphore, #tpu.memory_space<semaphore_mem>>) src(%dma_wait3A_312 : memref<125x64xf32, #tpu.memory_space<vmem>>) dst(%dma_wait3A_318 : memref<10000x64xf32, #tpu.memory_space<vmem_shared>>)
        } else {
        }
        %add3A_290 = arith.constant 3 : i32
        %add3A_291 = arith.addi %add3A_140, %add3A_290 : i32
        %dma_start3A_292 = arith.constant 3 : i32
        %dma_start3A_293 = arith.constant 3 : i32
        %dma_start3A_294 = arith.constant 0 : i32
        %dma_start3A_295 = arith.constant 0 : i32
        %dma_start3A_296 = tpu.memref_slice %arg7[%dma_start3A_292, %dma_start3A_294, %dma_start3A_295] : memref<4x125x64xf32, #tpu.memory_space<vmem>> -> memref<1x125x64xf32, #tpu.memory_space<vmem>>
        %dma_start3A_297 = tpu.memref_squeeze %dma_start3A_296 : memref<1x125x64xf32, #tpu.memory_space<vmem>> -> memref<125x64xf32, #tpu.memory_space<vmem>>
        %dma_start3A_298 = arith.constant 0 : i32
        %dma_start3A_299 = tpu.memref_slice %arg5[%add3A_291, %dma_start3A_298] : memref<160x125xi32, #tpu.memory_space<vmem>> -> memref<1x125xi32, #tpu.memory_space<vmem>>
        %dma_start3A_300 = tpu.memref_squeeze %dma_start3A_299 : memref<1x125xi32, #tpu.memory_space<vmem>> -> memref<125xi32, #tpu.memory_space<vmem>>
        %dma_start3A_301 = arith.constant 0 : i32
        %dma_start3A_302 = arith.constant 0 : i32
        %dma_start3A_303 = tpu.memref_slice %arg2[%dma_start3A_301, %dma_start3A_302] : memref<20000x64xf32, #tpu.memory_space<hbm>> -> memref<20000x64xf32, #tpu.memory_space<hbm>>
        %dma_start3A_304 = tpu.memref_slice %arg10[%dma_start3A_293] : memref<4x!tpu.dma_semaphore, #tpu.memory_space<semaphore_mem>> -> memref<1x!tpu.dma_semaphore, #tpu.memory_space<semaphore_mem>>
        %dma_start3A_305 = tpu.memref_squeeze %dma_start3A_304 : memref<1x!tpu.dma_semaphore, #tpu.memory_space<semaphore_mem>> -> memref<!tpu.dma_semaphore, #tpu.memory_space<semaphore_mem>>
        tpu.enqueue_indirect_dma source(%dma_start3A_303 : memref<20000x64xf32, #tpu.memory_space<hbm>>) target(%dma_start3A_297 : memref<125x64xf32, #tpu.memory_space<vmem>>) offsets(%dma_start3A_300 : memref<125xi32, #tpu.memory_space<vmem>>) semaphore(%dma_start3A_305 : memref<!tpu.dma_semaphore, #tpu.memory_space<semaphore_mem>>)
      } else {
      }
      %add3A_175 = arith.constant 1 : i32
      %add3A_176 = arith.addi %add3A_138, %add3A_175 : i32
      %dma_wait3A_177 = arith.constant 1 : i32
      %dma_wait3A_178 = arith.constant 1 : i32
      %dma_wait3A_179 = arith.constant 0 : i32
      %dma_wait3A_180 = arith.constant 0 : i32
      %dma_wait3A_181 = tpu.memref_slice %arg7[%dma_wait3A_177, %dma_wait3A_179, %dma_wait3A_180] : memref<4x125x64xf32, #tpu.memory_space<vmem>> -> memref<1x125x64xf32, #tpu.memory_space<vmem>>
      %dma_wait3A_182 = tpu.memref_squeeze %dma_wait3A_181 : memref<1x125x64xf32, #tpu.memory_space<vmem>> -> memref<125x64xf32, #tpu.memory_space<vmem>>
      %dma_wait3A_183 = arith.constant 0 : i32
      %dma_wait3A_184 = tpu.memref_slice %arg5[%add3A_176, %dma_wait3A_183] : memref<160x125xi32, #tpu.memory_space<vmem>> -> memref<1x125xi32, #tpu.memory_space<vmem>>
      %dma_wait3A_185 = tpu.memref_squeeze %dma_wait3A_184 : memref<1x125xi32, #tpu.memory_space<vmem>> -> memref<125xi32, #tpu.memory_space<vmem>>
      %dma_wait3A_186 = arith.constant 0 : i32
      %dma_wait3A_187 = arith.constant 0 : i32
      %dma_wait3A_188 = tpu.memref_slice %arg2[%dma_wait3A_186, %dma_wait3A_187] : memref<20000x64xf32, #tpu.memory_space<hbm>> -> memref<20000x64xf32, #tpu.memory_space<hbm>>
      %dma_wait3A_189 = tpu.memref_slice %arg10[%dma_wait3A_178] : memref<4x!tpu.dma_semaphore, #tpu.memory_space<semaphore_mem>> -> memref<1x!tpu.dma_semaphore, #tpu.memory_space<semaphore_mem>>
      %dma_wait3A_190 = tpu.memref_squeeze %dma_wait3A_189 : memref<1x!tpu.dma_semaphore, #tpu.memory_space<semaphore_mem>> -> memref<!tpu.dma_semaphore, #tpu.memory_space<semaphore_mem>>
      tpu.wait_indirect_dma semaphore(%dma_wait3A_190 : memref<!tpu.dma_semaphore, #tpu.memory_space<semaphore_mem>>) src(%dma_wait3A_188 : memref<20000x64xf32, #tpu.memory_space<hbm>>) dst(%dma_wait3A_182 : memref<125x64xf32, #tpu.memory_space<vmem>>)
      %dma_start3A_191 = arith.constant 1 : i32
      %dma_start3A_192 = arith.constant 1 : i32
      %dma_start3A_193 = arith.constant 0 : i32
      %dma_start3A_194 = arith.constant 0 : i32
      %dma_start3A_195 = tpu.memref_slice %arg7[%dma_start3A_191, %dma_start3A_193, %dma_start3A_194] : memref<4x125x64xf32, #tpu.memory_space<vmem>> -> memref<1x125x64xf32, #tpu.memory_space<vmem>>
      %dma_start3A_196 = tpu.memref_squeeze %dma_start3A_195 : memref<1x125x64xf32, #tpu.memory_space<vmem>> -> memref<125x64xf32, #tpu.memory_space<vmem>>
      %dma_start3A_197 = arith.constant 0 : i32
      %dma_start3A_198 = tpu.memref_slice %arg6[%add3A_176, %dma_start3A_197] : memref<160x125xi32, #tpu.memory_space<vmem>> -> memref<1x125xi32, #tpu.memory_space<vmem>>
      %dma_start3A_199 = tpu.memref_squeeze %dma_start3A_198 : memref<1x125xi32, #tpu.memory_space<vmem>> -> memref<125xi32, #tpu.memory_space<vmem>>
      %dma_start3A_200 = arith.constant 0 : i32
      %dma_start3A_201 = arith.constant 0 : i32
      %dma_start3A_202 = tpu.memref_slice %arg9[%dma_start3A_200, %dma_start3A_201] : memref<10000x64xf32, #tpu.memory_space<vmem_shared>> -> memref<10000x64xf32, #tpu.memory_space<vmem_shared>>
      %dma_start3A_203 = tpu.memref_slice %arg11[%dma_start3A_192] : memref<4x!tpu.dma_semaphore, #tpu.memory_space<semaphore_mem>> -> memref<1x!tpu.dma_semaphore, #tpu.memory_space<semaphore_mem>>
      %dma_start3A_204 = tpu.memref_squeeze %dma_start3A_203 : memref<1x!tpu.dma_semaphore, #tpu.memory_space<semaphore_mem>> -> memref<!tpu.dma_semaphore, #tpu.memory_space<semaphore_mem>>
      tpu.enqueue_indirect_dma source(%dma_start3A_196 : memref<125x64xf32, #tpu.memory_space<vmem>>) target(%dma_start3A_202 : memref<10000x64xf32, #tpu.memory_space<vmem_shared>>) offsets(%dma_start3A_199 : memref<125xi32, #tpu.memory_space<vmem>>) semaphore(%dma_start3A_204 : memref<!tpu.dma_semaphore, #tpu.memory_space<semaphore_mem>>) {add = true}
      %add3A_205 = arith.constant 3 : i32
      %add3A_206 = arith.addi %add3A_176, %add3A_205 : i32
      %lt3A_207 = arith.constant 160 : i32
      %lt3A_208 = arith.cmpi slt, %add3A_206, %lt3A_207 : i32
      %convert_element_type3A_209 = arith.extui %lt3A_208 : i1 to i32
      %cond3A_210 = arith.constant 0 : i32
      %cond3A_211 = arith.cmpi ne, %convert_element_type3A_209, %cond3A_210 : i32
      scf.if %cond3A_211 {
        %ge3A = arith.constant 1 : i32
        %ge3A_286 = arith.cmpi sge, %add3A_176, %ge3A : i32
        %convert_element_type3A_287 = arith.extui %ge3A_286 : i1 to i32
        %cond3A_288 = arith.constant 0 : i32
        %cond3A_289 = arith.cmpi ne, %convert_element_type3A_287, %cond3A_288 : i32
        scf.if %cond3A_289 {
          %sub3A = arith.constant 1 : i32
          %sub3A_306 = arith.subi %add3A_176, %sub3A : i32
          %dma_wait3A_307 = arith.constant 0 : i32
          %dma_wait3A_308 = arith.constant 0 : i32
          %dma_wait3A_309 = arith.constant 0 : i32
          %dma_wait3A_310 = arith.constant 0 : i32
          %dma_wait3A_311 = tpu.memref_slice %arg7[%dma_wait3A_307, %dma_wait3A_309, %dma_wait3A_310] : memref<4x125x64xf32, #tpu.memory_space<vmem>> -> memref<1x125x64xf32, #tpu.memory_space<vmem>>
          %dma_wait3A_312 = tpu.memref_squeeze %dma_wait3A_311 : memref<1x125x64xf32, #tpu.memory_space<vmem>> -> memref<125x64xf32, #tpu.memory_space<vmem>>
          %dma_wait3A_313 = arith.constant 0 : i32
          %dma_wait3A_314 = tpu.memref_slice %arg6[%sub3A_306, %dma_wait3A_313] : memref<160x125xi32, #tpu.memory_space<vmem>> -> memref<1x125xi32, #tpu.memory_space<vmem>>
          %dma_wait3A_315 = tpu.memref_squeeze %dma_wait3A_314 : memref<1x125xi32, #tpu.memory_space<vmem>> -> memref<125xi32, #tpu.memory_space<vmem>>
          %dma_wait3A_316 = arith.constant 0 : i32
          %dma_wait3A_317 = arith.constant 0 : i32
          %dma_wait3A_318 = tpu.memref_slice %arg9[%dma_wait3A_316, %dma_wait3A_317] : memref<10000x64xf32, #tpu.memory_space<vmem_shared>> -> memref<10000x64xf32, #tpu.memory_space<vmem_shared>>
          %dma_wait3A_319 = tpu.memref_slice %arg11[%dma_wait3A_308] : memref<4x!tpu.dma_semaphore, #tpu.memory_space<semaphore_mem>> -> memref<1x!tpu.dma_semaphore, #tpu.memory_space<semaphore_mem>>
          %dma_wait3A_320 = tpu.memref_squeeze %dma_wait3A_319 : memref<1x!tpu.dma_semaphore, #tpu.memory_space<semaphore_mem>> -> memref<!tpu.dma_semaphore, #tpu.memory_space<semaphore_mem>>
          tpu.wait_indirect_dma semaphore(%dma_wait3A_320 : memref<!tpu.dma_semaphore, #tpu.memory_space<semaphore_mem>>) src(%dma_wait3A_312 : memref<125x64xf32, #tpu.memory_space<vmem>>) dst(%dma_wait3A_318 : memref<10000x64xf32, #tpu.memory_space<vmem_shared>>)
        } else {
        }
        %add3A_290 = arith.constant 3 : i32
        %add3A_291 = arith.addi %add3A_176, %add3A_290 : i32
        %dma_start3A_292 = arith.constant 0 : i32
        %dma_start3A_293 = arith.constant 0 : i32
        %dma_start3A_294 = arith.constant 0 : i32
        %dma_start3A_295 = arith.constant 0 : i32
        %dma_start3A_296 = tpu.memref_slice %arg7[%dma_start3A_292, %dma_start3A_294, %dma_start3A_295] : memref<4x125x64xf32, #tpu.memory_space<vmem>> -> memref<1x125x64xf32, #tpu.memory_space<vmem>>
        %dma_start3A_297 = tpu.memref_squeeze %dma_start3A_296 : memref<1x125x64xf32, #tpu.memory_space<vmem>> -> memref<125x64xf32, #tpu.memory_space<vmem>>
        %dma_start3A_298 = arith.constant 0 : i32
        %dma_start3A_299 = tpu.memref_slice %arg5[%add3A_291, %dma_start3A_298] : memref<160x125xi32, #tpu.memory_space<vmem>> -> memref<1x125xi32, #tpu.memory_space<vmem>>
        %dma_start3A_300 = tpu.memref_squeeze %dma_start3A_299 : memref<1x125xi32, #tpu.memory_space<vmem>> -> memref<125xi32, #tpu.memory_space<vmem>>
        %dma_start3A_301 = arith.constant 0 : i32
        %dma_start3A_302 = arith.constant 0 : i32
        %dma_start3A_303 = tpu.memref_slice %arg2[%dma_start3A_301, %dma_start3A_302] : memref<20000x64xf32, #tpu.memory_space<hbm>> -> memref<20000x64xf32, #tpu.memory_space<hbm>>
        %dma_start3A_304 = tpu.memref_slice %arg10[%dma_start3A_293] : memref<4x!tpu.dma_semaphore, #tpu.memory_space<semaphore_mem>> -> memref<1x!tpu.dma_semaphore, #tpu.memory_space<semaphore_mem>>
        %dma_start3A_305 = tpu.memref_squeeze %dma_start3A_304 : memref<1x!tpu.dma_semaphore, #tpu.memory_space<semaphore_mem>> -> memref<!tpu.dma_semaphore, #tpu.memory_space<semaphore_mem>>
        tpu.enqueue_indirect_dma source(%dma_start3A_303 : memref<20000x64xf32, #tpu.memory_space<hbm>>) target(%dma_start3A_297 : memref<125x64xf32, #tpu.memory_space<vmem>>) offsets(%dma_start3A_300 : memref<125xi32, #tpu.memory_space<vmem>>) semaphore(%dma_start3A_305 : memref<!tpu.dma_semaphore, #tpu.memory_space<semaphore_mem>>)
      } else {
      }
      %add3A_212 = arith.constant 2 : i32
      %add3A_213 = arith.addi %add3A_138, %add3A_212 : i32
      %dma_wait3A_214 = arith.constant 2 : i32
      %dma_wait3A_215 = arith.constant 2 : i32
      %dma_wait3A_216 = arith.constant 0 : i32
      %dma_wait3A_217 = arith.constant 0 : i32
      %dma_wait3A_218 = tpu.memref_slice %arg7[%dma_wait3A_214, %dma_wait3A_216, %dma_wait3A_217] : memref<4x125x64xf32, #tpu.memory_space<vmem>> -> memref<1x125x64xf32, #tpu.memory_space<vmem>>
      %dma_wait3A_219 = tpu.memref_squeeze %dma_wait3A_218 : memref<1x125x64xf32, #tpu.memory_space<vmem>> -> memref<125x64xf32, #tpu.memory_space<vmem>>
      %dma_wait3A_220 = arith.constant 0 : i32
      %dma_wait3A_221 = tpu.memref_slice %arg5[%add3A_213, %dma_wait3A_220] : memref<160x125xi32, #tpu.memory_space<vmem>> -> memref<1x125xi32, #tpu.memory_space<vmem>>
      %dma_wait3A_222 = tpu.memref_squeeze %dma_wait3A_221 : memref<1x125xi32, #tpu.memory_space<vmem>> -> memref<125xi32, #tpu.memory_space<vmem>>
      %dma_wait3A_223 = arith.constant 0 : i32
      %dma_wait3A_224 = arith.constant 0 : i32
      %dma_wait3A_225 = tpu.memref_slice %arg2[%dma_wait3A_223, %dma_wait3A_224] : memref<20000x64xf32, #tpu.memory_space<hbm>> -> memref<20000x64xf32, #tpu.memory_space<hbm>>
      %dma_wait3A_226 = tpu.memref_slice %arg10[%dma_wait3A_215] : memref<4x!tpu.dma_semaphore, #tpu.memory_space<semaphore_mem>> -> memref<1x!tpu.dma_semaphore, #tpu.memory_space<semaphore_mem>>
      %dma_wait3A_227 = tpu.memref_squeeze %dma_wait3A_226 : memref<1x!tpu.dma_semaphore, #tpu.memory_space<semaphore_mem>> -> memref<!tpu.dma_semaphore, #tpu.memory_space<semaphore_mem>>
      tpu.wait_indirect_dma semaphore(%dma_wait3A_227 : memref<!tpu.dma_semaphore, #tpu.memory_space<semaphore_mem>>) src(%dma_wait3A_225 : memref<20000x64xf32, #tpu.memory_space<hbm>>) dst(%dma_wait3A_219 : memref<125x64xf32, #tpu.memory_space<vmem>>)
      %dma_start3A_228 = arith.constant 2 : i32
      %dma_start3A_229 = arith.constant 2 : i32
      %dma_start3A_230 = arith.constant 0 : i32
      %dma_start3A_231 = arith.constant 0 : i32
      %dma_start3A_232 = tpu.memref_slice %arg7[%dma_start3A_228, %dma_start3A_230, %dma_start3A_231] : memref<4x125x64xf32, #tpu.memory_space<vmem>> -> memref<1x125x64xf32, #tpu.memory_space<vmem>>
      %dma_start3A_233 = tpu.memref_squeeze %dma_start3A_232 : memref<1x125x64xf32, #tpu.memory_space<vmem>> -> memref<125x64xf32, #tpu.memory_space<vmem>>
      %dma_start3A_234 = arith.constant 0 : i32
      %dma_start3A_235 = tpu.memref_slice %arg6[%add3A_213, %dma_start3A_234] : memref<160x125xi32, #tpu.memory_space<vmem>> -> memref<1x125xi32, #tpu.memory_space<vmem>>
      %dma_start3A_236 = tpu.memref_squeeze %dma_start3A_235 : memref<1x125xi32, #tpu.memory_space<vmem>> -> memref<125xi32, #tpu.memory_space<vmem>>
      %dma_start3A_237 = arith.constant 0 : i32
      %dma_start3A_238 = arith.constant 0 : i32
      %dma_start3A_239 = tpu.memref_slice %arg9[%dma_start3A_237, %dma_start3A_238] : memref<10000x64xf32, #tpu.memory_space<vmem_shared>> -> memref<10000x64xf32, #tpu.memory_space<vmem_shared>>
      %dma_start3A_240 = tpu.memref_slice %arg11[%dma_start3A_229] : memref<4x!tpu.dma_semaphore, #tpu.memory_space<semaphore_mem>> -> memref<1x!tpu.dma_semaphore, #tpu.memory_space<semaphore_mem>>
      %dma_start3A_241 = tpu.memref_squeeze %dma_start3A_240 : memref<1x!tpu.dma_semaphore, #tpu.memory_space<semaphore_mem>> -> memref<!tpu.dma_semaphore, #tpu.memory_space<semaphore_mem>>
      tpu.enqueue_indirect_dma source(%dma_start3A_233 : memref<125x64xf32, #tpu.memory_space<vmem>>) target(%dma_start3A_239 : memref<10000x64xf32, #tpu.memory_space<vmem_shared>>) offsets(%dma_start3A_236 : memref<125xi32, #tpu.memory_space<vmem>>) semaphore(%dma_start3A_241 : memref<!tpu.dma_semaphore, #tpu.memory_space<semaphore_mem>>) {add = true}
      %add3A_242 = arith.constant 3 : i32
      %add3A_243 = arith.addi %add3A_213, %add3A_242 : i32
      %lt3A_244 = arith.constant 160 : i32
      %lt3A_245 = arith.cmpi slt, %add3A_243, %lt3A_244 : i32
      %convert_element_type3A_246 = arith.extui %lt3A_245 : i1 to i32
      %cond3A_247 = arith.constant 0 : i32
      %cond3A_248 = arith.cmpi ne, %convert_element_type3A_246, %cond3A_247 : i32
      scf.if %cond3A_248 {
        %ge3A = arith.constant 1 : i32
        %ge3A_286 = arith.cmpi sge, %add3A_213, %ge3A : i32
        %convert_element_type3A_287 = arith.extui %ge3A_286 : i1 to i32
        %cond3A_288 = arith.constant 0 : i32
        %cond3A_289 = arith.cmpi ne, %convert_element_type3A_287, %cond3A_288 : i32
        scf.if %cond3A_289 {
          %sub3A = arith.constant 1 : i32
          %sub3A_306 = arith.subi %add3A_213, %sub3A : i32
          %dma_wait3A_307 = arith.constant 1 : i32
          %dma_wait3A_308 = arith.constant 1 : i32
          %dma_wait3A_309 = arith.constant 0 : i32
          %dma_wait3A_310 = arith.constant 0 : i32
          %dma_wait3A_311 = tpu.memref_slice %arg7[%dma_wait3A_307, %dma_wait3A_309, %dma_wait3A_310] : memref<4x125x64xf32, #tpu.memory_space<vmem>> -> memref<1x125x64xf32, #tpu.memory_space<vmem>>
          %dma_wait3A_312 = tpu.memref_squeeze %dma_wait3A_311 : memref<1x125x64xf32, #tpu.memory_space<vmem>> -> memref<125x64xf32, #tpu.memory_space<vmem>>
          %dma_wait3A_313 = arith.constant 0 : i32
          %dma_wait3A_314 = tpu.memref_slice %arg6[%sub3A_306, %dma_wait3A_313] : memref<160x125xi32, #tpu.memory_space<vmem>> -> memref<1x125xi32, #tpu.memory_space<vmem>>
          %dma_wait3A_315 = tpu.memref_squeeze %dma_wait3A_314 : memref<1x125xi32, #tpu.memory_space<vmem>> -> memref<125xi32, #tpu.memory_space<vmem>>
          %dma_wait3A_316 = arith.constant 0 : i32
          %dma_wait3A_317 = arith.constant 0 : i32
          %dma_wait3A_318 = tpu.memref_slice %arg9[%dma_wait3A_316, %dma_wait3A_317] : memref<10000x64xf32, #tpu.memory_space<vmem_shared>> -> memref<10000x64xf32, #tpu.memory_space<vmem_shared>>
          %dma_wait3A_319 = tpu.memref_slice %arg11[%dma_wait3A_308] : memref<4x!tpu.dma_semaphore, #tpu.memory_space<semaphore_mem>> -> memref<1x!tpu.dma_semaphore, #tpu.memory_space<semaphore_mem>>
          %dma_wait3A_320 = tpu.memref_squeeze %dma_wait3A_319 : memref<1x!tpu.dma_semaphore, #tpu.memory_space<semaphore_mem>> -> memref<!tpu.dma_semaphore, #tpu.memory_space<semaphore_mem>>
          tpu.wait_indirect_dma semaphore(%dma_wait3A_320 : memref<!tpu.dma_semaphore, #tpu.memory_space<semaphore_mem>>) src(%dma_wait3A_312 : memref<125x64xf32, #tpu.memory_space<vmem>>) dst(%dma_wait3A_318 : memref<10000x64xf32, #tpu.memory_space<vmem_shared>>)
        } else {
        }
        %add3A_290 = arith.constant 3 : i32
        %add3A_291 = arith.addi %add3A_213, %add3A_290 : i32
        %dma_start3A_292 = arith.constant 1 : i32
        %dma_start3A_293 = arith.constant 1 : i32
        %dma_start3A_294 = arith.constant 0 : i32
        %dma_start3A_295 = arith.constant 0 : i32
        %dma_start3A_296 = tpu.memref_slice %arg7[%dma_start3A_292, %dma_start3A_294, %dma_start3A_295] : memref<4x125x64xf32, #tpu.memory_space<vmem>> -> memref<1x125x64xf32, #tpu.memory_space<vmem>>
        %dma_start3A_297 = tpu.memref_squeeze %dma_start3A_296 : memref<1x125x64xf32, #tpu.memory_space<vmem>> -> memref<125x64xf32, #tpu.memory_space<vmem>>
        %dma_start3A_298 = arith.constant 0 : i32
        %dma_start3A_299 = tpu.memref_slice %arg5[%add3A_291, %dma_start3A_298] : memref<160x125xi32, #tpu.memory_space<vmem>> -> memref<1x125xi32, #tpu.memory_space<vmem>>
        %dma_start3A_300 = tpu.memref_squeeze %dma_start3A_299 : memref<1x125xi32, #tpu.memory_space<vmem>> -> memref<125xi32, #tpu.memory_space<vmem>>
        %dma_start3A_301 = arith.constant 0 : i32
        %dma_start3A_302 = arith.constant 0 : i32
        %dma_start3A_303 = tpu.memref_slice %arg2[%dma_start3A_301, %dma_start3A_302] : memref<20000x64xf32, #tpu.memory_space<hbm>> -> memref<20000x64xf32, #tpu.memory_space<hbm>>
        %dma_start3A_304 = tpu.memref_slice %arg10[%dma_start3A_293] : memref<4x!tpu.dma_semaphore, #tpu.memory_space<semaphore_mem>> -> memref<1x!tpu.dma_semaphore, #tpu.memory_space<semaphore_mem>>
        %dma_start3A_305 = tpu.memref_squeeze %dma_start3A_304 : memref<1x!tpu.dma_semaphore, #tpu.memory_space<semaphore_mem>> -> memref<!tpu.dma_semaphore, #tpu.memory_space<semaphore_mem>>
        tpu.enqueue_indirect_dma source(%dma_start3A_303 : memref<20000x64xf32, #tpu.memory_space<hbm>>) target(%dma_start3A_297 : memref<125x64xf32, #tpu.memory_space<vmem>>) offsets(%dma_start3A_300 : memref<125xi32, #tpu.memory_space<vmem>>) semaphore(%dma_start3A_305 : memref<!tpu.dma_semaphore, #tpu.memory_space<semaphore_mem>>)
      } else {
      }
      %add3A_249 = arith.constant 3 : i32
      %add3A_250 = arith.addi %add3A_138, %add3A_249 : i32
      %dma_wait3A_251 = arith.constant 3 : i32
      %dma_wait3A_252 = arith.constant 3 : i32
      %dma_wait3A_253 = arith.constant 0 : i32
      %dma_wait3A_254 = arith.constant 0 : i32
      %dma_wait3A_255 = tpu.memref_slice %arg7[%dma_wait3A_251, %dma_wait3A_253, %dma_wait3A_254] : memref<4x125x64xf32, #tpu.memory_space<vmem>> -> memref<1x125x64xf32, #tpu.memory_space<vmem>>
      %dma_wait3A_256 = tpu.memref_squeeze %dma_wait3A_255 : memref<1x125x64xf32, #tpu.memory_space<vmem>> -> memref<125x64xf32, #tpu.memory_space<vmem>>
      %dma_wait3A_257 = arith.constant 0 : i32
      %dma_wait3A_258 = tpu.memref_slice %arg5[%add3A_250, %dma_wait3A_257] : memref<160x125xi32, #tpu.memory_space<vmem>> -> memref<1x125xi32, #tpu.memory_space<vmem>>
      %dma_wait3A_259 = tpu.memref_squeeze %dma_wait3A_258 : memref<1x125xi32, #tpu.memory_space<vmem>> -> memref<125xi32, #tpu.memory_space<vmem>>
      %dma_wait3A_260 = arith.constant 0 : i32
      %dma_wait3A_261 = arith.constant 0 : i32
      %dma_wait3A_262 = tpu.memref_slice %arg2[%dma_wait3A_260, %dma_wait3A_261] : memref<20000x64xf32, #tpu.memory_space<hbm>> -> memref<20000x64xf32, #tpu.memory_space<hbm>>
      %dma_wait3A_263 = tpu.memref_slice %arg10[%dma_wait3A_252] : memref<4x!tpu.dma_semaphore, #tpu.memory_space<semaphore_mem>> -> memref<1x!tpu.dma_semaphore, #tpu.memory_space<semaphore_mem>>
      %dma_wait3A_264 = tpu.memref_squeeze %dma_wait3A_263 : memref<1x!tpu.dma_semaphore, #tpu.memory_space<semaphore_mem>> -> memref<!tpu.dma_semaphore, #tpu.memory_space<semaphore_mem>>
      tpu.wait_indirect_dma semaphore(%dma_wait3A_264 : memref<!tpu.dma_semaphore, #tpu.memory_space<semaphore_mem>>) src(%dma_wait3A_262 : memref<20000x64xf32, #tpu.memory_space<hbm>>) dst(%dma_wait3A_256 : memref<125x64xf32, #tpu.memory_space<vmem>>)
      %dma_start3A_265 = arith.constant 3 : i32
      %dma_start3A_266 = arith.constant 3 : i32
      %dma_start3A_267 = arith.constant 0 : i32
      %dma_start3A_268 = arith.constant 0 : i32
      %dma_start3A_269 = tpu.memref_slice %arg7[%dma_start3A_265, %dma_start3A_267, %dma_start3A_268] : memref<4x125x64xf32, #tpu.memory_space<vmem>> -> memref<1x125x64xf32, #tpu.memory_space<vmem>>
      %dma_start3A_270 = tpu.memref_squeeze %dma_start3A_269 : memref<1x125x64xf32, #tpu.memory_space<vmem>> -> memref<125x64xf32, #tpu.memory_space<vmem>>
      %dma_start3A_271 = arith.constant 0 : i32
      %dma_start3A_272 = tpu.memref_slice %arg6[%add3A_250, %dma_start3A_271] : memref<160x125xi32, #tpu.memory_space<vmem>> -> memref<1x125xi32, #tpu.memory_space<vmem>>
      %dma_start3A_273 = tpu.memref_squeeze %dma_start3A_272 : memref<1x125xi32, #tpu.memory_space<vmem>> -> memref<125xi32, #tpu.memory_space<vmem>>
      %dma_start3A_274 = arith.constant 0 : i32
      %dma_start3A_275 = arith.constant 0 : i32
      %dma_start3A_276 = tpu.memref_slice %arg9[%dma_start3A_274, %dma_start3A_275] : memref<10000x64xf32, #tpu.memory_space<vmem_shared>> -> memref<10000x64xf32, #tpu.memory_space<vmem_shared>>
      %dma_start3A_277 = tpu.memref_slice %arg11[%dma_start3A_266] : memref<4x!tpu.dma_semaphore, #tpu.memory_space<semaphore_mem>> -> memref<1x!tpu.dma_semaphore, #tpu.memory_space<semaphore_mem>>
      %dma_start3A_278 = tpu.memref_squeeze %dma_start3A_277 : memref<1x!tpu.dma_semaphore, #tpu.memory_space<semaphore_mem>> -> memref<!tpu.dma_semaphore, #tpu.memory_space<semaphore_mem>>
      tpu.enqueue_indirect_dma source(%dma_start3A_270 : memref<125x64xf32, #tpu.memory_space<vmem>>) target(%dma_start3A_276 : memref<10000x64xf32, #tpu.memory_space<vmem_shared>>) offsets(%dma_start3A_273 : memref<125xi32, #tpu.memory_space<vmem>>) semaphore(%dma_start3A_278 : memref<!tpu.dma_semaphore, #tpu.memory_space<semaphore_mem>>) {add = true}
      %add3A_279 = arith.constant 3 : i32
      %add3A_280 = arith.addi %add3A_250, %add3A_279 : i32
      %lt3A_281 = arith.constant 160 : i32
      %lt3A_282 = arith.cmpi slt, %add3A_280, %lt3A_281 : i32
      %convert_element_type3A_283 = arith.extui %lt3A_282 : i1 to i32
      %cond3A_284 = arith.constant 0 : i32
      %cond3A_285 = arith.cmpi ne, %convert_element_type3A_283, %cond3A_284 : i32
      scf.if %cond3A_285 {
        %ge3A = arith.constant 1 : i32
        %ge3A_286 = arith.cmpi sge, %add3A_250, %ge3A : i32
        %convert_element_type3A_287 = arith.extui %ge3A_286 : i1 to i32
        %cond3A_288 = arith.constant 0 : i32
        %cond3A_289 = arith.cmpi ne, %convert_element_type3A_287, %cond3A_288 : i32
        scf.if %cond3A_289 {
          %sub3A = arith.constant 1 : i32
          %sub3A_306 = arith.subi %add3A_250, %sub3A : i32
          %dma_wait3A_307 = arith.constant 2 : i32
          %dma_wait3A_308 = arith.constant 2 : i32
          %dma_wait3A_309 = arith.constant 0 : i32
          %dma_wait3A_310 = arith.constant 0 : i32
          %dma_wait3A_311 = tpu.memref_slice %arg7[%dma_wait3A_307, %dma_wait3A_309, %dma_wait3A_310] : memref<4x125x64xf32, #tpu.memory_space<vmem>> -> memref<1x125x64xf32, #tpu.memory_space<vmem>>
          %dma_wait3A_312 = tpu.memref_squeeze %dma_wait3A_311 : memref<1x125x64xf32, #tpu.memory_space<vmem>> -> memref<125x64xf32, #tpu.memory_space<vmem>>
          %dma_wait3A_313 = arith.constant 0 : i32
          %dma_wait3A_314 = tpu.memref_slice %arg6[%sub3A_306, %dma_wait3A_313] : memref<160x125xi32, #tpu.memory_space<vmem>> -> memref<1x125xi32, #tpu.memory_space<vmem>>
          %dma_wait3A_315 = tpu.memref_squeeze %dma_wait3A_314 : memref<1x125xi32, #tpu.memory_space<vmem>> -> memref<125xi32, #tpu.memory_space<vmem>>
          %dma_wait3A_316 = arith.constant 0 : i32
          %dma_wait3A_317 = arith.constant 0 : i32
          %dma_wait3A_318 = tpu.memref_slice %arg9[%dma_wait3A_316, %dma_wait3A_317] : memref<10000x64xf32, #tpu.memory_space<vmem_shared>> -> memref<10000x64xf32, #tpu.memory_space<vmem_shared>>
          %dma_wait3A_319 = tpu.memref_slice %arg11[%dma_wait3A_308] : memref<4x!tpu.dma_semaphore, #tpu.memory_space<semaphore_mem>> -> memref<1x!tpu.dma_semaphore, #tpu.memory_space<semaphore_mem>>
          %dma_wait3A_320 = tpu.memref_squeeze %dma_wait3A_319 : memref<1x!tpu.dma_semaphore, #tpu.memory_space<semaphore_mem>> -> memref<!tpu.dma_semaphore, #tpu.memory_space<semaphore_mem>>
          tpu.wait_indirect_dma semaphore(%dma_wait3A_320 : memref<!tpu.dma_semaphore, #tpu.memory_space<semaphore_mem>>) src(%dma_wait3A_312 : memref<125x64xf32, #tpu.memory_space<vmem>>) dst(%dma_wait3A_318 : memref<10000x64xf32, #tpu.memory_space<vmem_shared>>)
        } else {
        }
        %add3A_290 = arith.constant 3 : i32
        %add3A_291 = arith.addi %add3A_250, %add3A_290 : i32
        %dma_start3A_292 = arith.constant 2 : i32
        %dma_start3A_293 = arith.constant 2 : i32
        %dma_start3A_294 = arith.constant 0 : i32
        %dma_start3A_295 = arith.constant 0 : i32
        %dma_start3A_296 = tpu.memref_slice %arg7[%dma_start3A_292, %dma_start3A_294, %dma_start3A_295] : memref<4x125x64xf32, #tpu.memory_space<vmem>> -> memref<1x125x64xf32, #tpu.memory_space<vmem>>
        %dma_start3A_297 = tpu.memref_squeeze %dma_start3A_296 : memref<1x125x64xf32, #tpu.memory_space<vmem>> -> memref<125x64xf32, #tpu.memory_space<vmem>>
        %dma_start3A_298 = arith.constant 0 : i32
        %dma_start3A_299 = tpu.memref_slice %arg5[%add3A_291, %dma_start3A_298] : memref<160x125xi32, #tpu.memory_space<vmem>> -> memref<1x125xi32, #tpu.memory_space<vmem>>
        %dma_start3A_300 = tpu.memref_squeeze %dma_start3A_299 : memref<1x125xi32, #tpu.memory_space<vmem>> -> memref<125xi32, #tpu.memory_space<vmem>>
        %dma_start3A_301 = arith.constant 0 : i32
        %dma_start3A_302 = arith.constant 0 : i32
        %dma_start3A_303 = tpu.memref_slice %arg2[%dma_start3A_301, %dma_start3A_302] : memref<20000x64xf32, #tpu.memory_space<hbm>> -> memref<20000x64xf32, #tpu.memory_space<hbm>>
        %dma_start3A_304 = tpu.memref_slice %arg10[%dma_start3A_293] : memref<4x!tpu.dma_semaphore, #tpu.memory_space<semaphore_mem>> -> memref<1x!tpu.dma_semaphore, #tpu.memory_space<semaphore_mem>>
        %dma_start3A_305 = tpu.memref_squeeze %dma_start3A_304 : memref<1x!tpu.dma_semaphore, #tpu.memory_space<semaphore_mem>> -> memref<!tpu.dma_semaphore, #tpu.memory_space<semaphore_mem>>
        tpu.enqueue_indirect_dma source(%dma_start3A_303 : memref<20000x64xf32, #tpu.memory_space<hbm>>) target(%dma_start3A_297 : memref<125x64xf32, #tpu.memory_space<vmem>>) offsets(%dma_start3A_300 : memref<125xi32, #tpu.memory_space<vmem>>) semaphore(%dma_start3A_305 : memref<!tpu.dma_semaphore, #tpu.memory_space<semaphore_mem>>)
      } else {
      }
    }
    %scan3A_64 = arith.constant 40 : i32
    %dma_wait3A = arith.constant 0 : i32
    %dma_wait3A_65 = arith.constant 156 : i32
    %dma_wait3A_66 = arith.constant 0 : i32
    %dma_wait3A_67 = arith.constant 0 : i32
    %dma_wait3A_68 = arith.constant 0 : i32
    %dma_wait3A_69 = tpu.memref_slice %arg7[%dma_wait3A, %dma_wait3A_67, %dma_wait3A_68] : memref<4x125x64xf32, #tpu.memory_space<vmem>> -> memref<1x125x64xf32, #tpu.memory_space<vmem>>
    %dma_wait3A_70 = tpu.memref_squeeze %dma_wait3A_69 : memref<1x125x64xf32, #tpu.memory_space<vmem>> -> memref<125x64xf32, #tpu.memory_space<vmem>>
    %dma_wait3A_71 = arith.constant 0 : i32
    %dma_wait3A_72 = tpu.memref_slice %arg6[%dma_wait3A_65, %dma_wait3A_71] : memref<160x125xi32, #tpu.memory_space<vmem>> -> memref<1x125xi32, #tpu.memory_space<vmem>>
    %dma_wait3A_73 = tpu.memref_squeeze %dma_wait3A_72 : memref<1x125xi32, #tpu.memory_space<vmem>> -> memref<125xi32, #tpu.memory_space<vmem>>
    %dma_wait3A_74 = arith.constant 0 : i32
    %dma_wait3A_75 = arith.constant 0 : i32
    %dma_wait3A_76 = tpu.memref_slice %arg9[%dma_wait3A_74, %dma_wait3A_75] : memref<10000x64xf32, #tpu.memory_space<vmem_shared>> -> memref<10000x64xf32, #tpu.memory_space<vmem_shared>>
    %dma_wait3A_77 = tpu.memref_slice %arg11[%dma_wait3A_66] : memref<4x!tpu.dma_semaphore, #tpu.memory_space<semaphore_mem>> -> memref<1x!tpu.dma_semaphore, #tpu.memory_space<semaphore_mem>>
    %dma_wait3A_78 = tpu.memref_squeeze %dma_wait3A_77 : memref<1x!tpu.dma_semaphore, #tpu.memory_space<semaphore_mem>> -> memref<!tpu.dma_semaphore, #tpu.memory_space<semaphore_mem>>
    tpu.wait_indirect_dma semaphore(%dma_wait3A_78 : memref<!tpu.dma_semaphore, #tpu.memory_space<semaphore_mem>>) src(%dma_wait3A_70 : memref<125x64xf32, #tpu.memory_space<vmem>>) dst(%dma_wait3A_76 : memref<10000x64xf32, #tpu.memory_space<vmem_shared>>)
    %dma_wait3A_79 = arith.constant 1 : i32
    %dma_wait3A_80 = arith.constant 157 : i32
    %dma_wait3A_81 = arith.constant 1 : i32
    %dma_wait3A_82 = arith.constant 0 : i32
    %dma_wait3A_83 = arith.constant 0 : i32
    %dma_wait3A_84 = tpu.memref_slice %arg7[%dma_wait3A_79, %dma_wait3A_82, %dma_wait3A_83] : memref<4x125x64xf32, #tpu.memory_space<vmem>> -> memref<1x125x64xf32, #tpu.memory_space<vmem>>
    %dma_wait3A_85 = tpu.memref_squeeze %dma_wait3A_84 : memref<1x125x64xf32, #tpu.memory_space<vmem>> -> memref<125x64xf32, #tpu.memory_space<vmem>>
    %dma_wait3A_86 = arith.constant 0 : i32
    %dma_wait3A_87 = tpu.memref_slice %arg6[%dma_wait3A_80, %dma_wait3A_86] : memref<160x125xi32, #tpu.memory_space<vmem>> -> memref<1x125xi32, #tpu.memory_space<vmem>>
    %dma_wait3A_88 = tpu.memref_squeeze %dma_wait3A_87 : memref<1x125xi32, #tpu.memory_space<vmem>> -> memref<125xi32, #tpu.memory_space<vmem>>
    %dma_wait3A_89 = arith.constant 0 : i32
    %dma_wait3A_90 = arith.constant 0 : i32
    %dma_wait3A_91 = tpu.memref_slice %arg9[%dma_wait3A_89, %dma_wait3A_90] : memref<10000x64xf32, #tpu.memory_space<vmem_shared>> -> memref<10000x64xf32, #tpu.memory_space<vmem_shared>>
    %dma_wait3A_92 = tpu.memref_slice %arg11[%dma_wait3A_81] : memref<4x!tpu.dma_semaphore, #tpu.memory_space<semaphore_mem>> -> memref<1x!tpu.dma_semaphore, #tpu.memory_space<semaphore_mem>>
    %dma_wait3A_93 = tpu.memref_squeeze %dma_wait3A_92 : memref<1x!tpu.dma_semaphore, #tpu.memory_space<semaphore_mem>> -> memref<!tpu.dma_semaphore, #tpu.memory_space<semaphore_mem>>
    tpu.wait_indirect_dma semaphore(%dma_wait3A_93 : memref<!tpu.dma_semaphore, #tpu.memory_space<semaphore_mem>>) src(%dma_wait3A_85 : memref<125x64xf32, #tpu.memory_space<vmem>>) dst(%dma_wait3A_91 : memref<10000x64xf32, #tpu.memory_space<vmem_shared>>)
    %dma_wait3A_94 = arith.constant 2 : i32
    %dma_wait3A_95 = arith.constant 158 : i32
    %dma_wait3A_96 = arith.constant 2 : i32
    %dma_wait3A_97 = arith.constant 0 : i32
    %dma_wait3A_98 = arith.constant 0 : i32
    %dma_wait3A_99 = tpu.memref_slice %arg7[%dma_wait3A_94, %dma_wait3A_97, %dma_wait3A_98] : memref<4x125x64xf32, #tpu.memory_space<vmem>> -> memref<1x125x64xf32, #tpu.memory_space<vmem>>
    %dma_wait3A_100 = tpu.memref_squeeze %dma_wait3A_99 : memref<1x125x64xf32, #tpu.memory_space<vmem>> -> memref<125x64xf32, #tpu.memory_space<vmem>>
    %dma_wait3A_101 = arith.constant 0 : i32
    %dma_wait3A_102 = tpu.memref_slice %arg6[%dma_wait3A_95, %dma_wait3A_101] : memref<160x125xi32, #tpu.memory_space<vmem>> -> memref<1x125xi32, #tpu.memory_space<vmem>>
    %dma_wait3A_103 = tpu.memref_squeeze %dma_wait3A_102 : memref<1x125xi32, #tpu.memory_space<vmem>> -> memref<125xi32, #tpu.memory_space<vmem>>
    %dma_wait3A_104 = arith.constant 0 : i32
    %dma_wait3A_105 = arith.constant 0 : i32
    %dma_wait3A_106 = tpu.memref_slice %arg9[%dma_wait3A_104, %dma_wait3A_105] : memref<10000x64xf32, #tpu.memory_space<vmem_shared>> -> memref<10000x64xf32, #tpu.memory_space<vmem_shared>>
    %dma_wait3A_107 = tpu.memref_slice %arg11[%dma_wait3A_96] : memref<4x!tpu.dma_semaphore, #tpu.memory_space<semaphore_mem>> -> memref<1x!tpu.dma_semaphore, #tpu.memory_space<semaphore_mem>>
    %dma_wait3A_108 = tpu.memref_squeeze %dma_wait3A_107 : memref<1x!tpu.dma_semaphore, #tpu.memory_space<semaphore_mem>> -> memref<!tpu.dma_semaphore, #tpu.memory_space<semaphore_mem>>
    tpu.wait_indirect_dma semaphore(%dma_wait3A_108 : memref<!tpu.dma_semaphore, #tpu.memory_space<semaphore_mem>>) src(%dma_wait3A_100 : memref<125x64xf32, #tpu.memory_space<vmem>>) dst(%dma_wait3A_106 : memref<10000x64xf32, #tpu.memory_space<vmem_shared>>)
    %dma_wait3A_109 = arith.constant 3 : i32
    %dma_wait3A_110 = arith.constant 159 : i32
    %dma_wait3A_111 = arith.constant 3 : i32
    %dma_wait3A_112 = arith.constant 0 : i32
    %dma_wait3A_113 = arith.constant 0 : i32
    %dma_wait3A_114 = tpu.memref_slice %arg7[%dma_wait3A_109, %dma_wait3A_112, %dma_wait3A_113] : memref<4x125x64xf32, #tpu.memory_space<vmem>> -> memref<1x125x64xf32, #tpu.memory_space<vmem>>
    %dma_wait3A_115 = tpu.memref_squeeze %dma_wait3A_114 : memref<1x125x64xf32, #tpu.memory_space<vmem>> -> memref<125x64xf32, #tpu.memory_space<vmem>>
    %dma_wait3A_116 = arith.constant 0 : i32
    %dma_wait3A_117 = tpu.memref_slice %arg6[%dma_wait3A_110, %dma_wait3A_116] : memref<160x125xi32, #tpu.memory_space<vmem>> -> memref<1x125xi32, #tpu.memory_space<vmem>>
    %dma_wait3A_118 = tpu.memref_squeeze %dma_wait3A_117 : memref<1x125xi32, #tpu.memory_space<vmem>> -> memref<125xi32, #tpu.memory_space<vmem>>
    %dma_wait3A_119 = arith.constant 0 : i32
    %dma_wait3A_120 = arith.constant 0 : i32
    %dma_wait3A_121 = tpu.memref_slice %arg9[%dma_wait3A_119, %dma_wait3A_120] : memref<10000x64xf32, #tpu.memory_space<vmem_shared>> -> memref<10000x64xf32, #tpu.memory_space<vmem_shared>>
    %dma_wait3A_122 = tpu.memref_slice %arg11[%dma_wait3A_111] : memref<4x!tpu.dma_semaphore, #tpu.memory_space<semaphore_mem>> -> memref<1x!tpu.dma_semaphore, #tpu.memory_space<semaphore_mem>>
    %dma_wait3A_123 = tpu.memref_squeeze %dma_wait3A_122 : memref<1x!tpu.dma_semaphore, #tpu.memory_space<semaphore_mem>> -> memref<!tpu.dma_semaphore, #tpu.memory_space<semaphore_mem>>
    tpu.wait_indirect_dma semaphore(%dma_wait3A_123 : memref<!tpu.dma_semaphore, #tpu.memory_space<semaphore_mem>>) src(%dma_wait3A_115 : memref<125x64xf32, #tpu.memory_space<vmem>>) dst(%dma_wait3A_121 : memref<10000x64xf32, #tpu.memory_space<vmem_shared>>)
    %barrier3A_124 = arith.constant 0 : index
    tpu.barrier barrier_id(%barrier3A_124)
    %mul3A_125 = arith.constant 624 : i32
    %mul3A_126 = arith.muli %arg1, %mul3A_125 : i32
    %mul3A_127 = arith.constant 624 : i32
    %mul3A_128 = arith.muli %arg1, %mul3A_127 : i32
    "tpu.region"() ({
      %run_scoped3A_134 = tpu.sem_alloc : memref<!tpu.dma_semaphore, #tpu.memory_space<semaphore_mem>>
      %dma_start3A_135 = arith.constant 0 : i32
      %dma_start3A_136 = tpu.memref_slice %arg4[%arg0, %mul3A_128, %dma_start3A_135] : memref<2x10000x64xf32, #tpu.memory_space<hbm>> -> memref<1x624x64xf32, #tpu.memory_space<hbm>>
      %dma_start3A_137 = tpu.memref_squeeze %dma_start3A_136 : memref<1x624x64xf32, #tpu.memory_space<hbm>> -> memref<624x64xf32, #tpu.memory_space<hbm>>
      %dma_start3A_138 = arith.constant 0 : i32
      %dma_start3A_139 = tpu.memref_slice %arg9[%mul3A_126, %dma_start3A_138] : memref<10000x64xf32, #tpu.memory_space<vmem_shared>> -> memref<624x64xf32, #tpu.memory_space<vmem_shared>>
      tpu.enqueue_dma source(%dma_start3A_139 : memref<624x64xf32, #tpu.memory_space<vmem_shared>>) target(%dma_start3A_137 : memref<624x64xf32, #tpu.memory_space<hbm>>) target_semaphore(%run_scoped3A_134 : memref<!tpu.dma_semaphore, #tpu.memory_space<semaphore_mem>>)
      %dma_wait3A_140 = arith.constant 0 : i32
      %dma_wait3A_141 = tpu.memref_slice %arg4[%arg0, %mul3A_128, %dma_wait3A_140] : memref<2x10000x64xf32, #tpu.memory_space<hbm>> -> memref<1x624x64xf32, #tpu.memory_space<hbm>>
      %dma_wait3A_142 = tpu.memref_squeeze %dma_wait3A_141 : memref<1x624x64xf32, #tpu.memory_space<hbm>> -> memref<624x64xf32, #tpu.memory_space<hbm>>
      %dma_wait3A_143 = arith.constant 0 : i32
      %dma_wait3A_144 = tpu.memref_slice %arg9[%mul3A_126, %dma_wait3A_143] : memref<10000x64xf32, #tpu.memory_space<vmem_shared>> -> memref<624x64xf32, #tpu.memory_space<vmem_shared>>
      tpu.wait_dma2 semaphore(%run_scoped3A_134 : memref<!tpu.dma_semaphore, #tpu.memory_space<semaphore_mem>>) src(%dma_wait3A_144 : memref<624x64xf32, #tpu.memory_space<vmem_shared>>) dst(%dma_wait3A_142 : memref<624x64xf32, #tpu.memory_space<hbm>>)
      tpu.yield
    }) : () -> ()
    %eq3A_129 = arith.constant 15 : i32
    %eq3A_130 = arith.cmpi eq, %arg1, %eq3A_129 : i32
    %convert_element_type3A_131 = arith.extui %eq3A_130 : i1 to i32
    %cond3A_132 = arith.constant 0 : i32
    %cond3A_133 = arith.cmpi ne, %convert_element_type3A_131, %cond3A_132 : i32
    scf.if %cond3A_133 {
      "tpu.region"() ({
        %run_scoped3A_134 = tpu.sem_alloc : memref<!tpu.dma_semaphore, #tpu.memory_space<semaphore_mem>>
        %dma_start3A_135 = arith.constant 9984 : i32
        %dma_start3A_136 = arith.constant 0 : i32
        %dma_start3A_137 = tpu.memref_slice %arg4[%arg0, %dma_start3A_135, %dma_start3A_136] : memref<2x10000x64xf32, #tpu.memory_space<hbm>> -> memref<1x16x64xf32, #tpu.memory_space<hbm>>
        %dma_start3A_138 = tpu.memref_squeeze %dma_start3A_137 : memref<1x16x64xf32, #tpu.memory_space<hbm>> -> memref<16x64xf32, #tpu.memory_space<hbm>>
        %dma_start3A_139 = arith.constant 9984 : i32
        %dma_start3A_140 = arith.constant 0 : i32
        %dma_start3A_141 = tpu.memref_slice %arg9[%dma_start3A_139, %dma_start3A_140] : memref<10000x64xf32, #tpu.memory_space<vmem_shared>> -> memref<16x64xf32, #tpu.memory_space<vmem_shared>>
        tpu.enqueue_dma source(%dma_start3A_141 : memref<16x64xf32, #tpu.memory_space<vmem_shared>>) target(%dma_start3A_138 : memref<16x64xf32, #tpu.memory_space<hbm>>) target_semaphore(%run_scoped3A_134 : memref<!tpu.dma_semaphore, #tpu.memory_space<semaphore_mem>>)
        %dma_wait3A_142 = arith.constant 9984 : i32
        %dma_wait3A_143 = arith.constant 0 : i32
        %dma_wait3A_144 = tpu.memref_slice %arg4[%arg0, %dma_wait3A_142, %dma_wait3A_143] : memref<2x10000x64xf32, #tpu.memory_space<hbm>> -> memref<1x16x64xf32, #tpu.memory_space<hbm>>
        %dma_wait3A_145 = tpu.memref_squeeze %dma_wait3A_144 : memref<1x16x64xf32, #tpu.memory_space<hbm>> -> memref<16x64xf32, #tpu.memory_space<hbm>>
        %dma_wait3A_146 = arith.constant 9984 : i32
        %dma_wait3A_147 = arith.constant 0 : i32
        %dma_wait3A_148 = tpu.memref_slice %arg9[%dma_wait3A_146, %dma_wait3A_147] : memref<10000x64xf32, #tpu.memory_space<vmem_shared>> -> memref<16x64xf32, #tpu.memory_space<vmem_shared>>
        tpu.wait_dma2 semaphore(%run_scoped3A_134 : memref<!tpu.dma_semaphore, #tpu.memory_space<semaphore_mem>>) src(%dma_wait3A_148 : memref<16x64xf32, #tpu.memory_space<vmem_shared>>) dst(%dma_wait3A_145 : memref<16x64xf32, #tpu.memory_space<hbm>>)
        tpu.yield
      }) : () -> ()
    } else {
    }
    return
  }
}

#map = affine_map<(d0, d1) -> (0, 0)>
#map1 = affine_map<(d0, d1) -> (0, 0, 0, 0)>
#map2 = affine_map<(d0, d1) -> (0, 0, 0)>
module attributes {stable_mosaic.version = 14 : i64} {
  func.func @_sc_agg(%arg0: i32, %arg1: i32, %arg2: memref<20000x64xf32, #tpu.memory_space<hbm>>, %arg3: memref<3x16x160x125xi32, #tpu.memory_space<hbm>>, %arg4: memref<2x10000x64xf32, #tpu.memory_space<hbm>>, %arg5: memref<160x125xi32, #tpu.memory_space<vmem>>, %arg6: memref<160x125xi32, #tpu.memory_space<vmem>>, %arg7: memref<4x125x64xf32, #tpu.memory_space<vmem>>, %arg8: memref<208x64xf32, #tpu.memory_space<vmem>>, %arg9: memref<10000x64xf32, #tpu.memory_space<vmem_shared>>, %arg10: memref<4x!tpu.dma_semaphore, #tpu.memory_space<semaphore_mem>>, %arg11: memref<4x!tpu.dma_semaphore, #tpu.memory_space<semaphore_mem>>) attributes {dimension_semantics = [#tpu.dimension_semantics<core_parallel>, #tpu.dimension_semantics<subcore_parallel>], iteration_bounds = array<i64: 2, 16>, scalar_prefetch = 0 : i64, scratch_operands = 7 : i64, tpu.core_type = #tpu.core_type<sc_vector_subcore>, window_params = [{transform_indices = #map}, {transform_indices = #map1}, {transform_indices = #map2}]} {
    %scan3A = arith.constant 0 : i32
    %scan3A_0 = arith.constant 208 : i32
    %scan3A_1 = arith.addi %scan3A, %scan3A_0 : i32
    %scan3A_2 = arith.constant 1 : i32
    scf.for %scan3A_134 = %scan3A to %scan3A_1 step %scan3A_2  : i32 {
      %mul3A_135 = arith.constant 1 : i32
      %mul3A_136 = arith.muli %scan3A_134, %mul3A_135 : i32
      %add3A_137 = arith.constant 0 : i32
      %add3A_138 = arith.addi %add3A_137, %mul3A_136 : i32
      %broadcast_in_dim3A = arith.constant 0.000000e+00 : f32
      %broadcast_in_dim3A_139 = vector.broadcast %broadcast_in_dim3A : f32 to vector<16xf32>
      %swap3A = arith.index_cast %add3A_138 : i32 to index
      %swap3A_140 = arith.constant 0 : index
      %swap3A_141 = tpu.vector_load %arg8[%swap3A, %swap3A_140] {strides = array<i32>} : memref<208x64xf32, #tpu.memory_space<vmem>>, vector<1x16xf32>,
      %swap3A_142 = vector.shape_cast %swap3A_141 : vector<1x16xf32> to vector<16xf32>
      %swap3A_143 = vector.shape_cast %broadcast_in_dim3A_139 : vector<16xf32> to vector<1x16xf32>
      tpu.vector_store %arg8[%swap3A, %swap3A_140], %swap3A_143 {strides = array<i32>} : memref<208x64xf32, #tpu.memory_space<vmem>>, vector<1x16xf32>,
      %broadcast_in_dim3A_144 = arith.constant 0.000000e+00 : f32
      %broadcast_in_dim3A_145 = vector.broadcast %broadcast_in_dim3A_144 : f32 to vector<16xf32>
      %swap3A_146 = arith.index_cast %add3A_138 : i32 to index
      %swap3A_147 = arith.constant 16 : index
      %swap3A_148 = tpu.vector_load %arg8[%swap3A_146, %swap3A_147] {strides = array<i32>} : memref<208x64xf32, #tpu.memory_space<vmem>>, vector<1x16xf32>,
      %swap3A_149 = vector.shape_cast %swap3A_148 : vector<1x16xf32> to vector<16xf32>
      %swap3A_150 = vector.shape_cast %broadcast_in_dim3A_145 : vector<16xf32> to vector<1x16xf32>
      tpu.vector_store %arg8[%swap3A_146, %swap3A_147], %swap3A_150 {strides = array<i32>} : memref<208x64xf32, #tpu.memory_space<vmem>>, vector<1x16xf32>,
      %broadcast_in_dim3A_151 = arith.constant 0.000000e+00 : f32
      %broadcast_in_dim3A_152 = vector.broadcast %broadcast_in_dim3A_151 : f32 to vector<16xf32>
      %swap3A_153 = arith.index_cast %add3A_138 : i32 to index
      %swap3A_154 = arith.constant 32 : index
      %swap3A_155 = tpu.vector_load %arg8[%swap3A_153, %swap3A_154] {strides = array<i32>} : memref<208x64xf32, #tpu.memory_space<vmem>>, vector<1x16xf32>,
      %swap3A_156 = vector.shape_cast %swap3A_155 : vector<1x16xf32> to vector<16xf32>
      %swap3A_157 = vector.shape_cast %broadcast_in_dim3A_152 : vector<16xf32> to vector<1x16xf32>
      tpu.vector_store %arg8[%swap3A_153, %swap3A_154], %swap3A_157 {strides = array<i32>} : memref<208x64xf32, #tpu.memory_space<vmem>>, vector<1x16xf32>,
      %broadcast_in_dim3A_158 = arith.constant 0.000000e+00 : f32
      %broadcast_in_dim3A_159 = vector.broadcast %broadcast_in_dim3A_158 : f32 to vector<16xf32>
      %swap3A_160 = arith.index_cast %add3A_138 : i32 to index
      %swap3A_161 = arith.constant 48 : index
      %swap3A_162 = tpu.vector_load %arg8[%swap3A_160, %swap3A_161] {strides = array<i32>} : memref<208x64xf32, #tpu.memory_space<vmem>>, vector<1x16xf32>,
      %swap3A_163 = vector.shape_cast %swap3A_162 : vector<1x16xf32> to vector<16xf32>
      %swap3A_164 = vector.shape_cast %broadcast_in_dim3A_159 : vector<16xf32> to vector<1x16xf32>
      tpu.vector_store %arg8[%swap3A_160, %swap3A_161], %swap3A_164 {strides = array<i32>} : memref<208x64xf32, #tpu.memory_space<vmem>>, vector<1x16xf32>,
    }
    %scan3A_3 = arith.constant 208 : i32
    %mul3A = arith.constant 624 : i32
    %mul3A_4 = arith.muli %arg1, %mul3A : i32
    %add3A = arith.constant 0 : i32
    %add3A_5 = arith.addi %mul3A_4, %add3A : i32
    "tpu.region"() ({
      %run_scoped3A_134 = tpu.sem_alloc : memref<!tpu.dma_semaphore, #tpu.memory_space<semaphore_mem>>
      %dma_start3A_135 = arith.constant 0 : i32
      %dma_start3A_136 = tpu.memref_slice %arg9[%add3A_5, %dma_start3A_135] : memref<10000x64xf32, #tpu.memory_space<vmem_shared>> -> memref<208x64xf32, #tpu.memory_space<vmem_shared>>
      %dma_start3A_137 = arith.constant 0 : i32
      %dma_start3A_138 = tpu.memref_slice %arg9[%add3A_5, %dma_start3A_137] : memref<10000x64xf32, #tpu.memory_space<vmem_shared>> -> memref<208x64xf32, #tpu.memory_space<vmem_shared>>
      tpu.enqueue_dma source(%arg8 : memref<208x64xf32, #tpu.memory_space<vmem>>) target(%dma_start3A_138 : memref<208x64xf32, #tpu.memory_space<vmem_shared>>) target_semaphore(%run_scoped3A_134 : memref<!tpu.dma_semaphore, #tpu.memory_space<semaphore_mem>>)
      %dma_wait3A_139 = arith.constant 0 : i32
      %dma_wait3A_140 = tpu.memref_slice %arg9[%add3A_5, %dma_wait3A_139] : memref<10000x64xf32, #tpu.memory_space<vmem_shared>> -> memref<208x64xf32, #tpu.memory_space<vmem_shared>>
      %dma_wait3A_141 = arith.constant 0 : i32
      %dma_wait3A_142 = tpu.memref_slice %arg9[%add3A_5, %dma_wait3A_141] : memref<10000x64xf32, #tpu.memory_space<vmem_shared>> -> memref<208x64xf32, #tpu.memory_space<vmem_shared>>
      tpu.wait_dma2 semaphore(%run_scoped3A_134 : memref<!tpu.dma_semaphore, #tpu.memory_space<semaphore_mem>>) src(%arg8 : memref<208x64xf32, #tpu.memory_space<vmem>>) dst(%dma_wait3A_142 : memref<208x64xf32, #tpu.memory_space<vmem_shared>>)
      tpu.yield
    }) : () -> ()
    %mul3A_6 = arith.constant 624 : i32
    %mul3A_7 = arith.muli %arg1, %mul3A_6 : i32
    %add3A_8 = arith.constant 208 : i32
    %add3A_9 = arith.addi %mul3A_7, %add3A_8 : i32
    "tpu.region"() ({
      %run_scoped3A_134 = tpu.sem_alloc : memref<!tpu.dma_semaphore, #tpu.memory_space<semaphore_mem>>
      %dma_start3A_135 = arith.constant 0 : i32
      %dma_start3A_136 = tpu.memref_slice %arg9[%add3A_9, %dma_start3A_135] : memref<10000x64xf32, #tpu.memory_space<vmem_shared>> -> memref<208x64xf32, #tpu.memory_space<vmem_shared>>
      %dma_start3A_137 = arith.constant 0 : i32
      %dma_start3A_138 = tpu.memref_slice %arg9[%add3A_9, %dma_start3A_137] : memref<10000x64xf32, #tpu.memory_space<vmem_shared>> -> memref<208x64xf32, #tpu.memory_space<vmem_shared>>
      tpu.enqueue_dma source(%arg8 : memref<208x64xf32, #tpu.memory_space<vmem>>) target(%dma_start3A_138 : memref<208x64xf32, #tpu.memory_space<vmem_shared>>) target_semaphore(%run_scoped3A_134 : memref<!tpu.dma_semaphore, #tpu.memory_space<semaphore_mem>>)
      %dma_wait3A_139 = arith.constant 0 : i32
      %dma_wait3A_140 = tpu.memref_slice %arg9[%add3A_9, %dma_wait3A_139] : memref<10000x64xf32, #tpu.memory_space<vmem_shared>> -> memref<208x64xf32, #tpu.memory_space<vmem_shared>>
      %dma_wait3A_141 = arith.constant 0 : i32
      %dma_wait3A_142 = tpu.memref_slice %arg9[%add3A_9, %dma_wait3A_141] : memref<10000x64xf32, #tpu.memory_space<vmem_shared>> -> memref<208x64xf32, #tpu.memory_space<vmem_shared>>
      tpu.wait_dma2 semaphore(%run_scoped3A_134 : memref<!tpu.dma_semaphore, #tpu.memory_space<semaphore_mem>>) src(%arg8 : memref<208x64xf32, #tpu.memory_space<vmem>>) dst(%dma_wait3A_142 : memref<208x64xf32, #tpu.memory_space<vmem_shared>>)
      tpu.yield
    }) : () -> ()
    %mul3A_10 = arith.constant 624 : i32
    %mul3A_11 = arith.muli %arg1, %mul3A_10 : i32
    %add3A_12 = arith.constant 416 : i32
    %add3A_13 = arith.addi %mul3A_11, %add3A_12 : i32
    "tpu.region"() ({
      %run_scoped3A_134 = tpu.sem_alloc : memref<!tpu.dma_semaphore, #tpu.memory_space<semaphore_mem>>
      %dma_start3A_135 = arith.constant 0 : i32
      %dma_start3A_136 = tpu.memref_slice %arg9[%add3A_13, %dma_start3A_135] : memref<10000x64xf32, #tpu.memory_space<vmem_shared>> -> memref<208x64xf32, #tpu.memory_space<vmem_shared>>
      %dma_start3A_137 = arith.constant 0 : i32
      %dma_start3A_138 = tpu.memref_slice %arg9[%add3A_13, %dma_start3A_137] : memref<10000x64xf32, #tpu.memory_space<vmem_shared>> -> memref<208x64xf32, #tpu.memory_space<vmem_shared>>
      tpu.enqueue_dma source(%arg8 : memref<208x64xf32, #tpu.memory_space<vmem>>) target(%dma_start3A_138 : memref<208x64xf32, #tpu.memory_space<vmem_shared>>) target_semaphore(%run_scoped3A_134 : memref<!tpu.dma_semaphore, #tpu.memory_space<semaphore_mem>>)
      %dma_wait3A_139 = arith.constant 0 : i32
      %dma_wait3A_140 = tpu.memref_slice %arg9[%add3A_13, %dma_wait3A_139] : memref<10000x64xf32, #tpu.memory_space<vmem_shared>> -> memref<208x64xf32, #tpu.memory_space<vmem_shared>>
      %dma_wait3A_141 = arith.constant 0 : i32
      %dma_wait3A_142 = tpu.memref_slice %arg9[%add3A_13, %dma_wait3A_141] : memref<10000x64xf32, #tpu.memory_space<vmem_shared>> -> memref<208x64xf32, #tpu.memory_space<vmem_shared>>
      tpu.wait_dma2 semaphore(%run_scoped3A_134 : memref<!tpu.dma_semaphore, #tpu.memory_space<semaphore_mem>>) src(%arg8 : memref<208x64xf32, #tpu.memory_space<vmem>>) dst(%dma_wait3A_142 : memref<208x64xf32, #tpu.memory_space<vmem_shared>>)
      tpu.yield
    }) : () -> ()
    %eq3A = arith.constant 15 : i32
    %eq3A_14 = arith.cmpi eq, %arg1, %eq3A : i32
    %convert_element_type3A = arith.extui %eq3A_14 : i1 to i32
    %cond3A = arith.constant 0 : i32
    %cond3A_15 = arith.cmpi ne, %convert_element_type3A, %cond3A : i32
    scf.if %cond3A_15 {
      "tpu.region"() ({
        %run_scoped3A_134 = tpu.sem_alloc : memref<!tpu.dma_semaphore, #tpu.memory_space<semaphore_mem>>
        %dma_start3A_135 = arith.constant 0 : i32
        %dma_start3A_136 = arith.constant 0 : i32
        %dma_start3A_137 = tpu.memref_slice %arg8[%dma_start3A_135, %dma_start3A_136] : memref<208x64xf32, #tpu.memory_space<vmem>> -> memref<16x64xf32, #tpu.memory_space<vmem>>
        %dma_start3A_138 = arith.constant 9984 : i32
        %dma_start3A_139 = arith.constant 0 : i32
        %dma_start3A_140 = tpu.memref_slice %arg9[%dma_start3A_138, %dma_start3A_139] : memref<10000x64xf32, #tpu.memory_space<vmem_shared>> -> memref<16x64xf32, #tpu.memory_space<vmem_shared>>
        %dma_start3A_141 = arith.constant 9984 : i32
        %dma_start3A_142 = arith.constant 0 : i32
        %dma_start3A_143 = tpu.memref_slice %arg9[%dma_start3A_141, %dma_start3A_142] : memref<10000x64xf32, #tpu.memory_space<vmem_shared>> -> memref<16x64xf32, #tpu.memory_space<vmem_shared>>
        %dma_start3A_144 = arith.constant 0 : i32
        %dma_start3A_145 = arith.constant 0 : i32
        %dma_start3A_146 = tpu.memref_slice %arg8[%dma_start3A_144, %dma_start3A_145] : memref<208x64xf32, #tpu.memory_space<vmem>> -> memref<16x64xf32, #tpu.memory_space<vmem>>
        tpu.enqueue_dma source(%dma_start3A_146 : memref<16x64xf32, #tpu.memory_space<vmem>>) target(%dma_start3A_143 : memref<16x64xf32, #tpu.memory_space<vmem_shared>>) target_semaphore(%run_scoped3A_134 : memref<!tpu.dma_semaphore, #tpu.memory_space<semaphore_mem>>)
        %dma_wait3A_147 = arith.constant 0 : i32
        %dma_wait3A_148 = arith.constant 0 : i32
        %dma_wait3A_149 = tpu.memref_slice %arg8[%dma_wait3A_147, %dma_wait3A_148] : memref<208x64xf32, #tpu.memory_space<vmem>> -> memref<16x64xf32, #tpu.memory_space<vmem>>
        %dma_wait3A_150 = arith.constant 9984 : i32
        %dma_wait3A_151 = arith.constant 0 : i32
        %dma_wait3A_152 = tpu.memref_slice %arg9[%dma_wait3A_150, %dma_wait3A_151] : memref<10000x64xf32, #tpu.memory_space<vmem_shared>> -> memref<16x64xf32, #tpu.memory_space<vmem_shared>>
        %dma_wait3A_153 = arith.constant 9984 : i32
        %dma_wait3A_154 = arith.constant 0 : i32
        %dma_wait3A_155 = tpu.memref_slice %arg9[%dma_wait3A_153, %dma_wait3A_154] : memref<10000x64xf32, #tpu.memory_space<vmem_shared>> -> memref<16x64xf32, #tpu.memory_space<vmem_shared>>
        %dma_wait3A_156 = arith.constant 0 : i32
        %dma_wait3A_157 = arith.constant 0 : i32
        %dma_wait3A_158 = tpu.memref_slice %arg8[%dma_wait3A_156, %dma_wait3A_157] : memref<208x64xf32, #tpu.memory_space<vmem>> -> memref<16x64xf32, #tpu.memory_space<vmem>>
        tpu.wait_dma2 semaphore(%run_scoped3A_134 : memref<!tpu.dma_semaphore, #tpu.memory_space<semaphore_mem>>) src(%dma_wait3A_158 : memref<16x64xf32, #tpu.memory_space<vmem>>) dst(%dma_wait3A_155 : memref<16x64xf32, #tpu.memory_space<vmem_shared>>)
        tpu.yield
      }) : () -> ()
    } else {
    }
    %barrier3A = arith.constant 0 : index
    tpu.barrier barrier_id(%barrier3A)
    "tpu.region"() ({
      %run_scoped3A_134 = tpu.sem_alloc : memref<!tpu.dma_semaphore, #tpu.memory_space<semaphore_mem>>
      %dma_start3A_135 = arith.constant 0 : i32
      %dma_start3A_136 = arith.constant 0 : i32
      %dma_start3A_137 = tpu.memref_slice %arg3[%arg0, %arg1, %dma_start3A_135, %dma_start3A_136] : memref<3x16x160x125xi32, #tpu.memory_space<hbm>> -> memref<1x1x160x125xi32, #tpu.memory_space<hbm>>
      %dma_start3A_138 = tpu.memref_squeeze %dma_start3A_137 : memref<1x1x160x125xi32, #tpu.memory_space<hbm>> -> memref<160x125xi32, #tpu.memory_space<hbm>>
      %dma_start3A_139 = arith.constant 0 : i32
      %dma_start3A_140 = arith.constant 0 : i32
      %dma_start3A_141 = tpu.memref_slice %arg3[%arg0, %arg1, %dma_start3A_139, %dma_start3A_140] : memref<3x16x160x125xi32, #tpu.memory_space<hbm>> -> memref<1x1x160x125xi32, #tpu.memory_space<hbm>>
      %dma_start3A_142 = tpu.memref_squeeze %dma_start3A_141 : memref<1x1x160x125xi32, #tpu.memory_space<hbm>> -> memref<160x125xi32, #tpu.memory_space<hbm>>
      tpu.enqueue_dma source(%dma_start3A_142 : memref<160x125xi32, #tpu.memory_space<hbm>>) target(%arg5 : memref<160x125xi32, #tpu.memory_space<vmem>>) target_semaphore(%run_scoped3A_134 : memref<!tpu.dma_semaphore, #tpu.memory_space<semaphore_mem>>)
      %dma_wait3A_143 = arith.constant 0 : i32
      %dma_wait3A_144 = arith.constant 0 : i32
      %dma_wait3A_145 = tpu.memref_slice %arg3[%arg0, %arg1, %dma_wait3A_143, %dma_wait3A_144] : memref<3x16x160x125xi32, #tpu.memory_space<hbm>> -> memref<1x1x160x125xi32, #tpu.memory_space<hbm>>
      %dma_wait3A_146 = tpu.memref_squeeze %dma_wait3A_145 : memref<1x1x160x125xi32, #tpu.memory_space<hbm>> -> memref<160x125xi32, #tpu.memory_space<hbm>>
      %dma_wait3A_147 = arith.constant 0 : i32
      %dma_wait3A_148 = arith.constant 0 : i32
      %dma_wait3A_149 = tpu.memref_slice %arg3[%arg0, %arg1, %dma_wait3A_147, %dma_wait3A_148] : memref<3x16x160x125xi32, #tpu.memory_space<hbm>> -> memref<1x1x160x125xi32, #tpu.memory_space<hbm>>
      %dma_wait3A_150 = tpu.memref_squeeze %dma_wait3A_149 : memref<1x1x160x125xi32, #tpu.memory_space<hbm>> -> memref<160x125xi32, #tpu.memory_space<hbm>>
      tpu.wait_dma2 semaphore(%run_scoped3A_134 : memref<!tpu.dma_semaphore, #tpu.memory_space<semaphore_mem>>) src(%dma_wait3A_150 : memref<160x125xi32, #tpu.memory_space<hbm>>) dst(%arg5 : memref<160x125xi32, #tpu.memory_space<vmem>>)
      tpu.yield
    }) : () -> ()
    %run_scoped3A = arith.constant 2 : i32
    "tpu.region"() ({
      %run_scoped3A_134 = tpu.sem_alloc : memref<!tpu.dma_semaphore, #tpu.memory_space<semaphore_mem>>
      %dma_start3A_135 = arith.constant 0 : i32
      %dma_start3A_136 = arith.constant 0 : i32
      %dma_start3A_137 = tpu.memref_slice %arg3[%run_scoped3A, %arg1, %dma_start3A_135, %dma_start3A_136] : memref<3x16x160x125xi32, #tpu.memory_space<hbm>> -> memref<1x1x160x125xi32, #tpu.memory_space<hbm>>
      %dma_start3A_138 = tpu.memref_squeeze %dma_start3A_137 : memref<1x1x160x125xi32, #tpu.memory_space<hbm>> -> memref<160x125xi32, #tpu.memory_space<hbm>>
      %dma_start3A_139 = arith.constant 0 : i32
      %dma_start3A_140 = arith.constant 0 : i32
      %dma_start3A_141 = tpu.memref_slice %arg3[%run_scoped3A, %arg1, %dma_start3A_139, %dma_start3A_140] : memref<3x16x160x125xi32, #tpu.memory_space<hbm>> -> memref<1x1x160x125xi32, #tpu.memory_space<hbm>>
      %dma_start3A_142 = tpu.memref_squeeze %dma_start3A_141 : memref<1x1x160x125xi32, #tpu.memory_space<hbm>> -> memref<160x125xi32, #tpu.memory_space<hbm>>
      tpu.enqueue_dma source(%dma_start3A_142 : memref<160x125xi32, #tpu.memory_space<hbm>>) target(%arg6 : memref<160x125xi32, #tpu.memory_space<vmem>>) target_semaphore(%run_scoped3A_134 : memref<!tpu.dma_semaphore, #tpu.memory_space<semaphore_mem>>)
      %dma_wait3A_143 = arith.constant 0 : i32
      %dma_wait3A_144 = arith.constant 0 : i32
      %dma_wait3A_145 = tpu.memref_slice %arg3[%run_scoped3A, %arg1, %dma_wait3A_143, %dma_wait3A_144] : memref<3x16x160x125xi32, #tpu.memory_space<hbm>> -> memref<1x1x160x125xi32, #tpu.memory_space<hbm>>
      %dma_wait3A_146 = tpu.memref_squeeze %dma_wait3A_145 : memref<1x1x160x125xi32, #tpu.memory_space<hbm>> -> memref<160x125xi32, #tpu.memory_space<hbm>>
      %dma_wait3A_147 = arith.constant 0 : i32
      %dma_wait3A_148 = arith.constant 0 : i32
      %dma_wait3A_149 = tpu.memref_slice %arg3[%run_scoped3A, %arg1, %dma_wait3A_147, %dma_wait3A_148] : memref<3x16x160x125xi32, #tpu.memory_space<hbm>> -> memref<1x1x160x125xi32, #tpu.memory_space<hbm>>
      %dma_wait3A_150 = tpu.memref_squeeze %dma_wait3A_149 : memref<1x1x160x125xi32, #tpu.memory_space<hbm>> -> memref<160x125xi32, #tpu.memory_space<hbm>>
      tpu.wait_dma2 semaphore(%run_scoped3A_134 : memref<!tpu.dma_semaphore, #tpu.memory_space<semaphore_mem>>) src(%dma_wait3A_150 : memref<160x125xi32, #tpu.memory_space<hbm>>) dst(%arg6 : memref<160x125xi32, #tpu.memory_space<vmem>>)
      tpu.yield
    }) : () -> ()
    %dma_start3A = arith.constant 0 : i32
    %dma_start3A_16 = arith.constant 0 : i32
    %dma_start3A_17 = arith.constant 0 : i32
    %dma_start3A_18 = arith.constant 0 : i32
    %dma_start3A_19 = arith.constant 0 : i32
    %dma_start3A_20 = tpu.memref_slice %arg7[%dma_start3A_16, %dma_start3A_18, %dma_start3A_19] : memref<4x125x64xf32, #tpu.memory_space<vmem>> -> memref<1x125x64xf32, #tpu.memory_space<vmem>>
    %dma_start3A_21 = tpu.memref_squeeze %dma_start3A_20 : memref<1x125x64xf32, #tpu.memory_space<vmem>> -> memref<125x64xf32, #tpu.memory_space<vmem>>
    %dma_start3A_22 = arith.constant 0 : i32
    %dma_start3A_23 = tpu.memref_slice %arg5[%dma_start3A, %dma_start3A_22] : memref<160x125xi32, #tpu.memory_space<vmem>> -> memref<1x125xi32, #tpu.memory_space<vmem>>
    %dma_start3A_24 = tpu.memref_squeeze %dma_start3A_23 : memref<1x125xi32, #tpu.memory_space<vmem>> -> memref<125xi32, #tpu.memory_space<vmem>>
    %dma_start3A_25 = arith.constant 0 : i32
    %dma_start3A_26 = arith.constant 0 : i32
    %dma_start3A_27 = tpu.memref_slice %arg2[%dma_start3A_25, %dma_start3A_26] : memref<20000x64xf32, #tpu.memory_space<hbm>> -> memref<20000x64xf32, #tpu.memory_space<hbm>>
    %dma_start3A_28 = tpu.memref_slice %arg10[%dma_start3A_17] : memref<4x!tpu.dma_semaphore, #tpu.memory_space<semaphore_mem>> -> memref<1x!tpu.dma_semaphore, #tpu.memory_space<semaphore_mem>>
    %dma_start3A_29 = tpu.memref_squeeze %dma_start3A_28 : memref<1x!tpu.dma_semaphore, #tpu.memory_space<semaphore_mem>> -> memref<!tpu.dma_semaphore, #tpu.memory_space<semaphore_mem>>
    tpu.enqueue_indirect_dma source(%dma_start3A_27 : memref<20000x64xf32, #tpu.memory_space<hbm>>) target(%dma_start3A_21 : memref<125x64xf32, #tpu.memory_space<vmem>>) offsets(%dma_start3A_24 : memref<125xi32, #tpu.memory_space<vmem>>) semaphore(%dma_start3A_29 : memref<!tpu.dma_semaphore, #tpu.memory_space<semaphore_mem>>)
    %dma_start3A_30 = arith.constant 1 : i32
    %dma_start3A_31 = arith.constant 1 : i32
    %dma_start3A_32 = arith.constant 1 : i32
    %dma_start3A_33 = arith.constant 0 : i32
    %dma_start3A_34 = arith.constant 0 : i32
    %dma_start3A_35 = tpu.memref_slice %arg7[%dma_start3A_31, %dma_start3A_33, %dma_start3A_34] : memref<4x125x64xf32, #tpu.memory_space<vmem>> -> memref<1x125x64xf32, #tpu.memory_space<vmem>>
    %dma_start3A_36 = tpu.memref_squeeze %dma_start3A_35 : memref<1x125x64xf32, #tpu.memory_space<vmem>> -> memref<125x64xf32, #tpu.memory_space<vmem>>
    %dma_start3A_37 = arith.constant 0 : i32
    %dma_start3A_38 = tpu.memref_slice %arg5[%dma_start3A_30, %dma_start3A_37] : memref<160x125xi32, #tpu.memory_space<vmem>> -> memref<1x125xi32, #tpu.memory_space<vmem>>
    %dma_start3A_39 = tpu.memref_squeeze %dma_start3A_38 : memref<1x125xi32, #tpu.memory_space<vmem>> -> memref<125xi32, #tpu.memory_space<vmem>>
    %dma_start3A_40 = arith.constant 0 : i32
    %dma_start3A_41 = arith.constant 0 : i32
    %dma_start3A_42 = tpu.memref_slice %arg2[%dma_start3A_40, %dma_start3A_41] : memref<20000x64xf32, #tpu.memory_space<hbm>> -> memref<20000x64xf32, #tpu.memory_space<hbm>>
    %dma_start3A_43 = tpu.memref_slice %arg10[%dma_start3A_32] : memref<4x!tpu.dma_semaphore, #tpu.memory_space<semaphore_mem>> -> memref<1x!tpu.dma_semaphore, #tpu.memory_space<semaphore_mem>>
    %dma_start3A_44 = tpu.memref_squeeze %dma_start3A_43 : memref<1x!tpu.dma_semaphore, #tpu.memory_space<semaphore_mem>> -> memref<!tpu.dma_semaphore, #tpu.memory_space<semaphore_mem>>
    tpu.enqueue_indirect_dma source(%dma_start3A_42 : memref<20000x64xf32, #tpu.memory_space<hbm>>) target(%dma_start3A_36 : memref<125x64xf32, #tpu.memory_space<vmem>>) offsets(%dma_start3A_39 : memref<125xi32, #tpu.memory_space<vmem>>) semaphore(%dma_start3A_44 : memref<!tpu.dma_semaphore, #tpu.memory_space<semaphore_mem>>)
    %dma_start3A_45 = arith.constant 2 : i32
    %dma_start3A_46 = arith.constant 2 : i32
    %dma_start3A_47 = arith.constant 2 : i32
    %dma_start3A_48 = arith.constant 0 : i32
    %dma_start3A_49 = arith.constant 0 : i32
    %dma_start3A_50 = tpu.memref_slice %arg7[%dma_start3A_46, %dma_start3A_48, %dma_start3A_49] : memref<4x125x64xf32, #tpu.memory_space<vmem>> -> memref<1x125x64xf32, #tpu.memory_space<vmem>>
    %dma_start3A_51 = tpu.memref_squeeze %dma_start3A_50 : memref<1x125x64xf32, #tpu.memory_space<vmem>> -> memref<125x64xf32, #tpu.memory_space<vmem>>
    %dma_start3A_52 = arith.constant 0 : i32
    %dma_start3A_53 = tpu.memref_slice %arg5[%dma_start3A_45, %dma_start3A_52] : memref<160x125xi32, #tpu.memory_space<vmem>> -> memref<1x125xi32, #tpu.memory_space<vmem>>
    %dma_start3A_54 = tpu.memref_squeeze %dma_start3A_53 : memref<1x125xi32, #tpu.memory_space<vmem>> -> memref<125xi32, #tpu.memory_space<vmem>>
    %dma_start3A_55 = arith.constant 0 : i32
    %dma_start3A_56 = arith.constant 0 : i32
    %dma_start3A_57 = tpu.memref_slice %arg2[%dma_start3A_55, %dma_start3A_56] : memref<20000x64xf32, #tpu.memory_space<hbm>> -> memref<20000x64xf32, #tpu.memory_space<hbm>>
    %dma_start3A_58 = tpu.memref_slice %arg10[%dma_start3A_47] : memref<4x!tpu.dma_semaphore, #tpu.memory_space<semaphore_mem>> -> memref<1x!tpu.dma_semaphore, #tpu.memory_space<semaphore_mem>>
    %dma_start3A_59 = tpu.memref_squeeze %dma_start3A_58 : memref<1x!tpu.dma_semaphore, #tpu.memory_space<semaphore_mem>> -> memref<!tpu.dma_semaphore, #tpu.memory_space<semaphore_mem>>
    tpu.enqueue_indirect_dma source(%dma_start3A_57 : memref<20000x64xf32, #tpu.memory_space<hbm>>) target(%dma_start3A_51 : memref<125x64xf32, #tpu.memory_space<vmem>>) offsets(%dma_start3A_54 : memref<125xi32, #tpu.memory_space<vmem>>) semaphore(%dma_start3A_59 : memref<!tpu.dma_semaphore, #tpu.memory_space<semaphore_mem>>)
    %scan3A_60 = arith.constant 0 : i32
    %scan3A_61 = arith.constant 40 : i32
    %scan3A_62 = arith.addi %scan3A_60, %scan3A_61 : i32
    %scan3A_63 = arith.constant 1 : i32
    scf.for %scan3A_134 = %scan3A_60 to %scan3A_62 step %scan3A_63  : i32 {
      %mul3A_135 = arith.constant 4 : i32
      %mul3A_136 = arith.muli %scan3A_134, %mul3A_135 : i32
      %add3A_137 = arith.constant 0 : i32
      %add3A_138 = arith.addi %add3A_137, %mul3A_136 : i32
      %add3A_139 = arith.constant 0 : i32
      %add3A_140 = arith.addi %add3A_138, %add3A_139 : i32
      %dma_wait3A_141 = arith.constant 0 : i32
      %dma_wait3A_142 = arith.constant 0 : i32
      %dma_wait3A_143 = arith.constant 0 : i32
      %dma_wait3A_144 = arith.constant 0 : i32
      %dma_wait3A_145 = tpu.memref_slice %arg7[%dma_wait3A_141, %dma_wait3A_143, %dma_wait3A_144] : memref<4x125x64xf32, #tpu.memory_space<vmem>> -> memref<1x125x64xf32, #tpu.memory_space<vmem>>
      %dma_wait3A_146 = tpu.memref_squeeze %dma_wait3A_145 : memref<1x125x64xf32, #tpu.memory_space<vmem>> -> memref<125x64xf32, #tpu.memory_space<vmem>>
      %dma_wait3A_147 = arith.constant 0 : i32
      %dma_wait3A_148 = tpu.memref_slice %arg5[%add3A_140, %dma_wait3A_147] : memref<160x125xi32, #tpu.memory_space<vmem>> -> memref<1x125xi32, #tpu.memory_space<vmem>>
      %dma_wait3A_149 = tpu.memref_squeeze %dma_wait3A_148 : memref<1x125xi32, #tpu.memory_space<vmem>> -> memref<125xi32, #tpu.memory_space<vmem>>
      %dma_wait3A_150 = arith.constant 0 : i32
      %dma_wait3A_151 = arith.constant 0 : i32
      %dma_wait3A_152 = tpu.memref_slice %arg2[%dma_wait3A_150, %dma_wait3A_151] : memref<20000x64xf32, #tpu.memory_space<hbm>> -> memref<20000x64xf32, #tpu.memory_space<hbm>>
      %dma_wait3A_153 = tpu.memref_slice %arg10[%dma_wait3A_142] : memref<4x!tpu.dma_semaphore, #tpu.memory_space<semaphore_mem>> -> memref<1x!tpu.dma_semaphore, #tpu.memory_space<semaphore_mem>>
      %dma_wait3A_154 = tpu.memref_squeeze %dma_wait3A_153 : memref<1x!tpu.dma_semaphore, #tpu.memory_space<semaphore_mem>> -> memref<!tpu.dma_semaphore, #tpu.memory_space<semaphore_mem>>
      tpu.wait_indirect_dma semaphore(%dma_wait3A_154 : memref<!tpu.dma_semaphore, #tpu.memory_space<semaphore_mem>>) src(%dma_wait3A_152 : memref<20000x64xf32, #tpu.memory_space<hbm>>) dst(%dma_wait3A_146 : memref<125x64xf32, #tpu.memory_space<vmem>>)
      %dma_start3A_155 = arith.constant 0 : i32
      %dma_start3A_156 = arith.constant 0 : i32
      %dma_start3A_157 = arith.constant 0 : i32
      %dma_start3A_158 = arith.constant 0 : i32
      %dma_start3A_159 = tpu.memref_slice %arg7[%dma_start3A_155, %dma_start3A_157, %dma_start3A_158] : memref<4x125x64xf32, #tpu.memory_space<vmem>> -> memref<1x125x64xf32, #tpu.memory_space<vmem>>
      %dma_start3A_160 = tpu.memref_squeeze %dma_start3A_159 : memref<1x125x64xf32, #tpu.memory_space<vmem>> -> memref<125x64xf32, #tpu.memory_space<vmem>>
      %dma_start3A_161 = arith.constant 0 : i32
      %dma_start3A_162 = tpu.memref_slice %arg6[%add3A_140, %dma_start3A_161] : memref<160x125xi32, #tpu.memory_space<vmem>> -> memref<1x125xi32, #tpu.memory_space<vmem>>
      %dma_start3A_163 = tpu.memref_squeeze %dma_start3A_162 : memref<1x125xi32, #tpu.memory_space<vmem>> -> memref<125xi32, #tpu.memory_space<vmem>>
      %dma_start3A_164 = arith.constant 0 : i32
      %dma_start3A_165 = arith.constant 0 : i32
      %dma_start3A_166 = tpu.memref_slice %arg9[%dma_start3A_164, %dma_start3A_165] : memref<10000x64xf32, #tpu.memory_space<vmem_shared>> -> memref<10000x64xf32, #tpu.memory_space<vmem_shared>>
      %dma_start3A_167 = tpu.memref_slice %arg11[%dma_start3A_156] : memref<4x!tpu.dma_semaphore, #tpu.memory_space<semaphore_mem>> -> memref<1x!tpu.dma_semaphore, #tpu.memory_space<semaphore_mem>>
      %dma_start3A_168 = tpu.memref_squeeze %dma_start3A_167 : memref<1x!tpu.dma_semaphore, #tpu.memory_space<semaphore_mem>> -> memref<!tpu.dma_semaphore, #tpu.memory_space<semaphore_mem>>
      tpu.enqueue_indirect_dma source(%dma_start3A_160 : memref<125x64xf32, #tpu.memory_space<vmem>>) target(%dma_start3A_166 : memref<10000x64xf32, #tpu.memory_space<vmem_shared>>) offsets(%dma_start3A_163 : memref<125xi32, #tpu.memory_space<vmem>>) semaphore(%dma_start3A_168 : memref<!tpu.dma_semaphore, #tpu.memory_space<semaphore_mem>>) {add = true}
      %add3A_169 = arith.constant 3 : i32
      %add3A_170 = arith.addi %add3A_140, %add3A_169 : i32
      %lt3A = arith.constant 160 : i32
      %lt3A_171 = arith.cmpi slt, %add3A_170, %lt3A : i32
      %convert_element_type3A_172 = arith.extui %lt3A_171 : i1 to i32
      %cond3A_173 = arith.constant 0 : i32
      %cond3A_174 = arith.cmpi ne, %convert_element_type3A_172, %cond3A_173 : i32
      scf.if %cond3A_174 {
        %ge3A = arith.constant 1 : i32
        %ge3A_286 = arith.cmpi sge, %add3A_140, %ge3A : i32
        %convert_element_type3A_287 = arith.extui %ge3A_286 : i1 to i32
        %cond3A_288 = arith.constant 0 : i32
        %cond3A_289 = arith.cmpi ne, %convert_element_type3A_287, %cond3A_288 : i32
        scf.if %cond3A_289 {
          %sub3A = arith.constant 1 : i32
          %sub3A_306 = arith.subi %add3A_140, %sub3A : i32
          %dma_wait3A_307 = arith.constant 3 : i32
          %dma_wait3A_308 = arith.constant 3 : i32
          %dma_wait3A_309 = arith.constant 0 : i32
          %dma_wait3A_310 = arith.constant 0 : i32
          %dma_wait3A_311 = tpu.memref_slice %arg7[%dma_wait3A_307, %dma_wait3A_309, %dma_wait3A_310] : memref<4x125x64xf32, #tpu.memory_space<vmem>> -> memref<1x125x64xf32, #tpu.memory_space<vmem>>
          %dma_wait3A_312 = tpu.memref_squeeze %dma_wait3A_311 : memref<1x125x64xf32, #tpu.memory_space<vmem>> -> memref<125x64xf32, #tpu.memory_space<vmem>>
          %dma_wait3A_313 = arith.constant 0 : i32
          %dma_wait3A_314 = tpu.memref_slice %arg6[%sub3A_306, %dma_wait3A_313] : memref<160x125xi32, #tpu.memory_space<vmem>> -> memref<1x125xi32, #tpu.memory_space<vmem>>
          %dma_wait3A_315 = tpu.memref_squeeze %dma_wait3A_314 : memref<1x125xi32, #tpu.memory_space<vmem>> -> memref<125xi32, #tpu.memory_space<vmem>>
          %dma_wait3A_316 = arith.constant 0 : i32
          %dma_wait3A_317 = arith.constant 0 : i32
          %dma_wait3A_318 = tpu.memref_slice %arg9[%dma_wait3A_316, %dma_wait3A_317] : memref<10000x64xf32, #tpu.memory_space<vmem_shared>> -> memref<10000x64xf32, #tpu.memory_space<vmem_shared>>
          %dma_wait3A_319 = tpu.memref_slice %arg11[%dma_wait3A_308] : memref<4x!tpu.dma_semaphore, #tpu.memory_space<semaphore_mem>> -> memref<1x!tpu.dma_semaphore, #tpu.memory_space<semaphore_mem>>
          %dma_wait3A_320 = tpu.memref_squeeze %dma_wait3A_319 : memref<1x!tpu.dma_semaphore, #tpu.memory_space<semaphore_mem>> -> memref<!tpu.dma_semaphore, #tpu.memory_space<semaphore_mem>>
          tpu.wait_indirect_dma semaphore(%dma_wait3A_320 : memref<!tpu.dma_semaphore, #tpu.memory_space<semaphore_mem>>) src(%dma_wait3A_312 : memref<125x64xf32, #tpu.memory_space<vmem>>) dst(%dma_wait3A_318 : memref<10000x64xf32, #tpu.memory_space<vmem_shared>>)
        } else {
        }
        %add3A_290 = arith.constant 3 : i32
        %add3A_291 = arith.addi %add3A_140, %add3A_290 : i32
        %dma_start3A_292 = arith.constant 3 : i32
        %dma_start3A_293 = arith.constant 3 : i32
        %dma_start3A_294 = arith.constant 0 : i32
        %dma_start3A_295 = arith.constant 0 : i32
        %dma_start3A_296 = tpu.memref_slice %arg7[%dma_start3A_292, %dma_start3A_294, %dma_start3A_295] : memref<4x125x64xf32, #tpu.memory_space<vmem>> -> memref<1x125x64xf32, #tpu.memory_space<vmem>>
        %dma_start3A_297 = tpu.memref_squeeze %dma_start3A_296 : memref<1x125x64xf32, #tpu.memory_space<vmem>> -> memref<125x64xf32, #tpu.memory_space<vmem>>
        %dma_start3A_298 = arith.constant 0 : i32
        %dma_start3A_299 = tpu.memref_slice %arg5[%add3A_291, %dma_start3A_298] : memref<160x125xi32, #tpu.memory_space<vmem>> -> memref<1x125xi32, #tpu.memory_space<vmem>>
        %dma_start3A_300 = tpu.memref_squeeze %dma_start3A_299 : memref<1x125xi32, #tpu.memory_space<vmem>> -> memref<125xi32, #tpu.memory_space<vmem>>
        %dma_start3A_301 = arith.constant 0 : i32
        %dma_start3A_302 = arith.constant 0 : i32
        %dma_start3A_303 = tpu.memref_slice %arg2[%dma_start3A_301, %dma_start3A_302] : memref<20000x64xf32, #tpu.memory_space<hbm>> -> memref<20000x64xf32, #tpu.memory_space<hbm>>
        %dma_start3A_304 = tpu.memref_slice %arg10[%dma_start3A_293] : memref<4x!tpu.dma_semaphore, #tpu.memory_space<semaphore_mem>> -> memref<1x!tpu.dma_semaphore, #tpu.memory_space<semaphore_mem>>
        %dma_start3A_305 = tpu.memref_squeeze %dma_start3A_304 : memref<1x!tpu.dma_semaphore, #tpu.memory_space<semaphore_mem>> -> memref<!tpu.dma_semaphore, #tpu.memory_space<semaphore_mem>>
        tpu.enqueue_indirect_dma source(%dma_start3A_303 : memref<20000x64xf32, #tpu.memory_space<hbm>>) target(%dma_start3A_297 : memref<125x64xf32, #tpu.memory_space<vmem>>) offsets(%dma_start3A_300 : memref<125xi32, #tpu.memory_space<vmem>>) semaphore(%dma_start3A_305 : memref<!tpu.dma_semaphore, #tpu.memory_space<semaphore_mem>>)
      } else {
      }
      %add3A_175 = arith.constant 1 : i32
      %add3A_176 = arith.addi %add3A_138, %add3A_175 : i32
      %dma_wait3A_177 = arith.constant 1 : i32
      %dma_wait3A_178 = arith.constant 1 : i32
      %dma_wait3A_179 = arith.constant 0 : i32
      %dma_wait3A_180 = arith.constant 0 : i32
      %dma_wait3A_181 = tpu.memref_slice %arg7[%dma_wait3A_177, %dma_wait3A_179, %dma_wait3A_180] : memref<4x125x64xf32, #tpu.memory_space<vmem>> -> memref<1x125x64xf32, #tpu.memory_space<vmem>>
      %dma_wait3A_182 = tpu.memref_squeeze %dma_wait3A_181 : memref<1x125x64xf32, #tpu.memory_space<vmem>> -> memref<125x64xf32, #tpu.memory_space<vmem>>
      %dma_wait3A_183 = arith.constant 0 : i32
      %dma_wait3A_184 = tpu.memref_slice %arg5[%add3A_176, %dma_wait3A_183] : memref<160x125xi32, #tpu.memory_space<vmem>> -> memref<1x125xi32, #tpu.memory_space<vmem>>
      %dma_wait3A_185 = tpu.memref_squeeze %dma_wait3A_184 : memref<1x125xi32, #tpu.memory_space<vmem>> -> memref<125xi32, #tpu.memory_space<vmem>>
      %dma_wait3A_186 = arith.constant 0 : i32
      %dma_wait3A_187 = arith.constant 0 : i32
      %dma_wait3A_188 = tpu.memref_slice %arg2[%dma_wait3A_186, %dma_wait3A_187] : memref<20000x64xf32, #tpu.memory_space<hbm>> -> memref<20000x64xf32, #tpu.memory_space<hbm>>
      %dma_wait3A_189 = tpu.memref_slice %arg10[%dma_wait3A_178] : memref<4x!tpu.dma_semaphore, #tpu.memory_space<semaphore_mem>> -> memref<1x!tpu.dma_semaphore, #tpu.memory_space<semaphore_mem>>
      %dma_wait3A_190 = tpu.memref_squeeze %dma_wait3A_189 : memref<1x!tpu.dma_semaphore, #tpu.memory_space<semaphore_mem>> -> memref<!tpu.dma_semaphore, #tpu.memory_space<semaphore_mem>>
      tpu.wait_indirect_dma semaphore(%dma_wait3A_190 : memref<!tpu.dma_semaphore, #tpu.memory_space<semaphore_mem>>) src(%dma_wait3A_188 : memref<20000x64xf32, #tpu.memory_space<hbm>>) dst(%dma_wait3A_182 : memref<125x64xf32, #tpu.memory_space<vmem>>)
      %dma_start3A_191 = arith.constant 1 : i32
      %dma_start3A_192 = arith.constant 1 : i32
      %dma_start3A_193 = arith.constant 0 : i32
      %dma_start3A_194 = arith.constant 0 : i32
      %dma_start3A_195 = tpu.memref_slice %arg7[%dma_start3A_191, %dma_start3A_193, %dma_start3A_194] : memref<4x125x64xf32, #tpu.memory_space<vmem>> -> memref<1x125x64xf32, #tpu.memory_space<vmem>>
      %dma_start3A_196 = tpu.memref_squeeze %dma_start3A_195 : memref<1x125x64xf32, #tpu.memory_space<vmem>> -> memref<125x64xf32, #tpu.memory_space<vmem>>
      %dma_start3A_197 = arith.constant 0 : i32
      %dma_start3A_198 = tpu.memref_slice %arg6[%add3A_176, %dma_start3A_197] : memref<160x125xi32, #tpu.memory_space<vmem>> -> memref<1x125xi32, #tpu.memory_space<vmem>>
      %dma_start3A_199 = tpu.memref_squeeze %dma_start3A_198 : memref<1x125xi32, #tpu.memory_space<vmem>> -> memref<125xi32, #tpu.memory_space<vmem>>
      %dma_start3A_200 = arith.constant 0 : i32
      %dma_start3A_201 = arith.constant 0 : i32
      %dma_start3A_202 = tpu.memref_slice %arg9[%dma_start3A_200, %dma_start3A_201] : memref<10000x64xf32, #tpu.memory_space<vmem_shared>> -> memref<10000x64xf32, #tpu.memory_space<vmem_shared>>
      %dma_start3A_203 = tpu.memref_slice %arg11[%dma_start3A_192] : memref<4x!tpu.dma_semaphore, #tpu.memory_space<semaphore_mem>> -> memref<1x!tpu.dma_semaphore, #tpu.memory_space<semaphore_mem>>
      %dma_start3A_204 = tpu.memref_squeeze %dma_start3A_203 : memref<1x!tpu.dma_semaphore, #tpu.memory_space<semaphore_mem>> -> memref<!tpu.dma_semaphore, #tpu.memory_space<semaphore_mem>>
      tpu.enqueue_indirect_dma source(%dma_start3A_196 : memref<125x64xf32, #tpu.memory_space<vmem>>) target(%dma_start3A_202 : memref<10000x64xf32, #tpu.memory_space<vmem_shared>>) offsets(%dma_start3A_199 : memref<125xi32, #tpu.memory_space<vmem>>) semaphore(%dma_start3A_204 : memref<!tpu.dma_semaphore, #tpu.memory_space<semaphore_mem>>) {add = true}
      %add3A_205 = arith.constant 3 : i32
      %add3A_206 = arith.addi %add3A_176, %add3A_205 : i32
      %lt3A_207 = arith.constant 160 : i32
      %lt3A_208 = arith.cmpi slt, %add3A_206, %lt3A_207 : i32
      %convert_element_type3A_209 = arith.extui %lt3A_208 : i1 to i32
      %cond3A_210 = arith.constant 0 : i32
      %cond3A_211 = arith.cmpi ne, %convert_element_type3A_209, %cond3A_210 : i32
      scf.if %cond3A_211 {
        %ge3A = arith.constant 1 : i32
        %ge3A_286 = arith.cmpi sge, %add3A_176, %ge3A : i32
        %convert_element_type3A_287 = arith.extui %ge3A_286 : i1 to i32
        %cond3A_288 = arith.constant 0 : i32
        %cond3A_289 = arith.cmpi ne, %convert_element_type3A_287, %cond3A_288 : i32
        scf.if %cond3A_289 {
          %sub3A = arith.constant 1 : i32
          %sub3A_306 = arith.subi %add3A_176, %sub3A : i32
          %dma_wait3A_307 = arith.constant 0 : i32
          %dma_wait3A_308 = arith.constant 0 : i32
          %dma_wait3A_309 = arith.constant 0 : i32
          %dma_wait3A_310 = arith.constant 0 : i32
          %dma_wait3A_311 = tpu.memref_slice %arg7[%dma_wait3A_307, %dma_wait3A_309, %dma_wait3A_310] : memref<4x125x64xf32, #tpu.memory_space<vmem>> -> memref<1x125x64xf32, #tpu.memory_space<vmem>>
          %dma_wait3A_312 = tpu.memref_squeeze %dma_wait3A_311 : memref<1x125x64xf32, #tpu.memory_space<vmem>> -> memref<125x64xf32, #tpu.memory_space<vmem>>
          %dma_wait3A_313 = arith.constant 0 : i32
          %dma_wait3A_314 = tpu.memref_slice %arg6[%sub3A_306, %dma_wait3A_313] : memref<160x125xi32, #tpu.memory_space<vmem>> -> memref<1x125xi32, #tpu.memory_space<vmem>>
          %dma_wait3A_315 = tpu.memref_squeeze %dma_wait3A_314 : memref<1x125xi32, #tpu.memory_space<vmem>> -> memref<125xi32, #tpu.memory_space<vmem>>
          %dma_wait3A_316 = arith.constant 0 : i32
          %dma_wait3A_317 = arith.constant 0 : i32
          %dma_wait3A_318 = tpu.memref_slice %arg9[%dma_wait3A_316, %dma_wait3A_317] : memref<10000x64xf32, #tpu.memory_space<vmem_shared>> -> memref<10000x64xf32, #tpu.memory_space<vmem_shared>>
          %dma_wait3A_319 = tpu.memref_slice %arg11[%dma_wait3A_308] : memref<4x!tpu.dma_semaphore, #tpu.memory_space<semaphore_mem>> -> memref<1x!tpu.dma_semaphore, #tpu.memory_space<semaphore_mem>>
          %dma_wait3A_320 = tpu.memref_squeeze %dma_wait3A_319 : memref<1x!tpu.dma_semaphore, #tpu.memory_space<semaphore_mem>> -> memref<!tpu.dma_semaphore, #tpu.memory_space<semaphore_mem>>
          tpu.wait_indirect_dma semaphore(%dma_wait3A_320 : memref<!tpu.dma_semaphore, #tpu.memory_space<semaphore_mem>>) src(%dma_wait3A_312 : memref<125x64xf32, #tpu.memory_space<vmem>>) dst(%dma_wait3A_318 : memref<10000x64xf32, #tpu.memory_space<vmem_shared>>)
        } else {
        }
        %add3A_290 = arith.constant 3 : i32
        %add3A_291 = arith.addi %add3A_176, %add3A_290 : i32
        %dma_start3A_292 = arith.constant 0 : i32
        %dma_start3A_293 = arith.constant 0 : i32
        %dma_start3A_294 = arith.constant 0 : i32
        %dma_start3A_295 = arith.constant 0 : i32
        %dma_start3A_296 = tpu.memref_slice %arg7[%dma_start3A_292, %dma_start3A_294, %dma_start3A_295] : memref<4x125x64xf32, #tpu.memory_space<vmem>> -> memref<1x125x64xf32, #tpu.memory_space<vmem>>
        %dma_start3A_297 = tpu.memref_squeeze %dma_start3A_296 : memref<1x125x64xf32, #tpu.memory_space<vmem>> -> memref<125x64xf32, #tpu.memory_space<vmem>>
        %dma_start3A_298 = arith.constant 0 : i32
        %dma_start3A_299 = tpu.memref_slice %arg5[%add3A_291, %dma_start3A_298] : memref<160x125xi32, #tpu.memory_space<vmem>> -> memref<1x125xi32, #tpu.memory_space<vmem>>
        %dma_start3A_300 = tpu.memref_squeeze %dma_start3A_299 : memref<1x125xi32, #tpu.memory_space<vmem>> -> memref<125xi32, #tpu.memory_space<vmem>>
        %dma_start3A_301 = arith.constant 0 : i32
        %dma_start3A_302 = arith.constant 0 : i32
        %dma_start3A_303 = tpu.memref_slice %arg2[%dma_start3A_301, %dma_start3A_302] : memref<20000x64xf32, #tpu.memory_space<hbm>> -> memref<20000x64xf32, #tpu.memory_space<hbm>>
        %dma_start3A_304 = tpu.memref_slice %arg10[%dma_start3A_293] : memref<4x!tpu.dma_semaphore, #tpu.memory_space<semaphore_mem>> -> memref<1x!tpu.dma_semaphore, #tpu.memory_space<semaphore_mem>>
        %dma_start3A_305 = tpu.memref_squeeze %dma_start3A_304 : memref<1x!tpu.dma_semaphore, #tpu.memory_space<semaphore_mem>> -> memref<!tpu.dma_semaphore, #tpu.memory_space<semaphore_mem>>
        tpu.enqueue_indirect_dma source(%dma_start3A_303 : memref<20000x64xf32, #tpu.memory_space<hbm>>) target(%dma_start3A_297 : memref<125x64xf32, #tpu.memory_space<vmem>>) offsets(%dma_start3A_300 : memref<125xi32, #tpu.memory_space<vmem>>) semaphore(%dma_start3A_305 : memref<!tpu.dma_semaphore, #tpu.memory_space<semaphore_mem>>)
      } else {
      }
      %add3A_212 = arith.constant 2 : i32
      %add3A_213 = arith.addi %add3A_138, %add3A_212 : i32
      %dma_wait3A_214 = arith.constant 2 : i32
      %dma_wait3A_215 = arith.constant 2 : i32
      %dma_wait3A_216 = arith.constant 0 : i32
      %dma_wait3A_217 = arith.constant 0 : i32
      %dma_wait3A_218 = tpu.memref_slice %arg7[%dma_wait3A_214, %dma_wait3A_216, %dma_wait3A_217] : memref<4x125x64xf32, #tpu.memory_space<vmem>> -> memref<1x125x64xf32, #tpu.memory_space<vmem>>
      %dma_wait3A_219 = tpu.memref_squeeze %dma_wait3A_218 : memref<1x125x64xf32, #tpu.memory_space<vmem>> -> memref<125x64xf32, #tpu.memory_space<vmem>>
      %dma_wait3A_220 = arith.constant 0 : i32
      %dma_wait3A_221 = tpu.memref_slice %arg5[%add3A_213, %dma_wait3A_220] : memref<160x125xi32, #tpu.memory_space<vmem>> -> memref<1x125xi32, #tpu.memory_space<vmem>>
      %dma_wait3A_222 = tpu.memref_squeeze %dma_wait3A_221 : memref<1x125xi32, #tpu.memory_space<vmem>> -> memref<125xi32, #tpu.memory_space<vmem>>
      %dma_wait3A_223 = arith.constant 0 : i32
      %dma_wait3A_224 = arith.constant 0 : i32
      %dma_wait3A_225 = tpu.memref_slice %arg2[%dma_wait3A_223, %dma_wait3A_224] : memref<20000x64xf32, #tpu.memory_space<hbm>> -> memref<20000x64xf32, #tpu.memory_space<hbm>>
      %dma_wait3A_226 = tpu.memref_slice %arg10[%dma_wait3A_215] : memref<4x!tpu.dma_semaphore, #tpu.memory_space<semaphore_mem>> -> memref<1x!tpu.dma_semaphore, #tpu.memory_space<semaphore_mem>>
      %dma_wait3A_227 = tpu.memref_squeeze %dma_wait3A_226 : memref<1x!tpu.dma_semaphore, #tpu.memory_space<semaphore_mem>> -> memref<!tpu.dma_semaphore, #tpu.memory_space<semaphore_mem>>
      tpu.wait_indirect_dma semaphore(%dma_wait3A_227 : memref<!tpu.dma_semaphore, #tpu.memory_space<semaphore_mem>>) src(%dma_wait3A_225 : memref<20000x64xf32, #tpu.memory_space<hbm>>) dst(%dma_wait3A_219 : memref<125x64xf32, #tpu.memory_space<vmem>>)
      %dma_start3A_228 = arith.constant 2 : i32
      %dma_start3A_229 = arith.constant 2 : i32
      %dma_start3A_230 = arith.constant 0 : i32
      %dma_start3A_231 = arith.constant 0 : i32
      %dma_start3A_232 = tpu.memref_slice %arg7[%dma_start3A_228, %dma_start3A_230, %dma_start3A_231] : memref<4x125x64xf32, #tpu.memory_space<vmem>> -> memref<1x125x64xf32, #tpu.memory_space<vmem>>
      %dma_start3A_233 = tpu.memref_squeeze %dma_start3A_232 : memref<1x125x64xf32, #tpu.memory_space<vmem>> -> memref<125x64xf32, #tpu.memory_space<vmem>>
      %dma_start3A_234 = arith.constant 0 : i32
      %dma_start3A_235 = tpu.memref_slice %arg6[%add3A_213, %dma_start3A_234] : memref<160x125xi32, #tpu.memory_space<vmem>> -> memref<1x125xi32, #tpu.memory_space<vmem>>
      %dma_start3A_236 = tpu.memref_squeeze %dma_start3A_235 : memref<1x125xi32, #tpu.memory_space<vmem>> -> memref<125xi32, #tpu.memory_space<vmem>>
      %dma_start3A_237 = arith.constant 0 : i32
      %dma_start3A_238 = arith.constant 0 : i32
      %dma_start3A_239 = tpu.memref_slice %arg9[%dma_start3A_237, %dma_start3A_238] : memref<10000x64xf32, #tpu.memory_space<vmem_shared>> -> memref<10000x64xf32, #tpu.memory_space<vmem_shared>>
      %dma_start3A_240 = tpu.memref_slice %arg11[%dma_start3A_229] : memref<4x!tpu.dma_semaphore, #tpu.memory_space<semaphore_mem>> -> memref<1x!tpu.dma_semaphore, #tpu.memory_space<semaphore_mem>>
      %dma_start3A_241 = tpu.memref_squeeze %dma_start3A_240 : memref<1x!tpu.dma_semaphore, #tpu.memory_space<semaphore_mem>> -> memref<!tpu.dma_semaphore, #tpu.memory_space<semaphore_mem>>
      tpu.enqueue_indirect_dma source(%dma_start3A_233 : memref<125x64xf32, #tpu.memory_space<vmem>>) target(%dma_start3A_239 : memref<10000x64xf32, #tpu.memory_space<vmem_shared>>) offsets(%dma_start3A_236 : memref<125xi32, #tpu.memory_space<vmem>>) semaphore(%dma_start3A_241 : memref<!tpu.dma_semaphore, #tpu.memory_space<semaphore_mem>>) {add = true}
      %add3A_242 = arith.constant 3 : i32
      %add3A_243 = arith.addi %add3A_213, %add3A_242 : i32
      %lt3A_244 = arith.constant 160 : i32
      %lt3A_245 = arith.cmpi slt, %add3A_243, %lt3A_244 : i32
      %convert_element_type3A_246 = arith.extui %lt3A_245 : i1 to i32
      %cond3A_247 = arith.constant 0 : i32
      %cond3A_248 = arith.cmpi ne, %convert_element_type3A_246, %cond3A_247 : i32
      scf.if %cond3A_248 {
        %ge3A = arith.constant 1 : i32
        %ge3A_286 = arith.cmpi sge, %add3A_213, %ge3A : i32
        %convert_element_type3A_287 = arith.extui %ge3A_286 : i1 to i32
        %cond3A_288 = arith.constant 0 : i32
        %cond3A_289 = arith.cmpi ne, %convert_element_type3A_287, %cond3A_288 : i32
        scf.if %cond3A_289 {
          %sub3A = arith.constant 1 : i32
          %sub3A_306 = arith.subi %add3A_213, %sub3A : i32
          %dma_wait3A_307 = arith.constant 1 : i32
          %dma_wait3A_308 = arith.constant 1 : i32
          %dma_wait3A_309 = arith.constant 0 : i32
          %dma_wait3A_310 = arith.constant 0 : i32
          %dma_wait3A_311 = tpu.memref_slice %arg7[%dma_wait3A_307, %dma_wait3A_309, %dma_wait3A_310] : memref<4x125x64xf32, #tpu.memory_space<vmem>> -> memref<1x125x64xf32, #tpu.memory_space<vmem>>
          %dma_wait3A_312 = tpu.memref_squeeze %dma_wait3A_311 : memref<1x125x64xf32, #tpu.memory_space<vmem>> -> memref<125x64xf32, #tpu.memory_space<vmem>>
          %dma_wait3A_313 = arith.constant 0 : i32
          %dma_wait3A_314 = tpu.memref_slice %arg6[%sub3A_306, %dma_wait3A_313] : memref<160x125xi32, #tpu.memory_space<vmem>> -> memref<1x125xi32, #tpu.memory_space<vmem>>
          %dma_wait3A_315 = tpu.memref_squeeze %dma_wait3A_314 : memref<1x125xi32, #tpu.memory_space<vmem>> -> memref<125xi32, #tpu.memory_space<vmem>>
          %dma_wait3A_316 = arith.constant 0 : i32
          %dma_wait3A_317 = arith.constant 0 : i32
          %dma_wait3A_318 = tpu.memref_slice %arg9[%dma_wait3A_316, %dma_wait3A_317] : memref<10000x64xf32, #tpu.memory_space<vmem_shared>> -> memref<10000x64xf32, #tpu.memory_space<vmem_shared>>
          %dma_wait3A_319 = tpu.memref_slice %arg11[%dma_wait3A_308] : memref<4x!tpu.dma_semaphore, #tpu.memory_space<semaphore_mem>> -> memref<1x!tpu.dma_semaphore, #tpu.memory_space<semaphore_mem>>
          %dma_wait3A_320 = tpu.memref_squeeze %dma_wait3A_319 : memref<1x!tpu.dma_semaphore, #tpu.memory_space<semaphore_mem>> -> memref<!tpu.dma_semaphore, #tpu.memory_space<semaphore_mem>>
          tpu.wait_indirect_dma semaphore(%dma_wait3A_320 : memref<!tpu.dma_semaphore, #tpu.memory_space<semaphore_mem>>) src(%dma_wait3A_312 : memref<125x64xf32, #tpu.memory_space<vmem>>) dst(%dma_wait3A_318 : memref<10000x64xf32, #tpu.memory_space<vmem_shared>>)
        } else {
        }
        %add3A_290 = arith.constant 3 : i32
        %add3A_291 = arith.addi %add3A_213, %add3A_290 : i32
        %dma_start3A_292 = arith.constant 1 : i32
        %dma_start3A_293 = arith.constant 1 : i32
        %dma_start3A_294 = arith.constant 0 : i32
        %dma_start3A_295 = arith.constant 0 : i32
        %dma_start3A_296 = tpu.memref_slice %arg7[%dma_start3A_292, %dma_start3A_294, %dma_start3A_295] : memref<4x125x64xf32, #tpu.memory_space<vmem>> -> memref<1x125x64xf32, #tpu.memory_space<vmem>>
        %dma_start3A_297 = tpu.memref_squeeze %dma_start3A_296 : memref<1x125x64xf32, #tpu.memory_space<vmem>> -> memref<125x64xf32, #tpu.memory_space<vmem>>
        %dma_start3A_298 = arith.constant 0 : i32
        %dma_start3A_299 = tpu.memref_slice %arg5[%add3A_291, %dma_start3A_298] : memref<160x125xi32, #tpu.memory_space<vmem>> -> memref<1x125xi32, #tpu.memory_space<vmem>>
        %dma_start3A_300 = tpu.memref_squeeze %dma_start3A_299 : memref<1x125xi32, #tpu.memory_space<vmem>> -> memref<125xi32, #tpu.memory_space<vmem>>
        %dma_start3A_301 = arith.constant 0 : i32
        %dma_start3A_302 = arith.constant 0 : i32
        %dma_start3A_303 = tpu.memref_slice %arg2[%dma_start3A_301, %dma_start3A_302] : memref<20000x64xf32, #tpu.memory_space<hbm>> -> memref<20000x64xf32, #tpu.memory_space<hbm>>
        %dma_start3A_304 = tpu.memref_slice %arg10[%dma_start3A_293] : memref<4x!tpu.dma_semaphore, #tpu.memory_space<semaphore_mem>> -> memref<1x!tpu.dma_semaphore, #tpu.memory_space<semaphore_mem>>
        %dma_start3A_305 = tpu.memref_squeeze %dma_start3A_304 : memref<1x!tpu.dma_semaphore, #tpu.memory_space<semaphore_mem>> -> memref<!tpu.dma_semaphore, #tpu.memory_space<semaphore_mem>>
        tpu.enqueue_indirect_dma source(%dma_start3A_303 : memref<20000x64xf32, #tpu.memory_space<hbm>>) target(%dma_start3A_297 : memref<125x64xf32, #tpu.memory_space<vmem>>) offsets(%dma_start3A_300 : memref<125xi32, #tpu.memory_space<vmem>>) semaphore(%dma_start3A_305 : memref<!tpu.dma_semaphore, #tpu.memory_space<semaphore_mem>>)
      } else {
      }
      %add3A_249 = arith.constant 3 : i32
      %add3A_250 = arith.addi %add3A_138, %add3A_249 : i32
      %dma_wait3A_251 = arith.constant 3 : i32
      %dma_wait3A_252 = arith.constant 3 : i32
      %dma_wait3A_253 = arith.constant 0 : i32
      %dma_wait3A_254 = arith.constant 0 : i32
      %dma_wait3A_255 = tpu.memref_slice %arg7[%dma_wait3A_251, %dma_wait3A_253, %dma_wait3A_254] : memref<4x125x64xf32, #tpu.memory_space<vmem>> -> memref<1x125x64xf32, #tpu.memory_space<vmem>>
      %dma_wait3A_256 = tpu.memref_squeeze %dma_wait3A_255 : memref<1x125x64xf32, #tpu.memory_space<vmem>> -> memref<125x64xf32, #tpu.memory_space<vmem>>
      %dma_wait3A_257 = arith.constant 0 : i32
      %dma_wait3A_258 = tpu.memref_slice %arg5[%add3A_250, %dma_wait3A_257] : memref<160x125xi32, #tpu.memory_space<vmem>> -> memref<1x125xi32, #tpu.memory_space<vmem>>
      %dma_wait3A_259 = tpu.memref_squeeze %dma_wait3A_258 : memref<1x125xi32, #tpu.memory_space<vmem>> -> memref<125xi32, #tpu.memory_space<vmem>>
      %dma_wait3A_260 = arith.constant 0 : i32
      %dma_wait3A_261 = arith.constant 0 : i32
      %dma_wait3A_262 = tpu.memref_slice %arg2[%dma_wait3A_260, %dma_wait3A_261] : memref<20000x64xf32, #tpu.memory_space<hbm>> -> memref<20000x64xf32, #tpu.memory_space<hbm>>
      %dma_wait3A_263 = tpu.memref_slice %arg10[%dma_wait3A_252] : memref<4x!tpu.dma_semaphore, #tpu.memory_space<semaphore_mem>> -> memref<1x!tpu.dma_semaphore, #tpu.memory_space<semaphore_mem>>
      %dma_wait3A_264 = tpu.memref_squeeze %dma_wait3A_263 : memref<1x!tpu.dma_semaphore, #tpu.memory_space<semaphore_mem>> -> memref<!tpu.dma_semaphore, #tpu.memory_space<semaphore_mem>>
      tpu.wait_indirect_dma semaphore(%dma_wait3A_264 : memref<!tpu.dma_semaphore, #tpu.memory_space<semaphore_mem>>) src(%dma_wait3A_262 : memref<20000x64xf32, #tpu.memory_space<hbm>>) dst(%dma_wait3A_256 : memref<125x64xf32, #tpu.memory_space<vmem>>)
      %dma_start3A_265 = arith.constant 3 : i32
      %dma_start3A_266 = arith.constant 3 : i32
      %dma_start3A_267 = arith.constant 0 : i32
      %dma_start3A_268 = arith.constant 0 : i32
      %dma_start3A_269 = tpu.memref_slice %arg7[%dma_start3A_265, %dma_start3A_267, %dma_start3A_268] : memref<4x125x64xf32, #tpu.memory_space<vmem>> -> memref<1x125x64xf32, #tpu.memory_space<vmem>>
      %dma_start3A_270 = tpu.memref_squeeze %dma_start3A_269 : memref<1x125x64xf32, #tpu.memory_space<vmem>> -> memref<125x64xf32, #tpu.memory_space<vmem>>
      %dma_start3A_271 = arith.constant 0 : i32
      %dma_start3A_272 = tpu.memref_slice %arg6[%add3A_250, %dma_start3A_271] : memref<160x125xi32, #tpu.memory_space<vmem>> -> memref<1x125xi32, #tpu.memory_space<vmem>>
      %dma_start3A_273 = tpu.memref_squeeze %dma_start3A_272 : memref<1x125xi32, #tpu.memory_space<vmem>> -> memref<125xi32, #tpu.memory_space<vmem>>
      %dma_start3A_274 = arith.constant 0 : i32
      %dma_start3A_275 = arith.constant 0 : i32
      %dma_start3A_276 = tpu.memref_slice %arg9[%dma_start3A_274, %dma_start3A_275] : memref<10000x64xf32, #tpu.memory_space<vmem_shared>> -> memref<10000x64xf32, #tpu.memory_space<vmem_shared>>
      %dma_start3A_277 = tpu.memref_slice %arg11[%dma_start3A_266] : memref<4x!tpu.dma_semaphore, #tpu.memory_space<semaphore_mem>> -> memref<1x!tpu.dma_semaphore, #tpu.memory_space<semaphore_mem>>
      %dma_start3A_278 = tpu.memref_squeeze %dma_start3A_277 : memref<1x!tpu.dma_semaphore, #tpu.memory_space<semaphore_mem>> -> memref<!tpu.dma_semaphore, #tpu.memory_space<semaphore_mem>>
      tpu.enqueue_indirect_dma source(%dma_start3A_270 : memref<125x64xf32, #tpu.memory_space<vmem>>) target(%dma_start3A_276 : memref<10000x64xf32, #tpu.memory_space<vmem_shared>>) offsets(%dma_start3A_273 : memref<125xi32, #tpu.memory_space<vmem>>) semaphore(%dma_start3A_278 : memref<!tpu.dma_semaphore, #tpu.memory_space<semaphore_mem>>) {add = true}
      %add3A_279 = arith.constant 3 : i32
      %add3A_280 = arith.addi %add3A_250, %add3A_279 : i32
      %lt3A_281 = arith.constant 160 : i32
      %lt3A_282 = arith.cmpi slt, %add3A_280, %lt3A_281 : i32
      %convert_element_type3A_283 = arith.extui %lt3A_282 : i1 to i32
      %cond3A_284 = arith.constant 0 : i32
      %cond3A_285 = arith.cmpi ne, %convert_element_type3A_283, %cond3A_284 : i32
      scf.if %cond3A_285 {
        %ge3A = arith.constant 1 : i32
        %ge3A_286 = arith.cmpi sge, %add3A_250, %ge3A : i32
        %convert_element_type3A_287 = arith.extui %ge3A_286 : i1 to i32
        %cond3A_288 = arith.constant 0 : i32
        %cond3A_289 = arith.cmpi ne, %convert_element_type3A_287, %cond3A_288 : i32
        scf.if %cond3A_289 {
          %sub3A = arith.constant 1 : i32
          %sub3A_306 = arith.subi %add3A_250, %sub3A : i32
          %dma_wait3A_307 = arith.constant 2 : i32
          %dma_wait3A_308 = arith.constant 2 : i32
          %dma_wait3A_309 = arith.constant 0 : i32
          %dma_wait3A_310 = arith.constant 0 : i32
          %dma_wait3A_311 = tpu.memref_slice %arg7[%dma_wait3A_307, %dma_wait3A_309, %dma_wait3A_310] : memref<4x125x64xf32, #tpu.memory_space<vmem>> -> memref<1x125x64xf32, #tpu.memory_space<vmem>>
          %dma_wait3A_312 = tpu.memref_squeeze %dma_wait3A_311 : memref<1x125x64xf32, #tpu.memory_space<vmem>> -> memref<125x64xf32, #tpu.memory_space<vmem>>
          %dma_wait3A_313 = arith.constant 0 : i32
          %dma_wait3A_314 = tpu.memref_slice %arg6[%sub3A_306, %dma_wait3A_313] : memref<160x125xi32, #tpu.memory_space<vmem>> -> memref<1x125xi32, #tpu.memory_space<vmem>>
          %dma_wait3A_315 = tpu.memref_squeeze %dma_wait3A_314 : memref<1x125xi32, #tpu.memory_space<vmem>> -> memref<125xi32, #tpu.memory_space<vmem>>
          %dma_wait3A_316 = arith.constant 0 : i32
          %dma_wait3A_317 = arith.constant 0 : i32
          %dma_wait3A_318 = tpu.memref_slice %arg9[%dma_wait3A_316, %dma_wait3A_317] : memref<10000x64xf32, #tpu.memory_space<vmem_shared>> -> memref<10000x64xf32, #tpu.memory_space<vmem_shared>>
          %dma_wait3A_319 = tpu.memref_slice %arg11[%dma_wait3A_308] : memref<4x!tpu.dma_semaphore, #tpu.memory_space<semaphore_mem>> -> memref<1x!tpu.dma_semaphore, #tpu.memory_space<semaphore_mem>>
          %dma_wait3A_320 = tpu.memref_squeeze %dma_wait3A_319 : memref<1x!tpu.dma_semaphore, #tpu.memory_space<semaphore_mem>> -> memref<!tpu.dma_semaphore, #tpu.memory_space<semaphore_mem>>
          tpu.wait_indirect_dma semaphore(%dma_wait3A_320 : memref<!tpu.dma_semaphore, #tpu.memory_space<semaphore_mem>>) src(%dma_wait3A_312 : memref<125x64xf32, #tpu.memory_space<vmem>>) dst(%dma_wait3A_318 : memref<10000x64xf32, #tpu.memory_space<vmem_shared>>)
        } else {
        }
        %add3A_290 = arith.constant 3 : i32
        %add3A_291 = arith.addi %add3A_250, %add3A_290 : i32
        %dma_start3A_292 = arith.constant 2 : i32
        %dma_start3A_293 = arith.constant 2 : i32
        %dma_start3A_294 = arith.constant 0 : i32
        %dma_start3A_295 = arith.constant 0 : i32
        %dma_start3A_296 = tpu.memref_slice %arg7[%dma_start3A_292, %dma_start3A_294, %dma_start3A_295] : memref<4x125x64xf32, #tpu.memory_space<vmem>> -> memref<1x125x64xf32, #tpu.memory_space<vmem>>
        %dma_start3A_297 = tpu.memref_squeeze %dma_start3A_296 : memref<1x125x64xf32, #tpu.memory_space<vmem>> -> memref<125x64xf32, #tpu.memory_space<vmem>>
        %dma_start3A_298 = arith.constant 0 : i32
        %dma_start3A_299 = tpu.memref_slice %arg5[%add3A_291, %dma_start3A_298] : memref<160x125xi32, #tpu.memory_space<vmem>> -> memref<1x125xi32, #tpu.memory_space<vmem>>
        %dma_start3A_300 = tpu.memref_squeeze %dma_start3A_299 : memref<1x125xi32, #tpu.memory_space<vmem>> -> memref<125xi32, #tpu.memory_space<vmem>>
        %dma_start3A_301 = arith.constant 0 : i32
        %dma_start3A_302 = arith.constant 0 : i32
        %dma_start3A_303 = tpu.memref_slice %arg2[%dma_start3A_301, %dma_start3A_302] : memref<20000x64xf32, #tpu.memory_space<hbm>> -> memref<20000x64xf32, #tpu.memory_space<hbm>>
        %dma_start3A_304 = tpu.memref_slice %arg10[%dma_start3A_293] : memref<4x!tpu.dma_semaphore, #tpu.memory_space<semaphore_mem>> -> memref<1x!tpu.dma_semaphore, #tpu.memory_space<semaphore_mem>>
        %dma_start3A_305 = tpu.memref_squeeze %dma_start3A_304 : memref<1x!tpu.dma_semaphore, #tpu.memory_space<semaphore_mem>> -> memref<!tpu.dma_semaphore, #tpu.memory_space<semaphore_mem>>
        tpu.enqueue_indirect_dma source(%dma_start3A_303 : memref<20000x64xf32, #tpu.memory_space<hbm>>) target(%dma_start3A_297 : memref<125x64xf32, #tpu.memory_space<vmem>>) offsets(%dma_start3A_300 : memref<125xi32, #tpu.memory_space<vmem>>) semaphore(%dma_start3A_305 : memref<!tpu.dma_semaphore, #tpu.memory_space<semaphore_mem>>)
      } else {
      }
    }
    %scan3A_64 = arith.constant 40 : i32
    %dma_wait3A = arith.constant 0 : i32
    %dma_wait3A_65 = arith.constant 156 : i32
    %dma_wait3A_66 = arith.constant 0 : i32
    %dma_wait3A_67 = arith.constant 0 : i32
    %dma_wait3A_68 = arith.constant 0 : i32
    %dma_wait3A_69 = tpu.memref_slice %arg7[%dma_wait3A, %dma_wait3A_67, %dma_wait3A_68] : memref<4x125x64xf32, #tpu.memory_space<vmem>> -> memref<1x125x64xf32, #tpu.memory_space<vmem>>
    %dma_wait3A_70 = tpu.memref_squeeze %dma_wait3A_69 : memref<1x125x64xf32, #tpu.memory_space<vmem>> -> memref<125x64xf32, #tpu.memory_space<vmem>>
    %dma_wait3A_71 = arith.constant 0 : i32
    %dma_wait3A_72 = tpu.memref_slice %arg6[%dma_wait3A_65, %dma_wait3A_71] : memref<160x125xi32, #tpu.memory_space<vmem>> -> memref<1x125xi32, #tpu.memory_space<vmem>>
    %dma_wait3A_73 = tpu.memref_squeeze %dma_wait3A_72 : memref<1x125xi32, #tpu.memory_space<vmem>> -> memref<125xi32, #tpu.memory_space<vmem>>
    %dma_wait3A_74 = arith.constant 0 : i32
    %dma_wait3A_75 = arith.constant 0 : i32
    %dma_wait3A_76 = tpu.memref_slice %arg9[%dma_wait3A_74, %dma_wait3A_75] : memref<10000x64xf32, #tpu.memory_space<vmem_shared>> -> memref<10000x64xf32, #tpu.memory_space<vmem_shared>>
    %dma_wait3A_77 = tpu.memref_slice %arg11[%dma_wait3A_66] : memref<4x!tpu.dma_semaphore, #tpu.memory_space<semaphore_mem>> -> memref<1x!tpu.dma_semaphore, #tpu.memory_space<semaphore_mem>>
    %dma_wait3A_78 = tpu.memref_squeeze %dma_wait3A_77 : memref<1x!tpu.dma_semaphore, #tpu.memory_space<semaphore_mem>> -> memref<!tpu.dma_semaphore, #tpu.memory_space<semaphore_mem>>
    tpu.wait_indirect_dma semaphore(%dma_wait3A_78 : memref<!tpu.dma_semaphore, #tpu.memory_space<semaphore_mem>>) src(%dma_wait3A_70 : memref<125x64xf32, #tpu.memory_space<vmem>>) dst(%dma_wait3A_76 : memref<10000x64xf32, #tpu.memory_space<vmem_shared>>)
    %dma_wait3A_79 = arith.constant 1 : i32
    %dma_wait3A_80 = arith.constant 157 : i32
    %dma_wait3A_81 = arith.constant 1 : i32
    %dma_wait3A_82 = arith.constant 0 : i32
    %dma_wait3A_83 = arith.constant 0 : i32
    %dma_wait3A_84 = tpu.memref_slice %arg7[%dma_wait3A_79, %dma_wait3A_82, %dma_wait3A_83] : memref<4x125x64xf32, #tpu.memory_space<vmem>> -> memref<1x125x64xf32, #tpu.memory_space<vmem>>
    %dma_wait3A_85 = tpu.memref_squeeze %dma_wait3A_84 : memref<1x125x64xf32, #tpu.memory_space<vmem>> -> memref<125x64xf32, #tpu.memory_space<vmem>>
    %dma_wait3A_86 = arith.constant 0 : i32
    %dma_wait3A_87 = tpu.memref_slice %arg6[%dma_wait3A_80, %dma_wait3A_86] : memref<160x125xi32, #tpu.memory_space<vmem>> -> memref<1x125xi32, #tpu.memory_space<vmem>>
    %dma_wait3A_88 = tpu.memref_squeeze %dma_wait3A_87 : memref<1x125xi32, #tpu.memory_space<vmem>> -> memref<125xi32, #tpu.memory_space<vmem>>
    %dma_wait3A_89 = arith.constant 0 : i32
    %dma_wait3A_90 = arith.constant 0 : i32
    %dma_wait3A_91 = tpu.memref_slice %arg9[%dma_wait3A_89, %dma_wait3A_90] : memref<10000x64xf32, #tpu.memory_space<vmem_shared>> -> memref<10000x64xf32, #tpu.memory_space<vmem_shared>>
    %dma_wait3A_92 = tpu.memref_slice %arg11[%dma_wait3A_81] : memref<4x!tpu.dma_semaphore, #tpu.memory_space<semaphore_mem>> -> memref<1x!tpu.dma_semaphore, #tpu.memory_space<semaphore_mem>>
    %dma_wait3A_93 = tpu.memref_squeeze %dma_wait3A_92 : memref<1x!tpu.dma_semaphore, #tpu.memory_space<semaphore_mem>> -> memref<!tpu.dma_semaphore, #tpu.memory_space<semaphore_mem>>
    tpu.wait_indirect_dma semaphore(%dma_wait3A_93 : memref<!tpu.dma_semaphore, #tpu.memory_space<semaphore_mem>>) src(%dma_wait3A_85 : memref<125x64xf32, #tpu.memory_space<vmem>>) dst(%dma_wait3A_91 : memref<10000x64xf32, #tpu.memory_space<vmem_shared>>)
    %dma_wait3A_94 = arith.constant 2 : i32
    %dma_wait3A_95 = arith.constant 158 : i32
    %dma_wait3A_96 = arith.constant 2 : i32
    %dma_wait3A_97 = arith.constant 0 : i32
    %dma_wait3A_98 = arith.constant 0 : i32
    %dma_wait3A_99 = tpu.memref_slice %arg7[%dma_wait3A_94, %dma_wait3A_97, %dma_wait3A_98] : memref<4x125x64xf32, #tpu.memory_space<vmem>> -> memref<1x125x64xf32, #tpu.memory_space<vmem>>
    %dma_wait3A_100 = tpu.memref_squeeze %dma_wait3A_99 : memref<1x125x64xf32, #tpu.memory_space<vmem>> -> memref<125x64xf32, #tpu.memory_space<vmem>>
    %dma_wait3A_101 = arith.constant 0 : i32
    %dma_wait3A_102 = tpu.memref_slice %arg6[%dma_wait3A_95, %dma_wait3A_101] : memref<160x125xi32, #tpu.memory_space<vmem>> -> memref<1x125xi32, #tpu.memory_space<vmem>>
    %dma_wait3A_103 = tpu.memref_squeeze %dma_wait3A_102 : memref<1x125xi32, #tpu.memory_space<vmem>> -> memref<125xi32, #tpu.memory_space<vmem>>
    %dma_wait3A_104 = arith.constant 0 : i32
    %dma_wait3A_105 = arith.constant 0 : i32
    %dma_wait3A_106 = tpu.memref_slice %arg9[%dma_wait3A_104, %dma_wait3A_105] : memref<10000x64xf32, #tpu.memory_space<vmem_shared>> -> memref<10000x64xf32, #tpu.memory_space<vmem_shared>>
    %dma_wait3A_107 = tpu.memref_slice %arg11[%dma_wait3A_96] : memref<4x!tpu.dma_semaphore, #tpu.memory_space<semaphore_mem>> -> memref<1x!tpu.dma_semaphore, #tpu.memory_space<semaphore_mem>>
    %dma_wait3A_108 = tpu.memref_squeeze %dma_wait3A_107 : memref<1x!tpu.dma_semaphore, #tpu.memory_space<semaphore_mem>> -> memref<!tpu.dma_semaphore, #tpu.memory_space<semaphore_mem>>
    tpu.wait_indirect_dma semaphore(%dma_wait3A_108 : memref<!tpu.dma_semaphore, #tpu.memory_space<semaphore_mem>>) src(%dma_wait3A_100 : memref<125x64xf32, #tpu.memory_space<vmem>>) dst(%dma_wait3A_106 : memref<10000x64xf32, #tpu.memory_space<vmem_shared>>)
    %dma_wait3A_109 = arith.constant 3 : i32
    %dma_wait3A_110 = arith.constant 159 : i32
    %dma_wait3A_111 = arith.constant 3 : i32
    %dma_wait3A_112 = arith.constant 0 : i32
    %dma_wait3A_113 = arith.constant 0 : i32
    %dma_wait3A_114 = tpu.memref_slice %arg7[%dma_wait3A_109, %dma_wait3A_112, %dma_wait3A_113] : memref<4x125x64xf32, #tpu.memory_space<vmem>> -> memref<1x125x64xf32, #tpu.memory_space<vmem>>
    %dma_wait3A_115 = tpu.memref_squeeze %dma_wait3A_114 : memref<1x125x64xf32, #tpu.memory_space<vmem>> -> memref<125x64xf32, #tpu.memory_space<vmem>>
    %dma_wait3A_116 = arith.constant 0 : i32
    %dma_wait3A_117 = tpu.memref_slice %arg6[%dma_wait3A_110, %dma_wait3A_116] : memref<160x125xi32, #tpu.memory_space<vmem>> -> memref<1x125xi32, #tpu.memory_space<vmem>>
    %dma_wait3A_118 = tpu.memref_squeeze %dma_wait3A_117 : memref<1x125xi32, #tpu.memory_space<vmem>> -> memref<125xi32, #tpu.memory_space<vmem>>
    %dma_wait3A_119 = arith.constant 0 : i32
    %dma_wait3A_120 = arith.constant 0 : i32
    %dma_wait3A_121 = tpu.memref_slice %arg9[%dma_wait3A_119, %dma_wait3A_120] : memref<10000x64xf32, #tpu.memory_space<vmem_shared>> -> memref<10000x64xf32, #tpu.memory_space<vmem_shared>>
    %dma_wait3A_122 = tpu.memref_slice %arg11[%dma_wait3A_111] : memref<4x!tpu.dma_semaphore, #tpu.memory_space<semaphore_mem>> -> memref<1x!tpu.dma_semaphore, #tpu.memory_space<semaphore_mem>>
    %dma_wait3A_123 = tpu.memref_squeeze %dma_wait3A_122 : memref<1x!tpu.dma_semaphore, #tpu.memory_space<semaphore_mem>> -> memref<!tpu.dma_semaphore, #tpu.memory_space<semaphore_mem>>
    tpu.wait_indirect_dma semaphore(%dma_wait3A_123 : memref<!tpu.dma_semaphore, #tpu.memory_space<semaphore_mem>>) src(%dma_wait3A_115 : memref<125x64xf32, #tpu.memory_space<vmem>>) dst(%dma_wait3A_121 : memref<10000x64xf32, #tpu.memory_space<vmem_shared>>)
    %barrier3A_124 = arith.constant 0 : index
    tpu.barrier barrier_id(%barrier3A_124)
    %mul3A_125 = arith.constant 624 : i32
    %mul3A_126 = arith.muli %arg1, %mul3A_125 : i32
    %mul3A_127 = arith.constant 624 : i32
    %mul3A_128 = arith.muli %arg1, %mul3A_127 : i32
    "tpu.region"() ({
      %run_scoped3A_134 = tpu.sem_alloc : memref<!tpu.dma_semaphore, #tpu.memory_space<semaphore_mem>>
      %dma_start3A_135 = arith.constant 0 : i32
      %dma_start3A_136 = tpu.memref_slice %arg4[%arg0, %mul3A_128, %dma_start3A_135] : memref<2x10000x64xf32, #tpu.memory_space<hbm>> -> memref<1x624x64xf32, #tpu.memory_space<hbm>>
      %dma_start3A_137 = tpu.memref_squeeze %dma_start3A_136 : memref<1x624x64xf32, #tpu.memory_space<hbm>> -> memref<624x64xf32, #tpu.memory_space<hbm>>
      %dma_start3A_138 = arith.constant 0 : i32
      %dma_start3A_139 = tpu.memref_slice %arg9[%mul3A_126, %dma_start3A_138] : memref<10000x64xf32, #tpu.memory_space<vmem_shared>> -> memref<624x64xf32, #tpu.memory_space<vmem_shared>>
      tpu.enqueue_dma source(%dma_start3A_139 : memref<624x64xf32, #tpu.memory_space<vmem_shared>>) target(%dma_start3A_137 : memref<624x64xf32, #tpu.memory_space<hbm>>) target_semaphore(%run_scoped3A_134 : memref<!tpu.dma_semaphore, #tpu.memory_space<semaphore_mem>>)
      %dma_wait3A_140 = arith.constant 0 : i32
      %dma_wait3A_141 = tpu.memref_slice %arg4[%arg0, %mul3A_128, %dma_wait3A_140] : memref<2x10000x64xf32, #tpu.memory_space<hbm>> -> memref<1x624x64xf32, #tpu.memory_space<hbm>>
      %dma_wait3A_142 = tpu.memref_squeeze %dma_wait3A_141 : memref<1x624x64xf32, #tpu.memory_space<hbm>> -> memref<624x64xf32, #tpu.memory_space<hbm>>
      %dma_wait3A_143 = arith.constant 0 : i32
      %dma_wait3A_144 = tpu.memref_slice %arg9[%mul3A_126, %dma_wait3A_143] : memref<10000x64xf32, #tpu.memory_space<vmem_shared>> -> memref<624x64xf32, #tpu.memory_space<vmem_shared>>
      tpu.wait_dma2 semaphore(%run_scoped3A_134 : memref<!tpu.dma_semaphore, #tpu.memory_space<semaphore_mem>>) src(%dma_wait3A_144 : memref<624x64xf32, #tpu.memory_space<vmem_shared>>) dst(%dma_wait3A_142 : memref<624x64xf32, #tpu.memory_space<hbm>>)
      tpu.yield
    }) : () -> ()
    %eq3A_129 = arith.constant 15 : i32
    %eq3A_130 = arith.cmpi eq, %arg1, %eq3A_129 : i32
    %convert_element_type3A_131 = arith.extui %eq3A_130 : i1 to i32
    %cond3A_132 = arith.constant 0 : i32
    %cond3A_133 = arith.cmpi ne, %convert_element_type3A_131, %cond3A_132 : i32
    scf.if %cond3A_133 {
      "tpu.region"() ({
        %run_scoped3A_134 = tpu.sem_alloc : memref<!tpu.dma_semaphore, #tpu.memory_space<semaphore_mem>>
        %dma_start3A_135 = arith.constant 9984 : i32
        %dma_start3A_136 = arith.constant 0 : i32
        %dma_start3A_137 = tpu.memref_slice %arg4[%arg0, %dma_start3A_135, %dma_start3A_136] : memref<2x10000x64xf32, #tpu.memory_space<hbm>> -> memref<1x16x64xf32, #tpu.memory_space<hbm>>
        %dma_start3A_138 = tpu.memref_squeeze %dma_start3A_137 : memref<1x16x64xf32, #tpu.memory_space<hbm>> -> memref<16x64xf32, #tpu.memory_space<hbm>>
        %dma_start3A_139 = arith.constant 9984 : i32
        %dma_start3A_140 = arith.constant 0 : i32
        %dma_start3A_141 = tpu.memref_slice %arg9[%dma_start3A_139, %dma_start3A_140] : memref<10000x64xf32, #tpu.memory_space<vmem_shared>> -> memref<16x64xf32, #tpu.memory_space<vmem_shared>>
        tpu.enqueue_dma source(%dma_start3A_141 : memref<16x64xf32, #tpu.memory_space<vmem_shared>>) target(%dma_start3A_138 : memref<16x64xf32, #tpu.memory_space<hbm>>) target_semaphore(%run_scoped3A_134 : memref<!tpu.dma_semaphore, #tpu.memory_space<semaphore_mem>>)
        %dma_wait3A_142 = arith.constant 9984 : i32
        %dma_wait3A_143 = arith.constant 0 : i32
        %dma_wait3A_144 = tpu.memref_slice %arg4[%arg0, %dma_wait3A_142, %dma_wait3A_143] : memref<2x10000x64xf32, #tpu.memory_space<hbm>> -> memref<1x16x64xf32, #tpu.memory_space<hbm>>
        %dma_wait3A_145 = tpu.memref_squeeze %dma_wait3A_144 : memref<1x16x64xf32, #tpu.memory_space<hbm>> -> memref<16x64xf32, #tpu.memory_space<hbm>>
        %dma_wait3A_146 = arith.constant 9984 : i32
        %dma_wait3A_147 = arith.constant 0 : i32
        %dma_wait3A_148 = tpu.memref_slice %arg9[%dma_wait3A_146, %dma_wait3A_147] : memref<10000x64xf32, #tpu.memory_space<vmem_shared>> -> memref<16x64xf32, #tpu.memory_space<vmem_shared>>
        tpu.wait_dma2 semaphore(%run_scoped3A_134 : memref<!tpu.dma_semaphore, #tpu.memory_space<semaphore_mem>>) src(%dma_wait3A_148 : memref<16x64xf32, #tpu.memory_space<vmem_shared>>) dst(%dma_wait3A_145 : memref<16x64xf32, #tpu.memory_space<hbm>>)
        tpu.yield
      }) : () -> ()
    } else {
    }
    return
  }
}

#map = affine_map<(d0, d1) -> (0, 0)>
#map1 = affine_map<(d0, d1) -> (0, 0, 0, 0)>
#map2 = affine_map<(d0, d1) -> (0, 0, 0)>
module attributes {stable_mosaic.version = 14 : i64} {
  func.func @_sc_agg(%arg0: i32, %arg1: i32, %arg2: memref<20000x64xf32, #tpu.memory_space<hbm>>, %arg3: memref<3x16x160x125xi32, #tpu.memory_space<hbm>>, %arg4: memref<2x10000x64xf32, #tpu.memory_space<hbm>>, %arg5: memref<160x125xi32, #tpu.memory_space<vmem>>, %arg6: memref<160x125xi32, #tpu.memory_space<vmem>>, %arg7: memref<4x125x64xf32, #tpu.memory_space<vmem>>, %arg8: memref<208x64xf32, #tpu.memory_space<vmem>>, %arg9: memref<10000x64xf32, #tpu.memory_space<vmem_shared>>, %arg10: memref<4x!tpu.dma_semaphore, #tpu.memory_space<semaphore_mem>>, %arg11: memref<4x!tpu.dma_semaphore, #tpu.memory_space<semaphore_mem>>) attributes {dimension_semantics = [#tpu.dimension_semantics<core_parallel>, #tpu.dimension_semantics<subcore_parallel>], iteration_bounds = array<i64: 2, 16>, scalar_prefetch = 0 : i64, scratch_operands = 7 : i64, tpu.core_type = #tpu.core_type<sc_vector_subcore>, window_params = [{transform_indices = #map}, {transform_indices = #map1}, {transform_indices = #map2}]} {
    %scan3A = arith.constant 0 : i32
    %scan3A_0 = arith.constant 208 : i32
    %scan3A_1 = arith.addi %scan3A, %scan3A_0 : i32
    %scan3A_2 = arith.constant 1 : i32
    scf.for %scan3A_134 = %scan3A to %scan3A_1 step %scan3A_2  : i32 {
      %mul3A_135 = arith.constant 1 : i32
      %mul3A_136 = arith.muli %scan3A_134, %mul3A_135 : i32
      %add3A_137 = arith.constant 0 : i32
      %add3A_138 = arith.addi %add3A_137, %mul3A_136 : i32
      %broadcast_in_dim3A = arith.constant 0.000000e+00 : f32
      %broadcast_in_dim3A_139 = vector.broadcast %broadcast_in_dim3A : f32 to vector<16xf32>
      %swap3A = arith.index_cast %add3A_138 : i32 to index
      %swap3A_140 = arith.constant 0 : index
      %swap3A_141 = tpu.vector_load %arg8[%swap3A, %swap3A_140] {strides = array<i32>} : memref<208x64xf32, #tpu.memory_space<vmem>>, vector<1x16xf32>,
      %swap3A_142 = vector.shape_cast %swap3A_141 : vector<1x16xf32> to vector<16xf32>
      %swap3A_143 = vector.shape_cast %broadcast_in_dim3A_139 : vector<16xf32> to vector<1x16xf32>
      tpu.vector_store %arg8[%swap3A, %swap3A_140], %swap3A_143 {strides = array<i32>} : memref<208x64xf32, #tpu.memory_space<vmem>>, vector<1x16xf32>,
      %broadcast_in_dim3A_144 = arith.constant 0.000000e+00 : f32
      %broadcast_in_dim3A_145 = vector.broadcast %broadcast_in_dim3A_144 : f32 to vector<16xf32>
      %swap3A_146 = arith.index_cast %add3A_138 : i32 to index
      %swap3A_147 = arith.constant 16 : index
      %swap3A_148 = tpu.vector_load %arg8[%swap3A_146, %swap3A_147] {strides = array<i32>} : memref<208x64xf32, #tpu.memory_space<vmem>>, vector<1x16xf32>,
      %swap3A_149 = vector.shape_cast %swap3A_148 : vector<1x16xf32> to vector<16xf32>
      %swap3A_150 = vector.shape_cast %broadcast_in_dim3A_145 : vector<16xf32> to vector<1x16xf32>
      tpu.vector_store %arg8[%swap3A_146, %swap3A_147], %swap3A_150 {strides = array<i32>} : memref<208x64xf32, #tpu.memory_space<vmem>>, vector<1x16xf32>,
      %broadcast_in_dim3A_151 = arith.constant 0.000000e+00 : f32
      %broadcast_in_dim3A_152 = vector.broadcast %broadcast_in_dim3A_151 : f32 to vector<16xf32>
      %swap3A_153 = arith.index_cast %add3A_138 : i32 to index
      %swap3A_154 = arith.constant 32 : index
      %swap3A_155 = tpu.vector_load %arg8[%swap3A_153, %swap3A_154] {strides = array<i32>} : memref<208x64xf32, #tpu.memory_space<vmem>>, vector<1x16xf32>,
      %swap3A_156 = vector.shape_cast %swap3A_155 : vector<1x16xf32> to vector<16xf32>
      %swap3A_157 = vector.shape_cast %broadcast_in_dim3A_152 : vector<16xf32> to vector<1x16xf32>
      tpu.vector_store %arg8[%swap3A_153, %swap3A_154], %swap3A_157 {strides = array<i32>} : memref<208x64xf32, #tpu.memory_space<vmem>>, vector<1x16xf32>,
      %broadcast_in_dim3A_158 = arith.constant 0.000000e+00 : f32
      %broadcast_in_dim3A_159 = vector.broadcast %broadcast_in_dim3A_158 : f32 to vector<16xf32>
      %swap3A_160 = arith.index_cast %add3A_138 : i32 to index
      %swap3A_161 = arith.constant 48 : index
      %swap3A_162 = tpu.vector_load %arg8[%swap3A_160, %swap3A_161] {strides = array<i32>} : memref<208x64xf32, #tpu.memory_space<vmem>>, vector<1x16xf32>,
      %swap3A_163 = vector.shape_cast %swap3A_162 : vector<1x16xf32> to vector<16xf32>
      %swap3A_164 = vector.shape_cast %broadcast_in_dim3A_159 : vector<16xf32> to vector<1x16xf32>
      tpu.vector_store %arg8[%swap3A_160, %swap3A_161], %swap3A_164 {strides = array<i32>} : memref<208x64xf32, #tpu.memory_space<vmem>>, vector<1x16xf32>,
    }
    %scan3A_3 = arith.constant 208 : i32
    %mul3A = arith.constant 624 : i32
    %mul3A_4 = arith.muli %arg1, %mul3A : i32
    %add3A = arith.constant 0 : i32
    %add3A_5 = arith.addi %mul3A_4, %add3A : i32
    "tpu.region"() ({
      %run_scoped3A_134 = tpu.sem_alloc : memref<!tpu.dma_semaphore, #tpu.memory_space<semaphore_mem>>
      %dma_start3A_135 = arith.constant 0 : i32
      %dma_start3A_136 = tpu.memref_slice %arg9[%add3A_5, %dma_start3A_135] : memref<10000x64xf32, #tpu.memory_space<vmem_shared>> -> memref<208x64xf32, #tpu.memory_space<vmem_shared>>
      %dma_start3A_137 = arith.constant 0 : i32
      %dma_start3A_138 = tpu.memref_slice %arg9[%add3A_5, %dma_start3A_137] : memref<10000x64xf32, #tpu.memory_space<vmem_shared>> -> memref<208x64xf32, #tpu.memory_space<vmem_shared>>
      tpu.enqueue_dma source(%arg8 : memref<208x64xf32, #tpu.memory_space<vmem>>) target(%dma_start3A_138 : memref<208x64xf32, #tpu.memory_space<vmem_shared>>) target_semaphore(%run_scoped3A_134 : memref<!tpu.dma_semaphore, #tpu.memory_space<semaphore_mem>>)
      %dma_wait3A_139 = arith.constant 0 : i32
      %dma_wait3A_140 = tpu.memref_slice %arg9[%add3A_5, %dma_wait3A_139] : memref<10000x64xf32, #tpu.memory_space<vmem_shared>> -> memref<208x64xf32, #tpu.memory_space<vmem_shared>>
      %dma_wait3A_141 = arith.constant 0 : i32
      %dma_wait3A_142 = tpu.memref_slice %arg9[%add3A_5, %dma_wait3A_141] : memref<10000x64xf32, #tpu.memory_space<vmem_shared>> -> memref<208x64xf32, #tpu.memory_space<vmem_shared>>
      tpu.wait_dma2 semaphore(%run_scoped3A_134 : memref<!tpu.dma_semaphore, #tpu.memory_space<semaphore_mem>>) src(%arg8 : memref<208x64xf32, #tpu.memory_space<vmem>>) dst(%dma_wait3A_142 : memref<208x64xf32, #tpu.memory_space<vmem_shared>>)
      tpu.yield
    }) : () -> ()
    %mul3A_6 = arith.constant 624 : i32
    %mul3A_7 = arith.muli %arg1, %mul3A_6 : i32
    %add3A_8 = arith.constant 208 : i32
    %add3A_9 = arith.addi %mul3A_7, %add3A_8 : i32
    "tpu.region"() ({
      %run_scoped3A_134 = tpu.sem_alloc : memref<!tpu.dma_semaphore, #tpu.memory_space<semaphore_mem>>
      %dma_start3A_135 = arith.constant 0 : i32
      %dma_start3A_136 = tpu.memref_slice %arg9[%add3A_9, %dma_start3A_135] : memref<10000x64xf32, #tpu.memory_space<vmem_shared>> -> memref<208x64xf32, #tpu.memory_space<vmem_shared>>
      %dma_start3A_137 = arith.constant 0 : i32
      %dma_start3A_138 = tpu.memref_slice %arg9[%add3A_9, %dma_start3A_137] : memref<10000x64xf32, #tpu.memory_space<vmem_shared>> -> memref<208x64xf32, #tpu.memory_space<vmem_shared>>
      tpu.enqueue_dma source(%arg8 : memref<208x64xf32, #tpu.memory_space<vmem>>) target(%dma_start3A_138 : memref<208x64xf32, #tpu.memory_space<vmem_shared>>) target_semaphore(%run_scoped3A_134 : memref<!tpu.dma_semaphore, #tpu.memory_space<semaphore_mem>>)
      %dma_wait3A_139 = arith.constant 0 : i32
      %dma_wait3A_140 = tpu.memref_slice %arg9[%add3A_9, %dma_wait3A_139] : memref<10000x64xf32, #tpu.memory_space<vmem_shared>> -> memref<208x64xf32, #tpu.memory_space<vmem_shared>>
      %dma_wait3A_141 = arith.constant 0 : i32
      %dma_wait3A_142 = tpu.memref_slice %arg9[%add3A_9, %dma_wait3A_141] : memref<10000x64xf32, #tpu.memory_space<vmem_shared>> -> memref<208x64xf32, #tpu.memory_space<vmem_shared>>
      tpu.wait_dma2 semaphore(%run_scoped3A_134 : memref<!tpu.dma_semaphore, #tpu.memory_space<semaphore_mem>>) src(%arg8 : memref<208x64xf32, #tpu.memory_space<vmem>>) dst(%dma_wait3A_142 : memref<208x64xf32, #tpu.memory_space<vmem_shared>>)
      tpu.yield
    }) : () -> ()
    %mul3A_10 = arith.constant 624 : i32
    %mul3A_11 = arith.muli %arg1, %mul3A_10 : i32
    %add3A_12 = arith.constant 416 : i32
    %add3A_13 = arith.addi %mul3A_11, %add3A_12 : i32
    "tpu.region"() ({
      %run_scoped3A_134 = tpu.sem_alloc : memref<!tpu.dma_semaphore, #tpu.memory_space<semaphore_mem>>
      %dma_start3A_135 = arith.constant 0 : i32
      %dma_start3A_136 = tpu.memref_slice %arg9[%add3A_13, %dma_start3A_135] : memref<10000x64xf32, #tpu.memory_space<vmem_shared>> -> memref<208x64xf32, #tpu.memory_space<vmem_shared>>
      %dma_start3A_137 = arith.constant 0 : i32
      %dma_start3A_138 = tpu.memref_slice %arg9[%add3A_13, %dma_start3A_137] : memref<10000x64xf32, #tpu.memory_space<vmem_shared>> -> memref<208x64xf32, #tpu.memory_space<vmem_shared>>
      tpu.enqueue_dma source(%arg8 : memref<208x64xf32, #tpu.memory_space<vmem>>) target(%dma_start3A_138 : memref<208x64xf32, #tpu.memory_space<vmem_shared>>) target_semaphore(%run_scoped3A_134 : memref<!tpu.dma_semaphore, #tpu.memory_space<semaphore_mem>>)
      %dma_wait3A_139 = arith.constant 0 : i32
      %dma_wait3A_140 = tpu.memref_slice %arg9[%add3A_13, %dma_wait3A_139] : memref<10000x64xf32, #tpu.memory_space<vmem_shared>> -> memref<208x64xf32, #tpu.memory_space<vmem_shared>>
      %dma_wait3A_141 = arith.constant 0 : i32
      %dma_wait3A_142 = tpu.memref_slice %arg9[%add3A_13, %dma_wait3A_141] : memref<10000x64xf32, #tpu.memory_space<vmem_shared>> -> memref<208x64xf32, #tpu.memory_space<vmem_shared>>
      tpu.wait_dma2 semaphore(%run_scoped3A_134 : memref<!tpu.dma_semaphore, #tpu.memory_space<semaphore_mem>>) src(%arg8 : memref<208x64xf32, #tpu.memory_space<vmem>>) dst(%dma_wait3A_142 : memref<208x64xf32, #tpu.memory_space<vmem_shared>>)
      tpu.yield
    }) : () -> ()
    %eq3A = arith.constant 15 : i32
    %eq3A_14 = arith.cmpi eq, %arg1, %eq3A : i32
    %convert_element_type3A = arith.extui %eq3A_14 : i1 to i32
    %cond3A = arith.constant 0 : i32
    %cond3A_15 = arith.cmpi ne, %convert_element_type3A, %cond3A : i32
    scf.if %cond3A_15 {
      "tpu.region"() ({
        %run_scoped3A_134 = tpu.sem_alloc : memref<!tpu.dma_semaphore, #tpu.memory_space<semaphore_mem>>
        %dma_start3A_135 = arith.constant 0 : i32
        %dma_start3A_136 = arith.constant 0 : i32
        %dma_start3A_137 = tpu.memref_slice %arg8[%dma_start3A_135, %dma_start3A_136] : memref<208x64xf32, #tpu.memory_space<vmem>> -> memref<16x64xf32, #tpu.memory_space<vmem>>
        %dma_start3A_138 = arith.constant 9984 : i32
        %dma_start3A_139 = arith.constant 0 : i32
        %dma_start3A_140 = tpu.memref_slice %arg9[%dma_start3A_138, %dma_start3A_139] : memref<10000x64xf32, #tpu.memory_space<vmem_shared>> -> memref<16x64xf32, #tpu.memory_space<vmem_shared>>
        %dma_start3A_141 = arith.constant 9984 : i32
        %dma_start3A_142 = arith.constant 0 : i32
        %dma_start3A_143 = tpu.memref_slice %arg9[%dma_start3A_141, %dma_start3A_142] : memref<10000x64xf32, #tpu.memory_space<vmem_shared>> -> memref<16x64xf32, #tpu.memory_space<vmem_shared>>
        %dma_start3A_144 = arith.constant 0 : i32
        %dma_start3A_145 = arith.constant 0 : i32
        %dma_start3A_146 = tpu.memref_slice %arg8[%dma_start3A_144, %dma_start3A_145] : memref<208x64xf32, #tpu.memory_space<vmem>> -> memref<16x64xf32, #tpu.memory_space<vmem>>
        tpu.enqueue_dma source(%dma_start3A_146 : memref<16x64xf32, #tpu.memory_space<vmem>>) target(%dma_start3A_143 : memref<16x64xf32, #tpu.memory_space<vmem_shared>>) target_semaphore(%run_scoped3A_134 : memref<!tpu.dma_semaphore, #tpu.memory_space<semaphore_mem>>)
        %dma_wait3A_147 = arith.constant 0 : i32
        %dma_wait3A_148 = arith.constant 0 : i32
        %dma_wait3A_149 = tpu.memref_slice %arg8[%dma_wait3A_147, %dma_wait3A_148] : memref<208x64xf32, #tpu.memory_space<vmem>> -> memref<16x64xf32, #tpu.memory_space<vmem>>
        %dma_wait3A_150 = arith.constant 9984 : i32
        %dma_wait3A_151 = arith.constant 0 : i32
        %dma_wait3A_152 = tpu.memref_slice %arg9[%dma_wait3A_150, %dma_wait3A_151] : memref<10000x64xf32, #tpu.memory_space<vmem_shared>> -> memref<16x64xf32, #tpu.memory_space<vmem_shared>>
        %dma_wait3A_153 = arith.constant 9984 : i32
        %dma_wait3A_154 = arith.constant 0 : i32
        %dma_wait3A_155 = tpu.memref_slice %arg9[%dma_wait3A_153, %dma_wait3A_154] : memref<10000x64xf32, #tpu.memory_space<vmem_shared>> -> memref<16x64xf32, #tpu.memory_space<vmem_shared>>
        %dma_wait3A_156 = arith.constant 0 : i32
        %dma_wait3A_157 = arith.constant 0 : i32
        %dma_wait3A_158 = tpu.memref_slice %arg8[%dma_wait3A_156, %dma_wait3A_157] : memref<208x64xf32, #tpu.memory_space<vmem>> -> memref<16x64xf32, #tpu.memory_space<vmem>>
        tpu.wait_dma2 semaphore(%run_scoped3A_134 : memref<!tpu.dma_semaphore, #tpu.memory_space<semaphore_mem>>) src(%dma_wait3A_158 : memref<16x64xf32, #tpu.memory_space<vmem>>) dst(%dma_wait3A_155 : memref<16x64xf32, #tpu.memory_space<vmem_shared>>)
        tpu.yield
      }) : () -> ()
    } else {
    }
    %barrier3A = arith.constant 0 : index
    tpu.barrier barrier_id(%barrier3A)
    "tpu.region"() ({
      %run_scoped3A_134 = tpu.sem_alloc : memref<!tpu.dma_semaphore, #tpu.memory_space<semaphore_mem>>
      %dma_start3A_135 = arith.constant 0 : i32
      %dma_start3A_136 = arith.constant 0 : i32
      %dma_start3A_137 = tpu.memref_slice %arg3[%arg0, %arg1, %dma_start3A_135, %dma_start3A_136] : memref<3x16x160x125xi32, #tpu.memory_space<hbm>> -> memref<1x1x160x125xi32, #tpu.memory_space<hbm>>
      %dma_start3A_138 = tpu.memref_squeeze %dma_start3A_137 : memref<1x1x160x125xi32, #tpu.memory_space<hbm>> -> memref<160x125xi32, #tpu.memory_space<hbm>>
      %dma_start3A_139 = arith.constant 0 : i32
      %dma_start3A_140 = arith.constant 0 : i32
      %dma_start3A_141 = tpu.memref_slice %arg3[%arg0, %arg1, %dma_start3A_139, %dma_start3A_140] : memref<3x16x160x125xi32, #tpu.memory_space<hbm>> -> memref<1x1x160x125xi32, #tpu.memory_space<hbm>>
      %dma_start3A_142 = tpu.memref_squeeze %dma_start3A_141 : memref<1x1x160x125xi32, #tpu.memory_space<hbm>> -> memref<160x125xi32, #tpu.memory_space<hbm>>
      tpu.enqueue_dma source(%dma_start3A_142 : memref<160x125xi32, #tpu.memory_space<hbm>>) target(%arg5 : memref<160x125xi32, #tpu.memory_space<vmem>>) target_semaphore(%run_scoped3A_134 : memref<!tpu.dma_semaphore, #tpu.memory_space<semaphore_mem>>)
      %dma_wait3A_143 = arith.constant 0 : i32
      %dma_wait3A_144 = arith.constant 0 : i32
      %dma_wait3A_145 = tpu.memref_slice %arg3[%arg0, %arg1, %dma_wait3A_143, %dma_wait3A_144] : memref<3x16x160x125xi32, #tpu.memory_space<hbm>> -> memref<1x1x160x125xi32, #tpu.memory_space<hbm>>
      %dma_wait3A_146 = tpu.memref_squeeze %dma_wait3A_145 : memref<1x1x160x125xi32, #tpu.memory_space<hbm>> -> memref<160x125xi32, #tpu.memory_space<hbm>>
      %dma_wait3A_147 = arith.constant 0 : i32
      %dma_wait3A_148 = arith.constant 0 : i32
      %dma_wait3A_149 = tpu.memref_slice %arg3[%arg0, %arg1, %dma_wait3A_147, %dma_wait3A_148] : memref<3x16x160x125xi32, #tpu.memory_space<hbm>> -> memref<1x1x160x125xi32, #tpu.memory_space<hbm>>
      %dma_wait3A_150 = tpu.memref_squeeze %dma_wait3A_149 : memref<1x1x160x125xi32, #tpu.memory_space<hbm>> -> memref<160x125xi32, #tpu.memory_space<hbm>>
      tpu.wait_dma2 semaphore(%run_scoped3A_134 : memref<!tpu.dma_semaphore, #tpu.memory_space<semaphore_mem>>) src(%dma_wait3A_150 : memref<160x125xi32, #tpu.memory_space<hbm>>) dst(%arg5 : memref<160x125xi32, #tpu.memory_space<vmem>>)
      tpu.yield
    }) : () -> ()
    %run_scoped3A = arith.constant 2 : i32
    "tpu.region"() ({
      %run_scoped3A_134 = tpu.sem_alloc : memref<!tpu.dma_semaphore, #tpu.memory_space<semaphore_mem>>
      %dma_start3A_135 = arith.constant 0 : i32
      %dma_start3A_136 = arith.constant 0 : i32
      %dma_start3A_137 = tpu.memref_slice %arg3[%run_scoped3A, %arg1, %dma_start3A_135, %dma_start3A_136] : memref<3x16x160x125xi32, #tpu.memory_space<hbm>> -> memref<1x1x160x125xi32, #tpu.memory_space<hbm>>
      %dma_start3A_138 = tpu.memref_squeeze %dma_start3A_137 : memref<1x1x160x125xi32, #tpu.memory_space<hbm>> -> memref<160x125xi32, #tpu.memory_space<hbm>>
      %dma_start3A_139 = arith.constant 0 : i32
      %dma_start3A_140 = arith.constant 0 : i32
      %dma_start3A_141 = tpu.memref_slice %arg3[%run_scoped3A, %arg1, %dma_start3A_139, %dma_start3A_140] : memref<3x16x160x125xi32, #tpu.memory_space<hbm>> -> memref<1x1x160x125xi32, #tpu.memory_space<hbm>>
      %dma_start3A_142 = tpu.memref_squeeze %dma_start3A_141 : memref<1x1x160x125xi32, #tpu.memory_space<hbm>> -> memref<160x125xi32, #tpu.memory_space<hbm>>
      tpu.enqueue_dma source(%dma_start3A_142 : memref<160x125xi32, #tpu.memory_space<hbm>>) target(%arg6 : memref<160x125xi32, #tpu.memory_space<vmem>>) target_semaphore(%run_scoped3A_134 : memref<!tpu.dma_semaphore, #tpu.memory_space<semaphore_mem>>)
      %dma_wait3A_143 = arith.constant 0 : i32
      %dma_wait3A_144 = arith.constant 0 : i32
      %dma_wait3A_145 = tpu.memref_slice %arg3[%run_scoped3A, %arg1, %dma_wait3A_143, %dma_wait3A_144] : memref<3x16x160x125xi32, #tpu.memory_space<hbm>> -> memref<1x1x160x125xi32, #tpu.memory_space<hbm>>
      %dma_wait3A_146 = tpu.memref_squeeze %dma_wait3A_145 : memref<1x1x160x125xi32, #tpu.memory_space<hbm>> -> memref<160x125xi32, #tpu.memory_space<hbm>>
      %dma_wait3A_147 = arith.constant 0 : i32
      %dma_wait3A_148 = arith.constant 0 : i32
      %dma_wait3A_149 = tpu.memref_slice %arg3[%run_scoped3A, %arg1, %dma_wait3A_147, %dma_wait3A_148] : memref<3x16x160x125xi32, #tpu.memory_space<hbm>> -> memref<1x1x160x125xi32, #tpu.memory_space<hbm>>
      %dma_wait3A_150 = tpu.memref_squeeze %dma_wait3A_149 : memref<1x1x160x125xi32, #tpu.memory_space<hbm>> -> memref<160x125xi32, #tpu.memory_space<hbm>>
      tpu.wait_dma2 semaphore(%run_scoped3A_134 : memref<!tpu.dma_semaphore, #tpu.memory_space<semaphore_mem>>) src(%dma_wait3A_150 : memref<160x125xi32, #tpu.memory_space<hbm>>) dst(%arg6 : memref<160x125xi32, #tpu.memory_space<vmem>>)
      tpu.yield
    }) : () -> ()
    %dma_start3A = arith.constant 0 : i32
    %dma_start3A_16 = arith.constant 0 : i32
    %dma_start3A_17 = arith.constant 0 : i32
    %dma_start3A_18 = arith.constant 0 : i32
    %dma_start3A_19 = arith.constant 0 : i32
    %dma_start3A_20 = tpu.memref_slice %arg7[%dma_start3A_16, %dma_start3A_18, %dma_start3A_19] : memref<4x125x64xf32, #tpu.memory_space<vmem>> -> memref<1x125x64xf32, #tpu.memory_space<vmem>>
    %dma_start3A_21 = tpu.memref_squeeze %dma_start3A_20 : memref<1x125x64xf32, #tpu.memory_space<vmem>> -> memref<125x64xf32, #tpu.memory_space<vmem>>
    %dma_start3A_22 = arith.constant 0 : i32
    %dma_start3A_23 = tpu.memref_slice %arg5[%dma_start3A, %dma_start3A_22] : memref<160x125xi32, #tpu.memory_space<vmem>> -> memref<1x125xi32, #tpu.memory_space<vmem>>
    %dma_start3A_24 = tpu.memref_squeeze %dma_start3A_23 : memref<1x125xi32, #tpu.memory_space<vmem>> -> memref<125xi32, #tpu.memory_space<vmem>>
    %dma_start3A_25 = arith.constant 0 : i32
    %dma_start3A_26 = arith.constant 0 : i32
    %dma_start3A_27 = tpu.memref_slice %arg2[%dma_start3A_25, %dma_start3A_26] : memref<20000x64xf32, #tpu.memory_space<hbm>> -> memref<20000x64xf32, #tpu.memory_space<hbm>>
    %dma_start3A_28 = tpu.memref_slice %arg10[%dma_start3A_17] : memref<4x!tpu.dma_semaphore, #tpu.memory_space<semaphore_mem>> -> memref<1x!tpu.dma_semaphore, #tpu.memory_space<semaphore_mem>>
    %dma_start3A_29 = tpu.memref_squeeze %dma_start3A_28 : memref<1x!tpu.dma_semaphore, #tpu.memory_space<semaphore_mem>> -> memref<!tpu.dma_semaphore, #tpu.memory_space<semaphore_mem>>
    tpu.enqueue_indirect_dma source(%dma_start3A_27 : memref<20000x64xf32, #tpu.memory_space<hbm>>) target(%dma_start3A_21 : memref<125x64xf32, #tpu.memory_space<vmem>>) offsets(%dma_start3A_24 : memref<125xi32, #tpu.memory_space<vmem>>) semaphore(%dma_start3A_29 : memref<!tpu.dma_semaphore, #tpu.memory_space<semaphore_mem>>)
    %dma_start3A_30 = arith.constant 1 : i32
    %dma_start3A_31 = arith.constant 1 : i32
    %dma_start3A_32 = arith.constant 1 : i32
    %dma_start3A_33 = arith.constant 0 : i32
    %dma_start3A_34 = arith.constant 0 : i32
    %dma_start3A_35 = tpu.memref_slice %arg7[%dma_start3A_31, %dma_start3A_33, %dma_start3A_34] : memref<4x125x64xf32, #tpu.memory_space<vmem>> -> memref<1x125x64xf32, #tpu.memory_space<vmem>>
    %dma_start3A_36 = tpu.memref_squeeze %dma_start3A_35 : memref<1x125x64xf32, #tpu.memory_space<vmem>> -> memref<125x64xf32, #tpu.memory_space<vmem>>
    %dma_start3A_37 = arith.constant 0 : i32
    %dma_start3A_38 = tpu.memref_slice %arg5[%dma_start3A_30, %dma_start3A_37] : memref<160x125xi32, #tpu.memory_space<vmem>> -> memref<1x125xi32, #tpu.memory_space<vmem>>
    %dma_start3A_39 = tpu.memref_squeeze %dma_start3A_38 : memref<1x125xi32, #tpu.memory_space<vmem>> -> memref<125xi32, #tpu.memory_space<vmem>>
    %dma_start3A_40 = arith.constant 0 : i32
    %dma_start3A_41 = arith.constant 0 : i32
    %dma_start3A_42 = tpu.memref_slice %arg2[%dma_start3A_40, %dma_start3A_41] : memref<20000x64xf32, #tpu.memory_space<hbm>> -> memref<20000x64xf32, #tpu.memory_space<hbm>>
    %dma_start3A_43 = tpu.memref_slice %arg10[%dma_start3A_32] : memref<4x!tpu.dma_semaphore, #tpu.memory_space<semaphore_mem>> -> memref<1x!tpu.dma_semaphore, #tpu.memory_space<semaphore_mem>>
    %dma_start3A_44 = tpu.memref_squeeze %dma_start3A_43 : memref<1x!tpu.dma_semaphore, #tpu.memory_space<semaphore_mem>> -> memref<!tpu.dma_semaphore, #tpu.memory_space<semaphore_mem>>
    tpu.enqueue_indirect_dma source(%dma_start3A_42 : memref<20000x64xf32, #tpu.memory_space<hbm>>) target(%dma_start3A_36 : memref<125x64xf32, #tpu.memory_space<vmem>>) offsets(%dma_start3A_39 : memref<125xi32, #tpu.memory_space<vmem>>) semaphore(%dma_start3A_44 : memref<!tpu.dma_semaphore, #tpu.memory_space<semaphore_mem>>)
    %dma_start3A_45 = arith.constant 2 : i32
    %dma_start3A_46 = arith.constant 2 : i32
    %dma_start3A_47 = arith.constant 2 : i32
    %dma_start3A_48 = arith.constant 0 : i32
    %dma_start3A_49 = arith.constant 0 : i32
    %dma_start3A_50 = tpu.memref_slice %arg7[%dma_start3A_46, %dma_start3A_48, %dma_start3A_49] : memref<4x125x64xf32, #tpu.memory_space<vmem>> -> memref<1x125x64xf32, #tpu.memory_space<vmem>>
    %dma_start3A_51 = tpu.memref_squeeze %dma_start3A_50 : memref<1x125x64xf32, #tpu.memory_space<vmem>> -> memref<125x64xf32, #tpu.memory_space<vmem>>
    %dma_start3A_52 = arith.constant 0 : i32
    %dma_start3A_53 = tpu.memref_slice %arg5[%dma_start3A_45, %dma_start3A_52] : memref<160x125xi32, #tpu.memory_space<vmem>> -> memref<1x125xi32, #tpu.memory_space<vmem>>
    %dma_start3A_54 = tpu.memref_squeeze %dma_start3A_53 : memref<1x125xi32, #tpu.memory_space<vmem>> -> memref<125xi32, #tpu.memory_space<vmem>>
    %dma_start3A_55 = arith.constant 0 : i32
    %dma_start3A_56 = arith.constant 0 : i32
    %dma_start3A_57 = tpu.memref_slice %arg2[%dma_start3A_55, %dma_start3A_56] : memref<20000x64xf32, #tpu.memory_space<hbm>> -> memref<20000x64xf32, #tpu.memory_space<hbm>>
    %dma_start3A_58 = tpu.memref_slice %arg10[%dma_start3A_47] : memref<4x!tpu.dma_semaphore, #tpu.memory_space<semaphore_mem>> -> memref<1x!tpu.dma_semaphore, #tpu.memory_space<semaphore_mem>>
    %dma_start3A_59 = tpu.memref_squeeze %dma_start3A_58 : memref<1x!tpu.dma_semaphore, #tpu.memory_space<semaphore_mem>> -> memref<!tpu.dma_semaphore, #tpu.memory_space<semaphore_mem>>
    tpu.enqueue_indirect_dma source(%dma_start3A_57 : memref<20000x64xf32, #tpu.memory_space<hbm>>) target(%dma_start3A_51 : memref<125x64xf32, #tpu.memory_space<vmem>>) offsets(%dma_start3A_54 : memref<125xi32, #tpu.memory_space<vmem>>) semaphore(%dma_start3A_59 : memref<!tpu.dma_semaphore, #tpu.memory_space<semaphore_mem>>)
    %scan3A_60 = arith.constant 0 : i32
    %scan3A_61 = arith.constant 40 : i32
    %scan3A_62 = arith.addi %scan3A_60, %scan3A_61 : i32
    %scan3A_63 = arith.constant 1 : i32
    scf.for %scan3A_134 = %scan3A_60 to %scan3A_62 step %scan3A_63  : i32 {
      %mul3A_135 = arith.constant 4 : i32
      %mul3A_136 = arith.muli %scan3A_134, %mul3A_135 : i32
      %add3A_137 = arith.constant 0 : i32
      %add3A_138 = arith.addi %add3A_137, %mul3A_136 : i32
      %add3A_139 = arith.constant 0 : i32
      %add3A_140 = arith.addi %add3A_138, %add3A_139 : i32
      %dma_wait3A_141 = arith.constant 0 : i32
      %dma_wait3A_142 = arith.constant 0 : i32
      %dma_wait3A_143 = arith.constant 0 : i32
      %dma_wait3A_144 = arith.constant 0 : i32
      %dma_wait3A_145 = tpu.memref_slice %arg7[%dma_wait3A_141, %dma_wait3A_143, %dma_wait3A_144] : memref<4x125x64xf32, #tpu.memory_space<vmem>> -> memref<1x125x64xf32, #tpu.memory_space<vmem>>
      %dma_wait3A_146 = tpu.memref_squeeze %dma_wait3A_145 : memref<1x125x64xf32, #tpu.memory_space<vmem>> -> memref<125x64xf32, #tpu.memory_space<vmem>>
      %dma_wait3A_147 = arith.constant 0 : i32
      %dma_wait3A_148 = tpu.memref_slice %arg5[%add3A_140, %dma_wait3A_147] : memref<160x125xi32, #tpu.memory_space<vmem>> -> memref<1x125xi32, #tpu.memory_space<vmem>>
      %dma_wait3A_149 = tpu.memref_squeeze %dma_wait3A_148 : memref<1x125xi32, #tpu.memory_space<vmem>> -> memref<125xi32, #tpu.memory_space<vmem>>
      %dma_wait3A_150 = arith.constant 0 : i32
      %dma_wait3A_151 = arith.constant 0 : i32
      %dma_wait3A_152 = tpu.memref_slice %arg2[%dma_wait3A_150, %dma_wait3A_151] : memref<20000x64xf32, #tpu.memory_space<hbm>> -> memref<20000x64xf32, #tpu.memory_space<hbm>>
      %dma_wait3A_153 = tpu.memref_slice %arg10[%dma_wait3A_142] : memref<4x!tpu.dma_semaphore, #tpu.memory_space<semaphore_mem>> -> memref<1x!tpu.dma_semaphore, #tpu.memory_space<semaphore_mem>>
      %dma_wait3A_154 = tpu.memref_squeeze %dma_wait3A_153 : memref<1x!tpu.dma_semaphore, #tpu.memory_space<semaphore_mem>> -> memref<!tpu.dma_semaphore, #tpu.memory_space<semaphore_mem>>
      tpu.wait_indirect_dma semaphore(%dma_wait3A_154 : memref<!tpu.dma_semaphore, #tpu.memory_space<semaphore_mem>>) src(%dma_wait3A_152 : memref<20000x64xf32, #tpu.memory_space<hbm>>) dst(%dma_wait3A_146 : memref<125x64xf32, #tpu.memory_space<vmem>>)
      %dma_start3A_155 = arith.constant 0 : i32
      %dma_start3A_156 = arith.constant 0 : i32
      %dma_start3A_157 = arith.constant 0 : i32
      %dma_start3A_158 = arith.constant 0 : i32
      %dma_start3A_159 = tpu.memref_slice %arg7[%dma_start3A_155, %dma_start3A_157, %dma_start3A_158] : memref<4x125x64xf32, #tpu.memory_space<vmem>> -> memref<1x125x64xf32, #tpu.memory_space<vmem>>
      %dma_start3A_160 = tpu.memref_squeeze %dma_start3A_159 : memref<1x125x64xf32, #tpu.memory_space<vmem>> -> memref<125x64xf32, #tpu.memory_space<vmem>>
      %dma_start3A_161 = arith.constant 0 : i32
      %dma_start3A_162 = tpu.memref_slice %arg6[%add3A_140, %dma_start3A_161] : memref<160x125xi32, #tpu.memory_space<vmem>> -> memref<1x125xi32, #tpu.memory_space<vmem>>
      %dma_start3A_163 = tpu.memref_squeeze %dma_start3A_162 : memref<1x125xi32, #tpu.memory_space<vmem>> -> memref<125xi32, #tpu.memory_space<vmem>>
      %dma_start3A_164 = arith.constant 0 : i32
      %dma_start3A_165 = arith.constant 0 : i32
      %dma_start3A_166 = tpu.memref_slice %arg9[%dma_start3A_164, %dma_start3A_165] : memref<10000x64xf32, #tpu.memory_space<vmem_shared>> -> memref<10000x64xf32, #tpu.memory_space<vmem_shared>>
      %dma_start3A_167 = tpu.memref_slice %arg11[%dma_start3A_156] : memref<4x!tpu.dma_semaphore, #tpu.memory_space<semaphore_mem>> -> memref<1x!tpu.dma_semaphore, #tpu.memory_space<semaphore_mem>>
      %dma_start3A_168 = tpu.memref_squeeze %dma_start3A_167 : memref<1x!tpu.dma_semaphore, #tpu.memory_space<semaphore_mem>> -> memref<!tpu.dma_semaphore, #tpu.memory_space<semaphore_mem>>
      tpu.enqueue_indirect_dma source(%dma_start3A_160 : memref<125x64xf32, #tpu.memory_space<vmem>>) target(%dma_start3A_166 : memref<10000x64xf32, #tpu.memory_space<vmem_shared>>) offsets(%dma_start3A_163 : memref<125xi32, #tpu.memory_space<vmem>>) semaphore(%dma_start3A_168 : memref<!tpu.dma_semaphore, #tpu.memory_space<semaphore_mem>>) {add = true}
      %add3A_169 = arith.constant 3 : i32
      %add3A_170 = arith.addi %add3A_140, %add3A_169 : i32
      %lt3A = arith.constant 160 : i32
      %lt3A_171 = arith.cmpi slt, %add3A_170, %lt3A : i32
      %convert_element_type3A_172 = arith.extui %lt3A_171 : i1 to i32
      %cond3A_173 = arith.constant 0 : i32
      %cond3A_174 = arith.cmpi ne, %convert_element_type3A_172, %cond3A_173 : i32
      scf.if %cond3A_174 {
        %ge3A = arith.constant 1 : i32
        %ge3A_286 = arith.cmpi sge, %add3A_140, %ge3A : i32
        %convert_element_type3A_287 = arith.extui %ge3A_286 : i1 to i32
        %cond3A_288 = arith.constant 0 : i32
        %cond3A_289 = arith.cmpi ne, %convert_element_type3A_287, %cond3A_288 : i32
        scf.if %cond3A_289 {
          %sub3A = arith.constant 1 : i32
          %sub3A_306 = arith.subi %add3A_140, %sub3A : i32
          %dma_wait3A_307 = arith.constant 3 : i32
          %dma_wait3A_308 = arith.constant 3 : i32
          %dma_wait3A_309 = arith.constant 0 : i32
          %dma_wait3A_310 = arith.constant 0 : i32
          %dma_wait3A_311 = tpu.memref_slice %arg7[%dma_wait3A_307, %dma_wait3A_309, %dma_wait3A_310] : memref<4x125x64xf32, #tpu.memory_space<vmem>> -> memref<1x125x64xf32, #tpu.memory_space<vmem>>
          %dma_wait3A_312 = tpu.memref_squeeze %dma_wait3A_311 : memref<1x125x64xf32, #tpu.memory_space<vmem>> -> memref<125x64xf32, #tpu.memory_space<vmem>>
          %dma_wait3A_313 = arith.constant 0 : i32
          %dma_wait3A_314 = tpu.memref_slice %arg6[%sub3A_306, %dma_wait3A_313] : memref<160x125xi32, #tpu.memory_space<vmem>> -> memref<1x125xi32, #tpu.memory_space<vmem>>
          %dma_wait3A_315 = tpu.memref_squeeze %dma_wait3A_314 : memref<1x125xi32, #tpu.memory_space<vmem>> -> memref<125xi32, #tpu.memory_space<vmem>>
          %dma_wait3A_316 = arith.constant 0 : i32
          %dma_wait3A_317 = arith.constant 0 : i32
          %dma_wait3A_318 = tpu.memref_slice %arg9[%dma_wait3A_316, %dma_wait3A_317] : memref<10000x64xf32, #tpu.memory_space<vmem_shared>> -> memref<10000x64xf32, #tpu.memory_space<vmem_shared>>
          %dma_wait3A_319 = tpu.memref_slice %arg11[%dma_wait3A_308] : memref<4x!tpu.dma_semaphore, #tpu.memory_space<semaphore_mem>> -> memref<1x!tpu.dma_semaphore, #tpu.memory_space<semaphore_mem>>
          %dma_wait3A_320 = tpu.memref_squeeze %dma_wait3A_319 : memref<1x!tpu.dma_semaphore, #tpu.memory_space<semaphore_mem>> -> memref<!tpu.dma_semaphore, #tpu.memory_space<semaphore_mem>>
          tpu.wait_indirect_dma semaphore(%dma_wait3A_320 : memref<!tpu.dma_semaphore, #tpu.memory_space<semaphore_mem>>) src(%dma_wait3A_312 : memref<125x64xf32, #tpu.memory_space<vmem>>) dst(%dma_wait3A_318 : memref<10000x64xf32, #tpu.memory_space<vmem_shared>>)
        } else {
        }
        %add3A_290 = arith.constant 3 : i32
        %add3A_291 = arith.addi %add3A_140, %add3A_290 : i32
        %dma_start3A_292 = arith.constant 3 : i32
        %dma_start3A_293 = arith.constant 3 : i32
        %dma_start3A_294 = arith.constant 0 : i32
        %dma_start3A_295 = arith.constant 0 : i32
        %dma_start3A_296 = tpu.memref_slice %arg7[%dma_start3A_292, %dma_start3A_294, %dma_start3A_295] : memref<4x125x64xf32, #tpu.memory_space<vmem>> -> memref<1x125x64xf32, #tpu.memory_space<vmem>>
        %dma_start3A_297 = tpu.memref_squeeze %dma_start3A_296 : memref<1x125x64xf32, #tpu.memory_space<vmem>> -> memref<125x64xf32, #tpu.memory_space<vmem>>
        %dma_start3A_298 = arith.constant 0 : i32
        %dma_start3A_299 = tpu.memref_slice %arg5[%add3A_291, %dma_start3A_298] : memref<160x125xi32, #tpu.memory_space<vmem>> -> memref<1x125xi32, #tpu.memory_space<vmem>>
        %dma_start3A_300 = tpu.memref_squeeze %dma_start3A_299 : memref<1x125xi32, #tpu.memory_space<vmem>> -> memref<125xi32, #tpu.memory_space<vmem>>
        %dma_start3A_301 = arith.constant 0 : i32
        %dma_start3A_302 = arith.constant 0 : i32
        %dma_start3A_303 = tpu.memref_slice %arg2[%dma_start3A_301, %dma_start3A_302] : memref<20000x64xf32, #tpu.memory_space<hbm>> -> memref<20000x64xf32, #tpu.memory_space<hbm>>
        %dma_start3A_304 = tpu.memref_slice %arg10[%dma_start3A_293] : memref<4x!tpu.dma_semaphore, #tpu.memory_space<semaphore_mem>> -> memref<1x!tpu.dma_semaphore, #tpu.memory_space<semaphore_mem>>
        %dma_start3A_305 = tpu.memref_squeeze %dma_start3A_304 : memref<1x!tpu.dma_semaphore, #tpu.memory_space<semaphore_mem>> -> memref<!tpu.dma_semaphore, #tpu.memory_space<semaphore_mem>>
        tpu.enqueue_indirect_dma source(%dma_start3A_303 : memref<20000x64xf32, #tpu.memory_space<hbm>>) target(%dma_start3A_297 : memref<125x64xf32, #tpu.memory_space<vmem>>) offsets(%dma_start3A_300 : memref<125xi32, #tpu.memory_space<vmem>>) semaphore(%dma_start3A_305 : memref<!tpu.dma_semaphore, #tpu.memory_space<semaphore_mem>>)
      } else {
      }
      %add3A_175 = arith.constant 1 : i32
      %add3A_176 = arith.addi %add3A_138, %add3A_175 : i32
      %dma_wait3A_177 = arith.constant 1 : i32
      %dma_wait3A_178 = arith.constant 1 : i32
      %dma_wait3A_179 = arith.constant 0 : i32
      %dma_wait3A_180 = arith.constant 0 : i32
      %dma_wait3A_181 = tpu.memref_slice %arg7[%dma_wait3A_177, %dma_wait3A_179, %dma_wait3A_180] : memref<4x125x64xf32, #tpu.memory_space<vmem>> -> memref<1x125x64xf32, #tpu.memory_space<vmem>>
      %dma_wait3A_182 = tpu.memref_squeeze %dma_wait3A_181 : memref<1x125x64xf32, #tpu.memory_space<vmem>> -> memref<125x64xf32, #tpu.memory_space<vmem>>
      %dma_wait3A_183 = arith.constant 0 : i32
      %dma_wait3A_184 = tpu.memref_slice %arg5[%add3A_176, %dma_wait3A_183] : memref<160x125xi32, #tpu.memory_space<vmem>> -> memref<1x125xi32, #tpu.memory_space<vmem>>
      %dma_wait3A_185 = tpu.memref_squeeze %dma_wait3A_184 : memref<1x125xi32, #tpu.memory_space<vmem>> -> memref<125xi32, #tpu.memory_space<vmem>>
      %dma_wait3A_186 = arith.constant 0 : i32
      %dma_wait3A_187 = arith.constant 0 : i32
      %dma_wait3A_188 = tpu.memref_slice %arg2[%dma_wait3A_186, %dma_wait3A_187] : memref<20000x64xf32, #tpu.memory_space<hbm>> -> memref<20000x64xf32, #tpu.memory_space<hbm>>
      %dma_wait3A_189 = tpu.memref_slice %arg10[%dma_wait3A_178] : memref<4x!tpu.dma_semaphore, #tpu.memory_space<semaphore_mem>> -> memref<1x!tpu.dma_semaphore, #tpu.memory_space<semaphore_mem>>
      %dma_wait3A_190 = tpu.memref_squeeze %dma_wait3A_189 : memref<1x!tpu.dma_semaphore, #tpu.memory_space<semaphore_mem>> -> memref<!tpu.dma_semaphore, #tpu.memory_space<semaphore_mem>>
      tpu.wait_indirect_dma semaphore(%dma_wait3A_190 : memref<!tpu.dma_semaphore, #tpu.memory_space<semaphore_mem>>) src(%dma_wait3A_188 : memref<20000x64xf32, #tpu.memory_space<hbm>>) dst(%dma_wait3A_182 : memref<125x64xf32, #tpu.memory_space<vmem>>)
      %dma_start3A_191 = arith.constant 1 : i32
      %dma_start3A_192 = arith.constant 1 : i32
      %dma_start3A_193 = arith.constant 0 : i32
      %dma_start3A_194 = arith.constant 0 : i32
      %dma_start3A_195 = tpu.memref_slice %arg7[%dma_start3A_191, %dma_start3A_193, %dma_start3A_194] : memref<4x125x64xf32, #tpu.memory_space<vmem>> -> memref<1x125x64xf32, #tpu.memory_space<vmem>>
      %dma_start3A_196 = tpu.memref_squeeze %dma_start3A_195 : memref<1x125x64xf32, #tpu.memory_space<vmem>> -> memref<125x64xf32, #tpu.memory_space<vmem>>
      %dma_start3A_197 = arith.constant 0 : i32
      %dma_start3A_198 = tpu.memref_slice %arg6[%add3A_176, %dma_start3A_197] : memref<160x125xi32, #tpu.memory_space<vmem>> -> memref<1x125xi32, #tpu.memory_space<vmem>>
      %dma_start3A_199 = tpu.memref_squeeze %dma_start3A_198 : memref<1x125xi32, #tpu.memory_space<vmem>> -> memref<125xi32, #tpu.memory_space<vmem>>
      %dma_start3A_200 = arith.constant 0 : i32
      %dma_start3A_201 = arith.constant 0 : i32
      %dma_start3A_202 = tpu.memref_slice %arg9[%dma_start3A_200, %dma_start3A_201] : memref<10000x64xf32, #tpu.memory_space<vmem_shared>> -> memref<10000x64xf32, #tpu.memory_space<vmem_shared>>
      %dma_start3A_203 = tpu.memref_slice %arg11[%dma_start3A_192] : memref<4x!tpu.dma_semaphore, #tpu.memory_space<semaphore_mem>> -> memref<1x!tpu.dma_semaphore, #tpu.memory_space<semaphore_mem>>
      %dma_start3A_204 = tpu.memref_squeeze %dma_start3A_203 : memref<1x!tpu.dma_semaphore, #tpu.memory_space<semaphore_mem>> -> memref<!tpu.dma_semaphore, #tpu.memory_space<semaphore_mem>>
      tpu.enqueue_indirect_dma source(%dma_start3A_196 : memref<125x64xf32, #tpu.memory_space<vmem>>) target(%dma_start3A_202 : memref<10000x64xf32, #tpu.memory_space<vmem_shared>>) offsets(%dma_start3A_199 : memref<125xi32, #tpu.memory_space<vmem>>) semaphore(%dma_start3A_204 : memref<!tpu.dma_semaphore, #tpu.memory_space<semaphore_mem>>) {add = true}
      %add3A_205 = arith.constant 3 : i32
      %add3A_206 = arith.addi %add3A_176, %add3A_205 : i32
      %lt3A_207 = arith.constant 160 : i32
      %lt3A_208 = arith.cmpi slt, %add3A_206, %lt3A_207 : i32
      %convert_element_type3A_209 = arith.extui %lt3A_208 : i1 to i32
      %cond3A_210 = arith.constant 0 : i32
      %cond3A_211 = arith.cmpi ne, %convert_element_type3A_209, %cond3A_210 : i32
      scf.if %cond3A_211 {
        %ge3A = arith.constant 1 : i32
        %ge3A_286 = arith.cmpi sge, %add3A_176, %ge3A : i32
        %convert_element_type3A_287 = arith.extui %ge3A_286 : i1 to i32
        %cond3A_288 = arith.constant 0 : i32
        %cond3A_289 = arith.cmpi ne, %convert_element_type3A_287, %cond3A_288 : i32
        scf.if %cond3A_289 {
          %sub3A = arith.constant 1 : i32
          %sub3A_306 = arith.subi %add3A_176, %sub3A : i32
          %dma_wait3A_307 = arith.constant 0 : i32
          %dma_wait3A_308 = arith.constant 0 : i32
          %dma_wait3A_309 = arith.constant 0 : i32
          %dma_wait3A_310 = arith.constant 0 : i32
          %dma_wait3A_311 = tpu.memref_slice %arg7[%dma_wait3A_307, %dma_wait3A_309, %dma_wait3A_310] : memref<4x125x64xf32, #tpu.memory_space<vmem>> -> memref<1x125x64xf32, #tpu.memory_space<vmem>>
          %dma_wait3A_312 = tpu.memref_squeeze %dma_wait3A_311 : memref<1x125x64xf32, #tpu.memory_space<vmem>> -> memref<125x64xf32, #tpu.memory_space<vmem>>
          %dma_wait3A_313 = arith.constant 0 : i32
          %dma_wait3A_314 = tpu.memref_slice %arg6[%sub3A_306, %dma_wait3A_313] : memref<160x125xi32, #tpu.memory_space<vmem>> -> memref<1x125xi32, #tpu.memory_space<vmem>>
          %dma_wait3A_315 = tpu.memref_squeeze %dma_wait3A_314 : memref<1x125xi32, #tpu.memory_space<vmem>> -> memref<125xi32, #tpu.memory_space<vmem>>
          %dma_wait3A_316 = arith.constant 0 : i32
          %dma_wait3A_317 = arith.constant 0 : i32
          %dma_wait3A_318 = tpu.memref_slice %arg9[%dma_wait3A_316, %dma_wait3A_317] : memref<10000x64xf32, #tpu.memory_space<vmem_shared>> -> memref<10000x64xf32, #tpu.memory_space<vmem_shared>>
          %dma_wait3A_319 = tpu.memref_slice %arg11[%dma_wait3A_308] : memref<4x!tpu.dma_semaphore, #tpu.memory_space<semaphore_mem>> -> memref<1x!tpu.dma_semaphore, #tpu.memory_space<semaphore_mem>>
          %dma_wait3A_320 = tpu.memref_squeeze %dma_wait3A_319 : memref<1x!tpu.dma_semaphore, #tpu.memory_space<semaphore_mem>> -> memref<!tpu.dma_semaphore, #tpu.memory_space<semaphore_mem>>
          tpu.wait_indirect_dma semaphore(%dma_wait3A_320 : memref<!tpu.dma_semaphore, #tpu.memory_space<semaphore_mem>>) src(%dma_wait3A_312 : memref<125x64xf32, #tpu.memory_space<vmem>>) dst(%dma_wait3A_318 : memref<10000x64xf32, #tpu.memory_space<vmem_shared>>)
        } else {
        }
        %add3A_290 = arith.constant 3 : i32
        %add3A_291 = arith.addi %add3A_176, %add3A_290 : i32
        %dma_start3A_292 = arith.constant 0 : i32
        %dma_start3A_293 = arith.constant 0 : i32
        %dma_start3A_294 = arith.constant 0 : i32
        %dma_start3A_295 = arith.constant 0 : i32
        %dma_start3A_296 = tpu.memref_slice %arg7[%dma_start3A_292, %dma_start3A_294, %dma_start3A_295] : memref<4x125x64xf32, #tpu.memory_space<vmem>> -> memref<1x125x64xf32, #tpu.memory_space<vmem>>
        %dma_start3A_297 = tpu.memref_squeeze %dma_start3A_296 : memref<1x125x64xf32, #tpu.memory_space<vmem>> -> memref<125x64xf32, #tpu.memory_space<vmem>>
        %dma_start3A_298 = arith.constant 0 : i32
        %dma_start3A_299 = tpu.memref_slice %arg5[%add3A_291, %dma_start3A_298] : memref<160x125xi32, #tpu.memory_space<vmem>> -> memref<1x125xi32, #tpu.memory_space<vmem>>
        %dma_start3A_300 = tpu.memref_squeeze %dma_start3A_299 : memref<1x125xi32, #tpu.memory_space<vmem>> -> memref<125xi32, #tpu.memory_space<vmem>>
        %dma_start3A_301 = arith.constant 0 : i32
        %dma_start3A_302 = arith.constant 0 : i32
        %dma_start3A_303 = tpu.memref_slice %arg2[%dma_start3A_301, %dma_start3A_302] : memref<20000x64xf32, #tpu.memory_space<hbm>> -> memref<20000x64xf32, #tpu.memory_space<hbm>>
        %dma_start3A_304 = tpu.memref_slice %arg10[%dma_start3A_293] : memref<4x!tpu.dma_semaphore, #tpu.memory_space<semaphore_mem>> -> memref<1x!tpu.dma_semaphore, #tpu.memory_space<semaphore_mem>>
        %dma_start3A_305 = tpu.memref_squeeze %dma_start3A_304 : memref<1x!tpu.dma_semaphore, #tpu.memory_space<semaphore_mem>> -> memref<!tpu.dma_semaphore, #tpu.memory_space<semaphore_mem>>
        tpu.enqueue_indirect_dma source(%dma_start3A_303 : memref<20000x64xf32, #tpu.memory_space<hbm>>) target(%dma_start3A_297 : memref<125x64xf32, #tpu.memory_space<vmem>>) offsets(%dma_start3A_300 : memref<125xi32, #tpu.memory_space<vmem>>) semaphore(%dma_start3A_305 : memref<!tpu.dma_semaphore, #tpu.memory_space<semaphore_mem>>)
      } else {
      }
      %add3A_212 = arith.constant 2 : i32
      %add3A_213 = arith.addi %add3A_138, %add3A_212 : i32
      %dma_wait3A_214 = arith.constant 2 : i32
      %dma_wait3A_215 = arith.constant 2 : i32
      %dma_wait3A_216 = arith.constant 0 : i32
      %dma_wait3A_217 = arith.constant 0 : i32
      %dma_wait3A_218 = tpu.memref_slice %arg7[%dma_wait3A_214, %dma_wait3A_216, %dma_wait3A_217] : memref<4x125x64xf32, #tpu.memory_space<vmem>> -> memref<1x125x64xf32, #tpu.memory_space<vmem>>
      %dma_wait3A_219 = tpu.memref_squeeze %dma_wait3A_218 : memref<1x125x64xf32, #tpu.memory_space<vmem>> -> memref<125x64xf32, #tpu.memory_space<vmem>>
      %dma_wait3A_220 = arith.constant 0 : i32
      %dma_wait3A_221 = tpu.memref_slice %arg5[%add3A_213, %dma_wait3A_220] : memref<160x125xi32, #tpu.memory_space<vmem>> -> memref<1x125xi32, #tpu.memory_space<vmem>>
      %dma_wait3A_222 = tpu.memref_squeeze %dma_wait3A_221 : memref<1x125xi32, #tpu.memory_space<vmem>> -> memref<125xi32, #tpu.memory_space<vmem>>
      %dma_wait3A_223 = arith.constant 0 : i32
      %dma_wait3A_224 = arith.constant 0 : i32
      %dma_wait3A_225 = tpu.memref_slice %arg2[%dma_wait3A_223, %dma_wait3A_224] : memref<20000x64xf32, #tpu.memory_space<hbm>> -> memref<20000x64xf32, #tpu.memory_space<hbm>>
      %dma_wait3A_226 = tpu.memref_slice %arg10[%dma_wait3A_215] : memref<4x!tpu.dma_semaphore, #tpu.memory_space<semaphore_mem>> -> memref<1x!tpu.dma_semaphore, #tpu.memory_space<semaphore_mem>>
      %dma_wait3A_227 = tpu.memref_squeeze %dma_wait3A_226 : memref<1x!tpu.dma_semaphore, #tpu.memory_space<semaphore_mem>> -> memref<!tpu.dma_semaphore, #tpu.memory_space<semaphore_mem>>
      tpu.wait_indirect_dma semaphore(%dma_wait3A_227 : memref<!tpu.dma_semaphore, #tpu.memory_space<semaphore_mem>>) src(%dma_wait3A_225 : memref<20000x64xf32, #tpu.memory_space<hbm>>) dst(%dma_wait3A_219 : memref<125x64xf32, #tpu.memory_space<vmem>>)
      %dma_start3A_228 = arith.constant 2 : i32
      %dma_start3A_229 = arith.constant 2 : i32
      %dma_start3A_230 = arith.constant 0 : i32
      %dma_start3A_231 = arith.constant 0 : i32
      %dma_start3A_232 = tpu.memref_slice %arg7[%dma_start3A_228, %dma_start3A_230, %dma_start3A_231] : memref<4x125x64xf32, #tpu.memory_space<vmem>> -> memref<1x125x64xf32, #tpu.memory_space<vmem>>
      %dma_start3A_233 = tpu.memref_squeeze %dma_start3A_232 : memref<1x125x64xf32, #tpu.memory_space<vmem>> -> memref<125x64xf32, #tpu.memory_space<vmem>>
      %dma_start3A_234 = arith.constant 0 : i32
      %dma_start3A_235 = tpu.memref_slice %arg6[%add3A_213, %dma_start3A_234] : memref<160x125xi32, #tpu.memory_space<vmem>> -> memref<1x125xi32, #tpu.memory_space<vmem>>
      %dma_start3A_236 = tpu.memref_squeeze %dma_start3A_235 : memref<1x125xi32, #tpu.memory_space<vmem>> -> memref<125xi32, #tpu.memory_space<vmem>>
      %dma_start3A_237 = arith.constant 0 : i32
      %dma_start3A_238 = arith.constant 0 : i32
      %dma_start3A_239 = tpu.memref_slice %arg9[%dma_start3A_237, %dma_start3A_238] : memref<10000x64xf32, #tpu.memory_space<vmem_shared>> -> memref<10000x64xf32, #tpu.memory_space<vmem_shared>>
      %dma_start3A_240 = tpu.memref_slice %arg11[%dma_start3A_229] : memref<4x!tpu.dma_semaphore, #tpu.memory_space<semaphore_mem>> -> memref<1x!tpu.dma_semaphore, #tpu.memory_space<semaphore_mem>>
      %dma_start3A_241 = tpu.memref_squeeze %dma_start3A_240 : memref<1x!tpu.dma_semaphore, #tpu.memory_space<semaphore_mem>> -> memref<!tpu.dma_semaphore, #tpu.memory_space<semaphore_mem>>
      tpu.enqueue_indirect_dma source(%dma_start3A_233 : memref<125x64xf32, #tpu.memory_space<vmem>>) target(%dma_start3A_239 : memref<10000x64xf32, #tpu.memory_space<vmem_shared>>) offsets(%dma_start3A_236 : memref<125xi32, #tpu.memory_space<vmem>>) semaphore(%dma_start3A_241 : memref<!tpu.dma_semaphore, #tpu.memory_space<semaphore_mem>>) {add = true}
      %add3A_242 = arith.constant 3 : i32
      %add3A_243 = arith.addi %add3A_213, %add3A_242 : i32
      %lt3A_244 = arith.constant 160 : i32
      %lt3A_245 = arith.cmpi slt, %add3A_243, %lt3A_244 : i32
      %convert_element_type3A_246 = arith.extui %lt3A_245 : i1 to i32
      %cond3A_247 = arith.constant 0 : i32
      %cond3A_248 = arith.cmpi ne, %convert_element_type3A_246, %cond3A_247 : i32
      scf.if %cond3A_248 {
        %ge3A = arith.constant 1 : i32
        %ge3A_286 = arith.cmpi sge, %add3A_213, %ge3A : i32
        %convert_element_type3A_287 = arith.extui %ge3A_286 : i1 to i32
        %cond3A_288 = arith.constant 0 : i32
        %cond3A_289 = arith.cmpi ne, %convert_element_type3A_287, %cond3A_288 : i32
        scf.if %cond3A_289 {
          %sub3A = arith.constant 1 : i32
          %sub3A_306 = arith.subi %add3A_213, %sub3A : i32
          %dma_wait3A_307 = arith.constant 1 : i32
          %dma_wait3A_308 = arith.constant 1 : i32
          %dma_wait3A_309 = arith.constant 0 : i32
          %dma_wait3A_310 = arith.constant 0 : i32
          %dma_wait3A_311 = tpu.memref_slice %arg7[%dma_wait3A_307, %dma_wait3A_309, %dma_wait3A_310] : memref<4x125x64xf32, #tpu.memory_space<vmem>> -> memref<1x125x64xf32, #tpu.memory_space<vmem>>
          %dma_wait3A_312 = tpu.memref_squeeze %dma_wait3A_311 : memref<1x125x64xf32, #tpu.memory_space<vmem>> -> memref<125x64xf32, #tpu.memory_space<vmem>>
          %dma_wait3A_313 = arith.constant 0 : i32
          %dma_wait3A_314 = tpu.memref_slice %arg6[%sub3A_306, %dma_wait3A_313] : memref<160x125xi32, #tpu.memory_space<vmem>> -> memref<1x125xi32, #tpu.memory_space<vmem>>
          %dma_wait3A_315 = tpu.memref_squeeze %dma_wait3A_314 : memref<1x125xi32, #tpu.memory_space<vmem>> -> memref<125xi32, #tpu.memory_space<vmem>>
          %dma_wait3A_316 = arith.constant 0 : i32
          %dma_wait3A_317 = arith.constant 0 : i32
          %dma_wait3A_318 = tpu.memref_slice %arg9[%dma_wait3A_316, %dma_wait3A_317] : memref<10000x64xf32, #tpu.memory_space<vmem_shared>> -> memref<10000x64xf32, #tpu.memory_space<vmem_shared>>
          %dma_wait3A_319 = tpu.memref_slice %arg11[%dma_wait3A_308] : memref<4x!tpu.dma_semaphore, #tpu.memory_space<semaphore_mem>> -> memref<1x!tpu.dma_semaphore, #tpu.memory_space<semaphore_mem>>
          %dma_wait3A_320 = tpu.memref_squeeze %dma_wait3A_319 : memref<1x!tpu.dma_semaphore, #tpu.memory_space<semaphore_mem>> -> memref<!tpu.dma_semaphore, #tpu.memory_space<semaphore_mem>>
          tpu.wait_indirect_dma semaphore(%dma_wait3A_320 : memref<!tpu.dma_semaphore, #tpu.memory_space<semaphore_mem>>) src(%dma_wait3A_312 : memref<125x64xf32, #tpu.memory_space<vmem>>) dst(%dma_wait3A_318 : memref<10000x64xf32, #tpu.memory_space<vmem_shared>>)
        } else {
        }
        %add3A_290 = arith.constant 3 : i32
        %add3A_291 = arith.addi %add3A_213, %add3A_290 : i32
        %dma_start3A_292 = arith.constant 1 : i32
        %dma_start3A_293 = arith.constant 1 : i32
        %dma_start3A_294 = arith.constant 0 : i32
        %dma_start3A_295 = arith.constant 0 : i32
        %dma_start3A_296 = tpu.memref_slice %arg7[%dma_start3A_292, %dma_start3A_294, %dma_start3A_295] : memref<4x125x64xf32, #tpu.memory_space<vmem>> -> memref<1x125x64xf32, #tpu.memory_space<vmem>>
        %dma_start3A_297 = tpu.memref_squeeze %dma_start3A_296 : memref<1x125x64xf32, #tpu.memory_space<vmem>> -> memref<125x64xf32, #tpu.memory_space<vmem>>
        %dma_start3A_298 = arith.constant 0 : i32
        %dma_start3A_299 = tpu.memref_slice %arg5[%add3A_291, %dma_start3A_298] : memref<160x125xi32, #tpu.memory_space<vmem>> -> memref<1x125xi32, #tpu.memory_space<vmem>>
        %dma_start3A_300 = tpu.memref_squeeze %dma_start3A_299 : memref<1x125xi32, #tpu.memory_space<vmem>> -> memref<125xi32, #tpu.memory_space<vmem>>
        %dma_start3A_301 = arith.constant 0 : i32
        %dma_start3A_302 = arith.constant 0 : i32
        %dma_start3A_303 = tpu.memref_slice %arg2[%dma_start3A_301, %dma_start3A_302] : memref<20000x64xf32, #tpu.memory_space<hbm>> -> memref<20000x64xf32, #tpu.memory_space<hbm>>
        %dma_start3A_304 = tpu.memref_slice %arg10[%dma_start3A_293] : memref<4x!tpu.dma_semaphore, #tpu.memory_space<semaphore_mem>> -> memref<1x!tpu.dma_semaphore, #tpu.memory_space<semaphore_mem>>
        %dma_start3A_305 = tpu.memref_squeeze %dma_start3A_304 : memref<1x!tpu.dma_semaphore, #tpu.memory_space<semaphore_mem>> -> memref<!tpu.dma_semaphore, #tpu.memory_space<semaphore_mem>>
        tpu.enqueue_indirect_dma source(%dma_start3A_303 : memref<20000x64xf32, #tpu.memory_space<hbm>>) target(%dma_start3A_297 : memref<125x64xf32, #tpu.memory_space<vmem>>) offsets(%dma_start3A_300 : memref<125xi32, #tpu.memory_space<vmem>>) semaphore(%dma_start3A_305 : memref<!tpu.dma_semaphore, #tpu.memory_space<semaphore_mem>>)
      } else {
      }
      %add3A_249 = arith.constant 3 : i32
      %add3A_250 = arith.addi %add3A_138, %add3A_249 : i32
      %dma_wait3A_251 = arith.constant 3 : i32
      %dma_wait3A_252 = arith.constant 3 : i32
      %dma_wait3A_253 = arith.constant 0 : i32
      %dma_wait3A_254 = arith.constant 0 : i32
      %dma_wait3A_255 = tpu.memref_slice %arg7[%dma_wait3A_251, %dma_wait3A_253, %dma_wait3A_254] : memref<4x125x64xf32, #tpu.memory_space<vmem>> -> memref<1x125x64xf32, #tpu.memory_space<vmem>>
      %dma_wait3A_256 = tpu.memref_squeeze %dma_wait3A_255 : memref<1x125x64xf32, #tpu.memory_space<vmem>> -> memref<125x64xf32, #tpu.memory_space<vmem>>
      %dma_wait3A_257 = arith.constant 0 : i32
      %dma_wait3A_258 = tpu.memref_slice %arg5[%add3A_250, %dma_wait3A_257] : memref<160x125xi32, #tpu.memory_space<vmem>> -> memref<1x125xi32, #tpu.memory_space<vmem>>
      %dma_wait3A_259 = tpu.memref_squeeze %dma_wait3A_258 : memref<1x125xi32, #tpu.memory_space<vmem>> -> memref<125xi32, #tpu.memory_space<vmem>>
      %dma_wait3A_260 = arith.constant 0 : i32
      %dma_wait3A_261 = arith.constant 0 : i32
      %dma_wait3A_262 = tpu.memref_slice %arg2[%dma_wait3A_260, %dma_wait3A_261] : memref<20000x64xf32, #tpu.memory_space<hbm>> -> memref<20000x64xf32, #tpu.memory_space<hbm>>
      %dma_wait3A_263 = tpu.memref_slice %arg10[%dma_wait3A_252] : memref<4x!tpu.dma_semaphore, #tpu.memory_space<semaphore_mem>> -> memref<1x!tpu.dma_semaphore, #tpu.memory_space<semaphore_mem>>
      %dma_wait3A_264 = tpu.memref_squeeze %dma_wait3A_263 : memref<1x!tpu.dma_semaphore, #tpu.memory_space<semaphore_mem>> -> memref<!tpu.dma_semaphore, #tpu.memory_space<semaphore_mem>>
      tpu.wait_indirect_dma semaphore(%dma_wait3A_264 : memref<!tpu.dma_semaphore, #tpu.memory_space<semaphore_mem>>) src(%dma_wait3A_262 : memref<20000x64xf32, #tpu.memory_space<hbm>>) dst(%dma_wait3A_256 : memref<125x64xf32, #tpu.memory_space<vmem>>)
      %dma_start3A_265 = arith.constant 3 : i32
      %dma_start3A_266 = arith.constant 3 : i32
      %dma_start3A_267 = arith.constant 0 : i32
      %dma_start3A_268 = arith.constant 0 : i32
      %dma_start3A_269 = tpu.memref_slice %arg7[%dma_start3A_265, %dma_start3A_267, %dma_start3A_268] : memref<4x125x64xf32, #tpu.memory_space<vmem>> -> memref<1x125x64xf32, #tpu.memory_space<vmem>>
      %dma_start3A_270 = tpu.memref_squeeze %dma_start3A_269 : memref<1x125x64xf32, #tpu.memory_space<vmem>> -> memref<125x64xf32, #tpu.memory_space<vmem>>
      %dma_start3A_271 = arith.constant 0 : i32
      %dma_start3A_272 = tpu.memref_slice %arg6[%add3A_250, %dma_start3A_271] : memref<160x125xi32, #tpu.memory_space<vmem>> -> memref<1x125xi32, #tpu.memory_space<vmem>>
      %dma_start3A_273 = tpu.memref_squeeze %dma_start3A_272 : memref<1x125xi32, #tpu.memory_space<vmem>> -> memref<125xi32, #tpu.memory_space<vmem>>
      %dma_start3A_274 = arith.constant 0 : i32
      %dma_start3A_275 = arith.constant 0 : i32
      %dma_start3A_276 = tpu.memref_slice %arg9[%dma_start3A_274, %dma_start3A_275] : memref<10000x64xf32, #tpu.memory_space<vmem_shared>> -> memref<10000x64xf32, #tpu.memory_space<vmem_shared>>
      %dma_start3A_277 = tpu.memref_slice %arg11[%dma_start3A_266] : memref<4x!tpu.dma_semaphore, #tpu.memory_space<semaphore_mem>> -> memref<1x!tpu.dma_semaphore, #tpu.memory_space<semaphore_mem>>
      %dma_start3A_278 = tpu.memref_squeeze %dma_start3A_277 : memref<1x!tpu.dma_semaphore, #tpu.memory_space<semaphore_mem>> -> memref<!tpu.dma_semaphore, #tpu.memory_space<semaphore_mem>>
      tpu.enqueue_indirect_dma source(%dma_start3A_270 : memref<125x64xf32, #tpu.memory_space<vmem>>) target(%dma_start3A_276 : memref<10000x64xf32, #tpu.memory_space<vmem_shared>>) offsets(%dma_start3A_273 : memref<125xi32, #tpu.memory_space<vmem>>) semaphore(%dma_start3A_278 : memref<!tpu.dma_semaphore, #tpu.memory_space<semaphore_mem>>) {add = true}
      %add3A_279 = arith.constant 3 : i32
      %add3A_280 = arith.addi %add3A_250, %add3A_279 : i32
      %lt3A_281 = arith.constant 160 : i32
      %lt3A_282 = arith.cmpi slt, %add3A_280, %lt3A_281 : i32
      %convert_element_type3A_283 = arith.extui %lt3A_282 : i1 to i32
      %cond3A_284 = arith.constant 0 : i32
      %cond3A_285 = arith.cmpi ne, %convert_element_type3A_283, %cond3A_284 : i32
      scf.if %cond3A_285 {
        %ge3A = arith.constant 1 : i32
        %ge3A_286 = arith.cmpi sge, %add3A_250, %ge3A : i32
        %convert_element_type3A_287 = arith.extui %ge3A_286 : i1 to i32
        %cond3A_288 = arith.constant 0 : i32
        %cond3A_289 = arith.cmpi ne, %convert_element_type3A_287, %cond3A_288 : i32
        scf.if %cond3A_289 {
          %sub3A = arith.constant 1 : i32
          %sub3A_306 = arith.subi %add3A_250, %sub3A : i32
          %dma_wait3A_307 = arith.constant 2 : i32
          %dma_wait3A_308 = arith.constant 2 : i32
          %dma_wait3A_309 = arith.constant 0 : i32
          %dma_wait3A_310 = arith.constant 0 : i32
          %dma_wait3A_311 = tpu.memref_slice %arg7[%dma_wait3A_307, %dma_wait3A_309, %dma_wait3A_310] : memref<4x125x64xf32, #tpu.memory_space<vmem>> -> memref<1x125x64xf32, #tpu.memory_space<vmem>>
          %dma_wait3A_312 = tpu.memref_squeeze %dma_wait3A_311 : memref<1x125x64xf32, #tpu.memory_space<vmem>> -> memref<125x64xf32, #tpu.memory_space<vmem>>
          %dma_wait3A_313 = arith.constant 0 : i32
          %dma_wait3A_314 = tpu.memref_slice %arg6[%sub3A_306, %dma_wait3A_313] : memref<160x125xi32, #tpu.memory_space<vmem>> -> memref<1x125xi32, #tpu.memory_space<vmem>>
          %dma_wait3A_315 = tpu.memref_squeeze %dma_wait3A_314 : memref<1x125xi32, #tpu.memory_space<vmem>> -> memref<125xi32, #tpu.memory_space<vmem>>
          %dma_wait3A_316 = arith.constant 0 : i32
          %dma_wait3A_317 = arith.constant 0 : i32
          %dma_wait3A_318 = tpu.memref_slice %arg9[%dma_wait3A_316, %dma_wait3A_317] : memref<10000x64xf32, #tpu.memory_space<vmem_shared>> -> memref<10000x64xf32, #tpu.memory_space<vmem_shared>>
          %dma_wait3A_319 = tpu.memref_slice %arg11[%dma_wait3A_308] : memref<4x!tpu.dma_semaphore, #tpu.memory_space<semaphore_mem>> -> memref<1x!tpu.dma_semaphore, #tpu.memory_space<semaphore_mem>>
          %dma_wait3A_320 = tpu.memref_squeeze %dma_wait3A_319 : memref<1x!tpu.dma_semaphore, #tpu.memory_space<semaphore_mem>> -> memref<!tpu.dma_semaphore, #tpu.memory_space<semaphore_mem>>
          tpu.wait_indirect_dma semaphore(%dma_wait3A_320 : memref<!tpu.dma_semaphore, #tpu.memory_space<semaphore_mem>>) src(%dma_wait3A_312 : memref<125x64xf32, #tpu.memory_space<vmem>>) dst(%dma_wait3A_318 : memref<10000x64xf32, #tpu.memory_space<vmem_shared>>)
        } else {
        }
        %add3A_290 = arith.constant 3 : i32
        %add3A_291 = arith.addi %add3A_250, %add3A_290 : i32
        %dma_start3A_292 = arith.constant 2 : i32
        %dma_start3A_293 = arith.constant 2 : i32
        %dma_start3A_294 = arith.constant 0 : i32
        %dma_start3A_295 = arith.constant 0 : i32
        %dma_start3A_296 = tpu.memref_slice %arg7[%dma_start3A_292, %dma_start3A_294, %dma_start3A_295] : memref<4x125x64xf32, #tpu.memory_space<vmem>> -> memref<1x125x64xf32, #tpu.memory_space<vmem>>
        %dma_start3A_297 = tpu.memref_squeeze %dma_start3A_296 : memref<1x125x64xf32, #tpu.memory_space<vmem>> -> memref<125x64xf32, #tpu.memory_space<vmem>>
        %dma_start3A_298 = arith.constant 0 : i32
        %dma_start3A_299 = tpu.memref_slice %arg5[%add3A_291, %dma_start3A_298] : memref<160x125xi32, #tpu.memory_space<vmem>> -> memref<1x125xi32, #tpu.memory_space<vmem>>
        %dma_start3A_300 = tpu.memref_squeeze %dma_start3A_299 : memref<1x125xi32, #tpu.memory_space<vmem>> -> memref<125xi32, #tpu.memory_space<vmem>>
        %dma_start3A_301 = arith.constant 0 : i32
        %dma_start3A_302 = arith.constant 0 : i32
        %dma_start3A_303 = tpu.memref_slice %arg2[%dma_start3A_301, %dma_start3A_302] : memref<20000x64xf32, #tpu.memory_space<hbm>> -> memref<20000x64xf32, #tpu.memory_space<hbm>>
        %dma_start3A_304 = tpu.memref_slice %arg10[%dma_start3A_293] : memref<4x!tpu.dma_semaphore, #tpu.memory_space<semaphore_mem>> -> memref<1x!tpu.dma_semaphore, #tpu.memory_space<semaphore_mem>>
        %dma_start3A_305 = tpu.memref_squeeze %dma_start3A_304 : memref<1x!tpu.dma_semaphore, #tpu.memory_space<semaphore_mem>> -> memref<!tpu.dma_semaphore, #tpu.memory_space<semaphore_mem>>
        tpu.enqueue_indirect_dma source(%dma_start3A_303 : memref<20000x64xf32, #tpu.memory_space<hbm>>) target(%dma_start3A_297 : memref<125x64xf32, #tpu.memory_space<vmem>>) offsets(%dma_start3A_300 : memref<125xi32, #tpu.memory_space<vmem>>) semaphore(%dma_start3A_305 : memref<!tpu.dma_semaphore, #tpu.memory_space<semaphore_mem>>)
      } else {
      }
    }
    %scan3A_64 = arith.constant 40 : i32
    %dma_wait3A = arith.constant 0 : i32
    %dma_wait3A_65 = arith.constant 156 : i32
    %dma_wait3A_66 = arith.constant 0 : i32
    %dma_wait3A_67 = arith.constant 0 : i32
    %dma_wait3A_68 = arith.constant 0 : i32
    %dma_wait3A_69 = tpu.memref_slice %arg7[%dma_wait3A, %dma_wait3A_67, %dma_wait3A_68] : memref<4x125x64xf32, #tpu.memory_space<vmem>> -> memref<1x125x64xf32, #tpu.memory_space<vmem>>
    %dma_wait3A_70 = tpu.memref_squeeze %dma_wait3A_69 : memref<1x125x64xf32, #tpu.memory_space<vmem>> -> memref<125x64xf32, #tpu.memory_space<vmem>>
    %dma_wait3A_71 = arith.constant 0 : i32
    %dma_wait3A_72 = tpu.memref_slice %arg6[%dma_wait3A_65, %dma_wait3A_71] : memref<160x125xi32, #tpu.memory_space<vmem>> -> memref<1x125xi32, #tpu.memory_space<vmem>>
    %dma_wait3A_73 = tpu.memref_squeeze %dma_wait3A_72 : memref<1x125xi32, #tpu.memory_space<vmem>> -> memref<125xi32, #tpu.memory_space<vmem>>
    %dma_wait3A_74 = arith.constant 0 : i32
    %dma_wait3A_75 = arith.constant 0 : i32
    %dma_wait3A_76 = tpu.memref_slice %arg9[%dma_wait3A_74, %dma_wait3A_75] : memref<10000x64xf32, #tpu.memory_space<vmem_shared>> -> memref<10000x64xf32, #tpu.memory_space<vmem_shared>>
    %dma_wait3A_77 = tpu.memref_slice %arg11[%dma_wait3A_66] : memref<4x!tpu.dma_semaphore, #tpu.memory_space<semaphore_mem>> -> memref<1x!tpu.dma_semaphore, #tpu.memory_space<semaphore_mem>>
    %dma_wait3A_78 = tpu.memref_squeeze %dma_wait3A_77 : memref<1x!tpu.dma_semaphore, #tpu.memory_space<semaphore_mem>> -> memref<!tpu.dma_semaphore, #tpu.memory_space<semaphore_mem>>
    tpu.wait_indirect_dma semaphore(%dma_wait3A_78 : memref<!tpu.dma_semaphore, #tpu.memory_space<semaphore_mem>>) src(%dma_wait3A_70 : memref<125x64xf32, #tpu.memory_space<vmem>>) dst(%dma_wait3A_76 : memref<10000x64xf32, #tpu.memory_space<vmem_shared>>)
    %dma_wait3A_79 = arith.constant 1 : i32
    %dma_wait3A_80 = arith.constant 157 : i32
    %dma_wait3A_81 = arith.constant 1 : i32
    %dma_wait3A_82 = arith.constant 0 : i32
    %dma_wait3A_83 = arith.constant 0 : i32
    %dma_wait3A_84 = tpu.memref_slice %arg7[%dma_wait3A_79, %dma_wait3A_82, %dma_wait3A_83] : memref<4x125x64xf32, #tpu.memory_space<vmem>> -> memref<1x125x64xf32, #tpu.memory_space<vmem>>
    %dma_wait3A_85 = tpu.memref_squeeze %dma_wait3A_84 : memref<1x125x64xf32, #tpu.memory_space<vmem>> -> memref<125x64xf32, #tpu.memory_space<vmem>>
    %dma_wait3A_86 = arith.constant 0 : i32
    %dma_wait3A_87 = tpu.memref_slice %arg6[%dma_wait3A_80, %dma_wait3A_86] : memref<160x125xi32, #tpu.memory_space<vmem>> -> memref<1x125xi32, #tpu.memory_space<vmem>>
    %dma_wait3A_88 = tpu.memref_squeeze %dma_wait3A_87 : memref<1x125xi32, #tpu.memory_space<vmem>> -> memref<125xi32, #tpu.memory_space<vmem>>
    %dma_wait3A_89 = arith.constant 0 : i32
    %dma_wait3A_90 = arith.constant 0 : i32
    %dma_wait3A_91 = tpu.memref_slice %arg9[%dma_wait3A_89, %dma_wait3A_90] : memref<10000x64xf32, #tpu.memory_space<vmem_shared>> -> memref<10000x64xf32, #tpu.memory_space<vmem_shared>>
    %dma_wait3A_92 = tpu.memref_slice %arg11[%dma_wait3A_81] : memref<4x!tpu.dma_semaphore, #tpu.memory_space<semaphore_mem>> -> memref<1x!tpu.dma_semaphore, #tpu.memory_space<semaphore_mem>>
    %dma_wait3A_93 = tpu.memref_squeeze %dma_wait3A_92 : memref<1x!tpu.dma_semaphore, #tpu.memory_space<semaphore_mem>> -> memref<!tpu.dma_semaphore, #tpu.memory_space<semaphore_mem>>
    tpu.wait_indirect_dma semaphore(%dma_wait3A_93 : memref<!tpu.dma_semaphore, #tpu.memory_space<semaphore_mem>>) src(%dma_wait3A_85 : memref<125x64xf32, #tpu.memory_space<vmem>>) dst(%dma_wait3A_91 : memref<10000x64xf32, #tpu.memory_space<vmem_shared>>)
    %dma_wait3A_94 = arith.constant 2 : i32
    %dma_wait3A_95 = arith.constant 158 : i32
    %dma_wait3A_96 = arith.constant 2 : i32
    %dma_wait3A_97 = arith.constant 0 : i32
    %dma_wait3A_98 = arith.constant 0 : i32
    %dma_wait3A_99 = tpu.memref_slice %arg7[%dma_wait3A_94, %dma_wait3A_97, %dma_wait3A_98] : memref<4x125x64xf32, #tpu.memory_space<vmem>> -> memref<1x125x64xf32, #tpu.memory_space<vmem>>
    %dma_wait3A_100 = tpu.memref_squeeze %dma_wait3A_99 : memref<1x125x64xf32, #tpu.memory_space<vmem>> -> memref<125x64xf32, #tpu.memory_space<vmem>>
    %dma_wait3A_101 = arith.constant 0 : i32
    %dma_wait3A_102 = tpu.memref_slice %arg6[%dma_wait3A_95, %dma_wait3A_101] : memref<160x125xi32, #tpu.memory_space<vmem>> -> memref<1x125xi32, #tpu.memory_space<vmem>>
    %dma_wait3A_103 = tpu.memref_squeeze %dma_wait3A_102 : memref<1x125xi32, #tpu.memory_space<vmem>> -> memref<125xi32, #tpu.memory_space<vmem>>
    %dma_wait3A_104 = arith.constant 0 : i32
    %dma_wait3A_105 = arith.constant 0 : i32
    %dma_wait3A_106 = tpu.memref_slice %arg9[%dma_wait3A_104, %dma_wait3A_105] : memref<10000x64xf32, #tpu.memory_space<vmem_shared>> -> memref<10000x64xf32, #tpu.memory_space<vmem_shared>>
    %dma_wait3A_107 = tpu.memref_slice %arg11[%dma_wait3A_96] : memref<4x!tpu.dma_semaphore, #tpu.memory_space<semaphore_mem>> -> memref<1x!tpu.dma_semaphore, #tpu.memory_space<semaphore_mem>>
    %dma_wait3A_108 = tpu.memref_squeeze %dma_wait3A_107 : memref<1x!tpu.dma_semaphore, #tpu.memory_space<semaphore_mem>> -> memref<!tpu.dma_semaphore, #tpu.memory_space<semaphore_mem>>
    tpu.wait_indirect_dma semaphore(%dma_wait3A_108 : memref<!tpu.dma_semaphore, #tpu.memory_space<semaphore_mem>>) src(%dma_wait3A_100 : memref<125x64xf32, #tpu.memory_space<vmem>>) dst(%dma_wait3A_106 : memref<10000x64xf32, #tpu.memory_space<vmem_shared>>)
    %dma_wait3A_109 = arith.constant 3 : i32
    %dma_wait3A_110 = arith.constant 159 : i32
    %dma_wait3A_111 = arith.constant 3 : i32
    %dma_wait3A_112 = arith.constant 0 : i32
    %dma_wait3A_113 = arith.constant 0 : i32
    %dma_wait3A_114 = tpu.memref_slice %arg7[%dma_wait3A_109, %dma_wait3A_112, %dma_wait3A_113] : memref<4x125x64xf32, #tpu.memory_space<vmem>> -> memref<1x125x64xf32, #tpu.memory_space<vmem>>
    %dma_wait3A_115 = tpu.memref_squeeze %dma_wait3A_114 : memref<1x125x64xf32, #tpu.memory_space<vmem>> -> memref<125x64xf32, #tpu.memory_space<vmem>>
    %dma_wait3A_116 = arith.constant 0 : i32
    %dma_wait3A_117 = tpu.memref_slice %arg6[%dma_wait3A_110, %dma_wait3A_116] : memref<160x125xi32, #tpu.memory_space<vmem>> -> memref<1x125xi32, #tpu.memory_space<vmem>>
    %dma_wait3A_118 = tpu.memref_squeeze %dma_wait3A_117 : memref<1x125xi32, #tpu.memory_space<vmem>> -> memref<125xi32, #tpu.memory_space<vmem>>
    %dma_wait3A_119 = arith.constant 0 : i32
    %dma_wait3A_120 = arith.constant 0 : i32
    %dma_wait3A_121 = tpu.memref_slice %arg9[%dma_wait3A_119, %dma_wait3A_120] : memref<10000x64xf32, #tpu.memory_space<vmem_shared>> -> memref<10000x64xf32, #tpu.memory_space<vmem_shared>>
    %dma_wait3A_122 = tpu.memref_slice %arg11[%dma_wait3A_111] : memref<4x!tpu.dma_semaphore, #tpu.memory_space<semaphore_mem>> -> memref<1x!tpu.dma_semaphore, #tpu.memory_space<semaphore_mem>>
    %dma_wait3A_123 = tpu.memref_squeeze %dma_wait3A_122 : memref<1x!tpu.dma_semaphore, #tpu.memory_space<semaphore_mem>> -> memref<!tpu.dma_semaphore, #tpu.memory_space<semaphore_mem>>
    tpu.wait_indirect_dma semaphore(%dma_wait3A_123 : memref<!tpu.dma_semaphore, #tpu.memory_space<semaphore_mem>>) src(%dma_wait3A_115 : memref<125x64xf32, #tpu.memory_space<vmem>>) dst(%dma_wait3A_121 : memref<10000x64xf32, #tpu.memory_space<vmem_shared>>)
    %barrier3A_124 = arith.constant 0 : index
    tpu.barrier barrier_id(%barrier3A_124)
    %mul3A_125 = arith.constant 624 : i32
    %mul3A_126 = arith.muli %arg1, %mul3A_125 : i32
    %mul3A_127 = arith.constant 624 : i32
    %mul3A_128 = arith.muli %arg1, %mul3A_127 : i32
    "tpu.region"() ({
      %run_scoped3A_134 = tpu.sem_alloc : memref<!tpu.dma_semaphore, #tpu.memory_space<semaphore_mem>>
      %dma_start3A_135 = arith.constant 0 : i32
      %dma_start3A_136 = tpu.memref_slice %arg4[%arg0, %mul3A_128, %dma_start3A_135] : memref<2x10000x64xf32, #tpu.memory_space<hbm>> -> memref<1x624x64xf32, #tpu.memory_space<hbm>>
      %dma_start3A_137 = tpu.memref_squeeze %dma_start3A_136 : memref<1x624x64xf32, #tpu.memory_space<hbm>> -> memref<624x64xf32, #tpu.memory_space<hbm>>
      %dma_start3A_138 = arith.constant 0 : i32
      %dma_start3A_139 = tpu.memref_slice %arg9[%mul3A_126, %dma_start3A_138] : memref<10000x64xf32, #tpu.memory_space<vmem_shared>> -> memref<624x64xf32, #tpu.memory_space<vmem_shared>>
      tpu.enqueue_dma source(%dma_start3A_139 : memref<624x64xf32, #tpu.memory_space<vmem_shared>>) target(%dma_start3A_137 : memref<624x64xf32, #tpu.memory_space<hbm>>) target_semaphore(%run_scoped3A_134 : memref<!tpu.dma_semaphore, #tpu.memory_space<semaphore_mem>>)
      %dma_wait3A_140 = arith.constant 0 : i32
      %dma_wait3A_141 = tpu.memref_slice %arg4[%arg0, %mul3A_128, %dma_wait3A_140] : memref<2x10000x64xf32, #tpu.memory_space<hbm>> -> memref<1x624x64xf32, #tpu.memory_space<hbm>>
      %dma_wait3A_142 = tpu.memref_squeeze %dma_wait3A_141 : memref<1x624x64xf32, #tpu.memory_space<hbm>> -> memref<624x64xf32, #tpu.memory_space<hbm>>
      %dma_wait3A_143 = arith.constant 0 : i32
      %dma_wait3A_144 = tpu.memref_slice %arg9[%mul3A_126, %dma_wait3A_143] : memref<10000x64xf32, #tpu.memory_space<vmem_shared>> -> memref<624x64xf32, #tpu.memory_space<vmem_shared>>
      tpu.wait_dma2 semaphore(%run_scoped3A_134 : memref<!tpu.dma_semaphore, #tpu.memory_space<semaphore_mem>>) src(%dma_wait3A_144 : memref<624x64xf32, #tpu.memory_space<vmem_shared>>) dst(%dma_wait3A_142 : memref<624x64xf32, #tpu.memory_space<hbm>>)
      tpu.yield
    }) : () -> ()
    %eq3A_129 = arith.constant 15 : i32
    %eq3A_130 = arith.cmpi eq, %arg1, %eq3A_129 : i32
    %convert_element_type3A_131 = arith.extui %eq3A_130 : i1 to i32
    %cond3A_132 = arith.constant 0 : i32
    %cond3A_133 = arith.cmpi ne, %convert_element_type3A_131, %cond3A_132 : i32
    scf.if %cond3A_133 {
      "tpu.region"() ({
        %run_scoped3A_134 = tpu.sem_alloc : memref<!tpu.dma_semaphore, #tpu.memory_space<semaphore_mem>>
        %dma_start3A_135 = arith.constant 9984 : i32
        %dma_start3A_136 = arith.constant 0 : i32
        %dma_start3A_137 = tpu.memref_slice %arg4[%arg0, %dma_start3A_135, %dma_start3A_136] : memref<2x10000x64xf32, #tpu.memory_space<hbm>> -> memref<1x16x64xf32, #tpu.memory_space<hbm>>
        %dma_start3A_138 = tpu.memref_squeeze %dma_start3A_137 : memref<1x16x64xf32, #tpu.memory_space<hbm>> -> memref<16x64xf32, #tpu.memory_space<hbm>>
        %dma_start3A_139 = arith.constant 9984 : i32
        %dma_start3A_140 = arith.constant 0 : i32
        %dma_start3A_141 = tpu.memref_slice %arg9[%dma_start3A_139, %dma_start3A_140] : memref<10000x64xf32, #tpu.memory_space<vmem_shared>> -> memref<16x64xf32, #tpu.memory_space<vmem_shared>>
        tpu.enqueue_dma source(%dma_start3A_141 : memref<16x64xf32, #tpu.memory_space<vmem_shared>>) target(%dma_start3A_138 : memref<16x64xf32, #tpu.memory_space<hbm>>) target_semaphore(%run_scoped3A_134 : memref<!tpu.dma_semaphore, #tpu.memory_space<semaphore_mem>>)
        %dma_wait3A_142 = arith.constant 9984 : i32
        %dma_wait3A_143 = arith.constant 0 : i32
        %dma_wait3A_144 = tpu.memref_slice %arg4[%arg0, %dma_wait3A_142, %dma_wait3A_143] : memref<2x10000x64xf32, #tpu.memory_space<hbm>> -> memref<1x16x64xf32, #tpu.memory_space<hbm>>
        %dma_wait3A_145 = tpu.memref_squeeze %dma_wait3A_144 : memref<1x16x64xf32, #tpu.memory_space<hbm>> -> memref<16x64xf32, #tpu.memory_space<hbm>>
        %dma_wait3A_146 = arith.constant 9984 : i32
        %dma_wait3A_147 = arith.constant 0 : i32
        %dma_wait3A_148 = tpu.memref_slice %arg9[%dma_wait3A_146, %dma_wait3A_147] : memref<10000x64xf32, #tpu.memory_space<vmem_shared>> -> memref<16x64xf32, #tpu.memory_space<vmem_shared>>
        tpu.wait_dma2 semaphore(%run_scoped3A_134 : memref<!tpu.dma_semaphore, #tpu.memory_space<semaphore_mem>>) src(%dma_wait3A_148 : memref<16x64xf32, #tpu.memory_space<vmem_shared>>) dst(%dma_wait3A_145 : memref<16x64xf32, #tpu.memory_space<hbm>>)
        tpu.yield
      }) : () -> ()
    } else {
    }
    return
  }
}

#map = affine_map<(d0, d1) -> (0, 0)>
#map1 = affine_map<(d0, d1) -> (0, 0, 0, 0)>
#map2 = affine_map<(d0, d1) -> (0, 0, 0)>
module attributes {stable_mosaic.version = 14 : i64} {
  func.func @_sc_agg(%arg0: i32, %arg1: i32, %arg2: memref<20000x64xf32, #tpu.memory_space<hbm>>, %arg3: memref<3x16x160x125xi32, #tpu.memory_space<hbm>>, %arg4: memref<2x10000x64xf32, #tpu.memory_space<hbm>>, %arg5: memref<160x125xi32, #tpu.memory_space<vmem>>, %arg6: memref<160x125xi32, #tpu.memory_space<vmem>>, %arg7: memref<4x125x64xf32, #tpu.memory_space<vmem>>, %arg8: memref<208x64xf32, #tpu.memory_space<vmem>>, %arg9: memref<10000x64xf32, #tpu.memory_space<vmem_shared>>, %arg10: memref<4x!tpu.dma_semaphore, #tpu.memory_space<semaphore_mem>>, %arg11: memref<4x!tpu.dma_semaphore, #tpu.memory_space<semaphore_mem>>) attributes {dimension_semantics = [#tpu.dimension_semantics<core_parallel>, #tpu.dimension_semantics<subcore_parallel>], iteration_bounds = array<i64: 2, 16>, scalar_prefetch = 0 : i64, scratch_operands = 7 : i64, tpu.core_type = #tpu.core_type<sc_vector_subcore>, window_params = [{transform_indices = #map}, {transform_indices = #map1}, {transform_indices = #map2}]} {
    %scan3A = arith.constant 0 : i32
    %scan3A_0 = arith.constant 208 : i32
    %scan3A_1 = arith.addi %scan3A, %scan3A_0 : i32
    %scan3A_2 = arith.constant 1 : i32
    scf.for %scan3A_134 = %scan3A to %scan3A_1 step %scan3A_2  : i32 {
      %mul3A_135 = arith.constant 1 : i32
      %mul3A_136 = arith.muli %scan3A_134, %mul3A_135 : i32
      %add3A_137 = arith.constant 0 : i32
      %add3A_138 = arith.addi %add3A_137, %mul3A_136 : i32
      %broadcast_in_dim3A = arith.constant 0.000000e+00 : f32
      %broadcast_in_dim3A_139 = vector.broadcast %broadcast_in_dim3A : f32 to vector<16xf32>
      %swap3A = arith.index_cast %add3A_138 : i32 to index
      %swap3A_140 = arith.constant 0 : index
      %swap3A_141 = tpu.vector_load %arg8[%swap3A, %swap3A_140] {strides = array<i32>} : memref<208x64xf32, #tpu.memory_space<vmem>>, vector<1x16xf32>,
      %swap3A_142 = vector.shape_cast %swap3A_141 : vector<1x16xf32> to vector<16xf32>
      %swap3A_143 = vector.shape_cast %broadcast_in_dim3A_139 : vector<16xf32> to vector<1x16xf32>
      tpu.vector_store %arg8[%swap3A, %swap3A_140], %swap3A_143 {strides = array<i32>} : memref<208x64xf32, #tpu.memory_space<vmem>>, vector<1x16xf32>,
      %broadcast_in_dim3A_144 = arith.constant 0.000000e+00 : f32
      %broadcast_in_dim3A_145 = vector.broadcast %broadcast_in_dim3A_144 : f32 to vector<16xf32>
      %swap3A_146 = arith.index_cast %add3A_138 : i32 to index
      %swap3A_147 = arith.constant 16 : index
      %swap3A_148 = tpu.vector_load %arg8[%swap3A_146, %swap3A_147] {strides = array<i32>} : memref<208x64xf32, #tpu.memory_space<vmem>>, vector<1x16xf32>,
      %swap3A_149 = vector.shape_cast %swap3A_148 : vector<1x16xf32> to vector<16xf32>
      %swap3A_150 = vector.shape_cast %broadcast_in_dim3A_145 : vector<16xf32> to vector<1x16xf32>
      tpu.vector_store %arg8[%swap3A_146, %swap3A_147], %swap3A_150 {strides = array<i32>} : memref<208x64xf32, #tpu.memory_space<vmem>>, vector<1x16xf32>,
      %broadcast_in_dim3A_151 = arith.constant 0.000000e+00 : f32
      %broadcast_in_dim3A_152 = vector.broadcast %broadcast_in_dim3A_151 : f32 to vector<16xf32>
      %swap3A_153 = arith.index_cast %add3A_138 : i32 to index
      %swap3A_154 = arith.constant 32 : index
      %swap3A_155 = tpu.vector_load %arg8[%swap3A_153, %swap3A_154] {strides = array<i32>} : memref<208x64xf32, #tpu.memory_space<vmem>>, vector<1x16xf32>,
      %swap3A_156 = vector.shape_cast %swap3A_155 : vector<1x16xf32> to vector<16xf32>
      %swap3A_157 = vector.shape_cast %broadcast_in_dim3A_152 : vector<16xf32> to vector<1x16xf32>
      tpu.vector_store %arg8[%swap3A_153, %swap3A_154], %swap3A_157 {strides = array<i32>} : memref<208x64xf32, #tpu.memory_space<vmem>>, vector<1x16xf32>,
      %broadcast_in_dim3A_158 = arith.constant 0.000000e+00 : f32
      %broadcast_in_dim3A_159 = vector.broadcast %broadcast_in_dim3A_158 : f32 to vector<16xf32>
      %swap3A_160 = arith.index_cast %add3A_138 : i32 to index
      %swap3A_161 = arith.constant 48 : index
      %swap3A_162 = tpu.vector_load %arg8[%swap3A_160, %swap3A_161] {strides = array<i32>} : memref<208x64xf32, #tpu.memory_space<vmem>>, vector<1x16xf32>,
      %swap3A_163 = vector.shape_cast %swap3A_162 : vector<1x16xf32> to vector<16xf32>
      %swap3A_164 = vector.shape_cast %broadcast_in_dim3A_159 : vector<16xf32> to vector<1x16xf32>
      tpu.vector_store %arg8[%swap3A_160, %swap3A_161], %swap3A_164 {strides = array<i32>} : memref<208x64xf32, #tpu.memory_space<vmem>>, vector<1x16xf32>,
    }
    %scan3A_3 = arith.constant 208 : i32
    %mul3A = arith.constant 624 : i32
    %mul3A_4 = arith.muli %arg1, %mul3A : i32
    %add3A = arith.constant 0 : i32
    %add3A_5 = arith.addi %mul3A_4, %add3A : i32
    "tpu.region"() ({
      %run_scoped3A_134 = tpu.sem_alloc : memref<!tpu.dma_semaphore, #tpu.memory_space<semaphore_mem>>
      %dma_start3A_135 = arith.constant 0 : i32
      %dma_start3A_136 = tpu.memref_slice %arg9[%add3A_5, %dma_start3A_135] : memref<10000x64xf32, #tpu.memory_space<vmem_shared>> -> memref<208x64xf32, #tpu.memory_space<vmem_shared>>
      %dma_start3A_137 = arith.constant 0 : i32
      %dma_start3A_138 = tpu.memref_slice %arg9[%add3A_5, %dma_start3A_137] : memref<10000x64xf32, #tpu.memory_space<vmem_shared>> -> memref<208x64xf32, #tpu.memory_space<vmem_shared>>
      tpu.enqueue_dma source(%arg8 : memref<208x64xf32, #tpu.memory_space<vmem>>) target(%dma_start3A_138 : memref<208x64xf32, #tpu.memory_space<vmem_shared>>) target_semaphore(%run_scoped3A_134 : memref<!tpu.dma_semaphore, #tpu.memory_space<semaphore_mem>>)
      %dma_wait3A_139 = arith.constant 0 : i32
      %dma_wait3A_140 = tpu.memref_slice %arg9[%add3A_5, %dma_wait3A_139] : memref<10000x64xf32, #tpu.memory_space<vmem_shared>> -> memref<208x64xf32, #tpu.memory_space<vmem_shared>>
      %dma_wait3A_141 = arith.constant 0 : i32
      %dma_wait3A_142 = tpu.memref_slice %arg9[%add3A_5, %dma_wait3A_141] : memref<10000x64xf32, #tpu.memory_space<vmem_shared>> -> memref<208x64xf32, #tpu.memory_space<vmem_shared>>
      tpu.wait_dma2 semaphore(%run_scoped3A_134 : memref<!tpu.dma_semaphore, #tpu.memory_space<semaphore_mem>>) src(%arg8 : memref<208x64xf32, #tpu.memory_space<vmem>>) dst(%dma_wait3A_142 : memref<208x64xf32, #tpu.memory_space<vmem_shared>>)
      tpu.yield
    }) : () -> ()
    %mul3A_6 = arith.constant 624 : i32
    %mul3A_7 = arith.muli %arg1, %mul3A_6 : i32
    %add3A_8 = arith.constant 208 : i32
    %add3A_9 = arith.addi %mul3A_7, %add3A_8 : i32
    "tpu.region"() ({
      %run_scoped3A_134 = tpu.sem_alloc : memref<!tpu.dma_semaphore, #tpu.memory_space<semaphore_mem>>
      %dma_start3A_135 = arith.constant 0 : i32
      %dma_start3A_136 = tpu.memref_slice %arg9[%add3A_9, %dma_start3A_135] : memref<10000x64xf32, #tpu.memory_space<vmem_shared>> -> memref<208x64xf32, #tpu.memory_space<vmem_shared>>
      %dma_start3A_137 = arith.constant 0 : i32
      %dma_start3A_138 = tpu.memref_slice %arg9[%add3A_9, %dma_start3A_137] : memref<10000x64xf32, #tpu.memory_space<vmem_shared>> -> memref<208x64xf32, #tpu.memory_space<vmem_shared>>
      tpu.enqueue_dma source(%arg8 : memref<208x64xf32, #tpu.memory_space<vmem>>) target(%dma_start3A_138 : memref<208x64xf32, #tpu.memory_space<vmem_shared>>) target_semaphore(%run_scoped3A_134 : memref<!tpu.dma_semaphore, #tpu.memory_space<semaphore_mem>>)
      %dma_wait3A_139 = arith.constant 0 : i32
      %dma_wait3A_140 = tpu.memref_slice %arg9[%add3A_9, %dma_wait3A_139] : memref<10000x64xf32, #tpu.memory_space<vmem_shared>> -> memref<208x64xf32, #tpu.memory_space<vmem_shared>>
      %dma_wait3A_141 = arith.constant 0 : i32
      %dma_wait3A_142 = tpu.memref_slice %arg9[%add3A_9, %dma_wait3A_141] : memref<10000x64xf32, #tpu.memory_space<vmem_shared>> -> memref<208x64xf32, #tpu.memory_space<vmem_shared>>
      tpu.wait_dma2 semaphore(%run_scoped3A_134 : memref<!tpu.dma_semaphore, #tpu.memory_space<semaphore_mem>>) src(%arg8 : memref<208x64xf32, #tpu.memory_space<vmem>>) dst(%dma_wait3A_142 : memref<208x64xf32, #tpu.memory_space<vmem_shared>>)
      tpu.yield
    }) : () -> ()
    %mul3A_10 = arith.constant 624 : i32
    %mul3A_11 = arith.muli %arg1, %mul3A_10 : i32
    %add3A_12 = arith.constant 416 : i32
    %add3A_13 = arith.addi %mul3A_11, %add3A_12 : i32
    "tpu.region"() ({
      %run_scoped3A_134 = tpu.sem_alloc : memref<!tpu.dma_semaphore, #tpu.memory_space<semaphore_mem>>
      %dma_start3A_135 = arith.constant 0 : i32
      %dma_start3A_136 = tpu.memref_slice %arg9[%add3A_13, %dma_start3A_135] : memref<10000x64xf32, #tpu.memory_space<vmem_shared>> -> memref<208x64xf32, #tpu.memory_space<vmem_shared>>
      %dma_start3A_137 = arith.constant 0 : i32
      %dma_start3A_138 = tpu.memref_slice %arg9[%add3A_13, %dma_start3A_137] : memref<10000x64xf32, #tpu.memory_space<vmem_shared>> -> memref<208x64xf32, #tpu.memory_space<vmem_shared>>
      tpu.enqueue_dma source(%arg8 : memref<208x64xf32, #tpu.memory_space<vmem>>) target(%dma_start3A_138 : memref<208x64xf32, #tpu.memory_space<vmem_shared>>) target_semaphore(%run_scoped3A_134 : memref<!tpu.dma_semaphore, #tpu.memory_space<semaphore_mem>>)
      %dma_wait3A_139 = arith.constant 0 : i32
      %dma_wait3A_140 = tpu.memref_slice %arg9[%add3A_13, %dma_wait3A_139] : memref<10000x64xf32, #tpu.memory_space<vmem_shared>> -> memref<208x64xf32, #tpu.memory_space<vmem_shared>>
      %dma_wait3A_141 = arith.constant 0 : i32
      %dma_wait3A_142 = tpu.memref_slice %arg9[%add3A_13, %dma_wait3A_141] : memref<10000x64xf32, #tpu.memory_space<vmem_shared>> -> memref<208x64xf32, #tpu.memory_space<vmem_shared>>
      tpu.wait_dma2 semaphore(%run_scoped3A_134 : memref<!tpu.dma_semaphore, #tpu.memory_space<semaphore_mem>>) src(%arg8 : memref<208x64xf32, #tpu.memory_space<vmem>>) dst(%dma_wait3A_142 : memref<208x64xf32, #tpu.memory_space<vmem_shared>>)
      tpu.yield
    }) : () -> ()
    %eq3A = arith.constant 15 : i32
    %eq3A_14 = arith.cmpi eq, %arg1, %eq3A : i32
    %convert_element_type3A = arith.extui %eq3A_14 : i1 to i32
    %cond3A = arith.constant 0 : i32
    %cond3A_15 = arith.cmpi ne, %convert_element_type3A, %cond3A : i32
    scf.if %cond3A_15 {
      "tpu.region"() ({
        %run_scoped3A_134 = tpu.sem_alloc : memref<!tpu.dma_semaphore, #tpu.memory_space<semaphore_mem>>
        %dma_start3A_135 = arith.constant 0 : i32
        %dma_start3A_136 = arith.constant 0 : i32
        %dma_start3A_137 = tpu.memref_slice %arg8[%dma_start3A_135, %dma_start3A_136] : memref<208x64xf32, #tpu.memory_space<vmem>> -> memref<16x64xf32, #tpu.memory_space<vmem>>
        %dma_start3A_138 = arith.constant 9984 : i32
        %dma_start3A_139 = arith.constant 0 : i32
        %dma_start3A_140 = tpu.memref_slice %arg9[%dma_start3A_138, %dma_start3A_139] : memref<10000x64xf32, #tpu.memory_space<vmem_shared>> -> memref<16x64xf32, #tpu.memory_space<vmem_shared>>
        %dma_start3A_141 = arith.constant 9984 : i32
        %dma_start3A_142 = arith.constant 0 : i32
        %dma_start3A_143 = tpu.memref_slice %arg9[%dma_start3A_141, %dma_start3A_142] : memref<10000x64xf32, #tpu.memory_space<vmem_shared>> -> memref<16x64xf32, #tpu.memory_space<vmem_shared>>
        %dma_start3A_144 = arith.constant 0 : i32
        %dma_start3A_145 = arith.constant 0 : i32
        %dma_start3A_146 = tpu.memref_slice %arg8[%dma_start3A_144, %dma_start3A_145] : memref<208x64xf32, #tpu.memory_space<vmem>> -> memref<16x64xf32, #tpu.memory_space<vmem>>
        tpu.enqueue_dma source(%dma_start3A_146 : memref<16x64xf32, #tpu.memory_space<vmem>>) target(%dma_start3A_143 : memref<16x64xf32, #tpu.memory_space<vmem_shared>>) target_semaphore(%run_scoped3A_134 : memref<!tpu.dma_semaphore, #tpu.memory_space<semaphore_mem>>)
        %dma_wait3A_147 = arith.constant 0 : i32
        %dma_wait3A_148 = arith.constant 0 : i32
        %dma_wait3A_149 = tpu.memref_slice %arg8[%dma_wait3A_147, %dma_wait3A_148] : memref<208x64xf32, #tpu.memory_space<vmem>> -> memref<16x64xf32, #tpu.memory_space<vmem>>
        %dma_wait3A_150 = arith.constant 9984 : i32
        %dma_wait3A_151 = arith.constant 0 : i32
        %dma_wait3A_152 = tpu.memref_slice %arg9[%dma_wait3A_150, %dma_wait3A_151] : memref<10000x64xf32, #tpu.memory_space<vmem_shared>> -> memref<16x64xf32, #tpu.memory_space<vmem_shared>>
        %dma_wait3A_153 = arith.constant 9984 : i32
        %dma_wait3A_154 = arith.constant 0 : i32
        %dma_wait3A_155 = tpu.memref_slice %arg9[%dma_wait3A_153, %dma_wait3A_154] : memref<10000x64xf32, #tpu.memory_space<vmem_shared>> -> memref<16x64xf32, #tpu.memory_space<vmem_shared>>
        %dma_wait3A_156 = arith.constant 0 : i32
        %dma_wait3A_157 = arith.constant 0 : i32
        %dma_wait3A_158 = tpu.memref_slice %arg8[%dma_wait3A_156, %dma_wait3A_157] : memref<208x64xf32, #tpu.memory_space<vmem>> -> memref<16x64xf32, #tpu.memory_space<vmem>>
        tpu.wait_dma2 semaphore(%run_scoped3A_134 : memref<!tpu.dma_semaphore, #tpu.memory_space<semaphore_mem>>) src(%dma_wait3A_158 : memref<16x64xf32, #tpu.memory_space<vmem>>) dst(%dma_wait3A_155 : memref<16x64xf32, #tpu.memory_space<vmem_shared>>)
        tpu.yield
      }) : () -> ()
    } else {
    }
    %barrier3A = arith.constant 0 : index
    tpu.barrier barrier_id(%barrier3A)
    "tpu.region"() ({
      %run_scoped3A_134 = tpu.sem_alloc : memref<!tpu.dma_semaphore, #tpu.memory_space<semaphore_mem>>
      %dma_start3A_135 = arith.constant 0 : i32
      %dma_start3A_136 = arith.constant 0 : i32
      %dma_start3A_137 = tpu.memref_slice %arg3[%arg0, %arg1, %dma_start3A_135, %dma_start3A_136] : memref<3x16x160x125xi32, #tpu.memory_space<hbm>> -> memref<1x1x160x125xi32, #tpu.memory_space<hbm>>
      %dma_start3A_138 = tpu.memref_squeeze %dma_start3A_137 : memref<1x1x160x125xi32, #tpu.memory_space<hbm>> -> memref<160x125xi32, #tpu.memory_space<hbm>>
      %dma_start3A_139 = arith.constant 0 : i32
      %dma_start3A_140 = arith.constant 0 : i32
      %dma_start3A_141 = tpu.memref_slice %arg3[%arg0, %arg1, %dma_start3A_139, %dma_start3A_140] : memref<3x16x160x125xi32, #tpu.memory_space<hbm>> -> memref<1x1x160x125xi32, #tpu.memory_space<hbm>>
      %dma_start3A_142 = tpu.memref_squeeze %dma_start3A_141 : memref<1x1x160x125xi32, #tpu.memory_space<hbm>> -> memref<160x125xi32, #tpu.memory_space<hbm>>
      tpu.enqueue_dma source(%dma_start3A_142 : memref<160x125xi32, #tpu.memory_space<hbm>>) target(%arg5 : memref<160x125xi32, #tpu.memory_space<vmem>>) target_semaphore(%run_scoped3A_134 : memref<!tpu.dma_semaphore, #tpu.memory_space<semaphore_mem>>)
      %dma_wait3A_143 = arith.constant 0 : i32
      %dma_wait3A_144 = arith.constant 0 : i32
      %dma_wait3A_145 = tpu.memref_slice %arg3[%arg0, %arg1, %dma_wait3A_143, %dma_wait3A_144] : memref<3x16x160x125xi32, #tpu.memory_space<hbm>> -> memref<1x1x160x125xi32, #tpu.memory_space<hbm>>
      %dma_wait3A_146 = tpu.memref_squeeze %dma_wait3A_145 : memref<1x1x160x125xi32, #tpu.memory_space<hbm>> -> memref<160x125xi32, #tpu.memory_space<hbm>>
      %dma_wait3A_147 = arith.constant 0 : i32
      %dma_wait3A_148 = arith.constant 0 : i32
      %dma_wait3A_149 = tpu.memref_slice %arg3[%arg0, %arg1, %dma_wait3A_147, %dma_wait3A_148] : memref<3x16x160x125xi32, #tpu.memory_space<hbm>> -> memref<1x1x160x125xi32, #tpu.memory_space<hbm>>
      %dma_wait3A_150 = tpu.memref_squeeze %dma_wait3A_149 : memref<1x1x160x125xi32, #tpu.memory_space<hbm>> -> memref<160x125xi32, #tpu.memory_space<hbm>>
      tpu.wait_dma2 semaphore(%run_scoped3A_134 : memref<!tpu.dma_semaphore, #tpu.memory_space<semaphore_mem>>) src(%dma_wait3A_150 : memref<160x125xi32, #tpu.memory_space<hbm>>) dst(%arg5 : memref<160x125xi32, #tpu.memory_space<vmem>>)
      tpu.yield
    }) : () -> ()
    %run_scoped3A = arith.constant 2 : i32
    "tpu.region"() ({
      %run_scoped3A_134 = tpu.sem_alloc : memref<!tpu.dma_semaphore, #tpu.memory_space<semaphore_mem>>
      %dma_start3A_135 = arith.constant 0 : i32
      %dma_start3A_136 = arith.constant 0 : i32
      %dma_start3A_137 = tpu.memref_slice %arg3[%run_scoped3A, %arg1, %dma_start3A_135, %dma_start3A_136] : memref<3x16x160x125xi32, #tpu.memory_space<hbm>> -> memref<1x1x160x125xi32, #tpu.memory_space<hbm>>
      %dma_start3A_138 = tpu.memref_squeeze %dma_start3A_137 : memref<1x1x160x125xi32, #tpu.memory_space<hbm>> -> memref<160x125xi32, #tpu.memory_space<hbm>>
      %dma_start3A_139 = arith.constant 0 : i32
      %dma_start3A_140 = arith.constant 0 : i32
      %dma_start3A_141 = tpu.memref_slice %arg3[%run_scoped3A, %arg1, %dma_start3A_139, %dma_start3A_140] : memref<3x16x160x125xi32, #tpu.memory_space<hbm>> -> memref<1x1x160x125xi32, #tpu.memory_space<hbm>>
      %dma_start3A_142 = tpu.memref_squeeze %dma_start3A_141 : memref<1x1x160x125xi32, #tpu.memory_space<hbm>> -> memref<160x125xi32, #tpu.memory_space<hbm>>
      tpu.enqueue_dma source(%dma_start3A_142 : memref<160x125xi32, #tpu.memory_space<hbm>>) target(%arg6 : memref<160x125xi32, #tpu.memory_space<vmem>>) target_semaphore(%run_scoped3A_134 : memref<!tpu.dma_semaphore, #tpu.memory_space<semaphore_mem>>)
      %dma_wait3A_143 = arith.constant 0 : i32
      %dma_wait3A_144 = arith.constant 0 : i32
      %dma_wait3A_145 = tpu.memref_slice %arg3[%run_scoped3A, %arg1, %dma_wait3A_143, %dma_wait3A_144] : memref<3x16x160x125xi32, #tpu.memory_space<hbm>> -> memref<1x1x160x125xi32, #tpu.memory_space<hbm>>
      %dma_wait3A_146 = tpu.memref_squeeze %dma_wait3A_145 : memref<1x1x160x125xi32, #tpu.memory_space<hbm>> -> memref<160x125xi32, #tpu.memory_space<hbm>>
      %dma_wait3A_147 = arith.constant 0 : i32
      %dma_wait3A_148 = arith.constant 0 : i32
      %dma_wait3A_149 = tpu.memref_slice %arg3[%run_scoped3A, %arg1, %dma_wait3A_147, %dma_wait3A_148] : memref<3x16x160x125xi32, #tpu.memory_space<hbm>> -> memref<1x1x160x125xi32, #tpu.memory_space<hbm>>
      %dma_wait3A_150 = tpu.memref_squeeze %dma_wait3A_149 : memref<1x1x160x125xi32, #tpu.memory_space<hbm>> -> memref<160x125xi32, #tpu.memory_space<hbm>>
      tpu.wait_dma2 semaphore(%run_scoped3A_134 : memref<!tpu.dma_semaphore, #tpu.memory_space<semaphore_mem>>) src(%dma_wait3A_150 : memref<160x125xi32, #tpu.memory_space<hbm>>) dst(%arg6 : memref<160x125xi32, #tpu.memory_space<vmem>>)
      tpu.yield
    }) : () -> ()
    %dma_start3A = arith.constant 0 : i32
    %dma_start3A_16 = arith.constant 0 : i32
    %dma_start3A_17 = arith.constant 0 : i32
    %dma_start3A_18 = arith.constant 0 : i32
    %dma_start3A_19 = arith.constant 0 : i32
    %dma_start3A_20 = tpu.memref_slice %arg7[%dma_start3A_16, %dma_start3A_18, %dma_start3A_19] : memref<4x125x64xf32, #tpu.memory_space<vmem>> -> memref<1x125x64xf32, #tpu.memory_space<vmem>>
    %dma_start3A_21 = tpu.memref_squeeze %dma_start3A_20 : memref<1x125x64xf32, #tpu.memory_space<vmem>> -> memref<125x64xf32, #tpu.memory_space<vmem>>
    %dma_start3A_22 = arith.constant 0 : i32
    %dma_start3A_23 = tpu.memref_slice %arg5[%dma_start3A, %dma_start3A_22] : memref<160x125xi32, #tpu.memory_space<vmem>> -> memref<1x125xi32, #tpu.memory_space<vmem>>
    %dma_start3A_24 = tpu.memref_squeeze %dma_start3A_23 : memref<1x125xi32, #tpu.memory_space<vmem>> -> memref<125xi32, #tpu.memory_space<vmem>>
    %dma_start3A_25 = arith.constant 0 : i32
    %dma_start3A_26 = arith.constant 0 : i32
    %dma_start3A_27 = tpu.memref_slice %arg2[%dma_start3A_25, %dma_start3A_26] : memref<20000x64xf32, #tpu.memory_space<hbm>> -> memref<20000x64xf32, #tpu.memory_space<hbm>>
    %dma_start3A_28 = tpu.memref_slice %arg10[%dma_start3A_17] : memref<4x!tpu.dma_semaphore, #tpu.memory_space<semaphore_mem>> -> memref<1x!tpu.dma_semaphore, #tpu.memory_space<semaphore_mem>>
    %dma_start3A_29 = tpu.memref_squeeze %dma_start3A_28 : memref<1x!tpu.dma_semaphore, #tpu.memory_space<semaphore_mem>> -> memref<!tpu.dma_semaphore, #tpu.memory_space<semaphore_mem>>
    tpu.enqueue_indirect_dma source(%dma_start3A_27 : memref<20000x64xf32, #tpu.memory_space<hbm>>) target(%dma_start3A_21 : memref<125x64xf32, #tpu.memory_space<vmem>>) offsets(%dma_start3A_24 : memref<125xi32, #tpu.memory_space<vmem>>) semaphore(%dma_start3A_29 : memref<!tpu.dma_semaphore, #tpu.memory_space<semaphore_mem>>)
    %dma_start3A_30 = arith.constant 1 : i32
    %dma_start3A_31 = arith.constant 1 : i32
    %dma_start3A_32 = arith.constant 1 : i32
    %dma_start3A_33 = arith.constant 0 : i32
    %dma_start3A_34 = arith.constant 0 : i32
    %dma_start3A_35 = tpu.memref_slice %arg7[%dma_start3A_31, %dma_start3A_33, %dma_start3A_34] : memref<4x125x64xf32, #tpu.memory_space<vmem>> -> memref<1x125x64xf32, #tpu.memory_space<vmem>>
    %dma_start3A_36 = tpu.memref_squeeze %dma_start3A_35 : memref<1x125x64xf32, #tpu.memory_space<vmem>> -> memref<125x64xf32, #tpu.memory_space<vmem>>
    %dma_start3A_37 = arith.constant 0 : i32
    %dma_start3A_38 = tpu.memref_slice %arg5[%dma_start3A_30, %dma_start3A_37] : memref<160x125xi32, #tpu.memory_space<vmem>> -> memref<1x125xi32, #tpu.memory_space<vmem>>
    %dma_start3A_39 = tpu.memref_squeeze %dma_start3A_38 : memref<1x125xi32, #tpu.memory_space<vmem>> -> memref<125xi32, #tpu.memory_space<vmem>>
    %dma_start3A_40 = arith.constant 0 : i32
    %dma_start3A_41 = arith.constant 0 : i32
    %dma_start3A_42 = tpu.memref_slice %arg2[%dma_start3A_40, %dma_start3A_41] : memref<20000x64xf32, #tpu.memory_space<hbm>> -> memref<20000x64xf32, #tpu.memory_space<hbm>>
    %dma_start3A_43 = tpu.memref_slice %arg10[%dma_start3A_32] : memref<4x!tpu.dma_semaphore, #tpu.memory_space<semaphore_mem>> -> memref<1x!tpu.dma_semaphore, #tpu.memory_space<semaphore_mem>>
    %dma_start3A_44 = tpu.memref_squeeze %dma_start3A_43 : memref<1x!tpu.dma_semaphore, #tpu.memory_space<semaphore_mem>> -> memref<!tpu.dma_semaphore, #tpu.memory_space<semaphore_mem>>
    tpu.enqueue_indirect_dma source(%dma_start3A_42 : memref<20000x64xf32, #tpu.memory_space<hbm>>) target(%dma_start3A_36 : memref<125x64xf32, #tpu.memory_space<vmem>>) offsets(%dma_start3A_39 : memref<125xi32, #tpu.memory_space<vmem>>) semaphore(%dma_start3A_44 : memref<!tpu.dma_semaphore, #tpu.memory_space<semaphore_mem>>)
    %dma_start3A_45 = arith.constant 2 : i32
    %dma_start3A_46 = arith.constant 2 : i32
    %dma_start3A_47 = arith.constant 2 : i32
    %dma_start3A_48 = arith.constant 0 : i32
    %dma_start3A_49 = arith.constant 0 : i32
    %dma_start3A_50 = tpu.memref_slice %arg7[%dma_start3A_46, %dma_start3A_48, %dma_start3A_49] : memref<4x125x64xf32, #tpu.memory_space<vmem>> -> memref<1x125x64xf32, #tpu.memory_space<vmem>>
    %dma_start3A_51 = tpu.memref_squeeze %dma_start3A_50 : memref<1x125x64xf32, #tpu.memory_space<vmem>> -> memref<125x64xf32, #tpu.memory_space<vmem>>
    %dma_start3A_52 = arith.constant 0 : i32
    %dma_start3A_53 = tpu.memref_slice %arg5[%dma_start3A_45, %dma_start3A_52] : memref<160x125xi32, #tpu.memory_space<vmem>> -> memref<1x125xi32, #tpu.memory_space<vmem>>
    %dma_start3A_54 = tpu.memref_squeeze %dma_start3A_53 : memref<1x125xi32, #tpu.memory_space<vmem>> -> memref<125xi32, #tpu.memory_space<vmem>>
    %dma_start3A_55 = arith.constant 0 : i32
    %dma_start3A_56 = arith.constant 0 : i32
    %dma_start3A_57 = tpu.memref_slice %arg2[%dma_start3A_55, %dma_start3A_56] : memref<20000x64xf32, #tpu.memory_space<hbm>> -> memref<20000x64xf32, #tpu.memory_space<hbm>>
    %dma_start3A_58 = tpu.memref_slice %arg10[%dma_start3A_47] : memref<4x!tpu.dma_semaphore, #tpu.memory_space<semaphore_mem>> -> memref<1x!tpu.dma_semaphore, #tpu.memory_space<semaphore_mem>>
    %dma_start3A_59 = tpu.memref_squeeze %dma_start3A_58 : memref<1x!tpu.dma_semaphore, #tpu.memory_space<semaphore_mem>> -> memref<!tpu.dma_semaphore, #tpu.memory_space<semaphore_mem>>
    tpu.enqueue_indirect_dma source(%dma_start3A_57 : memref<20000x64xf32, #tpu.memory_space<hbm>>) target(%dma_start3A_51 : memref<125x64xf32, #tpu.memory_space<vmem>>) offsets(%dma_start3A_54 : memref<125xi32, #tpu.memory_space<vmem>>) semaphore(%dma_start3A_59 : memref<!tpu.dma_semaphore, #tpu.memory_space<semaphore_mem>>)
    %scan3A_60 = arith.constant 0 : i32
    %scan3A_61 = arith.constant 40 : i32
    %scan3A_62 = arith.addi %scan3A_60, %scan3A_61 : i32
    %scan3A_63 = arith.constant 1 : i32
    scf.for %scan3A_134 = %scan3A_60 to %scan3A_62 step %scan3A_63  : i32 {
      %mul3A_135 = arith.constant 4 : i32
      %mul3A_136 = arith.muli %scan3A_134, %mul3A_135 : i32
      %add3A_137 = arith.constant 0 : i32
      %add3A_138 = arith.addi %add3A_137, %mul3A_136 : i32
      %add3A_139 = arith.constant 0 : i32
      %add3A_140 = arith.addi %add3A_138, %add3A_139 : i32
      %dma_wait3A_141 = arith.constant 0 : i32
      %dma_wait3A_142 = arith.constant 0 : i32
      %dma_wait3A_143 = arith.constant 0 : i32
      %dma_wait3A_144 = arith.constant 0 : i32
      %dma_wait3A_145 = tpu.memref_slice %arg7[%dma_wait3A_141, %dma_wait3A_143, %dma_wait3A_144] : memref<4x125x64xf32, #tpu.memory_space<vmem>> -> memref<1x125x64xf32, #tpu.memory_space<vmem>>
      %dma_wait3A_146 = tpu.memref_squeeze %dma_wait3A_145 : memref<1x125x64xf32, #tpu.memory_space<vmem>> -> memref<125x64xf32, #tpu.memory_space<vmem>>
      %dma_wait3A_147 = arith.constant 0 : i32
      %dma_wait3A_148 = tpu.memref_slice %arg5[%add3A_140, %dma_wait3A_147] : memref<160x125xi32, #tpu.memory_space<vmem>> -> memref<1x125xi32, #tpu.memory_space<vmem>>
      %dma_wait3A_149 = tpu.memref_squeeze %dma_wait3A_148 : memref<1x125xi32, #tpu.memory_space<vmem>> -> memref<125xi32, #tpu.memory_space<vmem>>
      %dma_wait3A_150 = arith.constant 0 : i32
      %dma_wait3A_151 = arith.constant 0 : i32
      %dma_wait3A_152 = tpu.memref_slice %arg2[%dma_wait3A_150, %dma_wait3A_151] : memref<20000x64xf32, #tpu.memory_space<hbm>> -> memref<20000x64xf32, #tpu.memory_space<hbm>>
      %dma_wait3A_153 = tpu.memref_slice %arg10[%dma_wait3A_142] : memref<4x!tpu.dma_semaphore, #tpu.memory_space<semaphore_mem>> -> memref<1x!tpu.dma_semaphore, #tpu.memory_space<semaphore_mem>>
      %dma_wait3A_154 = tpu.memref_squeeze %dma_wait3A_153 : memref<1x!tpu.dma_semaphore, #tpu.memory_space<semaphore_mem>> -> memref<!tpu.dma_semaphore, #tpu.memory_space<semaphore_mem>>
      tpu.wait_indirect_dma semaphore(%dma_wait3A_154 : memref<!tpu.dma_semaphore, #tpu.memory_space<semaphore_mem>>) src(%dma_wait3A_152 : memref<20000x64xf32, #tpu.memory_space<hbm>>) dst(%dma_wait3A_146 : memref<125x64xf32, #tpu.memory_space<vmem>>)
      %dma_start3A_155 = arith.constant 0 : i32
      %dma_start3A_156 = arith.constant 0 : i32
      %dma_start3A_157 = arith.constant 0 : i32
      %dma_start3A_158 = arith.constant 0 : i32
      %dma_start3A_159 = tpu.memref_slice %arg7[%dma_start3A_155, %dma_start3A_157, %dma_start3A_158] : memref<4x125x64xf32, #tpu.memory_space<vmem>> -> memref<1x125x64xf32, #tpu.memory_space<vmem>>
      %dma_start3A_160 = tpu.memref_squeeze %dma_start3A_159 : memref<1x125x64xf32, #tpu.memory_space<vmem>> -> memref<125x64xf32, #tpu.memory_space<vmem>>
      %dma_start3A_161 = arith.constant 0 : i32
      %dma_start3A_162 = tpu.memref_slice %arg6[%add3A_140, %dma_start3A_161] : memref<160x125xi32, #tpu.memory_space<vmem>> -> memref<1x125xi32, #tpu.memory_space<vmem>>
      %dma_start3A_163 = tpu.memref_squeeze %dma_start3A_162 : memref<1x125xi32, #tpu.memory_space<vmem>> -> memref<125xi32, #tpu.memory_space<vmem>>
      %dma_start3A_164 = arith.constant 0 : i32
      %dma_start3A_165 = arith.constant 0 : i32
      %dma_start3A_166 = tpu.memref_slice %arg9[%dma_start3A_164, %dma_start3A_165] : memref<10000x64xf32, #tpu.memory_space<vmem_shared>> -> memref<10000x64xf32, #tpu.memory_space<vmem_shared>>
      %dma_start3A_167 = tpu.memref_slice %arg11[%dma_start3A_156] : memref<4x!tpu.dma_semaphore, #tpu.memory_space<semaphore_mem>> -> memref<1x!tpu.dma_semaphore, #tpu.memory_space<semaphore_mem>>
      %dma_start3A_168 = tpu.memref_squeeze %dma_start3A_167 : memref<1x!tpu.dma_semaphore, #tpu.memory_space<semaphore_mem>> -> memref<!tpu.dma_semaphore, #tpu.memory_space<semaphore_mem>>
      tpu.enqueue_indirect_dma source(%dma_start3A_160 : memref<125x64xf32, #tpu.memory_space<vmem>>) target(%dma_start3A_166 : memref<10000x64xf32, #tpu.memory_space<vmem_shared>>) offsets(%dma_start3A_163 : memref<125xi32, #tpu.memory_space<vmem>>) semaphore(%dma_start3A_168 : memref<!tpu.dma_semaphore, #tpu.memory_space<semaphore_mem>>) {add = true}
      %add3A_169 = arith.constant 3 : i32
      %add3A_170 = arith.addi %add3A_140, %add3A_169 : i32
      %lt3A = arith.constant 160 : i32
      %lt3A_171 = arith.cmpi slt, %add3A_170, %lt3A : i32
      %convert_element_type3A_172 = arith.extui %lt3A_171 : i1 to i32
      %cond3A_173 = arith.constant 0 : i32
      %cond3A_174 = arith.cmpi ne, %convert_element_type3A_172, %cond3A_173 : i32
      scf.if %cond3A_174 {
        %ge3A = arith.constant 1 : i32
        %ge3A_286 = arith.cmpi sge, %add3A_140, %ge3A : i32
        %convert_element_type3A_287 = arith.extui %ge3A_286 : i1 to i32
        %cond3A_288 = arith.constant 0 : i32
        %cond3A_289 = arith.cmpi ne, %convert_element_type3A_287, %cond3A_288 : i32
        scf.if %cond3A_289 {
          %sub3A = arith.constant 1 : i32
          %sub3A_306 = arith.subi %add3A_140, %sub3A : i32
          %dma_wait3A_307 = arith.constant 3 : i32
          %dma_wait3A_308 = arith.constant 3 : i32
          %dma_wait3A_309 = arith.constant 0 : i32
          %dma_wait3A_310 = arith.constant 0 : i32
          %dma_wait3A_311 = tpu.memref_slice %arg7[%dma_wait3A_307, %dma_wait3A_309, %dma_wait3A_310] : memref<4x125x64xf32, #tpu.memory_space<vmem>> -> memref<1x125x64xf32, #tpu.memory_space<vmem>>
          %dma_wait3A_312 = tpu.memref_squeeze %dma_wait3A_311 : memref<1x125x64xf32, #tpu.memory_space<vmem>> -> memref<125x64xf32, #tpu.memory_space<vmem>>
          %dma_wait3A_313 = arith.constant 0 : i32
          %dma_wait3A_314 = tpu.memref_slice %arg6[%sub3A_306, %dma_wait3A_313] : memref<160x125xi32, #tpu.memory_space<vmem>> -> memref<1x125xi32, #tpu.memory_space<vmem>>
          %dma_wait3A_315 = tpu.memref_squeeze %dma_wait3A_314 : memref<1x125xi32, #tpu.memory_space<vmem>> -> memref<125xi32, #tpu.memory_space<vmem>>
          %dma_wait3A_316 = arith.constant 0 : i32
          %dma_wait3A_317 = arith.constant 0 : i32
          %dma_wait3A_318 = tpu.memref_slice %arg9[%dma_wait3A_316, %dma_wait3A_317] : memref<10000x64xf32, #tpu.memory_space<vmem_shared>> -> memref<10000x64xf32, #tpu.memory_space<vmem_shared>>
          %dma_wait3A_319 = tpu.memref_slice %arg11[%dma_wait3A_308] : memref<4x!tpu.dma_semaphore, #tpu.memory_space<semaphore_mem>> -> memref<1x!tpu.dma_semaphore, #tpu.memory_space<semaphore_mem>>
          %dma_wait3A_320 = tpu.memref_squeeze %dma_wait3A_319 : memref<1x!tpu.dma_semaphore, #tpu.memory_space<semaphore_mem>> -> memref<!tpu.dma_semaphore, #tpu.memory_space<semaphore_mem>>
          tpu.wait_indirect_dma semaphore(%dma_wait3A_320 : memref<!tpu.dma_semaphore, #tpu.memory_space<semaphore_mem>>) src(%dma_wait3A_312 : memref<125x64xf32, #tpu.memory_space<vmem>>) dst(%dma_wait3A_318 : memref<10000x64xf32, #tpu.memory_space<vmem_shared>>)
        } else {
        }
        %add3A_290 = arith.constant 3 : i32
        %add3A_291 = arith.addi %add3A_140, %add3A_290 : i32
        %dma_start3A_292 = arith.constant 3 : i32
        %dma_start3A_293 = arith.constant 3 : i32
        %dma_start3A_294 = arith.constant 0 : i32
        %dma_start3A_295 = arith.constant 0 : i32
        %dma_start3A_296 = tpu.memref_slice %arg7[%dma_start3A_292, %dma_start3A_294, %dma_start3A_295] : memref<4x125x64xf32, #tpu.memory_space<vmem>> -> memref<1x125x64xf32, #tpu.memory_space<vmem>>
        %dma_start3A_297 = tpu.memref_squeeze %dma_start3A_296 : memref<1x125x64xf32, #tpu.memory_space<vmem>> -> memref<125x64xf32, #tpu.memory_space<vmem>>
        %dma_start3A_298 = arith.constant 0 : i32
        %dma_start3A_299 = tpu.memref_slice %arg5[%add3A_291, %dma_start3A_298] : memref<160x125xi32, #tpu.memory_space<vmem>> -> memref<1x125xi32, #tpu.memory_space<vmem>>
        %dma_start3A_300 = tpu.memref_squeeze %dma_start3A_299 : memref<1x125xi32, #tpu.memory_space<vmem>> -> memref<125xi32, #tpu.memory_space<vmem>>
        %dma_start3A_301 = arith.constant 0 : i32
        %dma_start3A_302 = arith.constant 0 : i32
        %dma_start3A_303 = tpu.memref_slice %arg2[%dma_start3A_301, %dma_start3A_302] : memref<20000x64xf32, #tpu.memory_space<hbm>> -> memref<20000x64xf32, #tpu.memory_space<hbm>>
        %dma_start3A_304 = tpu.memref_slice %arg10[%dma_start3A_293] : memref<4x!tpu.dma_semaphore, #tpu.memory_space<semaphore_mem>> -> memref<1x!tpu.dma_semaphore, #tpu.memory_space<semaphore_mem>>
        %dma_start3A_305 = tpu.memref_squeeze %dma_start3A_304 : memref<1x!tpu.dma_semaphore, #tpu.memory_space<semaphore_mem>> -> memref<!tpu.dma_semaphore, #tpu.memory_space<semaphore_mem>>
        tpu.enqueue_indirect_dma source(%dma_start3A_303 : memref<20000x64xf32, #tpu.memory_space<hbm>>) target(%dma_start3A_297 : memref<125x64xf32, #tpu.memory_space<vmem>>) offsets(%dma_start3A_300 : memref<125xi32, #tpu.memory_space<vmem>>) semaphore(%dma_start3A_305 : memref<!tpu.dma_semaphore, #tpu.memory_space<semaphore_mem>>)
      } else {
      }
      %add3A_175 = arith.constant 1 : i32
      %add3A_176 = arith.addi %add3A_138, %add3A_175 : i32
      %dma_wait3A_177 = arith.constant 1 : i32
      %dma_wait3A_178 = arith.constant 1 : i32
      %dma_wait3A_179 = arith.constant 0 : i32
      %dma_wait3A_180 = arith.constant 0 : i32
      %dma_wait3A_181 = tpu.memref_slice %arg7[%dma_wait3A_177, %dma_wait3A_179, %dma_wait3A_180] : memref<4x125x64xf32, #tpu.memory_space<vmem>> -> memref<1x125x64xf32, #tpu.memory_space<vmem>>
      %dma_wait3A_182 = tpu.memref_squeeze %dma_wait3A_181 : memref<1x125x64xf32, #tpu.memory_space<vmem>> -> memref<125x64xf32, #tpu.memory_space<vmem>>
      %dma_wait3A_183 = arith.constant 0 : i32
      %dma_wait3A_184 = tpu.memref_slice %arg5[%add3A_176, %dma_wait3A_183] : memref<160x125xi32, #tpu.memory_space<vmem>> -> memref<1x125xi32, #tpu.memory_space<vmem>>
      %dma_wait3A_185 = tpu.memref_squeeze %dma_wait3A_184 : memref<1x125xi32, #tpu.memory_space<vmem>> -> memref<125xi32, #tpu.memory_space<vmem>>
      %dma_wait3A_186 = arith.constant 0 : i32
      %dma_wait3A_187 = arith.constant 0 : i32
      %dma_wait3A_188 = tpu.memref_slice %arg2[%dma_wait3A_186, %dma_wait3A_187] : memref<20000x64xf32, #tpu.memory_space<hbm>> -> memref<20000x64xf32, #tpu.memory_space<hbm>>
      %dma_wait3A_189 = tpu.memref_slice %arg10[%dma_wait3A_178] : memref<4x!tpu.dma_semaphore, #tpu.memory_space<semaphore_mem>> -> memref<1x!tpu.dma_semaphore, #tpu.memory_space<semaphore_mem>>
      %dma_wait3A_190 = tpu.memref_squeeze %dma_wait3A_189 : memref<1x!tpu.dma_semaphore, #tpu.memory_space<semaphore_mem>> -> memref<!tpu.dma_semaphore, #tpu.memory_space<semaphore_mem>>
      tpu.wait_indirect_dma semaphore(%dma_wait3A_190 : memref<!tpu.dma_semaphore, #tpu.memory_space<semaphore_mem>>) src(%dma_wait3A_188 : memref<20000x64xf32, #tpu.memory_space<hbm>>) dst(%dma_wait3A_182 : memref<125x64xf32, #tpu.memory_space<vmem>>)
      %dma_start3A_191 = arith.constant 1 : i32
      %dma_start3A_192 = arith.constant 1 : i32
      %dma_start3A_193 = arith.constant 0 : i32
      %dma_start3A_194 = arith.constant 0 : i32
      %dma_start3A_195 = tpu.memref_slice %arg7[%dma_start3A_191, %dma_start3A_193, %dma_start3A_194] : memref<4x125x64xf32, #tpu.memory_space<vmem>> -> memref<1x125x64xf32, #tpu.memory_space<vmem>>
      %dma_start3A_196 = tpu.memref_squeeze %dma_start3A_195 : memref<1x125x64xf32, #tpu.memory_space<vmem>> -> memref<125x64xf32, #tpu.memory_space<vmem>>
      %dma_start3A_197 = arith.constant 0 : i32
      %dma_start3A_198 = tpu.memref_slice %arg6[%add3A_176, %dma_start3A_197] : memref<160x125xi32, #tpu.memory_space<vmem>> -> memref<1x125xi32, #tpu.memory_space<vmem>>
      %dma_start3A_199 = tpu.memref_squeeze %dma_start3A_198 : memref<1x125xi32, #tpu.memory_space<vmem>> -> memref<125xi32, #tpu.memory_space<vmem>>
      %dma_start3A_200 = arith.constant 0 : i32
      %dma_start3A_201 = arith.constant 0 : i32
      %dma_start3A_202 = tpu.memref_slice %arg9[%dma_start3A_200, %dma_start3A_201] : memref<10000x64xf32, #tpu.memory_space<vmem_shared>> -> memref<10000x64xf32, #tpu.memory_space<vmem_shared>>
      %dma_start3A_203 = tpu.memref_slice %arg11[%dma_start3A_192] : memref<4x!tpu.dma_semaphore, #tpu.memory_space<semaphore_mem>> -> memref<1x!tpu.dma_semaphore, #tpu.memory_space<semaphore_mem>>
      %dma_start3A_204 = tpu.memref_squeeze %dma_start3A_203 : memref<1x!tpu.dma_semaphore, #tpu.memory_space<semaphore_mem>> -> memref<!tpu.dma_semaphore, #tpu.memory_space<semaphore_mem>>
      tpu.enqueue_indirect_dma source(%dma_start3A_196 : memref<125x64xf32, #tpu.memory_space<vmem>>) target(%dma_start3A_202 : memref<10000x64xf32, #tpu.memory_space<vmem_shared>>) offsets(%dma_start3A_199 : memref<125xi32, #tpu.memory_space<vmem>>) semaphore(%dma_start3A_204 : memref<!tpu.dma_semaphore, #tpu.memory_space<semaphore_mem>>) {add = true}
      %add3A_205 = arith.constant 3 : i32
      %add3A_206 = arith.addi %add3A_176, %add3A_205 : i32
      %lt3A_207 = arith.constant 160 : i32
      %lt3A_208 = arith.cmpi slt, %add3A_206, %lt3A_207 : i32
      %convert_element_type3A_209 = arith.extui %lt3A_208 : i1 to i32
      %cond3A_210 = arith.constant 0 : i32
      %cond3A_211 = arith.cmpi ne, %convert_element_type3A_209, %cond3A_210 : i32
      scf.if %cond3A_211 {
        %ge3A = arith.constant 1 : i32
        %ge3A_286 = arith.cmpi sge, %add3A_176, %ge3A : i32
        %convert_element_type3A_287 = arith.extui %ge3A_286 : i1 to i32
        %cond3A_288 = arith.constant 0 : i32
        %cond3A_289 = arith.cmpi ne, %convert_element_type3A_287, %cond3A_288 : i32
        scf.if %cond3A_289 {
          %sub3A = arith.constant 1 : i32
          %sub3A_306 = arith.subi %add3A_176, %sub3A : i32
          %dma_wait3A_307 = arith.constant 0 : i32
          %dma_wait3A_308 = arith.constant 0 : i32
          %dma_wait3A_309 = arith.constant 0 : i32
          %dma_wait3A_310 = arith.constant 0 : i32
          %dma_wait3A_311 = tpu.memref_slice %arg7[%dma_wait3A_307, %dma_wait3A_309, %dma_wait3A_310] : memref<4x125x64xf32, #tpu.memory_space<vmem>> -> memref<1x125x64xf32, #tpu.memory_space<vmem>>
          %dma_wait3A_312 = tpu.memref_squeeze %dma_wait3A_311 : memref<1x125x64xf32, #tpu.memory_space<vmem>> -> memref<125x64xf32, #tpu.memory_space<vmem>>
          %dma_wait3A_313 = arith.constant 0 : i32
          %dma_wait3A_314 = tpu.memref_slice %arg6[%sub3A_306, %dma_wait3A_313] : memref<160x125xi32, #tpu.memory_space<vmem>> -> memref<1x125xi32, #tpu.memory_space<vmem>>
          %dma_wait3A_315 = tpu.memref_squeeze %dma_wait3A_314 : memref<1x125xi32, #tpu.memory_space<vmem>> -> memref<125xi32, #tpu.memory_space<vmem>>
          %dma_wait3A_316 = arith.constant 0 : i32
          %dma_wait3A_317 = arith.constant 0 : i32
          %dma_wait3A_318 = tpu.memref_slice %arg9[%dma_wait3A_316, %dma_wait3A_317] : memref<10000x64xf32, #tpu.memory_space<vmem_shared>> -> memref<10000x64xf32, #tpu.memory_space<vmem_shared>>
          %dma_wait3A_319 = tpu.memref_slice %arg11[%dma_wait3A_308] : memref<4x!tpu.dma_semaphore, #tpu.memory_space<semaphore_mem>> -> memref<1x!tpu.dma_semaphore, #tpu.memory_space<semaphore_mem>>
          %dma_wait3A_320 = tpu.memref_squeeze %dma_wait3A_319 : memref<1x!tpu.dma_semaphore, #tpu.memory_space<semaphore_mem>> -> memref<!tpu.dma_semaphore, #tpu.memory_space<semaphore_mem>>
          tpu.wait_indirect_dma semaphore(%dma_wait3A_320 : memref<!tpu.dma_semaphore, #tpu.memory_space<semaphore_mem>>) src(%dma_wait3A_312 : memref<125x64xf32, #tpu.memory_space<vmem>>) dst(%dma_wait3A_318 : memref<10000x64xf32, #tpu.memory_space<vmem_shared>>)
        } else {
        }
        %add3A_290 = arith.constant 3 : i32
        %add3A_291 = arith.addi %add3A_176, %add3A_290 : i32
        %dma_start3A_292 = arith.constant 0 : i32
        %dma_start3A_293 = arith.constant 0 : i32
        %dma_start3A_294 = arith.constant 0 : i32
        %dma_start3A_295 = arith.constant 0 : i32
        %dma_start3A_296 = tpu.memref_slice %arg7[%dma_start3A_292, %dma_start3A_294, %dma_start3A_295] : memref<4x125x64xf32, #tpu.memory_space<vmem>> -> memref<1x125x64xf32, #tpu.memory_space<vmem>>
        %dma_start3A_297 = tpu.memref_squeeze %dma_start3A_296 : memref<1x125x64xf32, #tpu.memory_space<vmem>> -> memref<125x64xf32, #tpu.memory_space<vmem>>
        %dma_start3A_298 = arith.constant 0 : i32
        %dma_start3A_299 = tpu.memref_slice %arg5[%add3A_291, %dma_start3A_298] : memref<160x125xi32, #tpu.memory_space<vmem>> -> memref<1x125xi32, #tpu.memory_space<vmem>>
        %dma_start3A_300 = tpu.memref_squeeze %dma_start3A_299 : memref<1x125xi32, #tpu.memory_space<vmem>> -> memref<125xi32, #tpu.memory_space<vmem>>
        %dma_start3A_301 = arith.constant 0 : i32
        %dma_start3A_302 = arith.constant 0 : i32
        %dma_start3A_303 = tpu.memref_slice %arg2[%dma_start3A_301, %dma_start3A_302] : memref<20000x64xf32, #tpu.memory_space<hbm>> -> memref<20000x64xf32, #tpu.memory_space<hbm>>
        %dma_start3A_304 = tpu.memref_slice %arg10[%dma_start3A_293] : memref<4x!tpu.dma_semaphore, #tpu.memory_space<semaphore_mem>> -> memref<1x!tpu.dma_semaphore, #tpu.memory_space<semaphore_mem>>
        %dma_start3A_305 = tpu.memref_squeeze %dma_start3A_304 : memref<1x!tpu.dma_semaphore, #tpu.memory_space<semaphore_mem>> -> memref<!tpu.dma_semaphore, #tpu.memory_space<semaphore_mem>>
        tpu.enqueue_indirect_dma source(%dma_start3A_303 : memref<20000x64xf32, #tpu.memory_space<hbm>>) target(%dma_start3A_297 : memref<125x64xf32, #tpu.memory_space<vmem>>) offsets(%dma_start3A_300 : memref<125xi32, #tpu.memory_space<vmem>>) semaphore(%dma_start3A_305 : memref<!tpu.dma_semaphore, #tpu.memory_space<semaphore_mem>>)
      } else {
      }
      %add3A_212 = arith.constant 2 : i32
      %add3A_213 = arith.addi %add3A_138, %add3A_212 : i32
      %dma_wait3A_214 = arith.constant 2 : i32
      %dma_wait3A_215 = arith.constant 2 : i32
      %dma_wait3A_216 = arith.constant 0 : i32
      %dma_wait3A_217 = arith.constant 0 : i32
      %dma_wait3A_218 = tpu.memref_slice %arg7[%dma_wait3A_214, %dma_wait3A_216, %dma_wait3A_217] : memref<4x125x64xf32, #tpu.memory_space<vmem>> -> memref<1x125x64xf32, #tpu.memory_space<vmem>>
      %dma_wait3A_219 = tpu.memref_squeeze %dma_wait3A_218 : memref<1x125x64xf32, #tpu.memory_space<vmem>> -> memref<125x64xf32, #tpu.memory_space<vmem>>
      %dma_wait3A_220 = arith.constant 0 : i32
      %dma_wait3A_221 = tpu.memref_slice %arg5[%add3A_213, %dma_wait3A_220] : memref<160x125xi32, #tpu.memory_space<vmem>> -> memref<1x125xi32, #tpu.memory_space<vmem>>
      %dma_wait3A_222 = tpu.memref_squeeze %dma_wait3A_221 : memref<1x125xi32, #tpu.memory_space<vmem>> -> memref<125xi32, #tpu.memory_space<vmem>>
      %dma_wait3A_223 = arith.constant 0 : i32
      %dma_wait3A_224 = arith.constant 0 : i32
      %dma_wait3A_225 = tpu.memref_slice %arg2[%dma_wait3A_223, %dma_wait3A_224] : memref<20000x64xf32, #tpu.memory_space<hbm>> -> memref<20000x64xf32, #tpu.memory_space<hbm>>
      %dma_wait3A_226 = tpu.memref_slice %arg10[%dma_wait3A_215] : memref<4x!tpu.dma_semaphore, #tpu.memory_space<semaphore_mem>> -> memref<1x!tpu.dma_semaphore, #tpu.memory_space<semaphore_mem>>
      %dma_wait3A_227 = tpu.memref_squeeze %dma_wait3A_226 : memref<1x!tpu.dma_semaphore, #tpu.memory_space<semaphore_mem>> -> memref<!tpu.dma_semaphore, #tpu.memory_space<semaphore_mem>>
      tpu.wait_indirect_dma semaphore(%dma_wait3A_227 : memref<!tpu.dma_semaphore, #tpu.memory_space<semaphore_mem>>) src(%dma_wait3A_225 : memref<20000x64xf32, #tpu.memory_space<hbm>>) dst(%dma_wait3A_219 : memref<125x64xf32, #tpu.memory_space<vmem>>)
      %dma_start3A_228 = arith.constant 2 : i32
      %dma_start3A_229 = arith.constant 2 : i32
      %dma_start3A_230 = arith.constant 0 : i32
      %dma_start3A_231 = arith.constant 0 : i32
      %dma_start3A_232 = tpu.memref_slice %arg7[%dma_start3A_228, %dma_start3A_230, %dma_start3A_231] : memref<4x125x64xf32, #tpu.memory_space<vmem>> -> memref<1x125x64xf32, #tpu.memory_space<vmem>>
      %dma_start3A_233 = tpu.memref_squeeze %dma_start3A_232 : memref<1x125x64xf32, #tpu.memory_space<vmem>> -> memref<125x64xf32, #tpu.memory_space<vmem>>
      %dma_start3A_234 = arith.constant 0 : i32
      %dma_start3A_235 = tpu.memref_slice %arg6[%add3A_213, %dma_start3A_234] : memref<160x125xi32, #tpu.memory_space<vmem>> -> memref<1x125xi32, #tpu.memory_space<vmem>>
      %dma_start3A_236 = tpu.memref_squeeze %dma_start3A_235 : memref<1x125xi32, #tpu.memory_space<vmem>> -> memref<125xi32, #tpu.memory_space<vmem>>
      %dma_start3A_237 = arith.constant 0 : i32
      %dma_start3A_238 = arith.constant 0 : i32
      %dma_start3A_239 = tpu.memref_slice %arg9[%dma_start3A_237, %dma_start3A_238] : memref<10000x64xf32, #tpu.memory_space<vmem_shared>> -> memref<10000x64xf32, #tpu.memory_space<vmem_shared>>
      %dma_start3A_240 = tpu.memref_slice %arg11[%dma_start3A_229] : memref<4x!tpu.dma_semaphore, #tpu.memory_space<semaphore_mem>> -> memref<1x!tpu.dma_semaphore, #tpu.memory_space<semaphore_mem>>
      %dma_start3A_241 = tpu.memref_squeeze %dma_start3A_240 : memref<1x!tpu.dma_semaphore, #tpu.memory_space<semaphore_mem>> -> memref<!tpu.dma_semaphore, #tpu.memory_space<semaphore_mem>>
      tpu.enqueue_indirect_dma source(%dma_start3A_233 : memref<125x64xf32, #tpu.memory_space<vmem>>) target(%dma_start3A_239 : memref<10000x64xf32, #tpu.memory_space<vmem_shared>>) offsets(%dma_start3A_236 : memref<125xi32, #tpu.memory_space<vmem>>) semaphore(%dma_start3A_241 : memref<!tpu.dma_semaphore, #tpu.memory_space<semaphore_mem>>) {add = true}
      %add3A_242 = arith.constant 3 : i32
      %add3A_243 = arith.addi %add3A_213, %add3A_242 : i32
      %lt3A_244 = arith.constant 160 : i32
      %lt3A_245 = arith.cmpi slt, %add3A_243, %lt3A_244 : i32
      %convert_element_type3A_246 = arith.extui %lt3A_245 : i1 to i32
      %cond3A_247 = arith.constant 0 : i32
      %cond3A_248 = arith.cmpi ne, %convert_element_type3A_246, %cond3A_247 : i32
      scf.if %cond3A_248 {
        %ge3A = arith.constant 1 : i32
        %ge3A_286 = arith.cmpi sge, %add3A_213, %ge3A : i32
        %convert_element_type3A_287 = arith.extui %ge3A_286 : i1 to i32
        %cond3A_288 = arith.constant 0 : i32
        %cond3A_289 = arith.cmpi ne, %convert_element_type3A_287, %cond3A_288 : i32
        scf.if %cond3A_289 {
          %sub3A = arith.constant 1 : i32
          %sub3A_306 = arith.subi %add3A_213, %sub3A : i32
          %dma_wait3A_307 = arith.constant 1 : i32
          %dma_wait3A_308 = arith.constant 1 : i32
          %dma_wait3A_309 = arith.constant 0 : i32
          %dma_wait3A_310 = arith.constant 0 : i32
          %dma_wait3A_311 = tpu.memref_slice %arg7[%dma_wait3A_307, %dma_wait3A_309, %dma_wait3A_310] : memref<4x125x64xf32, #tpu.memory_space<vmem>> -> memref<1x125x64xf32, #tpu.memory_space<vmem>>
          %dma_wait3A_312 = tpu.memref_squeeze %dma_wait3A_311 : memref<1x125x64xf32, #tpu.memory_space<vmem>> -> memref<125x64xf32, #tpu.memory_space<vmem>>
          %dma_wait3A_313 = arith.constant 0 : i32
          %dma_wait3A_314 = tpu.memref_slice %arg6[%sub3A_306, %dma_wait3A_313] : memref<160x125xi32, #tpu.memory_space<vmem>> -> memref<1x125xi32, #tpu.memory_space<vmem>>
          %dma_wait3A_315 = tpu.memref_squeeze %dma_wait3A_314 : memref<1x125xi32, #tpu.memory_space<vmem>> -> memref<125xi32, #tpu.memory_space<vmem>>
          %dma_wait3A_316 = arith.constant 0 : i32
          %dma_wait3A_317 = arith.constant 0 : i32
          %dma_wait3A_318 = tpu.memref_slice %arg9[%dma_wait3A_316, %dma_wait3A_317] : memref<10000x64xf32, #tpu.memory_space<vmem_shared>> -> memref<10000x64xf32, #tpu.memory_space<vmem_shared>>
          %dma_wait3A_319 = tpu.memref_slice %arg11[%dma_wait3A_308] : memref<4x!tpu.dma_semaphore, #tpu.memory_space<semaphore_mem>> -> memref<1x!tpu.dma_semaphore, #tpu.memory_space<semaphore_mem>>
          %dma_wait3A_320 = tpu.memref_squeeze %dma_wait3A_319 : memref<1x!tpu.dma_semaphore, #tpu.memory_space<semaphore_mem>> -> memref<!tpu.dma_semaphore, #tpu.memory_space<semaphore_mem>>
          tpu.wait_indirect_dma semaphore(%dma_wait3A_320 : memref<!tpu.dma_semaphore, #tpu.memory_space<semaphore_mem>>) src(%dma_wait3A_312 : memref<125x64xf32, #tpu.memory_space<vmem>>) dst(%dma_wait3A_318 : memref<10000x64xf32, #tpu.memory_space<vmem_shared>>)
        } else {
        }
        %add3A_290 = arith.constant 3 : i32
        %add3A_291 = arith.addi %add3A_213, %add3A_290 : i32
        %dma_start3A_292 = arith.constant 1 : i32
        %dma_start3A_293 = arith.constant 1 : i32
        %dma_start3A_294 = arith.constant 0 : i32
        %dma_start3A_295 = arith.constant 0 : i32
        %dma_start3A_296 = tpu.memref_slice %arg7[%dma_start3A_292, %dma_start3A_294, %dma_start3A_295] : memref<4x125x64xf32, #tpu.memory_space<vmem>> -> memref<1x125x64xf32, #tpu.memory_space<vmem>>
        %dma_start3A_297 = tpu.memref_squeeze %dma_start3A_296 : memref<1x125x64xf32, #tpu.memory_space<vmem>> -> memref<125x64xf32, #tpu.memory_space<vmem>>
        %dma_start3A_298 = arith.constant 0 : i32
        %dma_start3A_299 = tpu.memref_slice %arg5[%add3A_291, %dma_start3A_298] : memref<160x125xi32, #tpu.memory_space<vmem>> -> memref<1x125xi32, #tpu.memory_space<vmem>>
        %dma_start3A_300 = tpu.memref_squeeze %dma_start3A_299 : memref<1x125xi32, #tpu.memory_space<vmem>> -> memref<125xi32, #tpu.memory_space<vmem>>
        %dma_start3A_301 = arith.constant 0 : i32
        %dma_start3A_302 = arith.constant 0 : i32
        %dma_start3A_303 = tpu.memref_slice %arg2[%dma_start3A_301, %dma_start3A_302] : memref<20000x64xf32, #tpu.memory_space<hbm>> -> memref<20000x64xf32, #tpu.memory_space<hbm>>
        %dma_start3A_304 = tpu.memref_slice %arg10[%dma_start3A_293] : memref<4x!tpu.dma_semaphore, #tpu.memory_space<semaphore_mem>> -> memref<1x!tpu.dma_semaphore, #tpu.memory_space<semaphore_mem>>
        %dma_start3A_305 = tpu.memref_squeeze %dma_start3A_304 : memref<1x!tpu.dma_semaphore, #tpu.memory_space<semaphore_mem>> -> memref<!tpu.dma_semaphore, #tpu.memory_space<semaphore_mem>>
        tpu.enqueue_indirect_dma source(%dma_start3A_303 : memref<20000x64xf32, #tpu.memory_space<hbm>>) target(%dma_start3A_297 : memref<125x64xf32, #tpu.memory_space<vmem>>) offsets(%dma_start3A_300 : memref<125xi32, #tpu.memory_space<vmem>>) semaphore(%dma_start3A_305 : memref<!tpu.dma_semaphore, #tpu.memory_space<semaphore_mem>>)
      } else {
      }
      %add3A_249 = arith.constant 3 : i32
      %add3A_250 = arith.addi %add3A_138, %add3A_249 : i32
      %dma_wait3A_251 = arith.constant 3 : i32
      %dma_wait3A_252 = arith.constant 3 : i32
      %dma_wait3A_253 = arith.constant 0 : i32
      %dma_wait3A_254 = arith.constant 0 : i32
      %dma_wait3A_255 = tpu.memref_slice %arg7[%dma_wait3A_251, %dma_wait3A_253, %dma_wait3A_254] : memref<4x125x64xf32, #tpu.memory_space<vmem>> -> memref<1x125x64xf32, #tpu.memory_space<vmem>>
      %dma_wait3A_256 = tpu.memref_squeeze %dma_wait3A_255 : memref<1x125x64xf32, #tpu.memory_space<vmem>> -> memref<125x64xf32, #tpu.memory_space<vmem>>
      %dma_wait3A_257 = arith.constant 0 : i32
      %dma_wait3A_258 = tpu.memref_slice %arg5[%add3A_250, %dma_wait3A_257] : memref<160x125xi32, #tpu.memory_space<vmem>> -> memref<1x125xi32, #tpu.memory_space<vmem>>
      %dma_wait3A_259 = tpu.memref_squeeze %dma_wait3A_258 : memref<1x125xi32, #tpu.memory_space<vmem>> -> memref<125xi32, #tpu.memory_space<vmem>>
      %dma_wait3A_260 = arith.constant 0 : i32
      %dma_wait3A_261 = arith.constant 0 : i32
      %dma_wait3A_262 = tpu.memref_slice %arg2[%dma_wait3A_260, %dma_wait3A_261] : memref<20000x64xf32, #tpu.memory_space<hbm>> -> memref<20000x64xf32, #tpu.memory_space<hbm>>
      %dma_wait3A_263 = tpu.memref_slice %arg10[%dma_wait3A_252] : memref<4x!tpu.dma_semaphore, #tpu.memory_space<semaphore_mem>> -> memref<1x!tpu.dma_semaphore, #tpu.memory_space<semaphore_mem>>
      %dma_wait3A_264 = tpu.memref_squeeze %dma_wait3A_263 : memref<1x!tpu.dma_semaphore, #tpu.memory_space<semaphore_mem>> -> memref<!tpu.dma_semaphore, #tpu.memory_space<semaphore_mem>>
      tpu.wait_indirect_dma semaphore(%dma_wait3A_264 : memref<!tpu.dma_semaphore, #tpu.memory_space<semaphore_mem>>) src(%dma_wait3A_262 : memref<20000x64xf32, #tpu.memory_space<hbm>>) dst(%dma_wait3A_256 : memref<125x64xf32, #tpu.memory_space<vmem>>)
      %dma_start3A_265 = arith.constant 3 : i32
      %dma_start3A_266 = arith.constant 3 : i32
      %dma_start3A_267 = arith.constant 0 : i32
      %dma_start3A_268 = arith.constant 0 : i32
      %dma_start3A_269 = tpu.memref_slice %arg7[%dma_start3A_265, %dma_start3A_267, %dma_start3A_268] : memref<4x125x64xf32, #tpu.memory_space<vmem>> -> memref<1x125x64xf32, #tpu.memory_space<vmem>>
      %dma_start3A_270 = tpu.memref_squeeze %dma_start3A_269 : memref<1x125x64xf32, #tpu.memory_space<vmem>> -> memref<125x64xf32, #tpu.memory_space<vmem>>
      %dma_start3A_271 = arith.constant 0 : i32
      %dma_start3A_272 = tpu.memref_slice %arg6[%add3A_250, %dma_start3A_271] : memref<160x125xi32, #tpu.memory_space<vmem>> -> memref<1x125xi32, #tpu.memory_space<vmem>>
      %dma_start3A_273 = tpu.memref_squeeze %dma_start3A_272 : memref<1x125xi32, #tpu.memory_space<vmem>> -> memref<125xi32, #tpu.memory_space<vmem>>
      %dma_start3A_274 = arith.constant 0 : i32
      %dma_start3A_275 = arith.constant 0 : i32
      %dma_start3A_276 = tpu.memref_slice %arg9[%dma_start3A_274, %dma_start3A_275] : memref<10000x64xf32, #tpu.memory_space<vmem_shared>> -> memref<10000x64xf32, #tpu.memory_space<vmem_shared>>
      %dma_start3A_277 = tpu.memref_slice %arg11[%dma_start3A_266] : memref<4x!tpu.dma_semaphore, #tpu.memory_space<semaphore_mem>> -> memref<1x!tpu.dma_semaphore, #tpu.memory_space<semaphore_mem>>
      %dma_start3A_278 = tpu.memref_squeeze %dma_start3A_277 : memref<1x!tpu.dma_semaphore, #tpu.memory_space<semaphore_mem>> -> memref<!tpu.dma_semaphore, #tpu.memory_space<semaphore_mem>>
      tpu.enqueue_indirect_dma source(%dma_start3A_270 : memref<125x64xf32, #tpu.memory_space<vmem>>) target(%dma_start3A_276 : memref<10000x64xf32, #tpu.memory_space<vmem_shared>>) offsets(%dma_start3A_273 : memref<125xi32, #tpu.memory_space<vmem>>) semaphore(%dma_start3A_278 : memref<!tpu.dma_semaphore, #tpu.memory_space<semaphore_mem>>) {add = true}
      %add3A_279 = arith.constant 3 : i32
      %add3A_280 = arith.addi %add3A_250, %add3A_279 : i32
      %lt3A_281 = arith.constant 160 : i32
      %lt3A_282 = arith.cmpi slt, %add3A_280, %lt3A_281 : i32
      %convert_element_type3A_283 = arith.extui %lt3A_282 : i1 to i32
      %cond3A_284 = arith.constant 0 : i32
      %cond3A_285 = arith.cmpi ne, %convert_element_type3A_283, %cond3A_284 : i32
      scf.if %cond3A_285 {
        %ge3A = arith.constant 1 : i32
        %ge3A_286 = arith.cmpi sge, %add3A_250, %ge3A : i32
        %convert_element_type3A_287 = arith.extui %ge3A_286 : i1 to i32
        %cond3A_288 = arith.constant 0 : i32
        %cond3A_289 = arith.cmpi ne, %convert_element_type3A_287, %cond3A_288 : i32
        scf.if %cond3A_289 {
          %sub3A = arith.constant 1 : i32
          %sub3A_306 = arith.subi %add3A_250, %sub3A : i32
          %dma_wait3A_307 = arith.constant 2 : i32
          %dma_wait3A_308 = arith.constant 2 : i32
          %dma_wait3A_309 = arith.constant 0 : i32
          %dma_wait3A_310 = arith.constant 0 : i32
          %dma_wait3A_311 = tpu.memref_slice %arg7[%dma_wait3A_307, %dma_wait3A_309, %dma_wait3A_310] : memref<4x125x64xf32, #tpu.memory_space<vmem>> -> memref<1x125x64xf32, #tpu.memory_space<vmem>>
          %dma_wait3A_312 = tpu.memref_squeeze %dma_wait3A_311 : memref<1x125x64xf32, #tpu.memory_space<vmem>> -> memref<125x64xf32, #tpu.memory_space<vmem>>
          %dma_wait3A_313 = arith.constant 0 : i32
          %dma_wait3A_314 = tpu.memref_slice %arg6[%sub3A_306, %dma_wait3A_313] : memref<160x125xi32, #tpu.memory_space<vmem>> -> memref<1x125xi32, #tpu.memory_space<vmem>>
          %dma_wait3A_315 = tpu.memref_squeeze %dma_wait3A_314 : memref<1x125xi32, #tpu.memory_space<vmem>> -> memref<125xi32, #tpu.memory_space<vmem>>
          %dma_wait3A_316 = arith.constant 0 : i32
          %dma_wait3A_317 = arith.constant 0 : i32
          %dma_wait3A_318 = tpu.memref_slice %arg9[%dma_wait3A_316, %dma_wait3A_317] : memref<10000x64xf32, #tpu.memory_space<vmem_shared>> -> memref<10000x64xf32, #tpu.memory_space<vmem_shared>>
          %dma_wait3A_319 = tpu.memref_slice %arg11[%dma_wait3A_308] : memref<4x!tpu.dma_semaphore, #tpu.memory_space<semaphore_mem>> -> memref<1x!tpu.dma_semaphore, #tpu.memory_space<semaphore_mem>>
          %dma_wait3A_320 = tpu.memref_squeeze %dma_wait3A_319 : memref<1x!tpu.dma_semaphore, #tpu.memory_space<semaphore_mem>> -> memref<!tpu.dma_semaphore, #tpu.memory_space<semaphore_mem>>
          tpu.wait_indirect_dma semaphore(%dma_wait3A_320 : memref<!tpu.dma_semaphore, #tpu.memory_space<semaphore_mem>>) src(%dma_wait3A_312 : memref<125x64xf32, #tpu.memory_space<vmem>>) dst(%dma_wait3A_318 : memref<10000x64xf32, #tpu.memory_space<vmem_shared>>)
        } else {
        }
        %add3A_290 = arith.constant 3 : i32
        %add3A_291 = arith.addi %add3A_250, %add3A_290 : i32
        %dma_start3A_292 = arith.constant 2 : i32
        %dma_start3A_293 = arith.constant 2 : i32
        %dma_start3A_294 = arith.constant 0 : i32
        %dma_start3A_295 = arith.constant 0 : i32
        %dma_start3A_296 = tpu.memref_slice %arg7[%dma_start3A_292, %dma_start3A_294, %dma_start3A_295] : memref<4x125x64xf32, #tpu.memory_space<vmem>> -> memref<1x125x64xf32, #tpu.memory_space<vmem>>
        %dma_start3A_297 = tpu.memref_squeeze %dma_start3A_296 : memref<1x125x64xf32, #tpu.memory_space<vmem>> -> memref<125x64xf32, #tpu.memory_space<vmem>>
        %dma_start3A_298 = arith.constant 0 : i32
        %dma_start3A_299 = tpu.memref_slice %arg5[%add3A_291, %dma_start3A_298] : memref<160x125xi32, #tpu.memory_space<vmem>> -> memref<1x125xi32, #tpu.memory_space<vmem>>
        %dma_start3A_300 = tpu.memref_squeeze %dma_start3A_299 : memref<1x125xi32, #tpu.memory_space<vmem>> -> memref<125xi32, #tpu.memory_space<vmem>>
        %dma_start3A_301 = arith.constant 0 : i32
        %dma_start3A_302 = arith.constant 0 : i32
        %dma_start3A_303 = tpu.memref_slice %arg2[%dma_start3A_301, %dma_start3A_302] : memref<20000x64xf32, #tpu.memory_space<hbm>> -> memref<20000x64xf32, #tpu.memory_space<hbm>>
        %dma_start3A_304 = tpu.memref_slice %arg10[%dma_start3A_293] : memref<4x!tpu.dma_semaphore, #tpu.memory_space<semaphore_mem>> -> memref<1x!tpu.dma_semaphore, #tpu.memory_space<semaphore_mem>>
        %dma_start3A_305 = tpu.memref_squeeze %dma_start3A_304 : memref<1x!tpu.dma_semaphore, #tpu.memory_space<semaphore_mem>> -> memref<!tpu.dma_semaphore, #tpu.memory_space<semaphore_mem>>
        tpu.enqueue_indirect_dma source(%dma_start3A_303 : memref<20000x64xf32, #tpu.memory_space<hbm>>) target(%dma_start3A_297 : memref<125x64xf32, #tpu.memory_space<vmem>>) offsets(%dma_start3A_300 : memref<125xi32, #tpu.memory_space<vmem>>) semaphore(%dma_start3A_305 : memref<!tpu.dma_semaphore, #tpu.memory_space<semaphore_mem>>)
      } else {
      }
    }
    %scan3A_64 = arith.constant 40 : i32
    %dma_wait3A = arith.constant 0 : i32
    %dma_wait3A_65 = arith.constant 156 : i32
    %dma_wait3A_66 = arith.constant 0 : i32
    %dma_wait3A_67 = arith.constant 0 : i32
    %dma_wait3A_68 = arith.constant 0 : i32
    %dma_wait3A_69 = tpu.memref_slice %arg7[%dma_wait3A, %dma_wait3A_67, %dma_wait3A_68] : memref<4x125x64xf32, #tpu.memory_space<vmem>> -> memref<1x125x64xf32, #tpu.memory_space<vmem>>
    %dma_wait3A_70 = tpu.memref_squeeze %dma_wait3A_69 : memref<1x125x64xf32, #tpu.memory_space<vmem>> -> memref<125x64xf32, #tpu.memory_space<vmem>>
    %dma_wait3A_71 = arith.constant 0 : i32
    %dma_wait3A_72 = tpu.memref_slice %arg6[%dma_wait3A_65, %dma_wait3A_71] : memref<160x125xi32, #tpu.memory_space<vmem>> -> memref<1x125xi32, #tpu.memory_space<vmem>>
    %dma_wait3A_73 = tpu.memref_squeeze %dma_wait3A_72 : memref<1x125xi32, #tpu.memory_space<vmem>> -> memref<125xi32, #tpu.memory_space<vmem>>
    %dma_wait3A_74 = arith.constant 0 : i32
    %dma_wait3A_75 = arith.constant 0 : i32
    %dma_wait3A_76 = tpu.memref_slice %arg9[%dma_wait3A_74, %dma_wait3A_75] : memref<10000x64xf32, #tpu.memory_space<vmem_shared>> -> memref<10000x64xf32, #tpu.memory_space<vmem_shared>>
    %dma_wait3A_77 = tpu.memref_slice %arg11[%dma_wait3A_66] : memref<4x!tpu.dma_semaphore, #tpu.memory_space<semaphore_mem>> -> memref<1x!tpu.dma_semaphore, #tpu.memory_space<semaphore_mem>>
    %dma_wait3A_78 = tpu.memref_squeeze %dma_wait3A_77 : memref<1x!tpu.dma_semaphore, #tpu.memory_space<semaphore_mem>> -> memref<!tpu.dma_semaphore, #tpu.memory_space<semaphore_mem>>
    tpu.wait_indirect_dma semaphore(%dma_wait3A_78 : memref<!tpu.dma_semaphore, #tpu.memory_space<semaphore_mem>>) src(%dma_wait3A_70 : memref<125x64xf32, #tpu.memory_space<vmem>>) dst(%dma_wait3A_76 : memref<10000x64xf32, #tpu.memory_space<vmem_shared>>)
    %dma_wait3A_79 = arith.constant 1 : i32
    %dma_wait3A_80 = arith.constant 157 : i32
    %dma_wait3A_81 = arith.constant 1 : i32
    %dma_wait3A_82 = arith.constant 0 : i32
    %dma_wait3A_83 = arith.constant 0 : i32
    %dma_wait3A_84 = tpu.memref_slice %arg7[%dma_wait3A_79, %dma_wait3A_82, %dma_wait3A_83] : memref<4x125x64xf32, #tpu.memory_space<vmem>> -> memref<1x125x64xf32, #tpu.memory_space<vmem>>
    %dma_wait3A_85 = tpu.memref_squeeze %dma_wait3A_84 : memref<1x125x64xf32, #tpu.memory_space<vmem>> -> memref<125x64xf32, #tpu.memory_space<vmem>>
    %dma_wait3A_86 = arith.constant 0 : i32
    %dma_wait3A_87 = tpu.memref_slice %arg6[%dma_wait3A_80, %dma_wait3A_86] : memref<160x125xi32, #tpu.memory_space<vmem>> -> memref<1x125xi32, #tpu.memory_space<vmem>>
    %dma_wait3A_88 = tpu.memref_squeeze %dma_wait3A_87 : memref<1x125xi32, #tpu.memory_space<vmem>> -> memref<125xi32, #tpu.memory_space<vmem>>
    %dma_wait3A_89 = arith.constant 0 : i32
    %dma_wait3A_90 = arith.constant 0 : i32
    %dma_wait3A_91 = tpu.memref_slice %arg9[%dma_wait3A_89, %dma_wait3A_90] : memref<10000x64xf32, #tpu.memory_space<vmem_shared>> -> memref<10000x64xf32, #tpu.memory_space<vmem_shared>>
    %dma_wait3A_92 = tpu.memref_slice %arg11[%dma_wait3A_81] : memref<4x!tpu.dma_semaphore, #tpu.memory_space<semaphore_mem>> -> memref<1x!tpu.dma_semaphore, #tpu.memory_space<semaphore_mem>>
    %dma_wait3A_93 = tpu.memref_squeeze %dma_wait3A_92 : memref<1x!tpu.dma_semaphore, #tpu.memory_space<semaphore_mem>> -> memref<!tpu.dma_semaphore, #tpu.memory_space<semaphore_mem>>
    tpu.wait_indirect_dma semaphore(%dma_wait3A_93 : memref<!tpu.dma_semaphore, #tpu.memory_space<semaphore_mem>>) src(%dma_wait3A_85 : memref<125x64xf32, #tpu.memory_space<vmem>>) dst(%dma_wait3A_91 : memref<10000x64xf32, #tpu.memory_space<vmem_shared>>)
    %dma_wait3A_94 = arith.constant 2 : i32
    %dma_wait3A_95 = arith.constant 158 : i32
    %dma_wait3A_96 = arith.constant 2 : i32
    %dma_wait3A_97 = arith.constant 0 : i32
    %dma_wait3A_98 = arith.constant 0 : i32
    %dma_wait3A_99 = tpu.memref_slice %arg7[%dma_wait3A_94, %dma_wait3A_97, %dma_wait3A_98] : memref<4x125x64xf32, #tpu.memory_space<vmem>> -> memref<1x125x64xf32, #tpu.memory_space<vmem>>
    %dma_wait3A_100 = tpu.memref_squeeze %dma_wait3A_99 : memref<1x125x64xf32, #tpu.memory_space<vmem>> -> memref<125x64xf32, #tpu.memory_space<vmem>>
    %dma_wait3A_101 = arith.constant 0 : i32
    %dma_wait3A_102 = tpu.memref_slice %arg6[%dma_wait3A_95, %dma_wait3A_101] : memref<160x125xi32, #tpu.memory_space<vmem>> -> memref<1x125xi32, #tpu.memory_space<vmem>>
    %dma_wait3A_103 = tpu.memref_squeeze %dma_wait3A_102 : memref<1x125xi32, #tpu.memory_space<vmem>> -> memref<125xi32, #tpu.memory_space<vmem>>
    %dma_wait3A_104 = arith.constant 0 : i32
    %dma_wait3A_105 = arith.constant 0 : i32
    %dma_wait3A_106 = tpu.memref_slice %arg9[%dma_wait3A_104, %dma_wait3A_105] : memref<10000x64xf32, #tpu.memory_space<vmem_shared>> -> memref<10000x64xf32, #tpu.memory_space<vmem_shared>>
    %dma_wait3A_107 = tpu.memref_slice %arg11[%dma_wait3A_96] : memref<4x!tpu.dma_semaphore, #tpu.memory_space<semaphore_mem>> -> memref<1x!tpu.dma_semaphore, #tpu.memory_space<semaphore_mem>>
    %dma_wait3A_108 = tpu.memref_squeeze %dma_wait3A_107 : memref<1x!tpu.dma_semaphore, #tpu.memory_space<semaphore_mem>> -> memref<!tpu.dma_semaphore, #tpu.memory_space<semaphore_mem>>
    tpu.wait_indirect_dma semaphore(%dma_wait3A_108 : memref<!tpu.dma_semaphore, #tpu.memory_space<semaphore_mem>>) src(%dma_wait3A_100 : memref<125x64xf32, #tpu.memory_space<vmem>>) dst(%dma_wait3A_106 : memref<10000x64xf32, #tpu.memory_space<vmem_shared>>)
    %dma_wait3A_109 = arith.constant 3 : i32
    %dma_wait3A_110 = arith.constant 159 : i32
    %dma_wait3A_111 = arith.constant 3 : i32
    %dma_wait3A_112 = arith.constant 0 : i32
    %dma_wait3A_113 = arith.constant 0 : i32
    %dma_wait3A_114 = tpu.memref_slice %arg7[%dma_wait3A_109, %dma_wait3A_112, %dma_wait3A_113] : memref<4x125x64xf32, #tpu.memory_space<vmem>> -> memref<1x125x64xf32, #tpu.memory_space<vmem>>
    %dma_wait3A_115 = tpu.memref_squeeze %dma_wait3A_114 : memref<1x125x64xf32, #tpu.memory_space<vmem>> -> memref<125x64xf32, #tpu.memory_space<vmem>>
    %dma_wait3A_116 = arith.constant 0 : i32
    %dma_wait3A_117 = tpu.memref_slice %arg6[%dma_wait3A_110, %dma_wait3A_116] : memref<160x125xi32, #tpu.memory_space<vmem>> -> memref<1x125xi32, #tpu.memory_space<vmem>>
    %dma_wait3A_118 = tpu.memref_squeeze %dma_wait3A_117 : memref<1x125xi32, #tpu.memory_space<vmem>> -> memref<125xi32, #tpu.memory_space<vmem>>
    %dma_wait3A_119 = arith.constant 0 : i32
    %dma_wait3A_120 = arith.constant 0 : i32
    %dma_wait3A_121 = tpu.memref_slice %arg9[%dma_wait3A_119, %dma_wait3A_120] : memref<10000x64xf32, #tpu.memory_space<vmem_shared>> -> memref<10000x64xf32, #tpu.memory_space<vmem_shared>>
    %dma_wait3A_122 = tpu.memref_slice %arg11[%dma_wait3A_111] : memref<4x!tpu.dma_semaphore, #tpu.memory_space<semaphore_mem>> -> memref<1x!tpu.dma_semaphore, #tpu.memory_space<semaphore_mem>>
    %dma_wait3A_123 = tpu.memref_squeeze %dma_wait3A_122 : memref<1x!tpu.dma_semaphore, #tpu.memory_space<semaphore_mem>> -> memref<!tpu.dma_semaphore, #tpu.memory_space<semaphore_mem>>
    tpu.wait_indirect_dma semaphore(%dma_wait3A_123 : memref<!tpu.dma_semaphore, #tpu.memory_space<semaphore_mem>>) src(%dma_wait3A_115 : memref<125x64xf32, #tpu.memory_space<vmem>>) dst(%dma_wait3A_121 : memref<10000x64xf32, #tpu.memory_space<vmem_shared>>)
    %barrier3A_124 = arith.constant 0 : index
    tpu.barrier barrier_id(%barrier3A_124)
    %mul3A_125 = arith.constant 624 : i32
    %mul3A_126 = arith.muli %arg1, %mul3A_125 : i32
    %mul3A_127 = arith.constant 624 : i32
    %mul3A_128 = arith.muli %arg1, %mul3A_127 : i32
    "tpu.region"() ({
      %run_scoped3A_134 = tpu.sem_alloc : memref<!tpu.dma_semaphore, #tpu.memory_space<semaphore_mem>>
      %dma_start3A_135 = arith.constant 0 : i32
      %dma_start3A_136 = tpu.memref_slice %arg4[%arg0, %mul3A_128, %dma_start3A_135] : memref<2x10000x64xf32, #tpu.memory_space<hbm>> -> memref<1x624x64xf32, #tpu.memory_space<hbm>>
      %dma_start3A_137 = tpu.memref_squeeze %dma_start3A_136 : memref<1x624x64xf32, #tpu.memory_space<hbm>> -> memref<624x64xf32, #tpu.memory_space<hbm>>
      %dma_start3A_138 = arith.constant 0 : i32
      %dma_start3A_139 = tpu.memref_slice %arg9[%mul3A_126, %dma_start3A_138] : memref<10000x64xf32, #tpu.memory_space<vmem_shared>> -> memref<624x64xf32, #tpu.memory_space<vmem_shared>>
      tpu.enqueue_dma source(%dma_start3A_139 : memref<624x64xf32, #tpu.memory_space<vmem_shared>>) target(%dma_start3A_137 : memref<624x64xf32, #tpu.memory_space<hbm>>) target_semaphore(%run_scoped3A_134 : memref<!tpu.dma_semaphore, #tpu.memory_space<semaphore_mem>>)
      %dma_wait3A_140 = arith.constant 0 : i32
      %dma_wait3A_141 = tpu.memref_slice %arg4[%arg0, %mul3A_128, %dma_wait3A_140] : memref<2x10000x64xf32, #tpu.memory_space<hbm>> -> memref<1x624x64xf32, #tpu.memory_space<hbm>>
      %dma_wait3A_142 = tpu.memref_squeeze %dma_wait3A_141 : memref<1x624x64xf32, #tpu.memory_space<hbm>> -> memref<624x64xf32, #tpu.memory_space<hbm>>
      %dma_wait3A_143 = arith.constant 0 : i32
      %dma_wait3A_144 = tpu.memref_slice %arg9[%mul3A_126, %dma_wait3A_143] : memref<10000x64xf32, #tpu.memory_space<vmem_shared>> -> memref<624x64xf32, #tpu.memory_space<vmem_shared>>
      tpu.wait_dma2 semaphore(%run_scoped3A_134 : memref<!tpu.dma_semaphore, #tpu.memory_space<semaphore_mem>>) src(%dma_wait3A_144 : memref<624x64xf32, #tpu.memory_space<vmem_shared>>) dst(%dma_wait3A_142 : memref<624x64xf32, #tpu.memory_space<hbm>>)
      tpu.yield
    }) : () -> ()
    %eq3A_129 = arith.constant 15 : i32
    %eq3A_130 = arith.cmpi eq, %arg1, %eq3A_129 : i32
    %convert_element_type3A_131 = arith.extui %eq3A_130 : i1 to i32
    %cond3A_132 = arith.constant 0 : i32
    %cond3A_133 = arith.cmpi ne, %convert_element_type3A_131, %cond3A_132 : i32
    scf.if %cond3A_133 {
      "tpu.region"() ({
        %run_scoped3A_134 = tpu.sem_alloc : memref<!tpu.dma_semaphore, #tpu.memory_space<semaphore_mem>>
        %dma_start3A_135 = arith.constant 9984 : i32
        %dma_start3A_136 = arith.constant 0 : i32
        %dma_start3A_137 = tpu.memref_slice %arg4[%arg0, %dma_start3A_135, %dma_start3A_136] : memref<2x10000x64xf32, #tpu.memory_space<hbm>> -> memref<1x16x64xf32, #tpu.memory_space<hbm>>
        %dma_start3A_138 = tpu.memref_squeeze %dma_start3A_137 : memref<1x16x64xf32, #tpu.memory_space<hbm>> -> memref<16x64xf32, #tpu.memory_space<hbm>>
        %dma_start3A_139 = arith.constant 9984 : i32
        %dma_start3A_140 = arith.constant 0 : i32
        %dma_start3A_141 = tpu.memref_slice %arg9[%dma_start3A_139, %dma_start3A_140] : memref<10000x64xf32, #tpu.memory_space<vmem_shared>> -> memref<16x64xf32, #tpu.memory_space<vmem_shared>>
        tpu.enqueue_dma source(%dma_start3A_141 : memref<16x64xf32, #tpu.memory_space<vmem_shared>>) target(%dma_start3A_138 : memref<16x64xf32, #tpu.memory_space<hbm>>) target_semaphore(%run_scoped3A_134 : memref<!tpu.dma_semaphore, #tpu.memory_space<semaphore_mem>>)
        %dma_wait3A_142 = arith.constant 9984 : i32
        %dma_wait3A_143 = arith.constant 0 : i32
        %dma_wait3A_144 = tpu.memref_slice %arg4[%arg0, %dma_wait3A_142, %dma_wait3A_143] : memref<2x10000x64xf32, #tpu.memory_space<hbm>> -> memref<1x16x64xf32, #tpu.memory_space<hbm>>
        %dma_wait3A_145 = tpu.memref_squeeze %dma_wait3A_144 : memref<1x16x64xf32, #tpu.memory_space<hbm>> -> memref<16x64xf32, #tpu.memory_space<hbm>>
        %dma_wait3A_146 = arith.constant 9984 : i32
        %dma_wait3A_147 = arith.constant 0 : i32
        %dma_wait3A_148 = tpu.memref_slice %arg9[%dma_wait3A_146, %dma_wait3A_147] : memref<10000x64xf32, #tpu.memory_space<vmem_shared>> -> memref<16x64xf32, #tpu.memory_space<vmem_shared>>
        tpu.wait_dma2 semaphore(%run_scoped3A_134 : memref<!tpu.dma_semaphore, #tpu.memory_space<semaphore_mem>>) src(%dma_wait3A_148 : memref<16x64xf32, #tpu.memory_space<vmem_shared>>) dst(%dma_wait3A_145 : memref<16x64xf32, #tpu.memory_space<hbm>>)
        tpu.yield
      }) : () -> ()
    } else {
    }
    return
  }
}

module attributes {stable_mosaic.version = 14 : i64} {
  func.func @_tc_layer0_body(%arg0: i32, %arg1: memref<2000x128xf32, #tpu.memory_space<vmem>>, %arg2: memref<2x2000x16xf32, #tpu.memory_space<vmem>>, %arg3: memref<128x128xf32, #tpu.memory_space<vmem>>, %arg4: memref<2000x128xf32, #tpu.memory_space<vmem>>) attributes {dimension_semantics = [#tpu.dimension_semantics<arbitrary>], iteration_bounds = array<i64: 5>, scalar_prefetch = 0 : i64, scratch_operands = 0 : i64, tpu.core_type = #tpu.core_type<tc>, window_params = [{transform_indices = @transform_0, window_bounds = array<i64: 2000, 128>}, {transform_indices = @transform_1, window_bounds = array<i64: 2, 2000, 16>}, {pipeline_mode = #tpu.pipeline_mode<synchronous>, transform_indices = @transform_2, window_bounds = array<i64: 128, 128>}, {transform_indices = @transform_3, window_bounds = array<i64: 2000, 128>}]} {
    %get3A = arith.constant 0 : index
    %get3A_0 = arith.constant 0 : index
    %get3A_1 = arith.constant 0 : index
    %get3A_2 = vector.load %arg2[%get3A, %get3A_0, %get3A_1] : memref<2x2000x16xf32, #tpu.memory_space<vmem>>, vector<1x2000x1xf32>
    %get3A_3 = vector.shape_cast %get3A_2 : vector<1x2000x1xf32> to vector<2000x1xf32>
    %get3A_4 = arith.constant 1 : index
    %get3A_5 = arith.constant 0 : index
    %get3A_6 = arith.constant 0 : index
    %get3A_7 = vector.load %arg2[%get3A_4, %get3A_5, %get3A_6] : memref<2x2000x16xf32, #tpu.memory_space<vmem>>, vector<1x2000x1xf32>
    %get3A_8 = vector.shape_cast %get3A_7 : vector<1x2000x1xf32> to vector<2000x1xf32>
    %add3A = arith.addf %get3A_3, %get3A_8 : vector<2000x1xf32>
    %add3A_9 = arith.constant 1.000000e+00 : f32
    %add3A_10 = vector.broadcast %add3A_9 : f32 to vector<2000x1xf32>
    %add3A_11 = arith.addf %add3A, %add3A_10 : vector<2000x1xf32>
    %rsqrt3A = math.rsqrt %add3A_11 : vector<2000x1xf32>
    %get3A_12 = arith.constant 0 : index
    %get3A_13 = arith.constant 0 : index
    %get3A_14 = vector.load %arg1[%get3A_12, %get3A_13] : memref<2000x128xf32, #tpu.memory_space<vmem>>, vector<2000x128xf32>
    %get3A_15 = arith.constant 0 : index
    %get3A_16 = arith.constant 0 : index
    %get3A_17 = vector.load %arg3[%get3A_15, %get3A_16] : memref<128x128xf32, #tpu.memory_space<vmem>>, vector<128x128xf32>
    %dot_general3A = arith.constant dense<0.000000e+00> : vector<2000x128xf32>
    %dot_general3A_18 = tpu.matmul %get3A_14, %get3A_17, %dot_general3A {dimension_numbers = #tpu.dot_dimension_numbers<[1], [0], [0], [1], [0, 0, 1, 1], [], []>, transpose_lhs_hint = false} : vector<2000x128xf32>, vector<128x128xf32>, vector<2000x128xf32> -> vector<2000x128xf32>
    %mul3A = vector.broadcast %rsqrt3A : vector<2000x1xf32> to vector<2000x128xf32>
    %mul3A_19 = arith.mulf %dot_general3A_18, %mul3A : vector<2000x128xf32>
    %swap3A = arith.constant 0 : index
    %swap3A_20 = arith.constant 0 : index
    %swap3A_21 = vector.load %arg4[%swap3A, %swap3A_20] : memref<2000x128xf32, #tpu.memory_space<vmem>>, vector<2000x128xf32>
    tpu.vector_store %arg4[%swap3A, %swap3A_20], %mul3A_19 {strides = array<i32>} : memref<2000x128xf32, #tpu.memory_space<vmem>>, vector<2000x128xf32>,
    return
  }
  func.func @transform_0(%arg0: i32) -> (i32, i32) {
    %c0_i32 = arith.constant 0 : i32
    %c0_i32_0 = arith.constant 0 : i32
    return %arg0, %c0_i32 : i32, i32
  }
  func.func @transform_1(%arg0: i32) -> (i32, i32, i32) {
    %c0_i32 = arith.constant 0 : i32
    %c0_i32_0 = arith.constant 0 : i32
    %c0_i32_1 = arith.constant 0 : i32
    return %c0_i32, %arg0, %c0_i32_0 : i32, i32, i32
  }
  func.func @transform_2(%arg0: i32) -> (i32, i32) {
    %c0_i32 = arith.constant 0 : i32
    %c0_i32_0 = arith.constant 0 : i32
    %c0_i32_1 = arith.constant 0 : i32
    return %c0_i32, %c0_i32_0 : i32, i32
  }
  func.func @transform_3(%arg0: i32) -> (i32, i32) {
    %c0_i32 = arith.constant 0 : i32
    %c0_i32_0 = arith.constant 0 : i32
    return %arg0, %c0_i32 : i32, i32
  }
}

module attributes {stable_mosaic.version = 14 : i64} {
  func.func @_tc_layer_body(%arg0: i32, %arg1: memref<2x2000x64xf32, #tpu.memory_space<vmem>>, %arg2: memref<2000x128xf32, #tpu.memory_space<vmem>>, %arg3: memref<2x2000x16xf32, #tpu.memory_space<vmem>>, %arg4: memref<1x128xf32, #tpu.memory_space<vmem>>, %arg5: memref<128x128xf32, #tpu.memory_space<vmem>>, %arg6: memref<2000x128xf32, #tpu.memory_space<vmem>>) attributes {dimension_semantics = [#tpu.dimension_semantics<arbitrary>], iteration_bounds = array<i64: 5>, scalar_prefetch = 0 : i64, scratch_operands = 0 : i64, tpu.core_type = #tpu.core_type<tc>, window_params = [{transform_indices = @transform_0, window_bounds = array<i64: 2, 2000, 64>}, {transform_indices = @transform_1, window_bounds = array<i64: 2000, 128>}, {transform_indices = @transform_2, window_bounds = array<i64: 2, 2000, 16>}, {pipeline_mode = #tpu.pipeline_mode<synchronous>, transform_indices = @transform_3, window_bounds = array<i64: 1, 128>}, {pipeline_mode = #tpu.pipeline_mode<synchronous>, transform_indices = @transform_4, window_bounds = array<i64: 128, 128>}, {transform_indices = @transform_5, window_bounds = array<i64: 2000, 128>}]} {
    %get3A = arith.constant 0 : index
    %get3A_0 = arith.constant 0 : index
    %get3A_1 = arith.constant 0 : index
    %get3A_2 = vector.load %arg3[%get3A, %get3A_0, %get3A_1] : memref<2x2000x16xf32, #tpu.memory_space<vmem>>, vector<1x2000x1xf32>
    %get3A_3 = vector.shape_cast %get3A_2 : vector<1x2000x1xf32> to vector<2000x1xf32>
    %get3A_4 = arith.constant 1 : index
    %get3A_5 = arith.constant 0 : index
    %get3A_6 = arith.constant 0 : index
    %get3A_7 = vector.load %arg3[%get3A_4, %get3A_5, %get3A_6] : memref<2x2000x16xf32, #tpu.memory_space<vmem>>, vector<1x2000x1xf32>
    %get3A_8 = vector.shape_cast %get3A_7 : vector<1x2000x1xf32> to vector<2000x1xf32>
    %add3A = arith.addf %get3A_3, %get3A_8 : vector<2000x1xf32>
    %add3A_9 = arith.constant 1.000000e+00 : f32
    %add3A_10 = vector.broadcast %add3A_9 : f32 to vector<2000x1xf32>
    %add3A_11 = arith.addf %add3A, %add3A_10 : vector<2000x1xf32>
    %rsqrt3A = math.rsqrt %add3A_11 : vector<2000x1xf32>
    %get3A_12 = arith.constant 0 : index
    %get3A_13 = arith.constant 0 : index
    %get3A_14 = arith.constant 0 : index
    %get3A_15 = vector.load %arg1[%get3A_12, %get3A_13, %get3A_14] : memref<2x2000x64xf32, #tpu.memory_space<vmem>>, vector<1x2000x64xf32>
    %get3A_16 = vector.shape_cast %get3A_15 : vector<1x2000x64xf32> to vector<2000x64xf32>
    %get3A_17 = arith.constant 1 : index
    %get3A_18 = arith.constant 0 : index
    %get3A_19 = arith.constant 0 : index
    %get3A_20 = vector.load %arg1[%get3A_17, %get3A_18, %get3A_19] : memref<2x2000x64xf32, #tpu.memory_space<vmem>>, vector<1x2000x64xf32>
    %get3A_21 = vector.shape_cast %get3A_20 : vector<1x2000x64xf32> to vector<2000x64xf32>
    %concatenate3A = tpu.concatenate %get3A_16, %get3A_21 in 1 : vector<2000x64xf32>, vector<2000x64xf32> -> vector<2000x128xf32>
    %get3A_22 = arith.constant 0 : index
    %get3A_23 = arith.constant 0 : index
    %get3A_24 = vector.load %arg2[%get3A_22, %get3A_23] : memref<2000x128xf32, #tpu.memory_space<vmem>>, vector<2000x128xf32>
    %add3A_25 = arith.addf %concatenate3A, %get3A_24 : vector<2000x128xf32>
    %mul3A = vector.broadcast %rsqrt3A : vector<2000x1xf32> to vector<2000x128xf32>
    %mul3A_26 = arith.mulf %mul3A, %add3A_25 : vector<2000x128xf32>
    %get3A_27 = arith.constant 0 : index
    %get3A_28 = arith.constant 0 : index
    %get3A_29 = vector.load %arg4[%get3A_27, %get3A_28] : memref<1x128xf32, #tpu.memory_space<vmem>>, vector<1x128xf32>
    %add3A_30 = vector.broadcast %get3A_29 : vector<1x128xf32> to vector<2000x128xf32>
    %add3A_31 = arith.addf %mul3A_26, %add3A_30 : vector<2000x128xf32>
    %tanh3A = math.tanh %add3A_31 : vector<2000x128xf32>
    %get3A_32 = arith.constant 0 : index
    %get3A_33 = arith.constant 0 : index
    %get3A_34 = vector.load %arg5[%get3A_32, %get3A_33] : memref<128x128xf32, #tpu.memory_space<vmem>>, vector<128x128xf32>
    %dot_general3A = arith.constant dense<0.000000e+00> : vector<2000x128xf32>
    %dot_general3A_35 = tpu.matmul %tanh3A, %get3A_34, %dot_general3A {dimension_numbers = #tpu.dot_dimension_numbers<[1], [0], [0], [1], [0, 0, 1, 1], [], []>, transpose_lhs_hint = false} : vector<2000x128xf32>, vector<128x128xf32>, vector<2000x128xf32> -> vector<2000x128xf32>
    %mul3A_36 = vector.broadcast %rsqrt3A : vector<2000x1xf32> to vector<2000x128xf32>
    %mul3A_37 = arith.mulf %dot_general3A_35, %mul3A_36 : vector<2000x128xf32>
    %swap3A = arith.constant 0 : index
    %swap3A_38 = arith.constant 0 : index
    %swap3A_39 = vector.load %arg6[%swap3A, %swap3A_38] : memref<2000x128xf32, #tpu.memory_space<vmem>>, vector<2000x128xf32>
    tpu.vector_store %arg6[%swap3A, %swap3A_38], %mul3A_37 {strides = array<i32>} : memref<2000x128xf32, #tpu.memory_space<vmem>>, vector<2000x128xf32>,
    return
  }
  func.func @transform_0(%arg0: i32) -> (i32, i32, i32) {
    %c0_i32 = arith.constant 0 : i32
    %c0_i32_0 = arith.constant 0 : i32
    %c0_i32_1 = arith.constant 0 : i32
    return %c0_i32, %arg0, %c0_i32_0 : i32, i32, i32
  }
  func.func @transform_1(%arg0: i32) -> (i32, i32) {
    %c0_i32 = arith.constant 0 : i32
    %c0_i32_0 = arith.constant 0 : i32
    return %arg0, %c0_i32 : i32, i32
  }
  func.func @transform_2(%arg0: i32) -> (i32, i32, i32) {
    %c0_i32 = arith.constant 0 : i32
    %c0_i32_0 = arith.constant 0 : i32
    %c0_i32_1 = arith.constant 0 : i32
    return %c0_i32, %arg0, %c0_i32_0 : i32, i32, i32
  }
  func.func @transform_3(%arg0: i32) -> (i32, i32) {
    %c0_i32 = arith.constant 0 : i32
    %c0_i32_0 = arith.constant 0 : i32
    %c0_i32_1 = arith.constant 0 : i32
    return %c0_i32, %c0_i32_0 : i32, i32
  }
  func.func @transform_4(%arg0: i32) -> (i32, i32) {
    %c0_i32 = arith.constant 0 : i32
    %c0_i32_0 = arith.constant 0 : i32
    %c0_i32_1 = arith.constant 0 : i32
    return %c0_i32, %c0_i32_0 : i32, i32
  }
  func.func @transform_5(%arg0: i32) -> (i32, i32) {
    %c0_i32 = arith.constant 0 : i32
    %c0_i32_0 = arith.constant 0 : i32
    return %arg0, %c0_i32 : i32, i32
  }
}

module attributes {stable_mosaic.version = 14 : i64} {
  func.func @_tc_final_body(%arg0: i32, %arg1: memref<2x1000x64xf32, #tpu.memory_space<vmem>>, %arg2: memref<1000x128xf32, #tpu.memory_space<vmem>>, %arg3: memref<2x1000x16xf32, #tpu.memory_space<vmem>>, %arg4: memref<1x128xf32, #tpu.memory_space<vmem>>, %arg5: memref<1x1x1000xi32, #tpu.memory_space<vmem>>, %arg6: memref<1000x1xi32, #tpu.memory_space<vmem>>, %arg7: memref<2x128xf32, #tpu.memory_space<vmem>>, %arg8: memref<1x128xf32, #tpu.memory_space<vmem>>, %arg9: memref<64x128xf32, #tpu.memory_space<vmem>>, %arg10: memref<64x128xf32, #tpu.memory_space<vmem>>, %arg11: memref<64x128xf32, #tpu.memory_space<vmem>>, %arg12: memref<64x128xf32, #tpu.memory_space<vmem>>) attributes {dimension_semantics = [#tpu.dimension_semantics<arbitrary>], iteration_bounds = array<i64: 10>, scalar_prefetch = 0 : i64, scratch_operands = 3 : i64, tpu.core_type = #tpu.core_type<tc>, window_params = [{transform_indices = @transform_0, window_bounds = array<i64: 2, 1000, 64>}, {transform_indices = @transform_1, window_bounds = array<i64: 1000, 128>}, {transform_indices = @transform_2, window_bounds = array<i64: 2, 1000, 16>}, {pipeline_mode = #tpu.pipeline_mode<synchronous>, transform_indices = @transform_3, window_bounds = array<i64: 1, 128>}, {transform_indices = @transform_4, window_bounds = array<i64: 1, 1, 1000>}, {transform_indices = @transform_5, window_bounds = array<i64: 1000, 1>}, {pipeline_mode = #tpu.pipeline_mode<synchronous>, transform_indices = @transform_6, window_bounds = array<i64: 2, 128>}, {pipeline_mode = #tpu.pipeline_mode<synchronous>, transform_indices = @transform_7, window_bounds = array<i64: 1, 128>}, {pipeline_mode = #tpu.pipeline_mode<synchronous>, transform_indices = @transform_8, window_bounds = array<i64: 64, 128>}]} {
    %eq3A = arith.constant 0 : i32
    %eq3A_0 = arith.cmpi eq, %arg0, %eq3A : i32
    %convert_element_type3A = arith.extui %eq3A_0 : i1 to i32
    %cond3A = arith.constant 0 : i32
    %cond3A_1 = arith.cmpi ne, %convert_element_type3A, %cond3A : i32
    scf.if %cond3A_1 {
      %broadcast_in_dim3A_88 = arith.constant 0xFF800000 : f32
      %broadcast_in_dim3A_89 = vector.broadcast %broadcast_in_dim3A_88 : f32 to vector<64x128xf32>
      %swap3A_90 = arith.constant 0 : index
      %swap3A_91 = arith.constant 0 : index
      %swap3A_92 = vector.load %arg10[%swap3A_90, %swap3A_91] : memref<64x128xf32, #tpu.memory_space<vmem>>, vector<64x128xf32>
      tpu.vector_store %arg10[%swap3A_90, %swap3A_91], %broadcast_in_dim3A_89 {strides = array<i32>} : memref<64x128xf32, #tpu.memory_space<vmem>>, vector<64x128xf32>,
      %broadcast_in_dim3A_93 = arith.constant 0.000000e+00 : f32
      %broadcast_in_dim3A_94 = vector.broadcast %broadcast_in_dim3A_93 : f32 to vector<64x128xf32>
      %swap3A_95 = arith.constant 0 : index
      %swap3A_96 = arith.constant 0 : index
      %swap3A_97 = vector.load %arg11[%swap3A_95, %swap3A_96] : memref<64x128xf32, #tpu.memory_space<vmem>>, vector<64x128xf32>
      tpu.vector_store %arg11[%swap3A_95, %swap3A_96], %broadcast_in_dim3A_94 {strides = array<i32>} : memref<64x128xf32, #tpu.memory_space<vmem>>, vector<64x128xf32>,
      %broadcast_in_dim3A_98 = arith.constant 0.000000e+00 : f32
      %broadcast_in_dim3A_99 = vector.broadcast %broadcast_in_dim3A_98 : f32 to vector<64x128xf32>
      %swap3A_100 = arith.constant 0 : index
      %swap3A_101 = arith.constant 0 : index
      %swap3A_102 = vector.load %arg12[%swap3A_100, %swap3A_101] : memref<64x128xf32, #tpu.memory_space<vmem>>, vector<64x128xf32>
      tpu.vector_store %arg12[%swap3A_100, %swap3A_101], %broadcast_in_dim3A_99 {strides = array<i32>} : memref<64x128xf32, #tpu.memory_space<vmem>>, vector<64x128xf32>,
    } else {
    }
    %get3A = arith.constant 0 : index
    %get3A_2 = arith.constant 0 : index
    %get3A_3 = arith.constant 0 : index
    %get3A_4 = vector.load %arg3[%get3A, %get3A_2, %get3A_3] : memref<2x1000x16xf32, #tpu.memory_space<vmem>>, vector<1x1000x1xf32>
    %get3A_5 = vector.shape_cast %get3A_4 : vector<1x1000x1xf32> to vector<1000x1xf32>
    %get3A_6 = arith.constant 1 : index
    %get3A_7 = arith.constant 0 : index
    %get3A_8 = arith.constant 0 : index
    %get3A_9 = vector.load %arg3[%get3A_6, %get3A_7, %get3A_8] : memref<2x1000x16xf32, #tpu.memory_space<vmem>>, vector<1x1000x1xf32>
    %get3A_10 = vector.shape_cast %get3A_9 : vector<1x1000x1xf32> to vector<1000x1xf32>
    %add3A = arith.addf %get3A_5, %get3A_10 : vector<1000x1xf32>
    %add3A_11 = arith.constant 1.000000e+00 : f32
    %add3A_12 = vector.broadcast %add3A_11 : f32 to vector<1000x1xf32>
    %add3A_13 = arith.addf %add3A, %add3A_12 : vector<1000x1xf32>
    %rsqrt3A = math.rsqrt %add3A_13 : vector<1000x1xf32>
    %get3A_14 = arith.constant 0 : index
    %get3A_15 = arith.constant 0 : index
    %get3A_16 = arith.constant 0 : index
    %get3A_17 = vector.load %arg1[%get3A_14, %get3A_15, %get3A_16] : memref<2x1000x64xf32, #tpu.memory_space<vmem>>, vector<1x1000x64xf32>
    %get3A_18 = vector.shape_cast %get3A_17 : vector<1x1000x64xf32> to vector<1000x64xf32>
    %get3A_19 = arith.constant 1 : index
    %get3A_20 = arith.constant 0 : index
    %get3A_21 = arith.constant 0 : index
    %get3A_22 = vector.load %arg1[%get3A_19, %get3A_20, %get3A_21] : memref<2x1000x64xf32, #tpu.memory_space<vmem>>, vector<1x1000x64xf32>
    %get3A_23 = vector.shape_cast %get3A_22 : vector<1x1000x64xf32> to vector<1000x64xf32>
    %concatenate3A = tpu.concatenate %get3A_18, %get3A_23 in 1 : vector<1000x64xf32>, vector<1000x64xf32> -> vector<1000x128xf32>
    %get3A_24 = arith.constant 0 : index
    %get3A_25 = arith.constant 0 : index
    %get3A_26 = vector.load %arg2[%get3A_24, %get3A_25] : memref<1000x128xf32, #tpu.memory_space<vmem>>, vector<1000x128xf32>
    %add3A_27 = arith.addf %concatenate3A, %get3A_26 : vector<1000x128xf32>
    %mul3A = vector.broadcast %rsqrt3A : vector<1000x1xf32> to vector<1000x128xf32>
    %mul3A_28 = arith.mulf %mul3A, %add3A_27 : vector<1000x128xf32>
    %get3A_29 = arith.constant 0 : index
    %get3A_30 = arith.constant 0 : index
    %get3A_31 = vector.load %arg4[%get3A_29, %get3A_30] : memref<1x128xf32, #tpu.memory_space<vmem>>, vector<1x128xf32>
    %add3A_32 = vector.broadcast %get3A_31 : vector<1x128xf32> to vector<1000x128xf32>
    %add3A_33 = arith.addf %mul3A_28, %add3A_32 : vector<1000x128xf32>
    %tanh3A = math.tanh %add3A_33 : vector<1000x128xf32>
    %get3A_34 = arith.constant 0 : index
    %get3A_35 = arith.constant 0 : index
    %get3A_36 = arith.constant 0 : index
    %get3A_37 = vector.load %arg5[%get3A_34, %get3A_35, %get3A_36] : memref<1x1x1000xi32, #tpu.memory_space<vmem>>, vector<1x1x1000xi32>
    %get3A_38 = vector.shape_cast %get3A_37 : vector<1x1x1000xi32> to vector<1x1000xi32>
    %iota3A = tpu.iota {dimensions = array<i32: 0>} : vector<64x1000xi32>
    %eq3A_39 = vector.broadcast %get3A_38 : vector<1x1000xi32> to vector<64x1000xi32>
    %eq3A_40 = arith.cmpi eq, %eq3A_39, %iota3A : vector<64x1000xi32>
    %convert_element_type3A_41 = arith.extui %eq3A_40 : vector<64x1000xi1> to vector<64x1000xi32>
    %convert_element_type3A_42 = arith.sitofp %convert_element_type3A_41 : vector<64x1000xi32> to vector<64x1000xf32>
    %get3A_43 = arith.constant 0 : index
    %get3A_44 = arith.constant 0 : index
    %get3A_45 = vector.load %arg11[%get3A_43, %get3A_44] : memref<64x128xf32, #tpu.memory_space<vmem>>, vector<64x128xf32>
    %dot_general3A = arith.constant dense<0.000000e+00> : vector<64x128xf32>
    %dot_general3A_46 = tpu.matmul %convert_element_type3A_42, %tanh3A, %dot_general3A {dimension_numbers = #tpu.dot_dimension_numbers<[1], [0], [0], [1], [0, 0, 1, 1], [], []>, transpose_lhs_hint = false} : vector<64x1000xf32>, vector<1000x128xf32>, vector<64x128xf32> -> vector<64x128xf32>
    %add3A_47 = arith.addf %get3A_45, %dot_general3A_46 : vector<64x128xf32>
    %swap3A = arith.constant 0 : index
    %swap3A_48 = arith.constant 0 : index
    %swap3A_49 = vector.load %arg11[%swap3A, %swap3A_48] : memref<64x128xf32, #tpu.memory_space<vmem>>, vector<64x128xf32>
    tpu.vector_store %arg11[%swap3A, %swap3A_48], %add3A_47 {strides = array<i32>} : memref<64x128xf32, #tpu.memory_space<vmem>>, vector<64x128xf32>,
    %get3A_50 = arith.constant 0 : index
    %get3A_51 = arith.constant 0 : index
    %get3A_52 = vector.load %arg12[%get3A_50, %get3A_51] : memref<64x128xf32, #tpu.memory_space<vmem>>, vector<64x128xf32>
    %broadcast_in_dim3A = arith.constant 1.000000e+00 : f32
    %broadcast_in_dim3A_53 = vector.broadcast %broadcast_in_dim3A : f32 to vector<1000x128xf32>
    %dot_general3A_54 = arith.constant dense<0.000000e+00> : vector<64x128xf32>
    %dot_general3A_55 = tpu.matmul %convert_element_type3A_42, %broadcast_in_dim3A_53, %dot_general3A_54 {dimension_numbers = #tpu.dot_dimension_numbers<[1], [0], [0], [1], [0, 0, 1, 1], [], []>, transpose_lhs_hint = false} : vector<64x1000xf32>, vector<1000x128xf32>, vector<64x128xf32> -> vector<64x128xf32>
    %add3A_56 = arith.addf %get3A_52, %dot_general3A_55 : vector<64x128xf32>
    %swap3A_57 = arith.constant 0 : index
    %swap3A_58 = arith.constant 0 : index
    %swap3A_59 = vector.load %arg12[%swap3A_57, %swap3A_58] : memref<64x128xf32, #tpu.memory_space<vmem>>, vector<64x128xf32>
    tpu.vector_store %arg12[%swap3A_57, %swap3A_58], %add3A_56 {strides = array<i32>} : memref<64x128xf32, #tpu.memory_space<vmem>>, vector<64x128xf32>,
    %iota3A_60 = tpu.iota {dimensions = array<i32: 0>} : vector<64x1xi32>
    %get3A_61 = arith.constant 0 : index
    %get3A_62 = arith.constant 0 : index
    %get3A_63 = arith.constant 0 : index
    %get3A_64 = vector.load %arg5[%get3A_61, %get3A_62, %get3A_63] : memref<1x1x1000xi32, #tpu.memory_space<vmem>>, vector<1x1x1xi32>
    %get3A_65 = vector.extract %get3A_64[0, 0, 0] : i32 from vector<1x1x1xi32>
    %get3A_66 = arith.constant 0 : index
    %get3A_67 = arith.constant 0 : index
    %get3A_68 = arith.constant 999 : index
    %get3A_69 = vector.load %arg5[%get3A_66, %get3A_67, %get3A_68] : memref<1x1x1000xi32, #tpu.memory_space<vmem>>, vector<1x1x1xi32>
    %get3A_70 = vector.extract %get3A_69[0, 0, 0] : i32 from vector<1x1x1xi32>
    %add3A_71 = arith.constant 1 : i32
    %add3A_72 = arith.addi %get3A_70, %add3A_71 : i32
    %while3A = arith.constant 0 : i32
    %while3A_73 = arith.subi %add3A_72, %get3A_65 : i32
    %while3A_74 = arith.addi %get3A_65, %while3A_73 : i32
    %while3A_75 = arith.constant 1 : i32
    %while3A_76 = arith.divsi %while3A_73, %while3A_75 : i32
    %while3A_77 = arith.muli %while3A_76, %while3A_75 : i32
    %while3A_78 = arith.addi %get3A_65, %while3A_77 : i32
    %while3A_79 = arith.constant 1 : i32
    %while3A_80 = scf.for %while3A_88 = %get3A_65 to %while3A_78 step %while3A_79 iter_args(%while3A_89 = %while3A) -> (i32)  : i32 {
      %get3A_90 = arith.constant 0 : index
      %get3A_91 = arith.constant 0 : index
      %get3A_92 = vector.load %arg6[%get3A_90, %get3A_91] : memref<1000x1xi32, #tpu.memory_space<vmem>>, vector<1000x1xi32>
      %eq3A_93 = vector.broadcast %while3A_88 : i32 to vector<1000x1xi32>
      %eq3A_94 = arith.cmpi eq, %get3A_92, %eq3A_93 : vector<1000x1xi32>
      %jit3A = arith.constant 0xFF800000 : f32
      %broadcast_in_dim3A_95 = vector.shape_cast %eq3A_94 : vector<1000x1xi1> to vector<1000x1xi1>
      %broadcast_in_dim3A_96 = vector.broadcast %broadcast_in_dim3A_95 : vector<1000x1xi1> to vector<1000x128xi1>
      %broadcast_in_dim3A_97 = vector.broadcast %jit3A : f32 to vector<1000x128xf32>
      %select_n3A = arith.select %broadcast_in_dim3A_96, %tanh3A, %broadcast_in_dim3A_97 : vector<1000x128xi1>, vector<1000x128xf32>
      %reduce_max3A = arith.constant dense<0xFF800000> : vector<128xf32>
      %reduce_max3A_98 = vector.multi_reduction <maximumf>, %select_n3A, %reduce_max3A [0] : vector<1000x128xf32> to vector<128xf32>
      %broadcast_in_dim3A_99 = vector.shape_cast %reduce_max3A_98 : vector<128xf32> to vector<1x128xf32>
      %eq3A_100 = vector.broadcast %while3A_88 : i32 to vector<64x1xi32>
      %eq3A_101 = arith.cmpi eq, %iota3A_60, %eq3A_100 : vector<64x1xi32>
      %get3A_102 = arith.constant 0 : index
      %get3A_103 = arith.constant 0 : index
      %get3A_104 = vector.load %arg10[%get3A_102, %get3A_103] : memref<64x128xf32, #tpu.memory_space<vmem>>, vector<64x128xf32>
      %max3A = vector.broadcast %broadcast_in_dim3A_99 : vector<1x128xf32> to vector<64x128xf32>
      %max3A_105 = arith.maximumf %get3A_104, %max3A : vector<64x128xf32>
      %get3A_106 = arith.constant 0 : index
      %get3A_107 = arith.constant 0 : index
      %get3A_108 = vector.load %arg10[%get3A_106, %get3A_107] : memref<64x128xf32, #tpu.memory_space<vmem>>, vector<64x128xf32>
      %broadcast_in_dim3A_109 = vector.shape_cast %eq3A_101 : vector<64x1xi1> to vector<64x1xi1>
      %broadcast_in_dim3A_110 = vector.broadcast %broadcast_in_dim3A_109 : vector<64x1xi1> to vector<64x128xi1>
      %select_n3A_111 = arith.select %broadcast_in_dim3A_110, %max3A_105, %get3A_108 : vector<64x128xi1>, vector<64x128xf32>
      %swap3A_112 = arith.constant 0 : index
      %swap3A_113 = arith.constant 0 : index
      %swap3A_114 = vector.load %arg10[%swap3A_112, %swap3A_113] : memref<64x128xf32, #tpu.memory_space<vmem>>, vector<64x128xf32>
      tpu.vector_store %arg10[%swap3A_112, %swap3A_113], %select_n3A_111 {strides = array<i32>} : memref<64x128xf32, #tpu.memory_space<vmem>>, vector<64x128xf32>,
      %while3A_115 = arith.constant 0 : i32
      scf.yield %while3A_115 : i32
    }
    %while3A_81 = arith.constant 1 : i32
    %while3A_82 = scf.for %while3A_88 = %while3A_78 to %while3A_74 step %while3A_81 iter_args(%while3A_89 = %while3A_80) -> (i32)  : i32 {
      %get3A_90 = arith.constant 0 : index
      %get3A_91 = arith.constant 0 : index
      %get3A_92 = vector.load %arg6[%get3A_90, %get3A_91] : memref<1000x1xi32, #tpu.memory_space<vmem>>, vector<1000x1xi32>
      %eq3A_93 = vector.broadcast %while3A_88 : i32 to vector<1000x1xi32>
      %eq3A_94 = arith.cmpi eq, %get3A_92, %eq3A_93 : vector<1000x1xi32>
      %jit3A = arith.constant 0xFF800000 : f32
      %broadcast_in_dim3A_95 = vector.shape_cast %eq3A_94 : vector<1000x1xi1> to vector<1000x1xi1>
      %broadcast_in_dim3A_96 = vector.broadcast %broadcast_in_dim3A_95 : vector<1000x1xi1> to vector<1000x128xi1>
      %broadcast_in_dim3A_97 = vector.broadcast %jit3A : f32 to vector<1000x128xf32>
      %select_n3A = arith.select %broadcast_in_dim3A_96, %tanh3A, %broadcast_in_dim3A_97 : vector<1000x128xi1>, vector<1000x128xf32>
      %reduce_max3A = arith.constant dense<0xFF800000> : vector<128xf32>
      %reduce_max3A_98 = vector.multi_reduction <maximumf>, %select_n3A, %reduce_max3A [0] : vector<1000x128xf32> to vector<128xf32>
      %broadcast_in_dim3A_99 = vector.shape_cast %reduce_max3A_98 : vector<128xf32> to vector<1x128xf32>
      %eq3A_100 = vector.broadcast %while3A_88 : i32 to vector<64x1xi32>
      %eq3A_101 = arith.cmpi eq, %iota3A_60, %eq3A_100 : vector<64x1xi32>
      %get3A_102 = arith.constant 0 : index
      %get3A_103 = arith.constant 0 : index
      %get3A_104 = vector.load %arg10[%get3A_102, %get3A_103] : memref<64x128xf32, #tpu.memory_space<vmem>>, vector<64x128xf32>
      %max3A = vector.broadcast %broadcast_in_dim3A_99 : vector<1x128xf32> to vector<64x128xf32>
      %max3A_105 = arith.maximumf %get3A_104, %max3A : vector<64x128xf32>
      %get3A_106 = arith.constant 0 : index
      %get3A_107 = arith.constant 0 : index
      %get3A_108 = vector.load %arg10[%get3A_106, %get3A_107] : memref<64x128xf32, #tpu.memory_space<vmem>>, vector<64x128xf32>
      %broadcast_in_dim3A_109 = vector.shape_cast %eq3A_101 : vector<64x1xi1> to vector<64x1xi1>
      %broadcast_in_dim3A_110 = vector.broadcast %broadcast_in_dim3A_109 : vector<64x1xi1> to vector<64x128xi1>
      %select_n3A_111 = arith.select %broadcast_in_dim3A_110, %max3A_105, %get3A_108 : vector<64x128xi1>, vector<64x128xf32>
      %swap3A_112 = arith.constant 0 : index
      %swap3A_113 = arith.constant 0 : index
      %swap3A_114 = vector.load %arg10[%swap3A_112, %swap3A_113] : memref<64x128xf32, #tpu.memory_space<vmem>>, vector<64x128xf32>
      tpu.vector_store %arg10[%swap3A_112, %swap3A_113], %select_n3A_111 {strides = array<i32>} : memref<64x128xf32, #tpu.memory_space<vmem>>, vector<64x128xf32>,
      %while3A_115 = arith.constant 0 : i32
      scf.yield %while3A_115 : i32
    }
    %eq3A_83 = arith.constant 9 : i32
    %eq3A_84 = arith.cmpi eq, %arg0, %eq3A_83 : i32
    %convert_element_type3A_85 = arith.extui %eq3A_84 : i1 to i32
    %cond3A_86 = arith.constant 0 : i32
    %cond3A_87 = arith.cmpi ne, %convert_element_type3A_85, %cond3A_86 : i32
    scf.if %cond3A_87 {
      %get3A_88 = arith.constant 0 : index
      %get3A_89 = arith.constant 0 : index
      %get3A_90 = vector.load %arg12[%get3A_88, %get3A_89] : memref<64x128xf32, #tpu.memory_space<vmem>>, vector<64x128xf32>
      %gt3A = arith.constant 0.000000e+00 : f32
      %gt3A_91 = vector.broadcast %gt3A : f32 to vector<64x128xf32>
      %gt3A_92 = arith.cmpf ogt, %get3A_90, %gt3A_91 : vector<64x128xf32>
      %get3A_93 = arith.constant 0 : index
      %get3A_94 = arith.constant 0 : index
      %get3A_95 = vector.load %arg10[%get3A_93, %get3A_94] : memref<64x128xf32, #tpu.memory_space<vmem>>, vector<64x128xf32>
      %jit3A = arith.constant 0.000000e+00 : f32
      %broadcast_in_dim3A_96 = vector.broadcast %jit3A : f32 to vector<64x128xf32>
      %select_n3A = arith.select %gt3A_92, %get3A_95, %broadcast_in_dim3A_96 : vector<64x128xi1>, vector<64x128xf32>
      %get3A_97 = arith.constant 0 : index
      %get3A_98 = arith.constant 0 : index
      %get3A_99 = vector.load %arg11[%get3A_97, %get3A_98] : memref<64x128xf32, #tpu.memory_space<vmem>>, vector<64x128xf32>
      %get3A_100 = arith.constant 0 : index
      %get3A_101 = arith.constant 0 : index
      %get3A_102 = vector.load %arg12[%get3A_100, %get3A_101] : memref<64x128xf32, #tpu.memory_space<vmem>>, vector<64x128xf32>
      %max3A = arith.constant 1.000000e+00 : f32
      %max3A_103 = vector.broadcast %max3A : f32 to vector<64x128xf32>
      %max3A_104 = arith.maximumf %get3A_102, %max3A_103 : vector<64x128xf32>
      %div3A = arith.divf %get3A_99, %max3A_104 : vector<64x128xf32>
      %get3A_105 = arith.constant 0 : index
      %get3A_106 = arith.constant 0 : index
      %get3A_107 = vector.load %arg7[%get3A_105, %get3A_106] : memref<2x128xf32, #tpu.memory_space<vmem>>, vector<1x128xf32>
      %mul3A_108 = vector.broadcast %get3A_107 : vector<1x128xf32> to vector<64x128xf32>
      %mul3A_109 = arith.mulf %select_n3A, %mul3A_108 : vector<64x128xf32>
      %get3A_110 = arith.constant 1 : index
      %get3A_111 = arith.constant 0 : index
      %get3A_112 = vector.load %arg7[%get3A_110, %get3A_111] : memref<2x128xf32, #tpu.memory_space<vmem>>, vector<1x128xf32>
      %mul3A_113 = vector.broadcast %get3A_112 : vector<1x128xf32> to vector<64x128xf32>
      %mul3A_114 = arith.mulf %div3A, %mul3A_113 : vector<64x128xf32>
      %add3A_115 = arith.addf %mul3A_109, %mul3A_114 : vector<64x128xf32>
      %reduce_sum3A = arith.constant dense<0.000000e+00> : vector<64xf32>
      %reduce_sum3A_116 = vector.multi_reduction <add>, %add3A_115, %reduce_sum3A [1] : vector<64x128xf32> to vector<64xf32>
      %broadcast_in_dim3A_117 = vector.shape_cast %reduce_sum3A_116 : vector<64xf32> to vector<64x1xf32>
      %get3A_118 = arith.constant 0 : index
      %get3A_119 = arith.constant 0 : index
      %get3A_120 = vector.load %arg8[%get3A_118, %get3A_119] : memref<1x128xf32, #tpu.memory_space<vmem>>, vector<1x1xf32>
      %add3A_121 = vector.broadcast %get3A_120 : vector<1x1xf32> to vector<64x1xf32>
      %add3A_122 = arith.addf %broadcast_in_dim3A_117, %add3A_121 : vector<64x1xf32>
      %broadcast_in_dim3A_123 = vector.shape_cast %add3A_122 : vector<64x1xf32> to vector<64x1xf32>
      %broadcast_in_dim3A_124 = vector.broadcast %broadcast_in_dim3A_123 : vector<64x1xf32> to vector<64x128xf32>
      %swap3A_125 = arith.constant 0 : index
      %swap3A_126 = arith.constant 0 : index
      %swap3A_127 = vector.load %arg9[%swap3A_125, %swap3A_126] : memref<64x128xf32, #tpu.memory_space<vmem>>, vector<64x128xf32>
      tpu.vector_store %arg9[%swap3A_125, %swap3A_126], %broadcast_in_dim3A_124 {strides = array<i32>} : memref<64x128xf32, #tpu.memory_space<vmem>>, vector<64x128xf32>,
    } else {
    }
    return
  }
  func.func @transform_0(%arg0: i32) -> (i32, i32, i32) {
    %c0_i32 = arith.constant 0 : i32
    %c0_i32_0 = arith.constant 0 : i32
    %c0_i32_1 = arith.constant 0 : i32
    return %c0_i32, %arg0, %c0_i32_0 : i32, i32, i32
  }
  func.func @transform_1(%arg0: i32) -> (i32, i32) {
    %c0_i32 = arith.constant 0 : i32
    %c0_i32_0 = arith.constant 0 : i32
    return %arg0, %c0_i32 : i32, i32
  }
  func.func @transform_2(%arg0: i32) -> (i32, i32, i32) {
    %c0_i32 = arith.constant 0 : i32
    %c0_i32_0 = arith.constant 0 : i32
    %c0_i32_1 = arith.constant 0 : i32
    return %c0_i32, %arg0, %c0_i32_0 : i32, i32, i32
  }
  func.func @transform_3(%arg0: i32) -> (i32, i32) {
    %c0_i32 = arith.constant 0 : i32
    %c0_i32_0 = arith.constant 0 : i32
    %c0_i32_1 = arith.constant 0 : i32
    return %c0_i32, %c0_i32_0 : i32, i32
  }
  func.func @transform_4(%arg0: i32) -> (i32, i32, i32) {
    %c0_i32 = arith.constant 0 : i32
    %c0_i32_0 = arith.constant 0 : i32
    %c0_i32_1 = arith.constant 0 : i32
    return %arg0, %c0_i32, %c0_i32_0 : i32, i32, i32
  }
  func.func @transform_5(%arg0: i32) -> (i32, i32) {
    %c0_i32 = arith.constant 0 : i32
    %c0_i32_0 = arith.constant 0 : i32
    return %arg0, %c0_i32 : i32, i32
  }
  func.func @transform_6(%arg0: i32) -> (i32, i32) {
    %c0_i32 = arith.constant 0 : i32
    %c0_i32_0 = arith.constant 0 : i32
    %c0_i32_1 = arith.constant 0 : i32
    return %c0_i32, %c0_i32_0 : i32, i32
  }
  func.func @transform_7(%arg0: i32) -> (i32, i32) {
    %c0_i32 = arith.constant 0 : i32
    %c0_i32_0 = arith.constant 0 : i32
    %c0_i32_1 = arith.constant 0 : i32
    return %c0_i32, %c0_i32_0 : i32, i32
  }
  func.func @transform_8(%arg0: i32) -> (i32, i32) {
    %c0_i32 = arith.constant 0 : i32
    %c0_i32_0 = arith.constant 0 : i32
    %c0_i32_1 = arith.constant 0 : i32
    return %c0_i32, %c0_i32_0 : i32, i32
  }
}

</mosaic_0001>

<sc_bundles>
// kernel: kernel.12.cloned.1.call-start
scs
__scs_entry_jumppad:
0x0: {  	(pc) =	sbr.rel $0x88, $3  }
0x1: {  	(tag) =	ssettag $0x0;
	lr =	simm.s32 $0x1  }
0x2: {  	[smem:$0x3F94] =	sst lr;
	_ =	strace $0xD0000000  }
0x3: {  	_ = 	snop  }
0x4: {  	_ = 	snop  }
0x5: {  	_ = 	snop  }
0x6: {  	_ = 	snop  }
0x7: {  	_ = 	snop  }
__scs_overlays_trampoline_lowered:
0x8: {  	[smem:$0x3FA3] =	sst s0  }
0x9: {  	[smem:$0x3FA4] =	sst s1  }
0xa: {  	[smem:$0x3FA5] =	sst s2  }
0xb: {  	[smem:$0x3FA6] =	sst s3  }
0xc: {  	[smem:$0x3FA7] =	sst s4  }
0xd: {  	[smem:$0x3FA8] =	sst s5  }
0xe: {  	[smem:$0x3FA9] =	sst s6  }
0xf: {  	[smem:$0x3FAA] =	sst s7  }
0x10: {  	[smem:$0x3FAB] =	sst s8  }
0x11: {  	[smem:$0x3FAC] =	sst s9;
	s0 =	simm.s32 @!p0 $0x0  }
0x12: {  	s1 =	sld [smem:$0x3F92];
	s0 =	simm.s32 @p0 $0x1  }
0x13: {  	[smem:$0x3FAD] =	sst s0;
	s0 =	simm.s32 @!p1 $0x0  }
0x14: {  	s2 =	sld [smem:$0x3F91];
	s0 =	simm.s32 @p1 $0x1  }
0x15: {  	[smem:$0x3FAE] =	sst s0;
	s0 =	simm.s32 @!p2 $0x0  }
0x16: {  	s3 =	sld [smem:$0x3FDB];
	s0 =	simm.s32 @p2 $0x1  }
0x17: {  	s4 =	simm.s32 $0x1BF5;
	[smem:$0x3FB0] =	sst s0  }
0x18: {  	s0 =	sld [smem:$0x3F93];
	_ =	swait.ge [sflag:s4], $0x0  }
0x19: {  	s7 =	sld [smem:$0x3F94]  }
0x1a: {  	s8 =	sadd.s32 $0xFFFFE003, lr  }
0x1b: {  	s9 =	sadd.s32 $0xFFFFFEF7, lr;
	s5 =	simm.s32 $0xFFFFFFFF;
	p2 =	slt.u32 s8, $0xFFFFF086  }
0x1c: {  	p1 =	slt.u32 s9, $0xF7A;
	s5 =	simm.s32 @!p2 $0x0  }
0x1d: {  	s5 =	simm.s32 @p1 $0x1;
	p0 =	seq.s32 s7, s2  }
0x1e: {  	s7 =	smul.u32 @!p0 $0xF7A, s2;
	p2 =	seq.s32 @!p0 s5, $0x0  }
0x1f: {  	s9 =	smul.u32 $0xF7A, s1;
	s8 =	simm.s32 @!p0 $0x1BF5;
	p2 =	por !p2, p0  }
0x20: {  	[sflag:s8] =	ssyncset.s32 @!p0 $0xFFFFF086;
	s6 =	sadd.s32 @!p0 s3, s7;
	s7 =	simm.s32 @!p0 $0x108  }
0x21: {  	s3 =	sadd.s32 s3, s9;
	s6 =	sadd.s32 @!p0 $0x88, s6;
	s7 =	simm.s32 @p2 $0x1082  }
0x22: {  	[simem:s7], [sflag:s8] =	dma.local @!p0 [hbm:s6], $0xF7A  }
0x23: {  	s9 =	sor.u32 $0xD0000000, s2;
	s6 =	simm.s32 $0x108;
	_ =	swait.ge @!p0 [sflag:s8], $0x0  }
0x24: {  	s3 =	sadd.s32 $0x88, s3;
	s6 =	simm.s32 @!p1 $0x1082;
	[sflag:s4] =	ssyncset.s32 $0xFFFFF086  }
0x25: {  	[simem:s6], [sflag:s4] =	dma.local [hbm:s3], $0xF7A  }
0x26: {  	[smem:$0x3F94] =	sst s1;
	(tag) =	ssettag s2;
	_ =	strace s9  }
0x27: {  	s1 =	sld [smem:$0x3FA4]  }
0x28: {  	s2 =	sld [smem:$0x3FA5]  }
0x29: {  	s4 =	sld [smem:$0x3FA7]  }
0x2a: {  	p0 =	seq.s32 s5, $0x0;
	s5 =	sld [smem:$0x3FA8]  }
0x2b: {  	s6 =	sld [smem:$0x3FA9]  }
0x2c: {  	s7 =	sld [smem:$0x3FAA]  }
0x2d: {  	s3 =	simm.s32 $0x108;
	s8 =	sld [smem:$0x3FAB]  }
0x2e: {  	s3 =	simm.s32 @!p0 $0x1082;
	s9 =	sld [smem:$0x3FAC]  }
0x2f: {  	lr =	sadd.s32 s0, s3;
	s0 =	sld [smem:$0x3FA3]  }
0x30: {  	s3 =	sld [smem:$0x3FA6]  }
0x31: {  	[smem:$0x3FAF] =	sst s10  }
0x32: {  	s10 =	sld [smem:$0x3FAD];
	_ =	sdelay $0x3  }
0x33: {  	p0 =	seq.s32 s10, $0x1;
	s10 =	sld [smem:$0x3FAF];
	_ =	sdelay $0x3  }
0x34: {  	[smem:$0x3FAF] =	sst s10  }
0x35: {  	s10 =	sld [smem:$0x3FAE];
	_ =	sdelay $0x3  }
0x36: {  	p1 =	seq.s32 s10, $0x1;
	s10 =	sld [smem:$0x3FAF];
	_ =	sdelay $0x3  }
0x37: {  	[smem:$0x3FAF] =	sst s10  }
0x38: {  	s10 =	sld [smem:$0x3FB0]  }
0x39: {  	_ = 	snop;
	(pc) =	sbr.ind lr, $3  }
0x3a: {  	_ = 	snop  }
0x3b: {  	_ = 	snop  }
0x3c: {  	p2 =	seq.s32 s10, $0x1;
	s10 =	sld [smem:$0x3FAF]  }
0x3d: {  	_ =	shalt  }
0x3e: {  	_ =	shalt  }
0x3f: {  	_ =	shalt  }
0x40: {  	_ =	shalt  }
0x41: {  	_ =	shalt  }
0x42: {  	_ =	shalt  }
0x43: {  	_ =	shalt  }
0x44: {  	_ =	shalt  }
0x45: {  	_ =	shalt  }
0x46: {  	_ =	shalt  }
0x47: {  	_ =	shalt  }
0x48: {  	_ =	shalt  }
0x49: {  	_ =	shalt  }
0x4a: {  	_ =	shalt  }
0x4b: {  	_ =	shalt  }
0x4c: {  	_ =	shalt  }
0x4d: {  	_ =	shalt  }
0x4e: {  	_ =	shalt  }
0x4f: {  	_ =	shalt  }
0x50: {  	_ =	shalt  }
0x51: {  	_ =	shalt  }
0x52: {  	_ =	shalt  }
0x53: {  	_ =	shalt  }
0x54: {  	_ =	shalt  }
0x55: {  	_ =	shalt  }
0x56: {  	_ =	shalt  }
0x57: {  	_ =	shalt  }
0x58: {  	_ =	shalt  }
0x59: {  	_ =	shalt  }
0x5a: {  	_ =	shalt  }
0x5b: {  	_ =	shalt  }
0x5c: {  	_ =	shalt  }
0x5d: {  	_ =	shalt  }
0x5e: {  	_ =	shalt  }
0x5f: {  	_ =	shalt  }
0x60: {  	_ =	shalt  }
0x61: {  	_ =	shalt  }
0x62: {  	_ =	shalt  }
0x63: {  	_ =	shalt  }
0x64: {  	_ =	shalt  }
0x65: {  	_ =	shalt  }
0x66: {  	_ =	shalt  }
0x67: {  	_ =	shalt  }
0x68: {  	_ =	shalt  }
0x69: {  	_ =	shalt  }
0x6a: {  	_ =	shalt  }
0x6b: {  	_ =	shalt  }
0x6c: {  	_ =	shalt  }
0x6d: {  	_ =	shalt  }
0x6e: {  	_ =	shalt  }
0x6f: {  	_ =	shalt  }
0x70: {  	_ =	shalt  }
0x71: {  	_ =	shalt  }
0x72: {  	_ =	shalt  }
0x73: {  	_ =	shalt  }
0x74: {  	_ =	shalt  }
0x75: {  	_ =	shalt  }
0x76: {  	_ =	shalt  }
0x77: {  	_ =	shalt  }
0x78: {  	_ =	shalt  }
0x79: {  	_ =	shalt  }
0x7a: {  	_ =	shalt  }
0x7b: {  	_ =	shalt  }
0x7c: {  	_ =	shalt  }
0x7d: {  	_ =	shalt  }
0x7e: {  	_ =	shalt  }
0x7f: {  	_ =	shalt  }
0x80: {  	_ =	shalt  }
0x81: {  	_ =	shalt  }
0x82: {  	_ =	shalt  }
0x83: {  	_ =	shalt  }
0x84: {  	_ =	shalt  }
0x85: {  	_ =	shalt  }
0x86: {  	_ =	shalt  }
0x87: {  	_ =	shalt  }
.Lfunc_end0:
.L_simem_size_0:
called_computation_lowered:
.L_overlay_start_0:
0x88: {  	s2 =	sld [smem:$0x3FD9]  }
0x89: {  	s3 =	sld [smem:$0x3FFE];
	_ =	sdelay $0x1  }
0x8a: {  	s1 =	srdreg.scid  }
0x8b: {  	s0 =	sand.u32 $0x1, s1  }
0x8c: {  	s16 =	sshll.u32 s0, $0xA;
	s2 =	sadd.s32 s3, s2  }
0x8d: {  	s2 =	sadd.s32 s2, s16  }
0x8e: {  	[smem:$0x3FBB] =	sst s2  }
0x8f: {  	_ = 	snop  }
0x90: {  	(tm) =	ssettm $0x1  }
0x91: {  	s17 =	sld [smem:$0x3FFB];
	_ =	sdelay $0x3  }
0x92: {  	_ =	strace s17  }
0x93: {  	s2 =	sld [smem:$0x3FFC];
	_ =	sdelay $0x3  }
0x94: {  	_ =	strace s2  }
0x95: {  	s2 =	sld [smem:$0x3FFD];
	_ =	sdelay $0x3  }
0x96: {  	_ =	strace s2  }
0x97: {  	_ =	strace $0x8FFFFFFF  }
0x98: {  	s18 =	sld [smem:$0x3FDB];
	_ =	sdelay $0x1  }
0x99: {  	s19 =	simm.s32 $_scs_section_size  }
0x9a: {  	s4 =	simm.s32 $_size__tile_overlayer_lowered;
	s5 =	simm.s32 $_tile_overlayer_lowered  }
0x9b: {  	s22 =	simm.s32 $0x1BFF;
	s21 =	sshll.u32 s5, $0x1;
	s2 =	sadd.s32 s19, s18  }
0x9c: {  	s6 =	simm.s32 $0x0;
	s20 =	sshll.u32 s4, $0x1;
	s4 =	sadd.s32 s21, s2  }
0x9d: {  	[timem:s6], [sflag:s22] =	dma.local [hbm:s4], s20  }
0x9e: {  	_ =	swait.ge [sflag:s22], s20  }
0x9f: {  	s3 =	ssub.s32 $0x0, s20;
	[sflag:s22] =	ssyncset.done $0x0  }
0xa0: {  	[sflag:s22] =	ssyncadd.s32 s3;
	_ =	sdelay $0x1  }
0xa1: {  	s23 =	simm.s32 $0x1B8B  }
0xa2: {  	_ =	swait.ge [sflag:s23], $0x1  }
0xa3: {  	[sflag:s23] =	ssyncset.done $0x0  }
0xa4: {  	s25 =	simm.s32 $0x1B8E;
	s24 =	sld [smem:$0x3FFE];
	[sflag:s23] =	ssyncadd.s32 $0xFFFFFFFF  }
0xa5: {  	s26 =	simm.s32 $execute0_lowered;
	[smem:$0x3FD2] =	sst s25  }
0xa6: {  	s4 =	sshll.u32 s26, $0x1;
	_ =	strace $0x80000046;
	[dreg:$0x1] =	wrdreg $0xFFFFFFFF  }
0xa7: {  	s28 =	simm.s32 $_size_execute0_lowered;
	s2 =	sadd.s32 s2, s4;
	[dreg:$0x0] =	wrdreg $0x0  }
0xa8: {  	s4 =	sshll.u32 s28, $0x1;
	[dreg:$0x2] =	wrdreg s2  }
0xa9: {  	[dreg:$0x3] =	wrdreg s4  }
0xaa: {  	[dreg:$0x4] =	wrdreg $0xC0  }
0xab: {  	_ =	task [dreg:s6], $0x5FFFF  }
0xac: {  	[dreg:$0x1] =	wrdreg $0xFFFFFFFF  }
0xad: {  	[dreg:$0x0] =	wrdreg $0x60  }
0xae: {  	[dreg:$0x2] =	wrdreg s24  }
0xaf: {  	[dreg:$0x3] =	wrdreg $0x7ED00  }
0xb0: {  	[dreg:$0x4] =	wrdreg $0x9  }
0xb1: {  	_ =	task.clear_ibuf [dreg:s6], $0x5FFFF;
	_ =	strace $0x90000046  }
0xb2: {  	s29 =	simm.s32 $0x9;
	_ =	strace $0x80000048  }
0xb3: {  	_ =	swait.ge [sflag:s29], $0x1  }
0xb4: {  	[sflag:s29] =	ssyncadd.s32 $0xFFFFFFFF  }
0xb5: {  	_ =	strace $0x90000048  }
0xb6: {  	_ =	sfence  }
0xb7: {  	s30 =	sld [smem:$0x0];
	_ =	sdelay $0x2  }
0xb8: {  	s31 =	sshll.u32 s1, $0xD;
	s1 =	sshrl.u32 s1, $0x2  }
0xb9: {  	s3 =	sand.u32 $0x4000, s31;
	s1 =	sadd.s32 s1, s30  }
0xba: {  	s0 =	sor.u32 s3, s0;
	s1 =	sshll.u32 s1, $0x11  }
0xbb: {  	s0 =	sor.u32 s1, s0  }
0xbc: {  	s0 =	sadd.s32 $0x8F2B, s0  }
0xbd: {  	[sflag:s0] =	ssyncadd.remote.s32 $0x1  }
0xbe: {  	_ =	sfence.sel $0xFFFF  }
0xbf: {  	[dreg:$0x0] =	wrdreg $0xFFFFFFFF;
	(pc) =	sbr.abs _section_cstart, $3  }
0xc0: {  	[dreg:$0x1] =	wrdreg $0xFFFFFFFF  }
0xc1: {  	_ =	task.clear_ibuf [dreg:s6], $0x2FFFF;
	_ =	strace $0x9FFFFFFF  }
0xc2: {  	(tm) =	ssettm $0x7FFFFFFF  }
0xc3: {  	_ =	shalt  }
tec
execute0_lowered:
.L_overlay_start_1:
0x0: {  	(tag) =	ssettag $0x1  }
0x1: {  	s6 =	rddreg [dreg:$0x0]  }
0x2: {  	s2 =	rddreg [dreg:$0x1]  }
0x3: {  	s0 =	rddreg [dreg:$0x2]  }
0x4: {  	s3 =	simm.s32 $0x0;
	s4 =	srdreg.scid;
	s1 =	stileid.u32  }
0x5: {  	s13 =	simm.s32 $0x7D;
	s14 =	simm.s32 $0x5000;
	s8 =	smul.u32 $0x2700, s1  }
0x6: {  	[smem:$0x7FF] =	sst s3;
	s7 =	sand.u32 $0x1, s4;
	s5 =	smul.u32 $0x5000, s1  }
0x7: {  	s9 =	sadd.s32 $0x22A00, s6;
	p0 =	sne.s32 s1, $0xF;
	s15 =	sshll.u32 s1, $0x6  }
0x8: {  	_ =	strace $0x80000047;
	s4 =	ssub.s32 $0x2, s7;
	s11 =	smul.u32 $0x27100, s7  }
0x9: {  	s30 =	smul.u32 $0xA000, s7;
	s15 =	sor.u32 $0x1C01, s15;
	s10 =	sshrl.u32 s4, $0x1  }
0xa: {  	s12 =	sshrl.u32 s5, $0x3;
	s5 =	sadd.s32 $0x27000, s2;
	s10 =	ssub.s32 s4, s10  }
0xb: {  	s4 =	sadd.s32 s8, s2;
	s6 =	sadd.s32 s6, s12;
	s8 =	sadd.s32 s8, s11  }
0xc: {  	s11 =	sshrl.u32 s11, $0x3;
	s12 =	simm.s32 $0x1;
	s17 =	sshrl.u32 @!p0 s5, $0x3  }
0xd: {  	s8 =	sshrl.u32 s8, $0x3;
	s6 =	sadd.s32 $0x18A00, s6;
	s31 =	sadd.s32 s9, s11  }
0xe: {  	s11 =	simm.s32 $0x57D0;
	s16 =	sshrl.u32 s4, $0x3;
	s7 =	sadd.s32 s9, s8  }
0xf: {  	v0 =	vimm.f32 $1.000000000e+00;
	v1 =	vimm.f32 $0.0e+00;
	s8 =	sadd.s32 $0x4E00, s31;
	s9 =	smax.u32 s10, $0x1;
	s10 =	sshrl.u32 s30, $0x2  }
.LBB2_1:
0x10: {  	s18 =	simm.s32 $0x0  }
.LBB2_2:
0x11: {  	p1 =	sne.s32 s18, $0x1F00  }
.Ltmp0:
0x12: {  	_ = 	snop;
	(pc) =	sbr.rel @p1 .LBB2_2-.Ltmp0, $3  }
0x13: {  	_ =	sdelay $0x1  }
0x14: {  	s19 =	sshra.s32 s18, $0x2  }
0x15: {  	s18 =	sadd.s32 $0x40, s18;
	[tilespmem:s19+$0x5000] =	vst v0  }
0x16: {  	s18 =	simm.s32 $0x40;
	s19 =	simm.s32 $0x0  }
.LBB2_4:
0x17: {  	p1 =	sne.s32 s18, $0x9BC0;
	[tilespmem:s19+$0x57D0] =	vst v1;
	s19 =	smov.u32 s18;
	s18 =	sadd.s32 $0x40, s18  }
.Ltmp1:
0x18: {  	(pc) =	sbr.rel @p1 .LBB2_4-.Ltmp1, $2  }
0x19: {  	_ =	sdelay $0x2  }
0x1a: {  	s19 =	sshra.s32 s19, $0x2  }
0x1b: {  	[tilespmem:s19+$0x57D0] =	vst v1  }
0x1c: {  	[spmem:s4] =	stream.linear.scatter [tilespmem:s11], [sflag:$0x1], $0x2700, $0x38;
	[tilespmem:$0xA5E0] =	vst v63  }
0x1d: {  	_ =	swait.ge [sflag:s12], $0x2700  }
0x1e: {  	[sflag:s12] =	ssyncset.done $0x0  }
0x1f: {  	s18 =	simm.s32 @!p0 $0x57D0;
	[sflag:s12] =	ssyncadd.s32 $0xFFFFD900  }
0x20: {  	[spmem:s5] =	stream.linear.scatter @!p0 [tilespmem:s18], [sflag:$0x1], $0x100, $0x38;
	[tilespmem:$0xA5E0] =	vst v63  }
0x21: {  	s18 =	simm.s32 @!p0 $0x1  }
0x22: {  	_ =	swait.ge @!p0 [sflag:s18], $0x100  }
0x23: {  	[sflag:s18] =	ssyncset.done @!p0 $0x0  }
0x24: {  	[sflag:s18] =	ssyncadd.s32 @!p0 $0xFFFFFF00  }
0x25: {  	s30 =	simm.s32 $0x0;
	[bflag:$0x0] =	sbarrier.arrive $0xFFFF  }
0x26: {  	[tilespmem:s30], [sflag:$0x1] =	stream.linear.gather [hbm4b:s6+s30], $0x5000, $0x38;
	[tilespmem:$0xA5E0] =	vst v63  }
0x27: {  	_ =	swait.ge [sflag:s12], $0x5000  }
0x28: {  	[sflag:s12] =	ssyncset.done $0x0  }
0x29: {  	s31 =	sadd.s32 $0x0, s10;
	[sflag:s12] =	ssyncadd.s32 $0xFFFFB000  }
0x2a: {  	[spmem:s2] =	stream.indirect.scatter.add.f32 [tilespmem:s14], [sflag:$0x1], $0x10, s31, s13, $0xb8;
	[tilespmem:$0xA5E0] =	vst v63  }
0x2b: {  	s18 =	simm.s32 $0x200;
	_ =	swait.ge [sflag:s12], $0x7D0  }
.LBB2_6:
0x2c: {  	s19 =	sshra.s32 s18, $0x2;
	[sflag:s12] =	ssyncset.done $0x0;
	p1 =	sne.s32 s18, $0x9E00  }
.Ltmp2:
0x2d: {  	s19 =	sadd.s32 s19, s10;
	[sflag:s12] =	ssyncadd.s32 $0xFFFFF830;
	(pc) =	sbr.rel @p1 .LBB2_6-.Ltmp2, $3  }
0x2e: {  	[spmem:s2] =	stream.indirect.scatter.add.f32 [tilespmem:s14], [sflag:$0x1], $0x10, s19, s13, $0xb8;
	[tilespmem:$0xA5E0] =	vst v63  }
0x2f: {  	s18 =	sadd.s32 $0x200, s18;
	_ =	sdelay $0x1  }
0x30: {  	_ =	swait.ge [sflag:s12], $0x7D0  }
0x31: {  	[sflag:s12] =	ssyncset.done $0x0  }
0x32: {  	[sflag:s12] =	ssyncadd.s32 $0xFFFFF830  }
0x33: {  	[bflag:$0x0] =	sbarrier.arrive $0xFFFF  }
0x34: {  	[hbm:s7], [sflag:s15] =	dma.local [spmem:s16], $0x4E0  }
0x35: {  	s3 =	sadd.s32 $0x1, s3;
	_ =	swait.ge [sflag:s12], $0x4E0  }
0x36: {  	p1 =	sne.s32 s3, s9;
	[sflag:s12] =	ssyncset.done $0x0  }
.Ltmp3:
0x37: {  	s18 =	simm.s32 @!p0 $0x1;
	[sflag:s12] =	ssyncadd.s32 $0xFFFFFB20;
	(pc) =	sbr.rel @p1 .LBB2_1-.Ltmp3, $4  }
0x38: {  	[hbm:s8], [sflag:s15] =	dma.local @!p0 [spmem:s17], $0x20  }
0x39: {  	_ =	swait.ge @!p0 [sflag:s18], $0x20  }
0x3a: {  	[sflag:s18] =	ssyncset.done @!p0 $0x0  }
0x3b: {  	[sflag:s18] =	ssyncadd.s32 @!p0 $0xFFFFFFE0  }
0x3c: {  	_ =	sfence.sel $0x180000  }
0x3d: {  	[bflag:$0x0] =	sbarrier.arrive $0xFFFF  }
0x3e: {  	p0 =	sne.s32 s1, $0x0;
	_ =	strace $0x90000047  }
0x3f: {  	s0 =	sadd.s32 @!p0 $0x100000, s0;
	[bflag:$0x2] =	sbarrier.arrive $0xFFFF  }
0x40: {  	[sflag:s0] =	ssyncadd.tile.s32 @!p0 $0x1;
	_ =	shalt  }
.Lfunc_end2:
_tile_overlayer_lowered:
.L_overlay_start_2:
0x41: {  	(tag) =	ssettag $0x2  }
0x42: {  	s0 =	rddreg [dreg:$0x0];
	s2 =	stileid.u32  }
0x43: {  	s1 =	rddreg [dreg:$0x1];
	p0 =	sne.s32 s2, $0x0  }
0x44: {  	s3 =	rddreg [dreg:$0x2];
	[bflag:$0x3] =	sbarrier.arrive $0xFFFF;
	s2 =	simm.s32 @!p0 $0x1C01  }
0x45: {  	[timem:s3], [sflag:s2] =	dma.local @!p0 [hbm:s0], s1  }
0x46: {  	s0 =	simm.s32 @!p0 $0x1  }
0x47: {  	_ =	swait.ge @!p0 [sflag:s0], s1  }
0x48: {  	s1 =	ssub.s32 @!p0 $0x0, s1;
	[sflag:s0] =	ssyncset.done @!p0 $0x0  }
0x49: {  	[sflag:s0] =	ssyncadd.s32 @!p0 s1  }
0x4a: {  	[bflag:$0x3] =	sbarrier.arrive $0xFFFF  }
0x4b: {  	_ =	shalt  }

// kernel: kernel.15.cloned.1.call-start
scs
__scs_entry_jumppad:
0x0: {  	(pc) =	sbr.rel $0x88, $3  }
0x1: {  	(tag) =	ssettag $0x0;
	lr =	simm.s32 $0x1  }
0x2: {  	[smem:$0x3F94] =	sst lr;
	_ =	strace $0xD0000000  }
0x3: {  	_ = 	snop  }
0x4: {  	_ = 	snop  }
0x5: {  	_ = 	snop  }
0x6: {  	_ = 	snop  }
0x7: {  	_ = 	snop  }
__scs_overlays_trampoline_lowered:
0x8: {  	[smem:$0x3FA3] =	sst s0  }
0x9: {  	[smem:$0x3FA4] =	sst s1  }
0xa: {  	[smem:$0x3FA5] =	sst s2  }
0xb: {  	[smem:$0x3FA6] =	sst s3  }
0xc: {  	[smem:$0x3FA7] =	sst s4  }
0xd: {  	[smem:$0x3FA8] =	sst s5  }
0xe: {  	[smem:$0x3FA9] =	sst s6  }
0xf: {  	[smem:$0x3FAA] =	sst s7  }
0x10: {  	[smem:$0x3FAB] =	sst s8  }
0x11: {  	[smem:$0x3FAC] =	sst s9;
	s0 =	simm.s32 @!p0 $0x0  }
0x12: {  	s1 =	sld [smem:$0x3F92];
	s0 =	simm.s32 @p0 $0x1  }
0x13: {  	[smem:$0x3FAD] =	sst s0;
	s0 =	simm.s32 @!p1 $0x0  }
0x14: {  	s2 =	sld [smem:$0x3F91];
	s0 =	simm.s32 @p1 $0x1  }
0x15: {  	[smem:$0x3FAE] =	sst s0;
	s0 =	simm.s32 @!p2 $0x0  }
0x16: {  	s3 =	sld [smem:$0x3FDB];
	s0 =	simm.s32 @p2 $0x1  }
0x17: {  	s4 =	simm.s32 $0x1BF5;
	[smem:$0x3FB0] =	sst s0  }
0x18: {  	s0 =	sld [smem:$0x3F93];
	_ =	swait.ge [sflag:s4], $0x0  }
0x19: {  	s7 =	sld [smem:$0x3F94]  }
0x1a: {  	s8 =	sadd.s32 $0xFFFFE003, lr  }
0x1b: {  	s9 =	sadd.s32 $0xFFFFFEF7, lr;
	s5 =	simm.s32 $0xFFFFFFFF;
	p2 =	slt.u32 s8, $0xFFFFF086  }
0x1c: {  	p1 =	slt.u32 s9, $0xF7A;
	s5 =	simm.s32 @!p2 $0x0  }
0x1d: {  	s5 =	simm.s32 @p1 $0x1;
	p0 =	seq.s32 s7, s2  }
0x1e: {  	s7 =	smul.u32 @!p0 $0xF7A, s2;
	p2 =	seq.s32 @!p0 s5, $0x0  }
0x1f: {  	s9 =	smul.u32 $0xF7A, s1;
	s8 =	simm.s32 @!p0 $0x1BF5;
	p2 =	por !p2, p0  }
0x20: {  	[sflag:s8] =	ssyncset.s32 @!p0 $0xFFFFF086;
	s6 =	sadd.s32 @!p0 s3, s7;
	s7 =	simm.s32 @!p0 $0x108  }
0x21: {  	s3 =	sadd.s32 s3, s9;
	s6 =	sadd.s32 @!p0 $0x88, s6;
	s7 =	simm.s32 @p2 $0x1082  }
0x22: {  	[simem:s7], [sflag:s8] =	dma.local @!p0 [hbm:s6], $0xF7A  }
0x23: {  	s9 =	sor.u32 $0xD0000000, s2;
	s6 =	simm.s32 $0x108;
	_ =	swait.ge @!p0 [sflag:s8], $0x0  }
0x24: {  	s3 =	sadd.s32 $0x88, s3;
	s6 =	simm.s32 @!p1 $0x1082;
	[sflag:s4] =	ssyncset.s32 $0xFFFFF086  }
0x25: {  	[simem:s6], [sflag:s4] =	dma.local [hbm:s3], $0xF7A  }
0x26: {  	[smem:$0x3F94] =	sst s1;
	(tag) =	ssettag s2;
	_ =	strace s9  }
0x27: {  	s1 =	sld [smem:$0x3FA4]  }
0x28: {  	s2 =	sld [smem:$0x3FA5]  }
0x29: {  	s4 =	sld [smem:$0x3FA7]  }
0x2a: {  	p0 =	seq.s32 s5, $0x0;
	s5 =	sld [smem:$0x3FA8]  }
0x2b: {  	s6 =	sld [smem:$0x3FA9]  }
0x2c: {  	s7 =	sld [smem:$0x3FAA]  }
0x2d: {  	s3 =	simm.s32 $0x108;
	s8 =	sld [smem:$0x3FAB]  }
0x2e: {  	s3 =	simm.s32 @!p0 $0x1082;
	s9 =	sld [smem:$0x3FAC]  }
0x2f: {  	lr =	sadd.s32 s0, s3;
	s0 =	sld [smem:$0x3FA3]  }
0x30: {  	s3 =	sld [smem:$0x3FA6]  }
0x31: {  	[smem:$0x3FAF] =	sst s10  }
0x32: {  	s10 =	sld [smem:$0x3FAD];
	_ =	sdelay $0x3  }
0x33: {  	p0 =	seq.s32 s10, $0x1;
	s10 =	sld [smem:$0x3FAF];
	_ =	sdelay $0x3  }
0x34: {  	[smem:$0x3FAF] =	sst s10  }
0x35: {  	s10 =	sld [smem:$0x3FAE];
	_ =	sdelay $0x3  }
0x36: {  	p1 =	seq.s32 s10, $0x1;
	s10 =	sld [smem:$0x3FAF];
	_ =	sdelay $0x3  }
0x37: {  	[smem:$0x3FAF] =	sst s10  }
0x38: {  	s10 =	sld [smem:$0x3FB0]  }
0x39: {  	_ = 	snop;
	(pc) =	sbr.ind lr, $3  }
0x3a: {  	_ = 	snop  }
0x3b: {  	_ = 	snop  }
0x3c: {  	p2 =	seq.s32 s10, $0x1;
	s10 =	sld [smem:$0x3FAF]  }
0x3d: {  	_ =	shalt  }
0x3e: {  	_ =	shalt  }
0x3f: {  	_ =	shalt  }
0x40: {  	_ =	shalt  }
0x41: {  	_ =	shalt  }
0x42: {  	_ =	shalt  }
0x43: {  	_ =	shalt  }
0x44: {  	_ =	shalt  }
0x45: {  	_ =	shalt  }
0x46: {  	_ =	shalt  }
0x47: {  	_ =	shalt  }
0x48: {  	_ =	shalt  }
0x49: {  	_ =	shalt  }
0x4a: {  	_ =	shalt  }
0x4b: {  	_ =	shalt  }
0x4c: {  	_ =	shalt  }
0x4d: {  	_ =	shalt  }
0x4e: {  	_ =	shalt  }
0x4f: {  	_ =	shalt  }
0x50: {  	_ =	shalt  }
0x51: {  	_ =	shalt  }
0x52: {  	_ =	shalt  }
0x53: {  	_ =	shalt  }
0x54: {  	_ =	shalt  }
0x55: {  	_ =	shalt  }
0x56: {  	_ =	shalt  }
0x57: {  	_ =	shalt  }
0x58: {  	_ =	shalt  }
0x59: {  	_ =	shalt  }
0x5a: {  	_ =	shalt  }
0x5b: {  	_ =	shalt  }
0x5c: {  	_ =	shalt  }
0x5d: {  	_ =	shalt  }
0x5e: {  	_ =	shalt  }
0x5f: {  	_ =	shalt  }
0x60: {  	_ =	shalt  }
0x61: {  	_ =	shalt  }
0x62: {  	_ =	shalt  }
0x63: {  	_ =	shalt  }
0x64: {  	_ =	shalt  }
0x65: {  	_ =	shalt  }
0x66: {  	_ =	shalt  }
0x67: {  	_ =	shalt  }
0x68: {  	_ =	shalt  }
0x69: {  	_ =	shalt  }
0x6a: {  	_ =	shalt  }
0x6b: {  	_ =	shalt  }
0x6c: {  	_ =	shalt  }
0x6d: {  	_ =	shalt  }
0x6e: {  	_ =	shalt  }
0x6f: {  	_ =	shalt  }
0x70: {  	_ =	shalt  }
0x71: {  	_ =	shalt  }
0x72: {  	_ =	shalt  }
0x73: {  	_ =	shalt  }
0x74: {  	_ =	shalt  }
0x75: {  	_ =	shalt  }
0x76: {  	_ =	shalt  }
0x77: {  	_ =	shalt  }
0x78: {  	_ =	shalt  }
0x79: {  	_ =	shalt  }
0x7a: {  	_ =	shalt  }
0x7b: {  	_ =	shalt  }
0x7c: {  	_ =	shalt  }
0x7d: {  	_ =	shalt  }
0x7e: {  	_ =	shalt  }
0x7f: {  	_ =	shalt  }
0x80: {  	_ =	shalt  }
0x81: {  	_ =	shalt  }
0x82: {  	_ =	shalt  }
0x83: {  	_ =	shalt  }
0x84: {  	_ =	shalt  }
0x85: {  	_ =	shalt  }
0x86: {  	_ =	shalt  }
0x87: {  	_ =	shalt  }
.Lfunc_end0:
.L_simem_size_0:
called_computation.1_lowered:
.L_overlay_start_0:
0x88: {  	s2 =	sld [smem:$0x3FD9]  }
0x89: {  	s3 =	sld [smem:$0x3FFE];
	_ =	sdelay $0x1  }
0x8a: {  	s1 =	srdreg.scid  }
0x8b: {  	s0 =	sand.u32 $0x1, s1  }
0x8c: {  	s16 =	sshll.u32 s0, $0xA;
	s2 =	sadd.s32 s3, s2  }
0x8d: {  	s2 =	sadd.s32 s2, s16  }
0x8e: {  	[smem:$0x3FBB] =	sst s2  }
0x8f: {  	_ = 	snop  }
0x90: {  	(tm) =	ssettm $0x1  }
0x91: {  	s17 =	sld [smem:$0x3FFB];
	_ =	sdelay $0x3  }
0x92: {  	_ =	strace s17  }
0x93: {  	s2 =	sld [smem:$0x3FFC];
	_ =	sdelay $0x3  }
0x94: {  	_ =	strace s2  }
0x95: {  	s2 =	sld [smem:$0x3FFD];
	_ =	sdelay $0x3  }
0x96: {  	_ =	strace s2  }
0x97: {  	_ =	strace $0x8FFFFFFF  }
0x98: {  	s18 =	sld [smem:$0x3FDB];
	_ =	sdelay $0x1  }
0x99: {  	s19 =	simm.s32 $_scs_section_size  }
0x9a: {  	s4 =	simm.s32 $_size__tile_overlayer_lowered;
	s5 =	simm.s32 $_tile_overlayer_lowered  }
0x9b: {  	s22 =	simm.s32 $0x1BFF;
	s21 =	sshll.u32 s5, $0x1;
	s2 =	sadd.s32 s19, s18  }
0x9c: {  	s6 =	simm.s32 $0x0;
	s20 =	sshll.u32 s4, $0x1;
	s4 =	sadd.s32 s21, s2  }
0x9d: {  	[timem:s6], [sflag:s22] =	dma.local [hbm:s4], s20  }
0x9e: {  	_ =	swait.ge [sflag:s22], s20  }
0x9f: {  	s3 =	ssub.s32 $0x0, s20;
	[sflag:s22] =	ssyncset.done $0x0  }
0xa0: {  	[sflag:s22] =	ssyncadd.s32 s3;
	_ =	sdelay $0x1  }
0xa1: {  	s23 =	simm.s32 $0x1B8B  }
0xa2: {  	_ =	swait.ge [sflag:s23], $0x1  }
0xa3: {  	[sflag:s23] =	ssyncset.done $0x0  }
0xa4: {  	s25 =	simm.s32 $0x1B8E;
	s24 =	sld [smem:$0x3FFE];
	[sflag:s23] =	ssyncadd.s32 $0xFFFFFFFF  }
0xa5: {  	s26 =	simm.s32 $execute0_lowered;
	[smem:$0x3FD2] =	sst s25  }
0xa6: {  	s4 =	sshll.u32 s26, $0x1;
	_ =	strace $0x80000049;
	[dreg:$0x1] =	wrdreg $0xFFFFFFFF  }
0xa7: {  	s28 =	simm.s32 $_size_execute0_lowered;
	s2 =	sadd.s32 s2, s4;
	[dreg:$0x0] =	wrdreg $0x0  }
0xa8: {  	s4 =	sshll.u32 s28, $0x1;
	[dreg:$0x2] =	wrdreg s2  }
0xa9: {  	[dreg:$0x3] =	wrdreg s4  }
0xaa: {  	[dreg:$0x4] =	wrdreg $0xC0  }
0xab: {  	_ =	task [dreg:s6], $0x5FFFF  }
0xac: {  	[dreg:$0x1] =	wrdreg $0xFFFFFFFF  }
0xad: {  	[dreg:$0x0] =	wrdreg $0x60  }
0xae: {  	[dreg:$0x2] =	wrdreg s24  }
0xaf: {  	[dreg:$0x3] =	wrdreg $0x151000  }
0xb0: {  	[dreg:$0x4] =	wrdreg $0x9  }
0xb1: {  	_ =	task.clear_ibuf [dreg:s6], $0x5FFFF;
	_ =	strace $0x90000049  }
0xb2: {  	s29 =	simm.s32 $0x9;
	_ =	strace $0x8000004B  }
0xb3: {  	_ =	swait.ge [sflag:s29], $0x1  }
0xb4: {  	[sflag:s29] =	ssyncadd.s32 $0xFFFFFFFF  }
0xb5: {  	_ =	strace $0x9000004B  }
0xb6: {  	_ =	sfence  }
0xb7: {  	s30 =	sld [smem:$0x0];
	_ =	sdelay $0x2  }
0xb8: {  	s31 =	sshll.u32 s1, $0xD;
	s1 =	sshrl.u32 s1, $0x2  }
0xb9: {  	s3 =	sand.u32 $0x4000, s31;
	s1 =	sadd.s32 s1, s30  }
0xba: {  	s0 =	sor.u32 s3, s0;
	s1 =	sshll.u32 s1, $0x11  }
0xbb: {  	s0 =	sor.u32 s1, s0  }
0xbc: {  	s0 =	sadd.s32 $0x8F2B, s0  }
0xbd: {  	[sflag:s0] =	ssyncadd.remote.s32 $0x1  }
0xbe: {  	_ =	sfence.sel $0xFFFF  }
0xbf: {  	[dreg:$0x0] =	wrdreg $0xFFFFFFFF;
	(pc) =	sbr.abs _section_cstart, $3  }
0xc0: {  	[dreg:$0x1] =	wrdreg $0xFFFFFFFF  }
0xc1: {  	_ =	task.clear_ibuf [dreg:s6], $0x2FFFF;
	_ =	strace $0x9FFFFFFF  }
0xc2: {  	(tm) =	ssettm $0x7FFFFFFF  }
0xc3: {  	_ =	shalt  }
tec
execute0_lowered:
.L_overlay_start_1:
0x0: {  	(tag) =	ssettag $0x1  }
0x1: {  	s0 =	rddreg [dreg:$0x0]  }
0x2: {  	s2 =	rddreg [dreg:$0x1];
	s3 =	simm.s32 $0x0;
	s14 =	stileid.u32  }
0x3: {  	s1 =	srdreg.scid;
	s15 =	simm.s32 $0x9;
	s16 =	simm.s32 $0x5000  }
0x4: {  	s17 =	simm.s32 $0x7D;
	s18 =	simm.s32 $0xA000;
	s20 =	simm.s32 $0xBF40  }
0x5: {  	s22 =	simm.s32 $0xDE80;
	s23 =	simm.s32 $0x1;
	s29 =	simm.s32 $0x5  }
0x6: {  	s31 =	simm.s32 $0x3;
	s19 =	simm.s32 $0x6;
	s28 =	simm.s32 $0x7  }
0x7: {  	s21 =	simm.s32 $0x8;
	[smem:$0x7FF] =	sst s3;
	s10 =	smul.u32 $0x9C00, s14  }
0x8: {  	s1 =	sand.u32 $0x1, s1;
	s5 =	smul.u32 $0x27000, s14;
	s4 =	sadd.s32 $0x70C00, s0  }
0x9: {  	s11 =	sadd.s32 $0x4A00, s0;
	s12 =	smul.u32 $0x5000, s14;
	s0 =	sadd.s32 $0x97E00, s0  }
0xa: {  	p0 =	sne.s32 s14, $0xF;
	s14 =	simm.s32 $0x11D00;
	s7 =	smul.u32 $0x50000, s1  }
0xb: {  	_ =	strace $0x8000004A;
	s6 =	ssub.s32 $0x2, s1;
	s1 =	smul.u32 $0x9C400, s1  }
0xc: {  	s8 =	sshrl.u32 s6, $0x1;
	s25 =	sshrl.u32 s5, $0x2;
	s5 =	sadd.s32 s10, s2  }
0xd: {  	s13 =	ssub.s32 s6, s8;
	s26 =	sadd.s32 s25, s2;
	s7 =	sadd.s32 s12, s7  }
0xe: {  	s8 =	sadd.s32 $0x9C000, s2;
	s12 =	sshrl.u32 s12, $0x3;
	s10 =	sadd.s32 s10, s1  }
0xf: {  	s1 =	sshrl.u32 s1, $0x3;
	s25 =	simm.s32 $0xFDC0;
	s6 =	sadd.s32 $0x3400, s26  }
0x10: {  	s9 =	sshrl.u32 s7, $0x3;
	s7 =	sadd.s32 $0x6800, s26;
	s30 =	sshrl.u32 s10, $0x3  }
0x11: {  	s1 =	sadd.s32 s0, s1;
	s13 =	smax.u32 s13, $0x1;
	s26 =	simm.s32 $0x2  }
0x12: {  	s9 =	sadd.s32 s11, s9;
	s11 =	sadd.s32 s11, s12;
	s12 =	sadd.s32 $0x13800, s1  }
0x13: {  	v0 =	vimm.f32 $0.0e+00;
	s1 =	simm.s32 $0x4;
	s10 =	sadd.s32 $0x14000, s11;
	s11 =	sadd.s32 s0, s30  }
.LBB2_1:
0x14: {  	s24 =	simm.s32 $0x100;
	s0 =	simm.s32 $0x0  }
.LBB2_2:
0x15: {  	p1 =	sne.s32 s24, $0xCF00;
	[tilespmem:s0+$0x11D30] =	vst v0;
	s30 =	smov.u32 s24;
	s24 =	sadd.s32 $0x100, s24  }
.Ltmp0:
0x16: {  	[tilespmem:s0+$0x11D20] =	vst v0;
	(pc) =	sbr.rel @p1 .LBB2_2-.Ltmp0, $3  }
0x17: {  	[tilespmem:s0+$0x11D00] =	vst v0  }
0x18: {  	[tilespmem:s0+$0x11D10] =	vst v0;
	_ =	sdelay $0x1  }
0x19: {  	s0 =	sshra.s32 s30, $0x2  }
0x1a: {  	[tilespmem:s0+$0x11D30] =	vst v0  }
0x1b: {  	[tilespmem:s0+$0x11D20] =	vst v0  }
0x1c: {  	[tilespmem:s0+$0x11D00] =	vst v0  }
0x1d: {  	[tilespmem:s0+$0x11D10] =	vst v0  }
0x1e: {  	[spmem:s5] =	stream.linear.scatter [tilespmem:s14], [sflag:$0x9], $0x3400, $0x38;
	[tilespmem:$0x1ED40] =	vst v63  }
0x1f: {  	_ =	swait.ge [sflag:s15], $0x3400  }
0x20: {  	[sflag:s15] =	ssyncset.done $0x0  }
0x21: {  	[sflag:s15] =	ssyncadd.s32 $0xFFFFCC00  }
0x22: {  	[spmem:s6] =	stream.linear.scatter [tilespmem:s14], [sflag:$0x9], $0x3400, $0x38;
	[tilespmem:$0x1ED40] =	vst v63  }
0x23: {  	_ =	swait.ge [sflag:s15], $0x3400  }
0x24: {  	[sflag:s15] =	ssyncset.done $0x0  }
0x25: {  	[sflag:s15] =	ssyncadd.s32 $0xFFFFCC00  }
0x26: {  	[spmem:s7] =	stream.linear.scatter [tilespmem:s14], [sflag:$0x9], $0x3400, $0x38;
	[tilespmem:$0x1ED40] =	vst v63  }
0x27: {  	_ =	swait.ge [sflag:s15], $0x3400  }
0x28: {  	[sflag:s15] =	ssyncset.done $0x0  }
0x29: {  	s0 =	simm.s32 @!p0 $0x11D00;
	[sflag:s15] =	ssyncadd.s32 $0xFFFFCC00  }
0x2a: {  	[spmem:s8] =	stream.linear.scatter @!p0 [tilespmem:s0], [sflag:$0x9], $0x400, $0x38;
	[tilespmem:$0x1ED40] =	vst v63  }
0x2b: {  	s0 =	simm.s32 @!p0 $0x9  }
0x2c: {  	_ =	swait.ge @!p0 [sflag:s0], $0x400  }
0x2d: {  	[sflag:s0] =	ssyncset.done @!p0 $0x0  }
0x2e: {  	[sflag:s0] =	ssyncadd.s32 @!p0 $0xFFFFFC00  }
0x2f: {  	s24 =	simm.s32 $0x0;
	[bflag:$0x0] =	sbarrier.arrive $0xFFFF  }
0x30: {  	[tilespmem:s24], [sflag:$0x9] =	stream.linear.gather [hbm4b:s9+s24], $0x5000, $0x38;
	[tilespmem:$0x1ED40] =	vst v63  }
0x31: {  	_ =	swait.ge [sflag:s15], $0x5000  }
0x32: {  	[sflag:s15] =	ssyncset.done $0x0  }
0x33: {  	[sflag:s15] =	ssyncadd.s32 $0xFFFFB000  }
0x34: {  	[tilespmem:s16], [sflag:$0x9] =	stream.linear.gather [hbm4b:s10+s24], $0x5000, $0x38;
	[tilespmem:$0x1ED40] =	vst v63  }
0x35: {  	_ =	swait.ge [sflag:s15], $0x5000  }
0x36: {  	[sflag:s15] =	ssyncset.done $0x0  }
0x37: {  	[sflag:s15] =	ssyncadd.s32 $0xFFFFB000  }
0x38: {  	[tilespmem:s18], [sflag:$0x1] =	stream.indirect.gather [hbm4b:s4+s17], $0x40, s24, s17, $0xb8;
	[tilespmem:$0x1ED40] =	vst v63  }
0x39: {  	s30 =	simm.s32 $0x80  }
0x3a: {  	[tilespmem:s20], [sflag:$0x2] =	stream.indirect.gather [hbm4b:s4+s17], $0x40, s30, s17, $0xb8;
	[tilespmem:$0x1ED40] =	vst v63  }
0x3b: {  	s24 =	simm.s32 $0x100  }
0x3c: {  	[tilespmem:s22], [sflag:$0x3] =	stream.indirect.gather [hbm4b:s4+s17], $0x40, s24, s17, $0xb8;
	[tilespmem:$0x1ED40] =	vst v63  }
0x3d: {  	_ =	swait.ge [sflag:s23], $0x1F40  }
0x3e: {  	[sflag:s23] =	ssyncset.done $0x0  }
0x3f: {  	[sflag:s23] =	ssyncadd.s32 $0xFFFFE0C0  }
0x40: {  	[spmem:s2] =	stream.indirect.scatter.add.f32 [tilespmem:s18], [sflag:$0x5], $0x40, s16, s17, $0xb8;
	[tilespmem:$0x1ED40] =	vst v63  }
0x41: {  	s30 =	simm.s32 $0x180  }
0x42: {  	[tilespmem:s25], [sflag:$0x4] =	stream.indirect.gather [hbm4b:s4+s17], $0x40, s30, s17, $0xb8;
	[tilespmem:$0x1ED40] =	vst v63  }
0x43: {  	_ =	swait.ge [sflag:s26], $0x1F40  }
0x44: {  	[sflag:s26] =	ssyncset.done $0x0  }
0x45: {  	s24 =	simm.s32 $0x5080;
	[sflag:s26] =	ssyncadd.s32 $0xFFFFE0C0  }
0x46: {  	[spmem:s2] =	stream.indirect.scatter.add.f32 [tilespmem:s20], [sflag:$0x6], $0x40, s24, s17, $0xb8;
	[tilespmem:$0x1ED40] =	vst v63  }
0x47: {  	_ =	swait.ge [sflag:s29], $0x1F40  }
0x48: {  	[sflag:s29] =	ssyncset.done $0x0  }
0x49: {  	s30 =	simm.s32 $0x200;
	[sflag:s29] =	ssyncadd.s32 $0xFFFFE0C0  }
0x4a: {  	[tilespmem:s18], [sflag:$0x1] =	stream.indirect.gather [hbm4b:s4+s17], $0x40, s30, s17, $0xb8;
	[tilespmem:$0x1ED40] =	vst v63  }
0x4b: {  	_ =	swait.ge [sflag:s31], $0x1F40  }
0x4c: {  	[sflag:s31] =	ssyncset.done $0x0  }
0x4d: {  	s24 =	simm.s32 $0x5100;
	[sflag:s31] =	ssyncadd.s32 $0xFFFFE0C0  }
0x4e: {  	[spmem:s2] =	stream.indirect.scatter.add.f32 [tilespmem:s22], [sflag:$0x7], $0x40, s24, s17, $0xb8;
	[tilespmem:$0x1ED40] =	vst v63  }
0x4f: {  	_ =	swait.ge [sflag:s19], $0x1F40  }
0x50: {  	[sflag:s19] =	ssyncset.done $0x0  }
0x51: {  	s30 =	simm.s32 $0x280;
	[sflag:s19] =	ssyncadd.s32 $0xFFFFE0C0  }
0x52: {  	[tilespmem:s20], [sflag:$0x2] =	stream.indirect.gather [hbm4b:s4+s17], $0x40, s30, s17, $0xb8;
	[tilespmem:$0x1ED40] =	vst v63  }
0x53: {  	_ =	swait.ge [sflag:s1], $0x1F40  }
0x54: {  	[sflag:s1] =	ssyncset.done $0x0  }
0x55: {  	s24 =	simm.s32 $0x5180;
	[sflag:s1] =	ssyncadd.s32 $0xFFFFE0C0  }
0x56: {  	[spmem:s2] =	stream.indirect.scatter.add.f32 [tilespmem:s25], [sflag:$0x8], $0x40, s24, s17, $0xb8;
	[tilespmem:$0x1ED40] =	vst v63  }
0x57: {  	_ =	swait.ge [sflag:s28], $0x1F40  }
0x58: {  	[sflag:s28] =	ssyncset.done $0x0  }
0x59: {  	s30 =	simm.s32 $0x300;
	[sflag:s28] =	ssyncadd.s32 $0xFFFFE0C0  }
0x5a: {  	[tilespmem:s22], [sflag:$0x3] =	stream.indirect.gather [hbm4b:s4+s17], $0x40, s30, s17, $0xb8;
	[tilespmem:$0x1ED40] =	vst v63  }
0x5b: {  	_ =	swait.ge [sflag:s23], $0x1F40  }
0x5c: {  	[sflag:s23] =	ssyncset.done $0x0  }
0x5d: {  	s24 =	simm.s32 $0x5200;
	[sflag:s23] =	ssyncadd.s32 $0xFFFFE0C0  }
0x5e: {  	[spmem:s2] =	stream.indirect.scatter.add.f32 [tilespmem:s18], [sflag:$0x5], $0x40, s24, s17, $0xb8;
	[tilespmem:$0x1ED40] =	vst v63  }
0x5f: {  	_ =	swait.ge [sflag:s21], $0x1F40  }
0x60: {  	[sflag:s21] =	ssyncset.done $0x0  }
0x61: {  	s30 =	simm.s32 $0x380;
	[sflag:s21] =	ssyncadd.s32 $0xFFFFE0C0  }
0x62: {  	[tilespmem:s25], [sflag:$0x4] =	stream.indirect.gather [hbm4b:s4+s17], $0x40, s30, s17, $0xb8;
	[tilespmem:$0x1ED40] =	vst v63  }
0x63: {  	_ =	swait.ge [sflag:s26], $0x1F40  }
0x64: {  	[sflag:s26] =	ssyncset.done $0x0  }
0x65: {  	s24 =	simm.s32 $0x5280;
	[sflag:s26] =	ssyncadd.s32 $0xFFFFE0C0  }
0x66: {  	[spmem:s2] =	stream.indirect.scatter.add.f32 [tilespmem:s20], [sflag:$0x6], $0x40, s24, s17, $0xb8;
	[tilespmem:$0x1ED40] =	vst v63  }
0x67: {  	_ =	swait.ge [sflag:s29], $0x1F40  }
0x68: {  	[sflag:s29] =	ssyncset.done $0x0  }
0x69: {  	s30 =	simm.s32 $0x400;
	[sflag:s29] =	ssyncadd.s32 $0xFFFFE0C0  }
0x6a: {  	[tilespmem:s18], [sflag:$0x1] =	stream.indirect.gather [hbm4b:s4+s17], $0x40, s30, s17, $0xb8;
	[tilespmem:$0x1ED40] =	vst v63  }
0x6b: {  	_ =	swait.ge [sflag:s31], $0x1F40  }
0x6c: {  	[sflag:s31] =	ssyncset.done $0x0  }
0x6d: {  	s24 =	simm.s32 $0x5300;
	[sflag:s31] =	ssyncadd.s32 $0xFFFFE0C0  }
0x6e: {  	[spmem:s2] =	stream.indirect.scatter.add.f32 [tilespmem:s22], [sflag:$0x7], $0x40, s24, s17, $0xb8;
	[tilespmem:$0x1ED40] =	vst v63  }
0x6f: {  	_ =	swait.ge [sflag:s19], $0x1F40  }
0x70: {  	[sflag:s19] =	ssyncset.done $0x0  }
0x71: {  	s30 =	simm.s32 $0x480;
	[sflag:s19] =	ssyncadd.s32 $0xFFFFE0C0  }
0x72: {  	[tilespmem:s20], [sflag:$0x2] =	stream.indirect.gather [hbm4b:s4+s17], $0x40, s30, s17, $0xb8;
	[tilespmem:$0x1ED40] =	vst v63  }
0x73: {  	_ =	swait.ge [sflag:s1], $0x1F40  }
0x74: {  	[sflag:s1] =	ssyncset.done $0x0  }
0x75: {  	s24 =	simm.s32 $0x5380;
	[sflag:s1] =	ssyncadd.s32 $0xFFFFE0C0  }
0x76: {  	[spmem:s2] =	stream.indirect.scatter.add.f32 [tilespmem:s25], [sflag:$0x8], $0x40, s24, s17, $0xb8;
	[tilespmem:$0x1ED40] =	vst v63  }
0x77: {  	_ =	swait.ge [sflag:s28], $0x1F40  }
0x78: {  	[sflag:s28] =	ssyncset.done $0x0  }
0x79: {  	s30 =	simm.s32 $0x500;
	[sflag:s28] =	ssyncadd.s32 $0xFFFFE0C0  }
0x7a: {  	[tilespmem:s22], [sflag:$0x3] =	stream.indirect.gather [hbm4b:s4+s17], $0x40, s30, s17, $0xb8;
	[tilespmem:$0x1ED40] =	vst v63  }
0x7b: {  	_ =	swait.ge [sflag:s23], $0x1F40  }
0x7c: {  	[sflag:s23] =	ssyncset.done $0x0  }
0x7d: {  	s24 =	simm.s32 $0x5400;
	[sflag:s23] =	ssyncadd.s32 $0xFFFFE0C0  }
0x7e: {  	[spmem:s2] =	stream.indirect.scatter.add.f32 [tilespmem:s18], [sflag:$0x5], $0x40, s24, s17, $0xb8;
	[tilespmem:$0x1ED40] =	vst v63  }
0x7f: {  	_ =	swait.ge [sflag:s21], $0x1F40  }
0x80: {  	[sflag:s21] =	ssyncset.done $0x0  }
0x81: {  	s30 =	simm.s32 $0x580;
	[sflag:s21] =	ssyncadd.s32 $0xFFFFE0C0  }
0x82: {  	[tilespmem:s25], [sflag:$0x4] =	stream.indirect.gather [hbm4b:s4+s17], $0x40, s30, s17, $0xb8;
	[tilespmem:$0x1ED40] =	vst v63  }
0x83: {  	_ =	swait.ge [sflag:s26], $0x1F40  }
0x84: {  	[sflag:s26] =	ssyncset.done $0x0  }
0x85: {  	s0 =	simm.s32 $0x800;
	s24 =	simm.s32 $0x5480;
	[sflag:s26] =	ssyncadd.s32 $0xFFFFE0C0  }
.LBB2_4:
0x86: {  	[spmem:s2] =	stream.indirect.scatter.add.f32 [tilespmem:s20], [sflag:$0x6], $0x40, s24, s17, $0xb8;
	[tilespmem:$0x1ED40] =	vst v63  }
0x87: {  	s24 =	smov.u32 s0;
	s0 =	sadd.s32 $0x800, s0;
	_ =	swait.ge [sflag:s29], $0x1F40  }
0x88: {  	s24 =	sshra.s32 s24, $0x2;
	p1 =	sne.s32 s0, $0x13000;
	[sflag:s29] =	ssyncset.done $0x0  }
0x89: {  	s30 =	sadd.s32 $0x400, s24;
	[sflag:s29] =	ssyncadd.s32 $0xFFFFE0C0  }
0x8a: {  	[tilespmem:s18], [sflag:$0x1] =	stream.indirect.gather [hbm4b:s4+s17], $0x40, s30, s17, $0xb8;
	[tilespmem:$0x1ED40] =	vst v63  }
0x8b: {  	_ =	swait.ge [sflag:s31], $0x1F40  }
0x8c: {  	[sflag:s31] =	ssyncset.done $0x0  }
0x8d: {  	s30 =	sadd.s32 $0x5300, s24;
	[sflag:s31] =	ssyncadd.s32 $0xFFFFE0C0  }
0x8e: {  	[spmem:s2] =	stream.indirect.scatter.add.f32 [tilespmem:s22], [sflag:$0x7], $0x40, s30, s17, $0xb8;
	[tilespmem:$0x1ED40] =	vst v63  }
0x8f: {  	_ =	swait.ge [sflag:s19], $0x1F40  }
0x90: {  	[sflag:s19] =	ssyncset.done $0x0  }
0x91: {  	s30 =	sadd.s32 $0x480, s24;
	[sflag:s19] =	ssyncadd.s32 $0xFFFFE0C0  }
0x92: {  	[tilespmem:s20], [sflag:$0x2] =	stream.indirect.gather [hbm4b:s4+s17], $0x40, s30, s17, $0xb8;
	[tilespmem:$0x1ED40] =	vst v63  }
0x93: {  	_ =	swait.ge [sflag:s1], $0x1F40  }
0x94: {  	[sflag:s1] =	ssyncset.done $0x0  }
0x95: {  	s30 =	sadd.s32 $0x5380, s24;
	[sflag:s1] =	ssyncadd.s32 $0xFFFFE0C0  }
0x96: {  	[spmem:s2] =	stream.indirect.scatter.add.f32 [tilespmem:s25], [sflag:$0x8], $0x40, s30, s17, $0xb8;
	[tilespmem:$0x1ED40] =	vst v63  }
0x97: {  	_ =	swait.ge [sflag:s28], $0x1F40  }
0x98: {  	[sflag:s28] =	ssyncset.done $0x0  }
0x99: {  	s30 =	sadd.s32 $0x500, s24;
	[sflag:s28] =	ssyncadd.s32 $0xFFFFE0C0  }
0x9a: {  	[tilespmem:s22], [sflag:$0x3] =	stream.indirect.gather [hbm4b:s4+s17], $0x40, s30, s17, $0xb8;
	[tilespmem:$0x1ED40] =	vst v63  }
0x9b: {  	_ =	swait.ge [sflag:s23], $0x1F40  }
0x9c: {  	[sflag:s23] =	ssyncset.done $0x0  }
0x9d: {  	s30 =	sadd.s32 $0x5400, s24;
	[sflag:s23] =	ssyncadd.s32 $0xFFFFE0C0  }
0x9e: {  	[spmem:s2] =	stream.indirect.scatter.add.f32 [tilespmem:s18], [sflag:$0x5], $0x40, s30, s17, $0xb8;
	[tilespmem:$0x1ED40] =	vst v63  }
0x9f: {  	_ =	swait.ge [sflag:s21], $0x1F40  }
0xa0: {  	[sflag:s21] =	ssyncset.done $0x0  }
.Ltmp1:
0xa1: {  	s30 =	sadd.s32 $0x580, s24;
	[sflag:s21] =	ssyncadd.s32 $0xFFFFE0C0;
	(pc) =	sbr.rel @p1 .LBB2_4-.Ltmp1, $4  }
0xa2: {  	[tilespmem:s25], [sflag:$0x4] =	stream.indirect.gather [hbm4b:s4+s17], $0x40, s30, s17, $0xb8;
	[tilespmem:$0x1ED40] =	vst v63  }
0xa3: {  	_ =	swait.ge [sflag:s26], $0x1F40  }
0xa4: {  	[sflag:s26] =	ssyncset.done $0x0  }
0xa5: {  	s24 =	sadd.s32 $0x5480, s24;
	[sflag:s26] =	ssyncadd.s32 $0xFFFFE0C0  }
0xa6: {  	[spmem:s2] =	stream.indirect.scatter.add.f32 [tilespmem:s20], [sflag:$0x6], $0x40, s24, s17, $0xb8;
	[tilespmem:$0x1ED40] =	vst v63  }
0xa7: {  	_ =	swait.ge [sflag:s31], $0x1F40  }
0xa8: {  	s0 =	sshra.s32 s0, $0x2;
	[sflag:s31] =	ssyncset.done $0x0  }
0xa9: {  	s30 =	sadd.s32 $0x5300, s0;
	[sflag:s31] =	ssyncadd.s32 $0xFFFFE0C0  }
0xaa: {  	[spmem:s2] =	stream.indirect.scatter.add.f32 [tilespmem:s22], [sflag:$0x7], $0x40, s30, s17, $0xb8;
	[tilespmem:$0x1ED40] =	vst v63  }
0xab: {  	_ =	swait.ge [sflag:s1], $0x1F40  }
0xac: {  	[sflag:s1] =	ssyncset.done $0x0  }
0xad: {  	s0 =	sadd.s32 $0x5380, s0;
	[sflag:s1] =	ssyncadd.s32 $0xFFFFE0C0  }
0xae: {  	[spmem:s2] =	stream.indirect.scatter.add.f32 [tilespmem:s25], [sflag:$0x8], $0x40, s0, s17, $0xb8;
	[tilespmem:$0x1ED40] =	vst v63  }
0xaf: {  	_ =	swait.ge [sflag:s29], $0x1F40  }
0xb0: {  	[sflag:s29] =	ssyncset.done $0x0  }
0xb1: {  	[sflag:s29] =	ssyncadd.s32 $0xFFFFE0C0  }
0xb2: {  	_ =	swait.ge [sflag:s19], $0x1F40  }
0xb3: {  	[sflag:s19] =	ssyncset.done $0x0  }
0xb4: {  	[sflag:s19] =	ssyncadd.s32 $0xFFFFE0C0  }
0xb5: {  	_ =	swait.ge [sflag:s28], $0x1F40  }
0xb6: {  	[sflag:s28] =	ssyncset.done $0x0  }
0xb7: {  	[sflag:s28] =	ssyncadd.s32 $0xFFFFE0C0  }
0xb8: {  	_ =	swait.ge [sflag:s21], $0x1F40  }
0xb9: {  	s24 =	stileid.u32;
	[sflag:s21] =	ssyncset.done $0x0  }
0xba: {  	s0 =	sshll.u32 s24, $0x6;
	[sflag:s21] =	ssyncadd.s32 $0xFFFFE0C0  }
0xbb: {  	s30 =	sshrl.u32 s5, $0x3;
	s0 =	sor.u32 $0x1C09, s0;
	[bflag:$0x0] =	sbarrier.arrive $0xFFFF  }
0xbc: {  	[hbm:s11], [sflag:s0] =	dma.local [spmem:s30], $0x1380  }
0xbd: {  	_ =	swait.ge [sflag:s15], $0x1380  }
0xbe: {  	s3 =	sadd.s32 $0x1, s3;
	[sflag:s15] =	ssyncset.done $0x0  }
0xbf: {  	p1 =	sne.s32 s3, s13;
	s24 =	sshrl.u32 @!p0 s8, $0x3;
	[sflag:s15] =	ssyncadd.s32 $0xFFFFEC80  }
0xc0: {  	[hbm:s12], [sflag:s0] =	dma.local @!p0 [spmem:s24], $0x80  }
.Ltmp2:
0xc1: {  	_ = 	snop;
	(pc) =	sbr.rel @p1 .LBB2_1-.Ltmp2, $4  }
0xc2: {  	s0 =	simm.s32 @!p0 $0x9  }
0xc3: {  	_ =	swait.ge @!p0 [sflag:s0], $0x80  }
0xc4: {  	[sflag:s0] =	ssyncset.done @!p0 $0x0  }
0xc5: {  	[sflag:s0] =	ssyncadd.s32 @!p0 $0xFFFFFF80  }
0xc6: {  	_ =	sfence.sel $0x180000  }
0xc7: {  	[bflag:$0x0] =	sbarrier.arrive $0xFFFF  }
0xc8: {  	_ =	strace $0x9000004A  }
0xc9: {  	s0 =	stileid.u32;
	[bflag:$0x2] =	sbarrier.arrive $0xFFFF  }
0xca: {  	p0 =	sne.s32 s0, $0x0;
	s0 =	rddreg [dreg:$0x2]  }
0xcb: {  	s0 =	sadd.s32 @!p0 $0x100000, s0  }
0xcc: {  	[sflag:s0] =	ssyncadd.tile.s32 @!p0 $0x1;
	_ =	shalt  }
.Lfunc_end2:
_tile_overlayer_lowered:
.L_overlay_start_2:
0xcd: {  	(tag) =	ssettag $0x2  }
0xce: {  	s0 =	rddreg [dreg:$0x0];
	s2 =	stileid.u32  }
0xcf: {  	s1 =	rddreg [dreg:$0x1];
	p0 =	sne.s32 s2, $0x0  }
0xd0: {  	s3 =	rddreg [dreg:$0x2];
	[bflag:$0x3] =	sbarrier.arrive $0xFFFF;
	s2 =	simm.s32 @!p0 $0x1C09  }
0xd1: {  	[timem:s3], [sflag:s2] =	dma.local @!p0 [hbm:s0], s1  }
0xd2: {  	s0 =	simm.s32 @!p0 $0x9  }
0xd3: {  	_ =	swait.ge @!p0 [sflag:s0], s1  }
0xd4: {  	s1 =	ssub.s32 @!p0 $0x0, s1;
	[sflag:s0] =	ssyncset.done @!p0 $0x0  }
0xd5: {  	[sflag:s0] =	ssyncadd.s32 @!p0 s1  }
0xd6: {  	[bflag:$0x3] =	sbarrier.arrive $0xFFFF  }
0xd7: {  	_ =	shalt  }

// kernel: kernel.18.cloned.1.call-start
scs
__scs_entry_jumppad:
0x0: {  	(pc) =	sbr.rel $0x88, $3  }
0x1: {  	(tag) =	ssettag $0x0;
	lr =	simm.s32 $0x1  }
0x2: {  	[smem:$0x3F94] =	sst lr;
	_ =	strace $0xD0000000  }
0x3: {  	_ = 	snop  }
0x4: {  	_ = 	snop  }
0x5: {  	_ = 	snop  }
0x6: {  	_ = 	snop  }
0x7: {  	_ = 	snop  }
__scs_overlays_trampoline_lowered:
0x8: {  	[smem:$0x3FA3] =	sst s0  }
0x9: {  	[smem:$0x3FA4] =	sst s1  }
0xa: {  	[smem:$0x3FA5] =	sst s2  }
0xb: {  	[smem:$0x3FA6] =	sst s3  }
0xc: {  	[smem:$0x3FA7] =	sst s4  }
0xd: {  	[smem:$0x3FA8] =	sst s5  }
0xe: {  	[smem:$0x3FA9] =	sst s6  }
0xf: {  	[smem:$0x3FAA] =	sst s7  }
0x10: {  	[smem:$0x3FAB] =	sst s8  }
0x11: {  	[smem:$0x3FAC] =	sst s9;
	s0 =	simm.s32 @!p0 $0x0  }
0x12: {  	s1 =	sld [smem:$0x3F92];
	s0 =	simm.s32 @p0 $0x1  }
0x13: {  	[smem:$0x3FAD] =	sst s0;
	s0 =	simm.s32 @!p1 $0x0  }
0x14: {  	s2 =	sld [smem:$0x3F91];
	s0 =	simm.s32 @p1 $0x1  }
0x15: {  	[smem:$0x3FAE] =	sst s0;
	s0 =	simm.s32 @!p2 $0x0  }
0x16: {  	s3 =	sld [smem:$0x3FDB];
	s0 =	simm.s32 @p2 $0x1  }
0x17: {  	s4 =	simm.s32 $0x1BF5;
	[smem:$0x3FB0] =	sst s0  }
0x18: {  	s0 =	sld [smem:$0x3F93];
	_ =	swait.ge [sflag:s4], $0x0  }
0x19: {  	s7 =	sld [smem:$0x3F94]  }
0x1a: {  	s8 =	sadd.s32 $0xFFFFE003, lr  }
0x1b: {  	s9 =	sadd.s32 $0xFFFFFEF7, lr;
	s5 =	simm.s32 $0xFFFFFFFF;
	p2 =	slt.u32 s8, $0xFFFFF086  }
0x1c: {  	p1 =	slt.u32 s9, $0xF7A;
	s5 =	simm.s32 @!p2 $0x0  }
0x1d: {  	s5 =	simm.s32 @p1 $0x1;
	p0 =	seq.s32 s7, s2  }
0x1e: {  	s7 =	smul.u32 @!p0 $0xF7A, s2;
	p2 =	seq.s32 @!p0 s5, $0x0  }
0x1f: {  	s9 =	smul.u32 $0xF7A, s1;
	s8 =	simm.s32 @!p0 $0x1BF5;
	p2 =	por !p2, p0  }
0x20: {  	[sflag:s8] =	ssyncset.s32 @!p0 $0xFFFFF086;
	s6 =	sadd.s32 @!p0 s3, s7;
	s7 =	simm.s32 @!p0 $0x108  }
0x21: {  	s3 =	sadd.s32 s3, s9;
	s6 =	sadd.s32 @!p0 $0x88, s6;
	s7 =	simm.s32 @p2 $0x1082  }
0x22: {  	[simem:s7], [sflag:s8] =	dma.local @!p0 [hbm:s6], $0xF7A  }
0x23: {  	s9 =	sor.u32 $0xD0000000, s2;
	s6 =	simm.s32 $0x108;
	_ =	swait.ge @!p0 [sflag:s8], $0x0  }
0x24: {  	s3 =	sadd.s32 $0x88, s3;
	s6 =	simm.s32 @!p1 $0x1082;
	[sflag:s4] =	ssyncset.s32 $0xFFFFF086  }
0x25: {  	[simem:s6], [sflag:s4] =	dma.local [hbm:s3], $0xF7A  }
0x26: {  	[smem:$0x3F94] =	sst s1;
	(tag) =	ssettag s2;
	_ =	strace s9  }
0x27: {  	s1 =	sld [smem:$0x3FA4]  }
0x28: {  	s2 =	sld [smem:$0x3FA5]  }
0x29: {  	s4 =	sld [smem:$0x3FA7]  }
0x2a: {  	p0 =	seq.s32 s5, $0x0;
	s5 =	sld [smem:$0x3FA8]  }
0x2b: {  	s6 =	sld [smem:$0x3FA9]  }
0x2c: {  	s7 =	sld [smem:$0x3FAA]  }
0x2d: {  	s3 =	simm.s32 $0x108;
	s8 =	sld [smem:$0x3FAB]  }
0x2e: {  	s3 =	simm.s32 @!p0 $0x1082;
	s9 =	sld [smem:$0x3FAC]  }
0x2f: {  	lr =	sadd.s32 s0, s3;
	s0 =	sld [smem:$0x3FA3]  }
0x30: {  	s3 =	sld [smem:$0x3FA6]  }
0x31: {  	[smem:$0x3FAF] =	sst s10  }
0x32: {  	s10 =	sld [smem:$0x3FAD];
	_ =	sdelay $0x3  }
0x33: {  	p0 =	seq.s32 s10, $0x1;
	s10 =	sld [smem:$0x3FAF];
	_ =	sdelay $0x3  }
0x34: {  	[smem:$0x3FAF] =	sst s10  }
0x35: {  	s10 =	sld [smem:$0x3FAE];
	_ =	sdelay $0x3  }
0x36: {  	p1 =	seq.s32 s10, $0x1;
	s10 =	sld [smem:$0x3FAF];
	_ =	sdelay $0x3  }
0x37: {  	[smem:$0x3FAF] =	sst s10  }
0x38: {  	s10 =	sld [smem:$0x3FB0]  }
0x39: {  	_ = 	snop;
	(pc) =	sbr.ind lr, $3  }
0x3a: {  	_ = 	snop  }
0x3b: {  	_ = 	snop  }
0x3c: {  	p2 =	seq.s32 s10, $0x1;
	s10 =	sld [smem:$0x3FAF]  }
0x3d: {  	_ =	shalt  }
0x3e: {  	_ =	shalt  }
0x3f: {  	_ =	shalt  }
0x40: {  	_ =	shalt  }
0x41: {  	_ =	shalt  }
0x42: {  	_ =	shalt  }
0x43: {  	_ =	shalt  }
0x44: {  	_ =	shalt  }
0x45: {  	_ =	shalt  }
0x46: {  	_ =	shalt  }
0x47: {  	_ =	shalt  }
0x48: {  	_ =	shalt  }
0x49: {  	_ =	shalt  }
0x4a: {  	_ =	shalt  }
0x4b: {  	_ =	shalt  }
0x4c: {  	_ =	shalt  }
0x4d: {  	_ =	shalt  }
0x4e: {  	_ =	shalt  }
0x4f: {  	_ =	shalt  }
0x50: {  	_ =	shalt  }
0x51: {  	_ =	shalt  }
0x52: {  	_ =	shalt  }
0x53: {  	_ =	shalt  }
0x54: {  	_ =	shalt  }
0x55: {  	_ =	shalt  }
0x56: {  	_ =	shalt  }
0x57: {  	_ =	shalt  }
0x58: {  	_ =	shalt  }
0x59: {  	_ =	shalt  }
0x5a: {  	_ =	shalt  }
0x5b: {  	_ =	shalt  }
0x5c: {  	_ =	shalt  }
0x5d: {  	_ =	shalt  }
0x5e: {  	_ =	shalt  }
0x5f: {  	_ =	shalt  }
0x60: {  	_ =	shalt  }
0x61: {  	_ =	shalt  }
0x62: {  	_ =	shalt  }
0x63: {  	_ =	shalt  }
0x64: {  	_ =	shalt  }
0x65: {  	_ =	shalt  }
0x66: {  	_ =	shalt  }
0x67: {  	_ =	shalt  }
0x68: {  	_ =	shalt  }
0x69: {  	_ =	shalt  }
0x6a: {  	_ =	shalt  }
0x6b: {  	_ =	shalt  }
0x6c: {  	_ =	shalt  }
0x6d: {  	_ =	shalt  }
0x6e: {  	_ =	shalt  }
0x6f: {  	_ =	shalt  }
0x70: {  	_ =	shalt  }
0x71: {  	_ =	shalt  }
0x72: {  	_ =	shalt  }
0x73: {  	_ =	shalt  }
0x74: {  	_ =	shalt  }
0x75: {  	_ =	shalt  }
0x76: {  	_ =	shalt  }
0x77: {  	_ =	shalt  }
0x78: {  	_ =	shalt  }
0x79: {  	_ =	shalt  }
0x7a: {  	_ =	shalt  }
0x7b: {  	_ =	shalt  }
0x7c: {  	_ =	shalt  }
0x7d: {  	_ =	shalt  }
0x7e: {  	_ =	shalt  }
0x7f: {  	_ =	shalt  }
0x80: {  	_ =	shalt  }
0x81: {  	_ =	shalt  }
0x82: {  	_ =	shalt  }
0x83: {  	_ =	shalt  }
0x84: {  	_ =	shalt  }
0x85: {  	_ =	shalt  }
0x86: {  	_ =	shalt  }
0x87: {  	_ =	shalt  }
.Lfunc_end0:
.L_simem_size_0:
called_computation.2_lowered:
.L_overlay_start_0:
0x88: {  	s2 =	sld [smem:$0x3FD9]  }
0x89: {  	s3 =	sld [smem:$0x3FFE];
	_ =	sdelay $0x1  }
0x8a: {  	s1 =	srdreg.scid  }
0x8b: {  	s0 =	sand.u32 $0x1, s1  }
0x8c: {  	s16 =	sshll.u32 s0, $0xA;
	s2 =	sadd.s32 s3, s2  }
0x8d: {  	s2 =	sadd.s32 s2, s16  }
0x8e: {  	[smem:$0x3FBB] =	sst s2  }
0x8f: {  	_ = 	snop  }
0x90: {  	(tm) =	ssettm $0x1  }
0x91: {  	s17 =	sld [smem:$0x3FFB];
	_ =	sdelay $0x3  }
0x92: {  	_ =	strace s17  }
0x93: {  	s2 =	sld [smem:$0x3FFC];
	_ =	sdelay $0x3  }
0x94: {  	_ =	strace s2  }
0x95: {  	s2 =	sld [smem:$0x3FFD];
	_ =	sdelay $0x3  }
0x96: {  	_ =	strace s2  }
0x97: {  	_ =	strace $0x8FFFFFFF  }
0x98: {  	s18 =	sld [smem:$0x3FDB];
	_ =	sdelay $0x1  }
0x99: {  	s19 =	simm.s32 $_scs_section_size  }
0x9a: {  	s4 =	simm.s32 $_size__tile_overlayer_lowered;
	s5 =	simm.s32 $_tile_overlayer_lowered  }
0x9b: {  	s22 =	simm.s32 $0x1BFF;
	s21 =	sshll.u32 s5, $0x1;
	s2 =	sadd.s32 s19, s18  }
0x9c: {  	s6 =	simm.s32 $0x0;
	s20 =	sshll.u32 s4, $0x1;
	s4 =	sadd.s32 s21, s2  }
0x9d: {  	[timem:s6], [sflag:s22] =	dma.local [hbm:s4], s20  }
0x9e: {  	_ =	swait.ge [sflag:s22], s20  }
0x9f: {  	s3 =	ssub.s32 $0x0, s20;
	[sflag:s22] =	ssyncset.done $0x0  }
0xa0: {  	[sflag:s22] =	ssyncadd.s32 s3;
	_ =	sdelay $0x1  }
0xa1: {  	s23 =	simm.s32 $0x1B8B  }
0xa2: {  	_ =	swait.ge [sflag:s23], $0x1  }
0xa3: {  	[sflag:s23] =	ssyncset.done $0x0  }
0xa4: {  	s25 =	simm.s32 $0x1B8E;
	s24 =	sld [smem:$0x3FFE];
	[sflag:s23] =	ssyncadd.s32 $0xFFFFFFFF  }
0xa5: {  	s26 =	simm.s32 $execute0_lowered;
	[smem:$0x3FD2] =	sst s25  }
0xa6: {  	s4 =	sshll.u32 s26, $0x1;
	_ =	strace $0x8000004C;
	[dreg:$0x1] =	wrdreg $0xFFFFFFFF  }
0xa7: {  	s28 =	simm.s32 $_size_execute0_lowered;
	s2 =	sadd.s32 s2, s4;
	[dreg:$0x0] =	wrdreg $0x0  }
0xa8: {  	s4 =	sshll.u32 s28, $0x1;
	[dreg:$0x2] =	wrdreg s2  }
0xa9: {  	[dreg:$0x3] =	wrdreg s4  }
0xaa: {  	[dreg:$0x4] =	wrdreg $0xC0  }
0xab: {  	_ =	task [dreg:s6], $0x5FFFF  }
0xac: {  	[dreg:$0x1] =	wrdreg $0xFFFFFFFF  }
0xad: {  	[dreg:$0x0] =	wrdreg $0x60  }
0xae: {  	[dreg:$0x2] =	wrdreg s24  }
0xaf: {  	[dreg:$0x3] =	wrdreg $0x151000  }
0xb0: {  	[dreg:$0x4] =	wrdreg $0x9  }
0xb1: {  	_ =	task.clear_ibuf [dreg:s6], $0x5FFFF;
	_ =	strace $0x9000004C  }
0xb2: {  	s29 =	simm.s32 $0x9;
	_ =	strace $0x8000004E  }
0xb3: {  	_ =	swait.ge [sflag:s29], $0x1  }
0xb4: {  	[sflag:s29] =	ssyncadd.s32 $0xFFFFFFFF  }
0xb5: {  	_ =	strace $0x9000004E  }
0xb6: {  	_ =	sfence  }
0xb7: {  	s30 =	sld [smem:$0x0];
	_ =	sdelay $0x2  }
0xb8: {  	s31 =	sshll.u32 s1, $0xD;
	s1 =	sshrl.u32 s1, $0x2  }
0xb9: {  	s3 =	sand.u32 $0x4000, s31;
	s1 =	sadd.s32 s1, s30  }
0xba: {  	s0 =	sor.u32 s3, s0;
	s1 =	sshll.u32 s1, $0x11  }
0xbb: {  	s0 =	sor.u32 s1, s0  }
0xbc: {  	s0 =	sadd.s32 $0x8F2B, s0  }
0xbd: {  	[sflag:s0] =	ssyncadd.remote.s32 $0x1  }
0xbe: {  	_ =	sfence.sel $0xFFFF  }
0xbf: {  	[dreg:$0x0] =	wrdreg $0xFFFFFFFF;
	(pc) =	sbr.abs _section_cstart, $3  }
0xc0: {  	[dreg:$0x1] =	wrdreg $0xFFFFFFFF  }
0xc1: {  	_ =	task.clear_ibuf [dreg:s6], $0x2FFFF;
	_ =	strace $0x9FFFFFFF  }
0xc2: {  	(tm) =	ssettm $0x7FFFFFFF  }
0xc3: {  	_ =	shalt  }
tec
execute0_lowered:
.L_overlay_start_1:
0x0: {  	(tag) =	ssettag $0x1  }
0x1: {  	s0 =	rddreg [dreg:$0x0]  }
0x2: {  	s2 =	rddreg [dreg:$0x1];
	s3 =	simm.s32 $0x0;
	s14 =	stileid.u32  }
0x3: {  	s1 =	srdreg.scid;
	s15 =	simm.s32 $0x9;
	s16 =	simm.s32 $0x5000  }
0x4: {  	s17 =	simm.s32 $0x7D;
	s18 =	simm.s32 $0xA000;
	s20 =	simm.s32 $0xBF40  }
0x5: {  	s22 =	simm.s32 $0xDE80;
	s23 =	simm.s32 $0x1;
	s29 =	simm.s32 $0x5  }
0x6: {  	s31 =	simm.s32 $0x3;
	s19 =	simm.s32 $0x6;
	s28 =	simm.s32 $0x7  }
0x7: {  	s21 =	simm.s32 $0x8;
	[smem:$0x7FF] =	sst s3;
	s10 =	smul.u32 $0x9C00, s14  }
0x8: {  	s1 =	sand.u32 $0x1, s1;
	s5 =	smul.u32 $0x27000, s14;
	s4 =	sadd.s32 $0x70C00, s0  }
0x9: {  	s11 =	sadd.s32 $0x4A00, s0;
	s12 =	smul.u32 $0x5000, s14;
	s0 =	sadd.s32 $0x97E00, s0  }
0xa: {  	p0 =	sne.s32 s14, $0xF;
	s14 =	simm.s32 $0x11D00;
	s7 =	smul.u32 $0x50000, s1  }
0xb: {  	_ =	strace $0x8000004D;
	s6 =	ssub.s32 $0x2, s1;
	s1 =	smul.u32 $0x9C400, s1  }
0xc: {  	s8 =	sshrl.u32 s6, $0x1;
	s25 =	sshrl.u32 s5, $0x2;
	s5 =	sadd.s32 s10, s2  }
0xd: {  	s13 =	ssub.s32 s6, s8;
	s26 =	sadd.s32 s25, s2;
	s7 =	sadd.s32 s12, s7  }
0xe: {  	s8 =	sadd.s32 $0x9C000, s2;
	s12 =	sshrl.u32 s12, $0x3;
	s10 =	sadd.s32 s10, s1  }
0xf: {  	s1 =	sshrl.u32 s1, $0x3;
	s25 =	simm.s32 $0xFDC0;
	s6 =	sadd.s32 $0x3400, s26  }
0x10: {  	s9 =	sshrl.u32 s7, $0x3;
	s7 =	sadd.s32 $0x6800, s26;
	s30 =	sshrl.u32 s10, $0x3  }
0x11: {  	s1 =	sadd.s32 s0, s1;
	s13 =	smax.u32 s13, $0x1;
	s26 =	simm.s32 $0x2  }
0x12: {  	s9 =	sadd.s32 s11, s9;
	s11 =	sadd.s32 s11, s12;
	s12 =	sadd.s32 $0x13800, s1  }
0x13: {  	v0 =	vimm.f32 $0.0e+00;
	s1 =	simm.s32 $0x4;
	s10 =	sadd.s32 $0x14000, s11;
	s11 =	sadd.s32 s0, s30  }
.LBB2_1:
0x14: {  	s24 =	simm.s32 $0x100;
	s0 =	simm.s32 $0x0  }
.LBB2_2:
0x15: {  	p1 =	sne.s32 s24, $0xCF00;
	[tilespmem:s0+$0x11D30] =	vst v0;
	s30 =	smov.u32 s24;
	s24 =	sadd.s32 $0x100, s24  }
.Ltmp0:
0x16: {  	[tilespmem:s0+$0x11D20] =	vst v0;
	(pc) =	sbr.rel @p1 .LBB2_2-.Ltmp0, $3  }
0x17: {  	[tilespmem:s0+$0x11D00] =	vst v0  }
0x18: {  	[tilespmem:s0+$0x11D10] =	vst v0;
	_ =	sdelay $0x1  }
0x19: {  	s0 =	sshra.s32 s30, $0x2  }
0x1a: {  	[tilespmem:s0+$0x11D30] =	vst v0  }
0x1b: {  	[tilespmem:s0+$0x11D20] =	vst v0  }
0x1c: {  	[tilespmem:s0+$0x11D00] =	vst v0  }
0x1d: {  	[tilespmem:s0+$0x11D10] =	vst v0  }
0x1e: {  	[spmem:s5] =	stream.linear.scatter [tilespmem:s14], [sflag:$0x9], $0x3400, $0x38;
	[tilespmem:$0x1ED40] =	vst v63  }
0x1f: {  	_ =	swait.ge [sflag:s15], $0x3400  }
0x20: {  	[sflag:s15] =	ssyncset.done $0x0  }
0x21: {  	[sflag:s15] =	ssyncadd.s32 $0xFFFFCC00  }
0x22: {  	[spmem:s6] =	stream.linear.scatter [tilespmem:s14], [sflag:$0x9], $0x3400, $0x38;
	[tilespmem:$0x1ED40] =	vst v63  }
0x23: {  	_ =	swait.ge [sflag:s15], $0x3400  }
0x24: {  	[sflag:s15] =	ssyncset.done $0x0  }
0x25: {  	[sflag:s15] =	ssyncadd.s32 $0xFFFFCC00  }
0x26: {  	[spmem:s7] =	stream.linear.scatter [tilespmem:s14], [sflag:$0x9], $0x3400, $0x38;
	[tilespmem:$0x1ED40] =	vst v63  }
0x27: {  	_ =	swait.ge [sflag:s15], $0x3400  }
0x28: {  	[sflag:s15] =	ssyncset.done $0x0  }
0x29: {  	s0 =	simm.s32 @!p0 $0x11D00;
	[sflag:s15] =	ssyncadd.s32 $0xFFFFCC00  }
0x2a: {  	[spmem:s8] =	stream.linear.scatter @!p0 [tilespmem:s0], [sflag:$0x9], $0x400, $0x38;
	[tilespmem:$0x1ED40] =	vst v63  }
0x2b: {  	s0 =	simm.s32 @!p0 $0x9  }
0x2c: {  	_ =	swait.ge @!p0 [sflag:s0], $0x400  }
0x2d: {  	[sflag:s0] =	ssyncset.done @!p0 $0x0  }
0x2e: {  	[sflag:s0] =	ssyncadd.s32 @!p0 $0xFFFFFC00  }
0x2f: {  	s24 =	simm.s32 $0x0;
	[bflag:$0x0] =	sbarrier.arrive $0xFFFF  }
0x30: {  	[tilespmem:s24], [sflag:$0x9] =	stream.linear.gather [hbm4b:s9+s24], $0x5000, $0x38;
	[tilespmem:$0x1ED40] =	vst v63  }
0x31: {  	_ =	swait.ge [sflag:s15], $0x5000  }
0x32: {  	[sflag:s15] =	ssyncset.done $0x0  }
0x33: {  	[sflag:s15] =	ssyncadd.s32 $0xFFFFB000  }
0x34: {  	[tilespmem:s16], [sflag:$0x9] =	stream.linear.gather [hbm4b:s10+s24], $0x5000, $0x38;
	[tilespmem:$0x1ED40] =	vst v63  }
0x35: {  	_ =	swait.ge [sflag:s15], $0x5000  }
0x36: {  	[sflag:s15] =	ssyncset.done $0x0  }
0x37: {  	[sflag:s15] =	ssyncadd.s32 $0xFFFFB000  }
0x38: {  	[tilespmem:s18], [sflag:$0x1] =	stream.indirect.gather [hbm4b:s4+s17], $0x40, s24, s17, $0xb8;
	[tilespmem:$0x1ED40] =	vst v63  }
0x39: {  	s30 =	simm.s32 $0x80  }
0x3a: {  	[tilespmem:s20], [sflag:$0x2] =	stream.indirect.gather [hbm4b:s4+s17], $0x40, s30, s17, $0xb8;
	[tilespmem:$0x1ED40] =	vst v63  }
0x3b: {  	s24 =	simm.s32 $0x100  }
0x3c: {  	[tilespmem:s22], [sflag:$0x3] =	stream.indirect.gather [hbm4b:s4+s17], $0x40, s24, s17, $0xb8;
	[tilespmem:$0x1ED40] =	vst v63  }
0x3d: {  	_ =	swait.ge [sflag:s23], $0x1F40  }
0x3e: {  	[sflag:s23] =	ssyncset.done $0x0  }
0x3f: {  	[sflag:s23] =	ssyncadd.s32 $0xFFFFE0C0  }
0x40: {  	[spmem:s2] =	stream.indirect.scatter.add.f32 [tilespmem:s18], [sflag:$0x5], $0x40, s16, s17, $0xb8;
	[tilespmem:$0x1ED40] =	vst v63  }
0x41: {  	s30 =	simm.s32 $0x180  }
0x42: {  	[tilespmem:s25], [sflag:$0x4] =	stream.indirect.gather [hbm4b:s4+s17], $0x40, s30, s17, $0xb8;
	[tilespmem:$0x1ED40] =	vst v63  }
0x43: {  	_ =	swait.ge [sflag:s26], $0x1F40  }
0x44: {  	[sflag:s26] =	ssyncset.done $0x0  }
0x45: {  	s24 =	simm.s32 $0x5080;
	[sflag:s26] =	ssyncadd.s32 $0xFFFFE0C0  }
0x46: {  	[spmem:s2] =	stream.indirect.scatter.add.f32 [tilespmem:s20], [sflag:$0x6], $0x40, s24, s17, $0xb8;
	[tilespmem:$0x1ED40] =	vst v63  }
0x47: {  	_ =	swait.ge [sflag:s29], $0x1F40  }
0x48: {  	[sflag:s29] =	ssyncset.done $0x0  }
0x49: {  	s30 =	simm.s32 $0x200;
	[sflag:s29] =	ssyncadd.s32 $0xFFFFE0C0  }
0x4a: {  	[tilespmem:s18], [sflag:$0x1] =	stream.indirect.gather [hbm4b:s4+s17], $0x40, s30, s17, $0xb8;
	[tilespmem:$0x1ED40] =	vst v63  }
0x4b: {  	_ =	swait.ge [sflag:s31], $0x1F40  }
0x4c: {  	[sflag:s31] =	ssyncset.done $0x0  }
0x4d: {  	s24 =	simm.s32 $0x5100;
	[sflag:s31] =	ssyncadd.s32 $0xFFFFE0C0  }
0x4e: {  	[spmem:s2] =	stream.indirect.scatter.add.f32 [tilespmem:s22], [sflag:$0x7], $0x40, s24, s17, $0xb8;
	[tilespmem:$0x1ED40] =	vst v63  }
0x4f: {  	_ =	swait.ge [sflag:s19], $0x1F40  }
0x50: {  	[sflag:s19] =	ssyncset.done $0x0  }
0x51: {  	s30 =	simm.s32 $0x280;
	[sflag:s19] =	ssyncadd.s32 $0xFFFFE0C0  }
0x52: {  	[tilespmem:s20], [sflag:$0x2] =	stream.indirect.gather [hbm4b:s4+s17], $0x40, s30, s17, $0xb8;
	[tilespmem:$0x1ED40] =	vst v63  }
0x53: {  	_ =	swait.ge [sflag:s1], $0x1F40  }
0x54: {  	[sflag:s1] =	ssyncset.done $0x0  }
0x55: {  	s24 =	simm.s32 $0x5180;
	[sflag:s1] =	ssyncadd.s32 $0xFFFFE0C0  }
0x56: {  	[spmem:s2] =	stream.indirect.scatter.add.f32 [tilespmem:s25], [sflag:$0x8], $0x40, s24, s17, $0xb8;
	[tilespmem:$0x1ED40] =	vst v63  }
0x57: {  	_ =	swait.ge [sflag:s28], $0x1F40  }
0x58: {  	[sflag:s28] =	ssyncset.done $0x0  }
0x59: {  	s30 =	simm.s32 $0x300;
	[sflag:s28] =	ssyncadd.s32 $0xFFFFE0C0  }
0x5a: {  	[tilespmem:s22], [sflag:$0x3] =	stream.indirect.gather [hbm4b:s4+s17], $0x40, s30, s17, $0xb8;
	[tilespmem:$0x1ED40] =	vst v63  }
0x5b: {  	_ =	swait.ge [sflag:s23], $0x1F40  }
0x5c: {  	[sflag:s23] =	ssyncset.done $0x0  }
0x5d: {  	s24 =	simm.s32 $0x5200;
	[sflag:s23] =	ssyncadd.s32 $0xFFFFE0C0  }
0x5e: {  	[spmem:s2] =	stream.indirect.scatter.add.f32 [tilespmem:s18], [sflag:$0x5], $0x40, s24, s17, $0xb8;
	[tilespmem:$0x1ED40] =	vst v63  }
0x5f: {  	_ =	swait.ge [sflag:s21], $0x1F40  }
0x60: {  	[sflag:s21] =	ssyncset.done $0x0  }
0x61: {  	s30 =	simm.s32 $0x380;
	[sflag:s21] =	ssyncadd.s32 $0xFFFFE0C0  }
0x62: {  	[tilespmem:s25], [sflag:$0x4] =	stream.indirect.gather [hbm4b:s4+s17], $0x40, s30, s17, $0xb8;
	[tilespmem:$0x1ED40] =	vst v63  }
0x63: {  	_ =	swait.ge [sflag:s26], $0x1F40  }
0x64: {  	[sflag:s26] =	ssyncset.done $0x0  }
0x65: {  	s24 =	simm.s32 $0x5280;
	[sflag:s26] =	ssyncadd.s32 $0xFFFFE0C0  }
0x66: {  	[spmem:s2] =	stream.indirect.scatter.add.f32 [tilespmem:s20], [sflag:$0x6], $0x40, s24, s17, $0xb8;
	[tilespmem:$0x1ED40] =	vst v63  }
0x67: {  	_ =	swait.ge [sflag:s29], $0x1F40  }
0x68: {  	[sflag:s29] =	ssyncset.done $0x0  }
0x69: {  	s30 =	simm.s32 $0x400;
	[sflag:s29] =	ssyncadd.s32 $0xFFFFE0C0  }
0x6a: {  	[tilespmem:s18], [sflag:$0x1] =	stream.indirect.gather [hbm4b:s4+s17], $0x40, s30, s17, $0xb8;
	[tilespmem:$0x1ED40] =	vst v63  }
0x6b: {  	_ =	swait.ge [sflag:s31], $0x1F40  }
0x6c: {  	[sflag:s31] =	ssyncset.done $0x0  }
0x6d: {  	s24 =	simm.s32 $0x5300;
	[sflag:s31] =	ssyncadd.s32 $0xFFFFE0C0  }
0x6e: {  	[spmem:s2] =	stream.indirect.scatter.add.f32 [tilespmem:s22], [sflag:$0x7], $0x40, s24, s17, $0xb8;
	[tilespmem:$0x1ED40] =	vst v63  }
0x6f: {  	_ =	swait.ge [sflag:s19], $0x1F40  }
0x70: {  	[sflag:s19] =	ssyncset.done $0x0  }
0x71: {  	s30 =	simm.s32 $0x480;
	[sflag:s19] =	ssyncadd.s32 $0xFFFFE0C0  }
0x72: {  	[tilespmem:s20], [sflag:$0x2] =	stream.indirect.gather [hbm4b:s4+s17], $0x40, s30, s17, $0xb8;
	[tilespmem:$0x1ED40] =	vst v63  }
0x73: {  	_ =	swait.ge [sflag:s1], $0x1F40  }
0x74: {  	[sflag:s1] =	ssyncset.done $0x0  }
0x75: {  	s24 =	simm.s32 $0x5380;
	[sflag:s1] =	ssyncadd.s32 $0xFFFFE0C0  }
0x76: {  	[spmem:s2] =	stream.indirect.scatter.add.f32 [tilespmem:s25], [sflag:$0x8], $0x40, s24, s17, $0xb8;
	[tilespmem:$0x1ED40] =	vst v63  }
0x77: {  	_ =	swait.ge [sflag:s28], $0x1F40  }
0x78: {  	[sflag:s28] =	ssyncset.done $0x0  }
0x79: {  	s30 =	simm.s32 $0x500;
	[sflag:s28] =	ssyncadd.s32 $0xFFFFE0C0  }
0x7a: {  	[tilespmem:s22], [sflag:$0x3] =	stream.indirect.gather [hbm4b:s4+s17], $0x40, s30, s17, $0xb8;
	[tilespmem:$0x1ED40] =	vst v63  }
0x7b: {  	_ =	swait.ge [sflag:s23], $0x1F40  }
0x7c: {  	[sflag:s23] =	ssyncset.done $0x0  }
0x7d: {  	s24 =	simm.s32 $0x5400;
	[sflag:s23] =	ssyncadd.s32 $0xFFFFE0C0  }
0x7e: {  	[spmem:s2] =	stream.indirect.scatter.add.f32 [tilespmem:s18], [sflag:$0x5], $0x40, s24, s17, $0xb8;
	[tilespmem:$0x1ED40] =	vst v63  }
0x7f: {  	_ =	swait.ge [sflag:s21], $0x1F40  }
0x80: {  	[sflag:s21] =	ssyncset.done $0x0  }
0x81: {  	s30 =	simm.s32 $0x580;
	[sflag:s21] =	ssyncadd.s32 $0xFFFFE0C0  }
0x82: {  	[tilespmem:s25], [sflag:$0x4] =	stream.indirect.gather [hbm4b:s4+s17], $0x40, s30, s17, $0xb8;
	[tilespmem:$0x1ED40] =	vst v63  }
0x83: {  	_ =	swait.ge [sflag:s26], $0x1F40  }
0x84: {  	[sflag:s26] =	ssyncset.done $0x0  }
0x85: {  	s0 =	simm.s32 $0x800;
	s24 =	simm.s32 $0x5480;
	[sflag:s26] =	ssyncadd.s32 $0xFFFFE0C0  }
.LBB2_4:
0x86: {  	[spmem:s2] =	stream.indirect.scatter.add.f32 [tilespmem:s20], [sflag:$0x6], $0x40, s24, s17, $0xb8;
	[tilespmem:$0x1ED40] =	vst v63  }
0x87: {  	s24 =	smov.u32 s0;
	s0 =	sadd.s32 $0x800, s0;
	_ =	swait.ge [sflag:s29], $0x1F40  }
0x88: {  	s24 =	sshra.s32 s24, $0x2;
	p1 =	sne.s32 s0, $0x13000;
	[sflag:s29] =	ssyncset.done $0x0  }
0x89: {  	s30 =	sadd.s32 $0x400, s24;
	[sflag:s29] =	ssyncadd.s32 $0xFFFFE0C0  }
0x8a: {  	[tilespmem:s18], [sflag:$0x1] =	stream.indirect.gather [hbm4b:s4+s17], $0x40, s30, s17, $0xb8;
	[tilespmem:$0x1ED40] =	vst v63  }
0x8b: {  	_ =	swait.ge [sflag:s31], $0x1F40  }
0x8c: {  	[sflag:s31] =	ssyncset.done $0x0  }
0x8d: {  	s30 =	sadd.s32 $0x5300, s24;
	[sflag:s31] =	ssyncadd.s32 $0xFFFFE0C0  }
0x8e: {  	[spmem:s2] =	stream.indirect.scatter.add.f32 [tilespmem:s22], [sflag:$0x7], $0x40, s30, s17, $0xb8;
	[tilespmem:$0x1ED40] =	vst v63  }
0x8f: {  	_ =	swait.ge [sflag:s19], $0x1F40  }
0x90: {  	[sflag:s19] =	ssyncset.done $0x0  }
0x91: {  	s30 =	sadd.s32 $0x480, s24;
	[sflag:s19] =	ssyncadd.s32 $0xFFFFE0C0  }
0x92: {  	[tilespmem:s20], [sflag:$0x2] =	stream.indirect.gather [hbm4b:s4+s17], $0x40, s30, s17, $0xb8;
	[tilespmem:$0x1ED40] =	vst v63  }
0x93: {  	_ =	swait.ge [sflag:s1], $0x1F40  }
0x94: {  	[sflag:s1] =	ssyncset.done $0x0  }
0x95: {  	s30 =	sadd.s32 $0x5380, s24;
	[sflag:s1] =	ssyncadd.s32 $0xFFFFE0C0  }
0x96: {  	[spmem:s2] =	stream.indirect.scatter.add.f32 [tilespmem:s25], [sflag:$0x8], $0x40, s30, s17, $0xb8;
	[tilespmem:$0x1ED40] =	vst v63  }
0x97: {  	_ =	swait.ge [sflag:s28], $0x1F40  }
0x98: {  	[sflag:s28] =	ssyncset.done $0x0  }
0x99: {  	s30 =	sadd.s32 $0x500, s24;
	[sflag:s28] =	ssyncadd.s32 $0xFFFFE0C0  }
0x9a: {  	[tilespmem:s22], [sflag:$0x3] =	stream.indirect.gather [hbm4b:s4+s17], $0x40, s30, s17, $0xb8;
	[tilespmem:$0x1ED40] =	vst v63  }
0x9b: {  	_ =	swait.ge [sflag:s23], $0x1F40  }
0x9c: {  	[sflag:s23] =	ssyncset.done $0x0  }
0x9d: {  	s30 =	sadd.s32 $0x5400, s24;
	[sflag:s23] =	ssyncadd.s32 $0xFFFFE0C0  }
0x9e: {  	[spmem:s2] =	stream.indirect.scatter.add.f32 [tilespmem:s18], [sflag:$0x5], $0x40, s30, s17, $0xb8;
	[tilespmem:$0x1ED40] =	vst v63  }
0x9f: {  	_ =	swait.ge [sflag:s21], $0x1F40  }
0xa0: {  	[sflag:s21] =	ssyncset.done $0x0  }
.Ltmp1:
0xa1: {  	s30 =	sadd.s32 $0x580, s24;
	[sflag:s21] =	ssyncadd.s32 $0xFFFFE0C0;
	(pc) =	sbr.rel @p1 .LBB2_4-.Ltmp1, $4  }
0xa2: {  	[tilespmem:s25], [sflag:$0x4] =	stream.indirect.gather [hbm4b:s4+s17], $0x40, s30, s17, $0xb8;
	[tilespmem:$0x1ED40] =	vst v63  }
0xa3: {  	_ =	swait.ge [sflag:s26], $0x1F40  }
0xa4: {  	[sflag:s26] =	ssyncset.done $0x0  }
0xa5: {  	s24 =	sadd.s32 $0x5480, s24;
	[sflag:s26] =	ssyncadd.s32 $0xFFFFE0C0  }
0xa6: {  	[spmem:s2] =	stream.indirect.scatter.add.f32 [tilespmem:s20], [sflag:$0x6], $0x40, s24, s17, $0xb8;
	[tilespmem:$0x1ED40] =	vst v63  }
0xa7: {  	_ =	swait.ge [sflag:s31], $0x1F40  }
0xa8: {  	s0 =	sshra.s32 s0, $0x2;
	[sflag:s31] =	ssyncset.done $0x0  }
0xa9: {  	s30 =	sadd.s32 $0x5300, s0;
	[sflag:s31] =	ssyncadd.s32 $0xFFFFE0C0  }
0xaa: {  	[spmem:s2] =	stream.indirect.scatter.add.f32 [tilespmem:s22], [sflag:$0x7], $0x40, s30, s17, $0xb8;
	[tilespmem:$0x1ED40] =	vst v63  }
0xab: {  	_ =	swait.ge [sflag:s1], $0x1F40  }
0xac: {  	[sflag:s1] =	ssyncset.done $0x0  }
0xad: {  	s0 =	sadd.s32 $0x5380, s0;
	[sflag:s1] =	ssyncadd.s32 $0xFFFFE0C0  }
0xae: {  	[spmem:s2] =	stream.indirect.scatter.add.f32 [tilespmem:s25], [sflag:$0x8], $0x40, s0, s17, $0xb8;
	[tilespmem:$0x1ED40] =	vst v63  }
0xaf: {  	_ =	swait.ge [sflag:s29], $0x1F40  }
0xb0: {  	[sflag:s29] =	ssyncset.done $0x0  }
0xb1: {  	[sflag:s29] =	ssyncadd.s32 $0xFFFFE0C0  }
0xb2: {  	_ =	swait.ge [sflag:s19], $0x1F40  }
0xb3: {  	[sflag:s19] =	ssyncset.done $0x0  }
0xb4: {  	[sflag:s19] =	ssyncadd.s32 $0xFFFFE0C0  }
0xb5: {  	_ =	swait.ge [sflag:s28], $0x1F40  }
0xb6: {  	[sflag:s28] =	ssyncset.done $0x0  }
0xb7: {  	[sflag:s28] =	ssyncadd.s32 $0xFFFFE0C0  }
0xb8: {  	_ =	swait.ge [sflag:s21], $0x1F40  }
0xb9: {  	s24 =	stileid.u32;
	[sflag:s21] =	ssyncset.done $0x0  }
0xba: {  	s0 =	sshll.u32 s24, $0x6;
	[sflag:s21] =	ssyncadd.s32 $0xFFFFE0C0  }
0xbb: {  	s30 =	sshrl.u32 s5, $0x3;
	s0 =	sor.u32 $0x1C09, s0;
	[bflag:$0x0] =	sbarrier.arrive $0xFFFF  }
0xbc: {  	[hbm:s11], [sflag:s0] =	dma.local [spmem:s30], $0x1380  }
0xbd: {  	_ =	swait.ge [sflag:s15], $0x1380  }
0xbe: {  	s3 =	sadd.s32 $0x1, s3;
	[sflag:s15] =	ssyncset.done $0x0  }
0xbf: {  	p1 =	sne.s32 s3, s13;
	s24 =	sshrl.u32 @!p0 s8, $0x3;
	[sflag:s15] =	ssyncadd.s32 $0xFFFFEC80  }
0xc0: {  	[hbm:s12], [sflag:s0] =	dma.local @!p0 [spmem:s24], $0x80  }
.Ltmp2:
0xc1: {  	_ = 	snop;
	(pc) =	sbr.rel @p1 .LBB2_1-.Ltmp2, $4  }
0xc2: {  	s0 =	simm.s32 @!p0 $0x9  }
0xc3: {  	_ =	swait.ge @!p0 [sflag:s0], $0x80  }
0xc4: {  	[sflag:s0] =	ssyncset.done @!p0 $0x0  }
0xc5: {  	[sflag:s0] =	ssyncadd.s32 @!p0 $0xFFFFFF80  }
0xc6: {  	_ =	sfence.sel $0x180000  }
0xc7: {  	[bflag:$0x0] =	sbarrier.arrive $0xFFFF  }
0xc8: {  	_ =	strace $0x9000004D  }
0xc9: {  	s0 =	stileid.u32;
	[bflag:$0x2] =	sbarrier.arrive $0xFFFF  }
0xca: {  	p0 =	sne.s32 s0, $0x0;
	s0 =	rddreg [dreg:$0x2]  }
0xcb: {  	s0 =	sadd.s32 @!p0 $0x100000, s0  }
0xcc: {  	[sflag:s0] =	ssyncadd.tile.s32 @!p0 $0x1;
	_ =	shalt  }
.Lfunc_end2:
_tile_overlayer_lowered:
.L_overlay_start_2:
0xcd: {  	(tag) =	ssettag $0x2  }
0xce: {  	s0 =	rddreg [dreg:$0x0];
	s2 =	stileid.u32  }
0xcf: {  	s1 =	rddreg [dreg:$0x1];
	p0 =	sne.s32 s2, $0x0  }
0xd0: {  	s3 =	rddreg [dreg:$0x2];
	[bflag:$0x3] =	sbarrier.arrive $0xFFFF;
	s2 =	simm.s32 @!p0 $0x1C09  }
0xd1: {  	[timem:s3], [sflag:s2] =	dma.local @!p0 [hbm:s0], s1  }
0xd2: {  	s0 =	simm.s32 @!p0 $0x9  }
0xd3: {  	_ =	swait.ge @!p0 [sflag:s0], s1  }
0xd4: {  	s1 =	ssub.s32 @!p0 $0x0, s1;
	[sflag:s0] =	ssyncset.done @!p0 $0x0  }
0xd5: {  	[sflag:s0] =	ssyncadd.s32 @!p0 s1  }
0xd6: {  	[bflag:$0x3] =	sbarrier.arrive $0xFFFF  }
0xd7: {  	_ =	shalt  }

// kernel: kernel.21.cloned.1.call-start
scs
__scs_entry_jumppad:
0x0: {  	(pc) =	sbr.rel $0x88, $3  }
0x1: {  	(tag) =	ssettag $0x0;
	lr =	simm.s32 $0x1  }
0x2: {  	[smem:$0x3F94] =	sst lr;
	_ =	strace $0xD0000000  }
0x3: {  	_ = 	snop  }
0x4: {  	_ = 	snop  }
0x5: {  	_ = 	snop  }
0x6: {  	_ = 	snop  }
0x7: {  	_ = 	snop  }
__scs_overlays_trampoline_lowered:
0x8: {  	[smem:$0x3FA3] =	sst s0  }
0x9: {  	[smem:$0x3FA4] =	sst s1  }
0xa: {  	[smem:$0x3FA5] =	sst s2  }
0xb: {  	[smem:$0x3FA6] =	sst s3  }
0xc: {  	[smem:$0x3FA7] =	sst s4  }
0xd: {  	[smem:$0x3FA8] =	sst s5  }
0xe: {  	[smem:$0x3FA9] =	sst s6  }
0xf: {  	[smem:$0x3FAA] =	sst s7  }
0x10: {  	[smem:$0x3FAB] =	sst s8  }
0x11: {  	[smem:$0x3FAC] =	sst s9;
	s0 =	simm.s32 @!p0 $0x0  }
0x12: {  	s1 =	sld [smem:$0x3F92];
	s0 =	simm.s32 @p0 $0x1  }
0x13: {  	[smem:$0x3FAD] =	sst s0;
	s0 =	simm.s32 @!p1 $0x0  }
0x14: {  	s2 =	sld [smem:$0x3F91];
	s0 =	simm.s32 @p1 $0x1  }
0x15: {  	[smem:$0x3FAE] =	sst s0;
	s0 =	simm.s32 @!p2 $0x0  }
0x16: {  	s3 =	sld [smem:$0x3FDB];
	s0 =	simm.s32 @p2 $0x1  }
0x17: {  	s4 =	simm.s32 $0x1BF5;
	[smem:$0x3FB0] =	sst s0  }
0x18: {  	s0 =	sld [smem:$0x3F93];
	_ =	swait.ge [sflag:s4], $0x0  }
0x19: {  	s7 =	sld [smem:$0x3F94]  }
0x1a: {  	s8 =	sadd.s32 $0xFFFFE003, lr  }
0x1b: {  	s9 =	sadd.s32 $0xFFFFFEF7, lr;
	s5 =	simm.s32 $0xFFFFFFFF;
	p2 =	slt.u32 s8, $0xFFFFF086  }
0x1c: {  	p1 =	slt.u32 s9, $0xF7A;
	s5 =	simm.s32 @!p2 $0x0  }
0x1d: {  	s5 =	simm.s32 @p1 $0x1;
	p0 =	seq.s32 s7, s2  }
0x1e: {  	s7 =	smul.u32 @!p0 $0xF7A, s2;
	p2 =	seq.s32 @!p0 s5, $0x0  }
0x1f: {  	s9 =	smul.u32 $0xF7A, s1;
	s8 =	simm.s32 @!p0 $0x1BF5;
	p2 =	por !p2, p0  }
0x20: {  	[sflag:s8] =	ssyncset.s32 @!p0 $0xFFFFF086;
	s6 =	sadd.s32 @!p0 s3, s7;
	s7 =	simm.s32 @!p0 $0x108  }
0x21: {  	s3 =	sadd.s32 s3, s9;
	s6 =	sadd.s32 @!p0 $0x88, s6;
	s7 =	simm.s32 @p2 $0x1082  }
0x22: {  	[simem:s7], [sflag:s8] =	dma.local @!p0 [hbm:s6], $0xF7A  }
0x23: {  	s9 =	sor.u32 $0xD0000000, s2;
	s6 =	simm.s32 $0x108;
	_ =	swait.ge @!p0 [sflag:s8], $0x0  }
0x24: {  	s3 =	sadd.s32 $0x88, s3;
	s6 =	simm.s32 @!p1 $0x1082;
	[sflag:s4] =	ssyncset.s32 $0xFFFFF086  }
0x25: {  	[simem:s6], [sflag:s4] =	dma.local [hbm:s3], $0xF7A  }
0x26: {  	[smem:$0x3F94] =	sst s1;
	(tag) =	ssettag s2;
	_ =	strace s9  }
0x27: {  	s1 =	sld [smem:$0x3FA4]  }
0x28: {  	s2 =	sld [smem:$0x3FA5]  }
0x29: {  	s4 =	sld [smem:$0x3FA7]  }
0x2a: {  	p0 =	seq.s32 s5, $0x0;
	s5 =	sld [smem:$0x3FA8]  }
0x2b: {  	s6 =	sld [smem:$0x3FA9]  }
0x2c: {  	s7 =	sld [smem:$0x3FAA]  }
0x2d: {  	s3 =	simm.s32 $0x108;
	s8 =	sld [smem:$0x3FAB]  }
0x2e: {  	s3 =	simm.s32 @!p0 $0x1082;
	s9 =	sld [smem:$0x3FAC]  }
0x2f: {  	lr =	sadd.s32 s0, s3;
	s0 =	sld [smem:$0x3FA3]  }
0x30: {  	s3 =	sld [smem:$0x3FA6]  }
0x31: {  	[smem:$0x3FAF] =	sst s10  }
0x32: {  	s10 =	sld [smem:$0x3FAD];
	_ =	sdelay $0x3  }
0x33: {  	p0 =	seq.s32 s10, $0x1;
	s10 =	sld [smem:$0x3FAF];
	_ =	sdelay $0x3  }
0x34: {  	[smem:$0x3FAF] =	sst s10  }
0x35: {  	s10 =	sld [smem:$0x3FAE];
	_ =	sdelay $0x3  }
0x36: {  	p1 =	seq.s32 s10, $0x1;
	s10 =	sld [smem:$0x3FAF];
	_ =	sdelay $0x3  }
0x37: {  	[smem:$0x3FAF] =	sst s10  }
0x38: {  	s10 =	sld [smem:$0x3FB0]  }
0x39: {  	_ = 	snop;
	(pc) =	sbr.ind lr, $3  }
0x3a: {  	_ = 	snop  }
0x3b: {  	_ = 	snop  }
0x3c: {  	p2 =	seq.s32 s10, $0x1;
	s10 =	sld [smem:$0x3FAF]  }
0x3d: {  	_ =	shalt  }
0x3e: {  	_ =	shalt  }
0x3f: {  	_ =	shalt  }
0x40: {  	_ =	shalt  }
0x41: {  	_ =	shalt  }
0x42: {  	_ =	shalt  }
0x43: {  	_ =	shalt  }
0x44: {  	_ =	shalt  }
0x45: {  	_ =	shalt  }
0x46: {  	_ =	shalt  }
0x47: {  	_ =	shalt  }
0x48: {  	_ =	shalt  }
0x49: {  	_ =	shalt  }
0x4a: {  	_ =	shalt  }
0x4b: {  	_ =	shalt  }
0x4c: {  	_ =	shalt  }
0x4d: {  	_ =	shalt  }
0x4e: {  	_ =	shalt  }
0x4f: {  	_ =	shalt  }
0x50: {  	_ =	shalt  }
0x51: {  	_ =	shalt  }
0x52: {  	_ =	shalt  }
0x53: {  	_ =	shalt  }
0x54: {  	_ =	shalt  }
0x55: {  	_ =	shalt  }
0x56: {  	_ =	shalt  }
0x57: {  	_ =	shalt  }
0x58: {  	_ =	shalt  }
0x59: {  	_ =	shalt  }
0x5a: {  	_ =	shalt  }
0x5b: {  	_ =	shalt  }
0x5c: {  	_ =	shalt  }
0x5d: {  	_ =	shalt  }
0x5e: {  	_ =	shalt  }
0x5f: {  	_ =	shalt  }
0x60: {  	_ =	shalt  }
0x61: {  	_ =	shalt  }
0x62: {  	_ =	shalt  }
0x63: {  	_ =	shalt  }
0x64: {  	_ =	shalt  }
0x65: {  	_ =	shalt  }
0x66: {  	_ =	shalt  }
0x67: {  	_ =	shalt  }
0x68: {  	_ =	shalt  }
0x69: {  	_ =	shalt  }
0x6a: {  	_ =	shalt  }
0x6b: {  	_ =	shalt  }
0x6c: {  	_ =	shalt  }
0x6d: {  	_ =	shalt  }
0x6e: {  	_ =	shalt  }
0x6f: {  	_ =	shalt  }
0x70: {  	_ =	shalt  }
0x71: {  	_ =	shalt  }
0x72: {  	_ =	shalt  }
0x73: {  	_ =	shalt  }
0x74: {  	_ =	shalt  }
0x75: {  	_ =	shalt  }
0x76: {  	_ =	shalt  }
0x77: {  	_ =	shalt  }
0x78: {  	_ =	shalt  }
0x79: {  	_ =	shalt  }
0x7a: {  	_ =	shalt  }
0x7b: {  	_ =	shalt  }
0x7c: {  	_ =	shalt  }
0x7d: {  	_ =	shalt  }
0x7e: {  	_ =	shalt  }
0x7f: {  	_ =	shalt  }
0x80: {  	_ =	shalt  }
0x81: {  	_ =	shalt  }
0x82: {  	_ =	shalt  }
0x83: {  	_ =	shalt  }
0x84: {  	_ =	shalt  }
0x85: {  	_ =	shalt  }
0x86: {  	_ =	shalt  }
0x87: {  	_ =	shalt  }
.Lfunc_end0:
.L_simem_size_0:
called_computation.3_lowered:
.L_overlay_start_0:
0x88: {  	s2 =	sld [smem:$0x3FD9]  }
0x89: {  	s3 =	sld [smem:$0x3FFE];
	_ =	sdelay $0x1  }
0x8a: {  	s1 =	srdreg.scid  }
0x8b: {  	s0 =	sand.u32 $0x1, s1  }
0x8c: {  	s16 =	sshll.u32 s0, $0xA;
	s2 =	sadd.s32 s3, s2  }
0x8d: {  	s2 =	sadd.s32 s2, s16  }
0x8e: {  	[smem:$0x3FBB] =	sst s2  }
0x8f: {  	_ = 	snop  }
0x90: {  	(tm) =	ssettm $0x1  }
0x91: {  	s17 =	sld [smem:$0x3FFB];
	_ =	sdelay $0x3  }
0x92: {  	_ =	strace s17  }
0x93: {  	s2 =	sld [smem:$0x3FFC];
	_ =	sdelay $0x3  }
0x94: {  	_ =	strace s2  }
0x95: {  	s2 =	sld [smem:$0x3FFD];
	_ =	sdelay $0x3  }
0x96: {  	_ =	strace s2  }
0x97: {  	_ =	strace $0x8FFFFFFF  }
0x98: {  	s18 =	sld [smem:$0x3FDB];
	_ =	sdelay $0x1  }
0x99: {  	s19 =	simm.s32 $_scs_section_size  }
0x9a: {  	s4 =	simm.s32 $_size__tile_overlayer_lowered;
	s5 =	simm.s32 $_tile_overlayer_lowered  }
0x9b: {  	s22 =	simm.s32 $0x1BFF;
	s21 =	sshll.u32 s5, $0x1;
	s2 =	sadd.s32 s19, s18  }
0x9c: {  	s6 =	simm.s32 $0x0;
	s20 =	sshll.u32 s4, $0x1;
	s4 =	sadd.s32 s21, s2  }
0x9d: {  	[timem:s6], [sflag:s22] =	dma.local [hbm:s4], s20  }
0x9e: {  	_ =	swait.ge [sflag:s22], s20  }
0x9f: {  	s3 =	ssub.s32 $0x0, s20;
	[sflag:s22] =	ssyncset.done $0x0  }
0xa0: {  	[sflag:s22] =	ssyncadd.s32 s3;
	_ =	sdelay $0x1  }
0xa1: {  	s23 =	simm.s32 $0x1B8B  }
0xa2: {  	_ =	swait.ge [sflag:s23], $0x1  }
0xa3: {  	[sflag:s23] =	ssyncset.done $0x0  }
0xa4: {  	s25 =	simm.s32 $0x1B8E;
	s24 =	sld [smem:$0x3FFE];
	[sflag:s23] =	ssyncadd.s32 $0xFFFFFFFF  }
0xa5: {  	s26 =	simm.s32 $execute0_lowered;
	[smem:$0x3FD2] =	sst s25  }
0xa6: {  	s4 =	sshll.u32 s26, $0x1;
	_ =	strace $0x8000004F;
	[dreg:$0x1] =	wrdreg $0xFFFFFFFF  }
0xa7: {  	s28 =	simm.s32 $_size_execute0_lowered;
	s2 =	sadd.s32 s2, s4;
	[dreg:$0x0] =	wrdreg $0x0  }
0xa8: {  	s4 =	sshll.u32 s28, $0x1;
	[dreg:$0x2] =	wrdreg s2  }
0xa9: {  	[dreg:$0x3] =	wrdreg s4  }
0xaa: {  	[dreg:$0x4] =	wrdreg $0xC0  }
0xab: {  	_ =	task [dreg:s6], $0x5FFFF  }
0xac: {  	[dreg:$0x1] =	wrdreg $0xFFFFFFFF  }
0xad: {  	[dreg:$0x0] =	wrdreg $0x60  }
0xae: {  	[dreg:$0x2] =	wrdreg s24  }
0xaf: {  	[dreg:$0x3] =	wrdreg $0x151000  }
0xb0: {  	[dreg:$0x4] =	wrdreg $0x9  }
0xb1: {  	_ =	task.clear_ibuf [dreg:s6], $0x5FFFF;
	_ =	strace $0x9000004F  }
0xb2: {  	s29 =	simm.s32 $0x9;
	_ =	strace $0x80000051  }
0xb3: {  	_ =	swait.ge [sflag:s29], $0x1  }
0xb4: {  	[sflag:s29] =	ssyncadd.s32 $0xFFFFFFFF  }
0xb5: {  	_ =	strace $0x90000051  }
0xb6: {  	_ =	sfence  }
0xb7: {  	s30 =	sld [smem:$0x0];
	_ =	sdelay $0x2  }
0xb8: {  	s31 =	sshll.u32 s1, $0xD;
	s1 =	sshrl.u32 s1, $0x2  }
0xb9: {  	s3 =	sand.u32 $0x4000, s31;
	s1 =	sadd.s32 s1, s30  }
0xba: {  	s0 =	sor.u32 s3, s0;
	s1 =	sshll.u32 s1, $0x11  }
0xbb: {  	s0 =	sor.u32 s1, s0  }
0xbc: {  	s0 =	sadd.s32 $0x8F2B, s0  }
0xbd: {  	[sflag:s0] =	ssyncadd.remote.s32 $0x1  }
0xbe: {  	_ =	sfence.sel $0xFFFF  }
0xbf: {  	[dreg:$0x0] =	wrdreg $0xFFFFFFFF;
	(pc) =	sbr.abs _section_cstart, $3  }
0xc0: {  	[dreg:$0x1] =	wrdreg $0xFFFFFFFF  }
0xc1: {  	_ =	task.clear_ibuf [dreg:s6], $0x2FFFF;
	_ =	strace $0x9FFFFFFF  }
0xc2: {  	(tm) =	ssettm $0x7FFFFFFF  }
0xc3: {  	_ =	shalt  }
tec
execute0_lowered:
.L_overlay_start_1:
0x0: {  	(tag) =	ssettag $0x1  }
0x1: {  	s0 =	rddreg [dreg:$0x0]  }
0x2: {  	s2 =	rddreg [dreg:$0x1];
	s3 =	simm.s32 $0x0;
	s14 =	stileid.u32  }
0x3: {  	s1 =	srdreg.scid;
	s15 =	simm.s32 $0x9;
	s16 =	simm.s32 $0x5000  }
0x4: {  	s17 =	simm.s32 $0x7D;
	s18 =	simm.s32 $0xA000;
	s20 =	simm.s32 $0xBF40  }
0x5: {  	s22 =	simm.s32 $0xDE80;
	s23 =	simm.s32 $0x1;
	s29 =	simm.s32 $0x5  }
0x6: {  	s31 =	simm.s32 $0x3;
	s19 =	simm.s32 $0x6;
	s28 =	simm.s32 $0x7  }
0x7: {  	s21 =	simm.s32 $0x8;
	[smem:$0x7FF] =	sst s3;
	s10 =	smul.u32 $0x9C00, s14  }
0x8: {  	s1 =	sand.u32 $0x1, s1;
	s5 =	smul.u32 $0x27000, s14;
	s4 =	sadd.s32 $0x70C00, s0  }
0x9: {  	s11 =	sadd.s32 $0x4A00, s0;
	s12 =	smul.u32 $0x5000, s14;
	s0 =	sadd.s32 $0x97E00, s0  }
0xa: {  	p0 =	sne.s32 s14, $0xF;
	s14 =	simm.s32 $0x11D00;
	s7 =	smul.u32 $0x50000, s1  }
0xb: {  	_ =	strace $0x80000050;
	s6 =	ssub.s32 $0x2, s1;
	s1 =	smul.u32 $0x9C400, s1  }
0xc: {  	s8 =	sshrl.u32 s6, $0x1;
	s25 =	sshrl.u32 s5, $0x2;
	s5 =	sadd.s32 s10, s2  }
0xd: {  	s13 =	ssub.s32 s6, s8;
	s26 =	sadd.s32 s25, s2;
	s7 =	sadd.s32 s12, s7  }
0xe: {  	s8 =	sadd.s32 $0x9C000, s2;
	s12 =	sshrl.u32 s12, $0x3;
	s10 =	sadd.s32 s10, s1  }
0xf: {  	s1 =	sshrl.u32 s1, $0x3;
	s25 =	simm.s32 $0xFDC0;
	s6 =	sadd.s32 $0x3400, s26  }
0x10: {  	s9 =	sshrl.u32 s7, $0x3;
	s7 =	sadd.s32 $0x6800, s26;
	s30 =	sshrl.u32 s10, $0x3  }
0x11: {  	s1 =	sadd.s32 s0, s1;
	s13 =	smax.u32 s13, $0x1;
	s26 =	simm.s32 $0x2  }
0x12: {  	s9 =	sadd.s32 s11, s9;
	s11 =	sadd.s32 s11, s12;
	s12 =	sadd.s32 $0x13800, s1  }
0x13: {  	v0 =	vimm.f32 $0.0e+00;
	s1 =	simm.s32 $0x4;
	s10 =	sadd.s32 $0x14000, s11;
	s11 =	sadd.s32 s0, s30  }
.LBB2_1:
0x14: {  	s24 =	simm.s32 $0x100;
	s0 =	simm.s32 $0x0  }
.LBB2_2:
0x15: {  	p1 =	sne.s32 s24, $0xCF00;
	[tilespmem:s0+$0x11D30] =	vst v0;
	s30 =	smov.u32 s24;
	s24 =	sadd.s32 $0x100, s24  }
.Ltmp0:
0x16: {  	[tilespmem:s0+$0x11D20] =	vst v0;
	(pc) =	sbr.rel @p1 .LBB2_2-.Ltmp0, $3  }
0x17: {  	[tilespmem:s0+$0x11D00] =	vst v0  }
0x18: {  	[tilespmem:s0+$0x11D10] =	vst v0;
	_ =	sdelay $0x1  }
0x19: {  	s0 =	sshra.s32 s30, $0x2  }
0x1a: {  	[tilespmem:s0+$0x11D30] =	vst v0  }
0x1b: {  	[tilespmem:s0+$0x11D20] =	vst v0  }
0x1c: {  	[tilespmem:s0+$0x11D00] =	vst v0  }
0x1d: {  	[tilespmem:s0+$0x11D10] =	vst v0  }
0x1e: {  	[spmem:s5] =	stream.linear.scatter [tilespmem:s14], [sflag:$0x9], $0x3400, $0x38;
	[tilespmem:$0x1ED40] =	vst v63  }
0x1f: {  	_ =	swait.ge [sflag:s15], $0x3400  }
0x20: {  	[sflag:s15] =	ssyncset.done $0x0  }
0x21: {  	[sflag:s15] =	ssyncadd.s32 $0xFFFFCC00  }
0x22: {  	[spmem:s6] =	stream.linear.scatter [tilespmem:s14], [sflag:$0x9], $0x3400, $0x38;
	[tilespmem:$0x1ED40] =	vst v63  }
0x23: {  	_ =	swait.ge [sflag:s15], $0x3400  }
0x24: {  	[sflag:s15] =	ssyncset.done $0x0  }
0x25: {  	[sflag:s15] =	ssyncadd.s32 $0xFFFFCC00  }
0x26: {  	[spmem:s7] =	stream.linear.scatter [tilespmem:s14], [sflag:$0x9], $0x3400, $0x38;
	[tilespmem:$0x1ED40] =	vst v63  }
0x27: {  	_ =	swait.ge [sflag:s15], $0x3400  }
0x28: {  	[sflag:s15] =	ssyncset.done $0x0  }
0x29: {  	s0 =	simm.s32 @!p0 $0x11D00;
	[sflag:s15] =	ssyncadd.s32 $0xFFFFCC00  }
0x2a: {  	[spmem:s8] =	stream.linear.scatter @!p0 [tilespmem:s0], [sflag:$0x9], $0x400, $0x38;
	[tilespmem:$0x1ED40] =	vst v63  }
0x2b: {  	s0 =	simm.s32 @!p0 $0x9  }
0x2c: {  	_ =	swait.ge @!p0 [sflag:s0], $0x400  }
0x2d: {  	[sflag:s0] =	ssyncset.done @!p0 $0x0  }
0x2e: {  	[sflag:s0] =	ssyncadd.s32 @!p0 $0xFFFFFC00  }
0x2f: {  	s24 =	simm.s32 $0x0;
	[bflag:$0x0] =	sbarrier.arrive $0xFFFF  }
0x30: {  	[tilespmem:s24], [sflag:$0x9] =	stream.linear.gather [hbm4b:s9+s24], $0x5000, $0x38;
	[tilespmem:$0x1ED40] =	vst v63  }
0x31: {  	_ =	swait.ge [sflag:s15], $0x5000  }
0x32: {  	[sflag:s15] =	ssyncset.done $0x0  }
0x33: {  	[sflag:s15] =	ssyncadd.s32 $0xFFFFB000  }
0x34: {  	[tilespmem:s16], [sflag:$0x9] =	stream.linear.gather [hbm4b:s10+s24], $0x5000, $0x38;
	[tilespmem:$0x1ED40] =	vst v63  }
0x35: {  	_ =	swait.ge [sflag:s15], $0x5000  }
0x36: {  	[sflag:s15] =	ssyncset.done $0x0  }
0x37: {  	[sflag:s15] =	ssyncadd.s32 $0xFFFFB000  }
0x38: {  	[tilespmem:s18], [sflag:$0x1] =	stream.indirect.gather [hbm4b:s4+s17], $0x40, s24, s17, $0xb8;
	[tilespmem:$0x1ED40] =	vst v63  }
0x39: {  	s30 =	simm.s32 $0x80  }
0x3a: {  	[tilespmem:s20], [sflag:$0x2] =	stream.indirect.gather [hbm4b:s4+s17], $0x40, s30, s17, $0xb8;
	[tilespmem:$0x1ED40] =	vst v63  }
0x3b: {  	s24 =	simm.s32 $0x100  }
0x3c: {  	[tilespmem:s22], [sflag:$0x3] =	stream.indirect.gather [hbm4b:s4+s17], $0x40, s24, s17, $0xb8;
	[tilespmem:$0x1ED40] =	vst v63  }
0x3d: {  	_ =	swait.ge [sflag:s23], $0x1F40  }
0x3e: {  	[sflag:s23] =	ssyncset.done $0x0  }
0x3f: {  	[sflag:s23] =	ssyncadd.s32 $0xFFFFE0C0  }
0x40: {  	[spmem:s2] =	stream.indirect.scatter.add.f32 [tilespmem:s18], [sflag:$0x5], $0x40, s16, s17, $0xb8;
	[tilespmem:$0x1ED40] =	vst v63  }
0x41: {  	s30 =	simm.s32 $0x180  }
0x42: {  	[tilespmem:s25], [sflag:$0x4] =	stream.indirect.gather [hbm4b:s4+s17], $0x40, s30, s17, $0xb8;
	[tilespmem:$0x1ED40] =	vst v63  }
0x43: {  	_ =	swait.ge [sflag:s26], $0x1F40  }
0x44: {  	[sflag:s26] =	ssyncset.done $0x0  }
0x45: {  	s24 =	simm.s32 $0x5080;
	[sflag:s26] =	ssyncadd.s32 $0xFFFFE0C0  }
0x46: {  	[spmem:s2] =	stream.indirect.scatter.add.f32 [tilespmem:s20], [sflag:$0x6], $0x40, s24, s17, $0xb8;
	[tilespmem:$0x1ED40] =	vst v63  }
0x47: {  	_ =	swait.ge [sflag:s29], $0x1F40  }
0x48: {  	[sflag:s29] =	ssyncset.done $0x0  }
0x49: {  	s30 =	simm.s32 $0x200;
	[sflag:s29] =	ssyncadd.s32 $0xFFFFE0C0  }
0x4a: {  	[tilespmem:s18], [sflag:$0x1] =	stream.indirect.gather [hbm4b:s4+s17], $0x40, s30, s17, $0xb8;
	[tilespmem:$0x1ED40] =	vst v63  }
0x4b: {  	_ =	swait.ge [sflag:s31], $0x1F40  }
0x4c: {  	[sflag:s31] =	ssyncset.done $0x0  }
0x4d: {  	s24 =	simm.s32 $0x5100;
	[sflag:s31] =	ssyncadd.s32 $0xFFFFE0C0  }
0x4e: {  	[spmem:s2] =	stream.indirect.scatter.add.f32 [tilespmem:s22], [sflag:$0x7], $0x40, s24, s17, $0xb8;
	[tilespmem:$0x1ED40] =	vst v63  }
0x4f: {  	_ =	swait.ge [sflag:s19], $0x1F40  }
0x50: {  	[sflag:s19] =	ssyncset.done $0x0  }
0x51: {  	s30 =	simm.s32 $0x280;
	[sflag:s19] =	ssyncadd.s32 $0xFFFFE0C0  }
0x52: {  	[tilespmem:s20], [sflag:$0x2] =	stream.indirect.gather [hbm4b:s4+s17], $0x40, s30, s17, $0xb8;
	[tilespmem:$0x1ED40] =	vst v63  }
0x53: {  	_ =	swait.ge [sflag:s1], $0x1F40  }
0x54: {  	[sflag:s1] =	ssyncset.done $0x0  }
0x55: {  	s24 =	simm.s32 $0x5180;
	[sflag:s1] =	ssyncadd.s32 $0xFFFFE0C0  }
0x56: {  	[spmem:s2] =	stream.indirect.scatter.add.f32 [tilespmem:s25], [sflag:$0x8], $0x40, s24, s17, $0xb8;
	[tilespmem:$0x1ED40] =	vst v63  }
0x57: {  	_ =	swait.ge [sflag:s28], $0x1F40  }
0x58: {  	[sflag:s28] =	ssyncset.done $0x0  }
0x59: {  	s30 =	simm.s32 $0x300;
	[sflag:s28] =	ssyncadd.s32 $0xFFFFE0C0  }
0x5a: {  	[tilespmem:s22], [sflag:$0x3] =	stream.indirect.gather [hbm4b:s4+s17], $0x40, s30, s17, $0xb8;
	[tilespmem:$0x1ED40] =	vst v63  }
0x5b: {  	_ =	swait.ge [sflag:s23], $0x1F40  }
0x5c: {  	[sflag:s23] =	ssyncset.done $0x0  }
0x5d: {  	s24 =	simm.s32 $0x5200;
	[sflag:s23] =	ssyncadd.s32 $0xFFFFE0C0  }
0x5e: {  	[spmem:s2] =	stream.indirect.scatter.add.f32 [tilespmem:s18], [sflag:$0x5], $0x40, s24, s17, $0xb8;
	[tilespmem:$0x1ED40] =	vst v63  }
0x5f: {  	_ =	swait.ge [sflag:s21], $0x1F40  }
0x60: {  	[sflag:s21] =	ssyncset.done $0x0  }
0x61: {  	s30 =	simm.s32 $0x380;
	[sflag:s21] =	ssyncadd.s32 $0xFFFFE0C0  }
0x62: {  	[tilespmem:s25], [sflag:$0x4] =	stream.indirect.gather [hbm4b:s4+s17], $0x40, s30, s17, $0xb8;
	[tilespmem:$0x1ED40] =	vst v63  }
0x63: {  	_ =	swait.ge [sflag:s26], $0x1F40  }
0x64: {  	[sflag:s26] =	ssyncset.done $0x0  }
0x65: {  	s24 =	simm.s32 $0x5280;
	[sflag:s26] =	ssyncadd.s32 $0xFFFFE0C0  }
0x66: {  	[spmem:s2] =	stream.indirect.scatter.add.f32 [tilespmem:s20], [sflag:$0x6], $0x40, s24, s17, $0xb8;
	[tilespmem:$0x1ED40] =	vst v63  }
0x67: {  	_ =	swait.ge [sflag:s29], $0x1F40  }
0x68: {  	[sflag:s29] =	ssyncset.done $0x0  }
0x69: {  	s30 =	simm.s32 $0x400;
	[sflag:s29] =	ssyncadd.s32 $0xFFFFE0C0  }
0x6a: {  	[tilespmem:s18], [sflag:$0x1] =	stream.indirect.gather [hbm4b:s4+s17], $0x40, s30, s17, $0xb8;
	[tilespmem:$0x1ED40] =	vst v63  }
0x6b: {  	_ =	swait.ge [sflag:s31], $0x1F40  }
0x6c: {  	[sflag:s31] =	ssyncset.done $0x0  }
0x6d: {  	s24 =	simm.s32 $0x5300;
	[sflag:s31] =	ssyncadd.s32 $0xFFFFE0C0  }
0x6e: {  	[spmem:s2] =	stream.indirect.scatter.add.f32 [tilespmem:s22], [sflag:$0x7], $0x40, s24, s17, $0xb8;
	[tilespmem:$0x1ED40] =	vst v63  }
0x6f: {  	_ =	swait.ge [sflag:s19], $0x1F40  }
0x70: {  	[sflag:s19] =	ssyncset.done $0x0  }
0x71: {  	s30 =	simm.s32 $0x480;
	[sflag:s19] =	ssyncadd.s32 $0xFFFFE0C0  }
0x72: {  	[tilespmem:s20], [sflag:$0x2] =	stream.indirect.gather [hbm4b:s4+s17], $0x40, s30, s17, $0xb8;
	[tilespmem:$0x1ED40] =	vst v63  }
0x73: {  	_ =	swait.ge [sflag:s1], $0x1F40  }
0x74: {  	[sflag:s1] =	ssyncset.done $0x0  }
0x75: {  	s24 =	simm.s32 $0x5380;
	[sflag:s1] =	ssyncadd.s32 $0xFFFFE0C0  }
0x76: {  	[spmem:s2] =	stream.indirect.scatter.add.f32 [tilespmem:s25], [sflag:$0x8], $0x40, s24, s17, $0xb8;
	[tilespmem:$0x1ED40] =	vst v63  }
0x77: {  	_ =	swait.ge [sflag:s28], $0x1F40  }
0x78: {  	[sflag:s28] =	ssyncset.done $0x0  }
0x79: {  	s30 =	simm.s32 $0x500;
	[sflag:s28] =	ssyncadd.s32 $0xFFFFE0C0  }
0x7a: {  	[tilespmem:s22], [sflag:$0x3] =	stream.indirect.gather [hbm4b:s4+s17], $0x40, s30, s17, $0xb8;
	[tilespmem:$0x1ED40] =	vst v63  }
0x7b: {  	_ =	swait.ge [sflag:s23], $0x1F40  }
0x7c: {  	[sflag:s23] =	ssyncset.done $0x0  }
0x7d: {  	s24 =	simm.s32 $0x5400;
	[sflag:s23] =	ssyncadd.s32 $0xFFFFE0C0  }
0x7e: {  	[spmem:s2] =	stream.indirect.scatter.add.f32 [tilespmem:s18], [sflag:$0x5], $0x40, s24, s17, $0xb8;
	[tilespmem:$0x1ED40] =	vst v63  }
0x7f: {  	_ =	swait.ge [sflag:s21], $0x1F40  }
0x80: {  	[sflag:s21] =	ssyncset.done $0x0  }
0x81: {  	s30 =	simm.s32 $0x580;
	[sflag:s21] =	ssyncadd.s32 $0xFFFFE0C0  }
0x82: {  	[tilespmem:s25], [sflag:$0x4] =	stream.indirect.gather [hbm4b:s4+s17], $0x40, s30, s17, $0xb8;
	[tilespmem:$0x1ED40] =	vst v63  }
0x83: {  	_ =	swait.ge [sflag:s26], $0x1F40  }
0x84: {  	[sflag:s26] =	ssyncset.done $0x0  }
0x85: {  	s0 =	simm.s32 $0x800;
	s24 =	simm.s32 $0x5480;
	[sflag:s26] =	ssyncadd.s32 $0xFFFFE0C0  }
.LBB2_4:
0x86: {  	[spmem:s2] =	stream.indirect.scatter.add.f32 [tilespmem:s20], [sflag:$0x6], $0x40, s24, s17, $0xb8;
	[tilespmem:$0x1ED40] =	vst v63  }
0x87: {  	s24 =	smov.u32 s0;
	s0 =	sadd.s32 $0x800, s0;
	_ =	swait.ge [sflag:s29], $0x1F40  }
0x88: {  	s24 =	sshra.s32 s24, $0x2;
	p1 =	sne.s32 s0, $0x13000;
	[sflag:s29] =	ssyncset.done $0x0  }
0x89: {  	s30 =	sadd.s32 $0x400, s24;
	[sflag:s29] =	ssyncadd.s32 $0xFFFFE0C0  }
0x8a: {  	[tilespmem:s18], [sflag:$0x1] =	stream.indirect.gather [hbm4b:s4+s17], $0x40, s30, s17, $0xb8;
	[tilespmem:$0x1ED40] =	vst v63  }
0x8b: {  	_ =	swait.ge [sflag:s31], $0x1F40  }
0x8c: {  	[sflag:s31] =	ssyncset.done $0x0  }
0x8d: {  	s30 =	sadd.s32 $0x5300, s24;
	[sflag:s31] =	ssyncadd.s32 $0xFFFFE0C0  }
0x8e: {  	[spmem:s2] =	stream.indirect.scatter.add.f32 [tilespmem:s22], [sflag:$0x7], $0x40, s30, s17, $0xb8;
	[tilespmem:$0x1ED40] =	vst v63  }
0x8f: {  	_ =	swait.ge [sflag:s19], $0x1F40  }
0x90: {  	[sflag:s19] =	ssyncset.done $0x0  }
0x91: {  	s30 =	sadd.s32 $0x480, s24;
	[sflag:s19] =	ssyncadd.s32 $0xFFFFE0C0  }
0x92: {  	[tilespmem:s20], [sflag:$0x2] =	stream.indirect.gather [hbm4b:s4+s17], $0x40, s30, s17, $0xb8;
	[tilespmem:$0x1ED40] =	vst v63  }
0x93: {  	_ =	swait.ge [sflag:s1], $0x1F40  }
0x94: {  	[sflag:s1] =	ssyncset.done $0x0  }
0x95: {  	s30 =	sadd.s32 $0x5380, s24;
	[sflag:s1] =	ssyncadd.s32 $0xFFFFE0C0  }
0x96: {  	[spmem:s2] =	stream.indirect.scatter.add.f32 [tilespmem:s25], [sflag:$0x8], $0x40, s30, s17, $0xb8;
	[tilespmem:$0x1ED40] =	vst v63  }
0x97: {  	_ =	swait.ge [sflag:s28], $0x1F40  }
0x98: {  	[sflag:s28] =	ssyncset.done $0x0  }
0x99: {  	s30 =	sadd.s32 $0x500, s24;
	[sflag:s28] =	ssyncadd.s32 $0xFFFFE0C0  }
0x9a: {  	[tilespmem:s22], [sflag:$0x3] =	stream.indirect.gather [hbm4b:s4+s17], $0x40, s30, s17, $0xb8;
	[tilespmem:$0x1ED40] =	vst v63  }
0x9b: {  	_ =	swait.ge [sflag:s23], $0x1F40  }
0x9c: {  	[sflag:s23] =	ssyncset.done $0x0  }
0x9d: {  	s30 =	sadd.s32 $0x5400, s24;
	[sflag:s23] =	ssyncadd.s32 $0xFFFFE0C0  }
0x9e: {  	[spmem:s2] =	stream.indirect.scatter.add.f32 [tilespmem:s18], [sflag:$0x5], $0x40, s30, s17, $0xb8;
	[tilespmem:$0x1ED40] =	vst v63  }
0x9f: {  	_ =	swait.ge [sflag:s21], $0x1F40  }
0xa0: {  	[sflag:s21] =	ssyncset.done $0x0  }
.Ltmp1:
0xa1: {  	s30 =	sadd.s32 $0x580, s24;
	[sflag:s21] =	ssyncadd.s32 $0xFFFFE0C0;
	(pc) =	sbr.rel @p1 .LBB2_4-.Ltmp1, $4  }
0xa2: {  	[tilespmem:s25], [sflag:$0x4] =	stream.indirect.gather [hbm4b:s4+s17], $0x40, s30, s17, $0xb8;
	[tilespmem:$0x1ED40] =	vst v63  }
0xa3: {  	_ =	swait.ge [sflag:s26], $0x1F40  }
0xa4: {  	[sflag:s26] =	ssyncset.done $0x0  }
0xa5: {  	s24 =	sadd.s32 $0x5480, s24;
	[sflag:s26] =	ssyncadd.s32 $0xFFFFE0C0  }
0xa6: {  	[spmem:s2] =	stream.indirect.scatter.add.f32 [tilespmem:s20], [sflag:$0x6], $0x40, s24, s17, $0xb8;
	[tilespmem:$0x1ED40] =	vst v63  }
0xa7: {  	_ =	swait.ge [sflag:s31], $0x1F40  }
0xa8: {  	s0 =	sshra.s32 s0, $0x2;
	[sflag:s31] =	ssyncset.done $0x0  }
0xa9: {  	s30 =	sadd.s32 $0x5300, s0;
	[sflag:s31] =	ssyncadd.s32 $0xFFFFE0C0  }
0xaa: {  	[spmem:s2] =	stream.indirect.scatter.add.f32 [tilespmem:s22], [sflag:$0x7], $0x40, s30, s17, $0xb8;
	[tilespmem:$0x1ED40] =	vst v63  }
0xab: {  	_ =	swait.ge [sflag:s1], $0x1F40  }
0xac: {  	[sflag:s1] =	ssyncset.done $0x0  }
0xad: {  	s0 =	sadd.s32 $0x5380, s0;
	[sflag:s1] =	ssyncadd.s32 $0xFFFFE0C0  }
0xae: {  	[spmem:s2] =	stream.indirect.scatter.add.f32 [tilespmem:s25], [sflag:$0x8], $0x40, s0, s17, $0xb8;
	[tilespmem:$0x1ED40] =	vst v63  }
0xaf: {  	_ =	swait.ge [sflag:s29], $0x1F40  }
0xb0: {  	[sflag:s29] =	ssyncset.done $0x0  }
0xb1: {  	[sflag:s29] =	ssyncadd.s32 $0xFFFFE0C0  }
0xb2: {  	_ =	swait.ge [sflag:s19], $0x1F40  }
0xb3: {  	[sflag:s19] =	ssyncset.done $0x0  }
0xb4: {  	[sflag:s19] =	ssyncadd.s32 $0xFFFFE0C0  }
0xb5: {  	_ =	swait.ge [sflag:s28], $0x1F40  }
0xb6: {  	[sflag:s28] =	ssyncset.done $0x0  }
0xb7: {  	[sflag:s28] =	ssyncadd.s32 $0xFFFFE0C0  }
0xb8: {  	_ =	swait.ge [sflag:s21], $0x1F40  }
0xb9: {  	s24 =	stileid.u32;
	[sflag:s21] =	ssyncset.done $0x0  }
0xba: {  	s0 =	sshll.u32 s24, $0x6;
	[sflag:s21] =	ssyncadd.s32 $0xFFFFE0C0  }
0xbb: {  	s30 =	sshrl.u32 s5, $0x3;
	s0 =	sor.u32 $0x1C09, s0;
	[bflag:$0x0] =	sbarrier.arrive $0xFFFF  }
0xbc: {  	[hbm:s11], [sflag:s0] =	dma.local [spmem:s30], $0x1380  }
0xbd: {  	_ =	swait.ge [sflag:s15], $0x1380  }
0xbe: {  	s3 =	sadd.s32 $0x1, s3;
	[sflag:s15] =	ssyncset.done $0x0  }
0xbf: {  	p1 =	sne.s32 s3, s13;
	s24 =	sshrl.u32 @!p0 s8, $0x3;
	[sflag:s15] =	ssyncadd.s32 $0xFFFFEC80  }
0xc0: {  	[hbm:s12], [sflag:s0] =	dma.local @!p0 [spmem:s24], $0x80  }
.Ltmp2:
0xc1: {  	_ = 	snop;
	(pc) =	sbr.rel @p1 .LBB2_1-.Ltmp2, $4  }
0xc2: {  	s0 =	simm.s32 @!p0 $0x9  }
0xc3: {  	_ =	swait.ge @!p0 [sflag:s0], $0x80  }
0xc4: {  	[sflag:s0] =	ssyncset.done @!p0 $0x0  }
0xc5: {  	[sflag:s0] =	ssyncadd.s32 @!p0 $0xFFFFFF80  }
0xc6: {  	_ =	sfence.sel $0x180000  }
0xc7: {  	[bflag:$0x0] =	sbarrier.arrive $0xFFFF  }
0xc8: {  	_ =	strace $0x90000050  }
0xc9: {  	s0 =	stileid.u32;
	[bflag:$0x2] =	sbarrier.arrive $0xFFFF  }
0xca: {  	p0 =	sne.s32 s0, $0x0;
	s0 =	rddreg [dreg:$0x2]  }
0xcb: {  	s0 =	sadd.s32 @!p0 $0x100000, s0  }
0xcc: {  	[sflag:s0] =	ssyncadd.tile.s32 @!p0 $0x1;
	_ =	shalt  }
.Lfunc_end2:
_tile_overlayer_lowered:
.L_overlay_start_2:
0xcd: {  	(tag) =	ssettag $0x2  }
0xce: {  	s0 =	rddreg [dreg:$0x0];
	s2 =	stileid.u32  }
0xcf: {  	s1 =	rddreg [dreg:$0x1];
	p0 =	sne.s32 s2, $0x0  }
0xd0: {  	s3 =	rddreg [dreg:$0x2];
	[bflag:$0x3] =	sbarrier.arrive $0xFFFF;
	s2 =	simm.s32 @!p0 $0x1C09  }
0xd1: {  	[timem:s3], [sflag:s2] =	dma.local @!p0 [hbm:s0], s1  }
0xd2: {  	s0 =	simm.s32 @!p0 $0x9  }
0xd3: {  	_ =	swait.ge @!p0 [sflag:s0], s1  }
0xd4: {  	s1 =	ssub.s32 @!p0 $0x0, s1;
	[sflag:s0] =	ssyncset.done @!p0 $0x0  }
0xd5: {  	[sflag:s0] =	ssyncadd.s32 @!p0 s1  }
0xd6: {  	[bflag:$0x3] =	sbarrier.arrive $0xFFFF  }
0xd7: {  	_ =	shalt  }

// kernel: kernel.24.cloned.1.call-start
scs
__scs_entry_jumppad:
0x0: {  	(pc) =	sbr.rel $0x88, $3  }
0x1: {  	(tag) =	ssettag $0x0;
	lr =	simm.s32 $0x1  }
0x2: {  	[smem:$0x3F94] =	sst lr;
	_ =	strace $0xD0000000  }
0x3: {  	_ = 	snop  }
0x4: {  	_ = 	snop  }
0x5: {  	_ = 	snop  }
0x6: {  	_ = 	snop  }
0x7: {  	_ = 	snop  }
__scs_overlays_trampoline_lowered:
0x8: {  	[smem:$0x3FA3] =	sst s0  }
0x9: {  	[smem:$0x3FA4] =	sst s1  }
0xa: {  	[smem:$0x3FA5] =	sst s2  }
0xb: {  	[smem:$0x3FA6] =	sst s3  }
0xc: {  	[smem:$0x3FA7] =	sst s4  }
0xd: {  	[smem:$0x3FA8] =	sst s5  }
0xe: {  	[smem:$0x3FA9] =	sst s6  }
0xf: {  	[smem:$0x3FAA] =	sst s7  }
0x10: {  	[smem:$0x3FAB] =	sst s8  }
0x11: {  	[smem:$0x3FAC] =	sst s9;
	s0 =	simm.s32 @!p0 $0x0  }
0x12: {  	s1 =	sld [smem:$0x3F92];
	s0 =	simm.s32 @p0 $0x1  }
0x13: {  	[smem:$0x3FAD] =	sst s0;
	s0 =	simm.s32 @!p1 $0x0  }
0x14: {  	s2 =	sld [smem:$0x3F91];
	s0 =	simm.s32 @p1 $0x1  }
0x15: {  	[smem:$0x3FAE] =	sst s0;
	s0 =	simm.s32 @!p2 $0x0  }
0x16: {  	s3 =	sld [smem:$0x3FDB];
	s0 =	simm.s32 @p2 $0x1  }
0x17: {  	s4 =	simm.s32 $0x1BF5;
	[smem:$0x3FB0] =	sst s0  }
0x18: {  	s0 =	sld [smem:$0x3F93];
	_ =	swait.ge [sflag:s4], $0x0  }
0x19: {  	s7 =	sld [smem:$0x3F94]  }
0x1a: {  	s8 =	sadd.s32 $0xFFFFE003, lr  }
0x1b: {  	s9 =	sadd.s32 $0xFFFFFEF7, lr;
	s5 =	simm.s32 $0xFFFFFFFF;
	p2 =	slt.u32 s8, $0xFFFFF086  }
0x1c: {  	p1 =	slt.u32 s9, $0xF7A;
	s5 =	simm.s32 @!p2 $0x0  }
0x1d: {  	s5 =	simm.s32 @p1 $0x1;
	p0 =	seq.s32 s7, s2  }
0x1e: {  	s7 =	smul.u32 @!p0 $0xF7A, s2;
	p2 =	seq.s32 @!p0 s5, $0x0  }
0x1f: {  	s9 =	smul.u32 $0xF7A, s1;
	s8 =	simm.s32 @!p0 $0x1BF5;
	p2 =	por !p2, p0  }
0x20: {  	[sflag:s8] =	ssyncset.s32 @!p0 $0xFFFFF086;
	s6 =	sadd.s32 @!p0 s3, s7;
	s7 =	simm.s32 @!p0 $0x108  }
0x21: {  	s3 =	sadd.s32 s3, s9;
	s6 =	sadd.s32 @!p0 $0x88, s6;
	s7 =	simm.s32 @p2 $0x1082  }
0x22: {  	[simem:s7], [sflag:s8] =	dma.local @!p0 [hbm:s6], $0xF7A  }
0x23: {  	s9 =	sor.u32 $0xD0000000, s2;
	s6 =	simm.s32 $0x108;
	_ =	swait.ge @!p0 [sflag:s8], $0x0  }
0x24: {  	s3 =	sadd.s32 $0x88, s3;
	s6 =	simm.s32 @!p1 $0x1082;
	[sflag:s4] =	ssyncset.s32 $0xFFFFF086  }
0x25: {  	[simem:s6], [sflag:s4] =	dma.local [hbm:s3], $0xF7A  }
0x26: {  	[smem:$0x3F94] =	sst s1;
	(tag) =	ssettag s2;
	_ =	strace s9  }
0x27: {  	s1 =	sld [smem:$0x3FA4]  }
0x28: {  	s2 =	sld [smem:$0x3FA5]  }
0x29: {  	s4 =	sld [smem:$0x3FA7]  }
0x2a: {  	p0 =	seq.s32 s5, $0x0;
	s5 =	sld [smem:$0x3FA8]  }
0x2b: {  	s6 =	sld [smem:$0x3FA9]  }
0x2c: {  	s7 =	sld [smem:$0x3FAA]  }
0x2d: {  	s3 =	simm.s32 $0x108;
	s8 =	sld [smem:$0x3FAB]  }
0x2e: {  	s3 =	simm.s32 @!p0 $0x1082;
	s9 =	sld [smem:$0x3FAC]  }
0x2f: {  	lr =	sadd.s32 s0, s3;
	s0 =	sld [smem:$0x3FA3]  }
0x30: {  	s3 =	sld [smem:$0x3FA6]  }
0x31: {  	[smem:$0x3FAF] =	sst s10  }
0x32: {  	s10 =	sld [smem:$0x3FAD];
	_ =	sdelay $0x3  }
0x33: {  	p0 =	seq.s32 s10, $0x1;
	s10 =	sld [smem:$0x3FAF];
	_ =	sdelay $0x3  }
0x34: {  	[smem:$0x3FAF] =	sst s10  }
0x35: {  	s10 =	sld [smem:$0x3FAE];
	_ =	sdelay $0x3  }
0x36: {  	p1 =	seq.s32 s10, $0x1;
	s10 =	sld [smem:$0x3FAF];
	_ =	sdelay $0x3  }
0x37: {  	[smem:$0x3FAF] =	sst s10  }
0x38: {  	s10 =	sld [smem:$0x3FB0]  }
0x39: {  	_ = 	snop;
	(pc) =	sbr.ind lr, $3  }
0x3a: {  	_ = 	snop  }
0x3b: {  	_ = 	snop  }
0x3c: {  	p2 =	seq.s32 s10, $0x1;
	s10 =	sld [smem:$0x3FAF]  }
0x3d: {  	_ =	shalt  }
0x3e: {  	_ =	shalt  }
0x3f: {  	_ =	shalt  }
0x40: {  	_ =	shalt  }
0x41: {  	_ =	shalt  }
0x42: {  	_ =	shalt  }
0x43: {  	_ =	shalt  }
0x44: {  	_ =	shalt  }
0x45: {  	_ =	shalt  }
0x46: {  	_ =	shalt  }
0x47: {  	_ =	shalt  }
0x48: {  	_ =	shalt  }
0x49: {  	_ =	shalt  }
0x4a: {  	_ =	shalt  }
0x4b: {  	_ =	shalt  }
0x4c: {  	_ =	shalt  }
0x4d: {  	_ =	shalt  }
0x4e: {  	_ =	shalt  }
0x4f: {  	_ =	shalt  }
0x50: {  	_ =	shalt  }
0x51: {  	_ =	shalt  }
0x52: {  	_ =	shalt  }
0x53: {  	_ =	shalt  }
0x54: {  	_ =	shalt  }
0x55: {  	_ =	shalt  }
0x56: {  	_ =	shalt  }
0x57: {  	_ =	shalt  }
0x58: {  	_ =	shalt  }
0x59: {  	_ =	shalt  }
0x5a: {  	_ =	shalt  }
0x5b: {  	_ =	shalt  }
0x5c: {  	_ =	shalt  }
0x5d: {  	_ =	shalt  }
0x5e: {  	_ =	shalt  }
0x5f: {  	_ =	shalt  }
0x60: {  	_ =	shalt  }
0x61: {  	_ =	shalt  }
0x62: {  	_ =	shalt  }
0x63: {  	_ =	shalt  }
0x64: {  	_ =	shalt  }
0x65: {  	_ =	shalt  }
0x66: {  	_ =	shalt  }
0x67: {  	_ =	shalt  }
0x68: {  	_ =	shalt  }
0x69: {  	_ =	shalt  }
0x6a: {  	_ =	shalt  }
0x6b: {  	_ =	shalt  }
0x6c: {  	_ =	shalt  }
0x6d: {  	_ =	shalt  }
0x6e: {  	_ =	shalt  }
0x6f: {  	_ =	shalt  }
0x70: {  	_ =	shalt  }
0x71: {  	_ =	shalt  }
0x72: {  	_ =	shalt  }
0x73: {  	_ =	shalt  }
0x74: {  	_ =	shalt  }
0x75: {  	_ =	shalt  }
0x76: {  	_ =	shalt  }
0x77: {  	_ =	shalt  }
0x78: {  	_ =	shalt  }
0x79: {  	_ =	shalt  }
0x7a: {  	_ =	shalt  }
0x7b: {  	_ =	shalt  }
0x7c: {  	_ =	shalt  }
0x7d: {  	_ =	shalt  }
0x7e: {  	_ =	shalt  }
0x7f: {  	_ =	shalt  }
0x80: {  	_ =	shalt  }
0x81: {  	_ =	shalt  }
0x82: {  	_ =	shalt  }
0x83: {  	_ =	shalt  }
0x84: {  	_ =	shalt  }
0x85: {  	_ =	shalt  }
0x86: {  	_ =	shalt  }
0x87: {  	_ =	shalt  }
.Lfunc_end0:
.L_simem_size_0:
called_computation.4_lowered:
.L_overlay_start_0:
0x88: {  	s2 =	sld [smem:$0x3FD9]  }
0x89: {  	s3 =	sld [smem:$0x3FFE];
	_ =	sdelay $0x1  }
0x8a: {  	s1 =	srdreg.scid  }
0x8b: {  	s0 =	sand.u32 $0x1, s1  }
0x8c: {  	s16 =	sshll.u32 s0, $0xA;
	s2 =	sadd.s32 s3, s2  }
0x8d: {  	s2 =	sadd.s32 s2, s16  }
0x8e: {  	[smem:$0x3FBB] =	sst s2  }
0x8f: {  	_ = 	snop  }
0x90: {  	(tm) =	ssettm $0x1  }
0x91: {  	s17 =	sld [smem:$0x3FFB];
	_ =	sdelay $0x3  }
0x92: {  	_ =	strace s17  }
0x93: {  	s2 =	sld [smem:$0x3FFC];
	_ =	sdelay $0x3  }
0x94: {  	_ =	strace s2  }
0x95: {  	s2 =	sld [smem:$0x3FFD];
	_ =	sdelay $0x3  }
0x96: {  	_ =	strace s2  }
0x97: {  	_ =	strace $0x8FFFFFFF  }
0x98: {  	s18 =	sld [smem:$0x3FDB];
	_ =	sdelay $0x1  }
0x99: {  	s19 =	simm.s32 $_scs_section_size  }
0x9a: {  	s4 =	simm.s32 $_size__tile_overlayer_lowered;
	s5 =	simm.s32 $_tile_overlayer_lowered  }
0x9b: {  	s22 =	simm.s32 $0x1BFF;
	s21 =	sshll.u32 s5, $0x1;
	s2 =	sadd.s32 s19, s18  }
0x9c: {  	s6 =	simm.s32 $0x0;
	s20 =	sshll.u32 s4, $0x1;
	s4 =	sadd.s32 s21, s2  }
0x9d: {  	[timem:s6], [sflag:s22] =	dma.local [hbm:s4], s20  }
0x9e: {  	_ =	swait.ge [sflag:s22], s20  }
0x9f: {  	s3 =	ssub.s32 $0x0, s20;
	[sflag:s22] =	ssyncset.done $0x0  }
0xa0: {  	[sflag:s22] =	ssyncadd.s32 s3;
	_ =	sdelay $0x1  }
0xa1: {  	s23 =	simm.s32 $0x1B8B  }
0xa2: {  	_ =	swait.ge [sflag:s23], $0x1  }
0xa3: {  	[sflag:s23] =	ssyncset.done $0x0  }
0xa4: {  	s25 =	simm.s32 $0x1B8E;
	s24 =	sld [smem:$0x3FFE];
	[sflag:s23] =	ssyncadd.s32 $0xFFFFFFFF  }
0xa5: {  	s26 =	simm.s32 $execute0_lowered;
	[smem:$0x3FD2] =	sst s25  }
0xa6: {  	s4 =	sshll.u32 s26, $0x1;
	_ =	strace $0x80000052;
	[dreg:$0x1] =	wrdreg $0xFFFFFFFF  }
0xa7: {  	s28 =	simm.s32 $_size_execute0_lowered;
	s2 =	sadd.s32 s2, s4;
	[dreg:$0x0] =	wrdreg $0x0  }
0xa8: {  	s4 =	sshll.u32 s28, $0x1;
	[dreg:$0x2] =	wrdreg s2  }
0xa9: {  	[dreg:$0x3] =	wrdreg s4  }
0xaa: {  	[dreg:$0x4] =	wrdreg $0xC0  }
0xab: {  	_ =	task [dreg:s6], $0x5FFFF  }
0xac: {  	[dreg:$0x1] =	wrdreg $0xFFFFFFFF  }
0xad: {  	[dreg:$0x0] =	wrdreg $0x60  }
0xae: {  	[dreg:$0x2] =	wrdreg s24  }
0xaf: {  	[dreg:$0x3] =	wrdreg $0x151000  }
0xb0: {  	[dreg:$0x4] =	wrdreg $0x9  }
0xb1: {  	_ =	task.clear_ibuf [dreg:s6], $0x5FFFF;
	_ =	strace $0x90000052  }
0xb2: {  	s29 =	simm.s32 $0x9;
	_ =	strace $0x80000054  }
0xb3: {  	_ =	swait.ge [sflag:s29], $0x1  }
0xb4: {  	[sflag:s29] =	ssyncadd.s32 $0xFFFFFFFF  }
0xb5: {  	_ =	strace $0x90000054  }
0xb6: {  	_ =	sfence  }
0xb7: {  	s30 =	sld [smem:$0x0];
	_ =	sdelay $0x2  }
0xb8: {  	s31 =	sshll.u32 s1, $0xD;
	s1 =	sshrl.u32 s1, $0x2  }
0xb9: {  	s3 =	sand.u32 $0x4000, s31;
	s1 =	sadd.s32 s1, s30  }
0xba: {  	s0 =	sor.u32 s3, s0;
	s1 =	sshll.u32 s1, $0x11  }
0xbb: {  	s0 =	sor.u32 s1, s0  }
0xbc: {  	s0 =	sadd.s32 $0x8F2B, s0  }
0xbd: {  	[sflag:s0] =	ssyncadd.remote.s32 $0x1  }
0xbe: {  	_ =	sfence.sel $0xFFFF  }
0xbf: {  	[dreg:$0x0] =	wrdreg $0xFFFFFFFF;
	(pc) =	sbr.abs _section_cstart, $3  }
0xc0: {  	[dreg:$0x1] =	wrdreg $0xFFFFFFFF  }
0xc1: {  	_ =	task.clear_ibuf [dreg:s6], $0x2FFFF;
	_ =	strace $0x9FFFFFFF  }
0xc2: {  	(tm) =	ssettm $0x7FFFFFFF  }
0xc3: {  	_ =	shalt  }
tec
execute0_lowered:
.L_overlay_start_1:
0x0: {  	(tag) =	ssettag $0x1  }
0x1: {  	s0 =	rddreg [dreg:$0x0]  }
0x2: {  	s2 =	rddreg [dreg:$0x1];
	s3 =	simm.s32 $0x0;
	s14 =	stileid.u32  }
0x3: {  	s1 =	srdreg.scid;
	s15 =	simm.s32 $0x9;
	s16 =	simm.s32 $0x5000  }
0x4: {  	s17 =	simm.s32 $0x7D;
	s18 =	simm.s32 $0xA000;
	s20 =	simm.s32 $0xBF40  }
0x5: {  	s22 =	simm.s32 $0xDE80;
	s23 =	simm.s32 $0x1;
	s29 =	simm.s32 $0x5  }
0x6: {  	s31 =	simm.s32 $0x3;
	s19 =	simm.s32 $0x6;
	s28 =	simm.s32 $0x7  }
0x7: {  	s21 =	simm.s32 $0x8;
	[smem:$0x7FF] =	sst s3;
	s10 =	smul.u32 $0x9C00, s14  }
0x8: {  	s1 =	sand.u32 $0x1, s1;
	s5 =	smul.u32 $0x27000, s14;
	s4 =	sadd.s32 $0x70C00, s0  }
0x9: {  	s11 =	sadd.s32 $0x4A00, s0;
	s12 =	smul.u32 $0x5000, s14;
	s0 =	sadd.s32 $0x97E00, s0  }
0xa: {  	p0 =	sne.s32 s14, $0xF;
	s14 =	simm.s32 $0x11D00;
	s7 =	smul.u32 $0x50000, s1  }
0xb: {  	_ =	strace $0x80000053;
	s6 =	ssub.s32 $0x2, s1;
	s1 =	smul.u32 $0x9C400, s1  }
0xc: {  	s8 =	sshrl.u32 s6, $0x1;
	s25 =	sshrl.u32 s5, $0x2;
	s5 =	sadd.s32 s10, s2  }
0xd: {  	s13 =	ssub.s32 s6, s8;
	s26 =	sadd.s32 s25, s2;
	s7 =	sadd.s32 s12, s7  }
0xe: {  	s8 =	sadd.s32 $0x9C000, s2;
	s12 =	sshrl.u32 s12, $0x3;
	s10 =	sadd.s32 s10, s1  }
0xf: {  	s1 =	sshrl.u32 s1, $0x3;
	s25 =	simm.s32 $0xFDC0;
	s6 =	sadd.s32 $0x3400, s26  }
0x10: {  	s9 =	sshrl.u32 s7, $0x3;
	s7 =	sadd.s32 $0x6800, s26;
	s30 =	sshrl.u32 s10, $0x3  }
0x11: {  	s1 =	sadd.s32 s0, s1;
	s13 =	smax.u32 s13, $0x1;
	s26 =	simm.s32 $0x2  }
0x12: {  	s9 =	sadd.s32 s11, s9;
	s11 =	sadd.s32 s11, s12;
	s12 =	sadd.s32 $0x13800, s1  }
0x13: {  	v0 =	vimm.f32 $0.0e+00;
	s1 =	simm.s32 $0x4;
	s10 =	sadd.s32 $0x14000, s11;
	s11 =	sadd.s32 s0, s30  }
.LBB2_1:
0x14: {  	s24 =	simm.s32 $0x100;
	s0 =	simm.s32 $0x0  }
.LBB2_2:
0x15: {  	p1 =	sne.s32 s24, $0xCF00;
	[tilespmem:s0+$0x11D30] =	vst v0;
	s30 =	smov.u32 s24;
	s24 =	sadd.s32 $0x100, s24  }
.Ltmp0:
0x16: {  	[tilespmem:s0+$0x11D20] =	vst v0;
	(pc) =	sbr.rel @p1 .LBB2_2-.Ltmp0, $3  }
0x17: {  	[tilespmem:s0+$0x11D00] =	vst v0  }
0x18: {  	[tilespmem:s0+$0x11D10] =	vst v0;
	_ =	sdelay $0x1  }
0x19: {  	s0 =	sshra.s32 s30, $0x2  }
0x1a: {  	[tilespmem:s0+$0x11D30] =	vst v0  }
0x1b: {  	[tilespmem:s0+$0x11D20] =	vst v0  }
0x1c: {  	[tilespmem:s0+$0x11D00] =	vst v0  }
0x1d: {  	[tilespmem:s0+$0x11D10] =	vst v0  }
0x1e: {  	[spmem:s5] =	stream.linear.scatter [tilespmem:s14], [sflag:$0x9], $0x3400, $0x38;
	[tilespmem:$0x1ED40] =	vst v63  }
0x1f: {  	_ =	swait.ge [sflag:s15], $0x3400  }
0x20: {  	[sflag:s15] =	ssyncset.done $0x0  }
0x21: {  	[sflag:s15] =	ssyncadd.s32 $0xFFFFCC00  }
0x22: {  	[spmem:s6] =	stream.linear.scatter [tilespmem:s14], [sflag:$0x9], $0x3400, $0x38;
	[tilespmem:$0x1ED40] =	vst v63  }
0x23: {  	_ =	swait.ge [sflag:s15], $0x3400  }
0x24: {  	[sflag:s15] =	ssyncset.done $0x0  }
0x25: {  	[sflag:s15] =	ssyncadd.s32 $0xFFFFCC00  }
0x26: {  	[spmem:s7] =	stream.linear.scatter [tilespmem:s14], [sflag:$0x9], $0x3400, $0x38;
	[tilespmem:$0x1ED40] =	vst v63  }
0x27: {  	_ =	swait.ge [sflag:s15], $0x3400  }
0x28: {  	[sflag:s15] =	ssyncset.done $0x0  }
0x29: {  	s0 =	simm.s32 @!p0 $0x11D00;
	[sflag:s15] =	ssyncadd.s32 $0xFFFFCC00  }
0x2a: {  	[spmem:s8] =	stream.linear.scatter @!p0 [tilespmem:s0], [sflag:$0x9], $0x400, $0x38;
	[tilespmem:$0x1ED40] =	vst v63  }
0x2b: {  	s0 =	simm.s32 @!p0 $0x9  }
0x2c: {  	_ =	swait.ge @!p0 [sflag:s0], $0x400  }
0x2d: {  	[sflag:s0] =	ssyncset.done @!p0 $0x0  }
0x2e: {  	[sflag:s0] =	ssyncadd.s32 @!p0 $0xFFFFFC00  }
0x2f: {  	s24 =	simm.s32 $0x0;
	[bflag:$0x0] =	sbarrier.arrive $0xFFFF  }
0x30: {  	[tilespmem:s24], [sflag:$0x9] =	stream.linear.gather [hbm4b:s9+s24], $0x5000, $0x38;
	[tilespmem:$0x1ED40] =	vst v63  }
0x31: {  	_ =	swait.ge [sflag:s15], $0x5000  }
0x32: {  	[sflag:s15] =	ssyncset.done $0x0  }
0x33: {  	[sflag:s15] =	ssyncadd.s32 $0xFFFFB000  }
0x34: {  	[tilespmem:s16], [sflag:$0x9] =	stream.linear.gather [hbm4b:s10+s24], $0x5000, $0x38;
	[tilespmem:$0x1ED40] =	vst v63  }
0x35: {  	_ =	swait.ge [sflag:s15], $0x5000  }
0x36: {  	[sflag:s15] =	ssyncset.done $0x0  }
0x37: {  	[sflag:s15] =	ssyncadd.s32 $0xFFFFB000  }
0x38: {  	[tilespmem:s18], [sflag:$0x1] =	stream.indirect.gather [hbm4b:s4+s17], $0x40, s24, s17, $0xb8;
	[tilespmem:$0x1ED40] =	vst v63  }
0x39: {  	s30 =	simm.s32 $0x80  }
0x3a: {  	[tilespmem:s20], [sflag:$0x2] =	stream.indirect.gather [hbm4b:s4+s17], $0x40, s30, s17, $0xb8;
	[tilespmem:$0x1ED40] =	vst v63  }
0x3b: {  	s24 =	simm.s32 $0x100  }
0x3c: {  	[tilespmem:s22], [sflag:$0x3] =	stream.indirect.gather [hbm4b:s4+s17], $0x40, s24, s17, $0xb8;
	[tilespmem:$0x1ED40] =	vst v63  }
0x3d: {  	_ =	swait.ge [sflag:s23], $0x1F40  }
0x3e: {  	[sflag:s23] =	ssyncset.done $0x0  }
0x3f: {  	[sflag:s23] =	ssyncadd.s32 $0xFFFFE0C0  }
0x40: {  	[spmem:s2] =	stream.indirect.scatter.add.f32 [tilespmem:s18], [sflag:$0x5], $0x40, s16, s17, $0xb8;
	[tilespmem:$0x1ED40] =	vst v63  }
0x41: {  	s30 =	simm.s32 $0x180  }
0x42: {  	[tilespmem:s25], [sflag:$0x4] =	stream.indirect.gather [hbm4b:s4+s17], $0x40, s30, s17, $0xb8;
	[tilespmem:$0x1ED40] =	vst v63  }
0x43: {  	_ =	swait.ge [sflag:s26], $0x1F40  }
0x44: {  	[sflag:s26] =	ssyncset.done $0x0  }
0x45: {  	s24 =	simm.s32 $0x5080;
	[sflag:s26] =	ssyncadd.s32 $0xFFFFE0C0  }
0x46: {  	[spmem:s2] =	stream.indirect.scatter.add.f32 [tilespmem:s20], [sflag:$0x6], $0x40, s24, s17, $0xb8;
	[tilespmem:$0x1ED40] =	vst v63  }
0x47: {  	_ =	swait.ge [sflag:s29], $0x1F40  }
0x48: {  	[sflag:s29] =	ssyncset.done $0x0  }
0x49: {  	s30 =	simm.s32 $0x200;
	[sflag:s29] =	ssyncadd.s32 $0xFFFFE0C0  }
0x4a: {  	[tilespmem:s18], [sflag:$0x1] =	stream.indirect.gather [hbm4b:s4+s17], $0x40, s30, s17, $0xb8;
	[tilespmem:$0x1ED40] =	vst v63  }
0x4b: {  	_ =	swait.ge [sflag:s31], $0x1F40  }
0x4c: {  	[sflag:s31] =	ssyncset.done $0x0  }
0x4d: {  	s24 =	simm.s32 $0x5100;
	[sflag:s31] =	ssyncadd.s32 $0xFFFFE0C0  }
0x4e: {  	[spmem:s2] =	stream.indirect.scatter.add.f32 [tilespmem:s22], [sflag:$0x7], $0x40, s24, s17, $0xb8;
	[tilespmem:$0x1ED40] =	vst v63  }
0x4f: {  	_ =	swait.ge [sflag:s19], $0x1F40  }
0x50: {  	[sflag:s19] =	ssyncset.done $0x0  }
0x51: {  	s30 =	simm.s32 $0x280;
	[sflag:s19] =	ssyncadd.s32 $0xFFFFE0C0  }
0x52: {  	[tilespmem:s20], [sflag:$0x2] =	stream.indirect.gather [hbm4b:s4+s17], $0x40, s30, s17, $0xb8;
	[tilespmem:$0x1ED40] =	vst v63  }
0x53: {  	_ =	swait.ge [sflag:s1], $0x1F40  }
0x54: {  	[sflag:s1] =	ssyncset.done $0x0  }
0x55: {  	s24 =	simm.s32 $0x5180;
	[sflag:s1] =	ssyncadd.s32 $0xFFFFE0C0  }
0x56: {  	[spmem:s2] =	stream.indirect.scatter.add.f32 [tilespmem:s25], [sflag:$0x8], $0x40, s24, s17, $0xb8;
	[tilespmem:$0x1ED40] =	vst v63  }
0x57: {  	_ =	swait.ge [sflag:s28], $0x1F40  }
0x58: {  	[sflag:s28] =	ssyncset.done $0x0  }
0x59: {  	s30 =	simm.s32 $0x300;
	[sflag:s28] =	ssyncadd.s32 $0xFFFFE0C0  }
0x5a: {  	[tilespmem:s22], [sflag:$0x3] =	stream.indirect.gather [hbm4b:s4+s17], $0x40, s30, s17, $0xb8;
	[tilespmem:$0x1ED40] =	vst v63  }
0x5b: {  	_ =	swait.ge [sflag:s23], $0x1F40  }
0x5c: {  	[sflag:s23] =	ssyncset.done $0x0  }
0x5d: {  	s24 =	simm.s32 $0x5200;
	[sflag:s23] =	ssyncadd.s32 $0xFFFFE0C0  }
0x5e: {  	[spmem:s2] =	stream.indirect.scatter.add.f32 [tilespmem:s18], [sflag:$0x5], $0x40, s24, s17, $0xb8;
	[tilespmem:$0x1ED40] =	vst v63  }
0x5f: {  	_ =	swait.ge [sflag:s21], $0x1F40  }
0x60: {  	[sflag:s21] =	ssyncset.done $0x0  }
0x61: {  	s30 =	simm.s32 $0x380;
	[sflag:s21] =	ssyncadd.s32 $0xFFFFE0C0  }
0x62: {  	[tilespmem:s25], [sflag:$0x4] =	stream.indirect.gather [hbm4b:s4+s17], $0x40, s30, s17, $0xb8;
	[tilespmem:$0x1ED40] =	vst v63  }
0x63: {  	_ =	swait.ge [sflag:s26], $0x1F40  }
0x64: {  	[sflag:s26] =	ssyncset.done $0x0  }
0x65: {  	s24 =	simm.s32 $0x5280;
	[sflag:s26] =	ssyncadd.s32 $0xFFFFE0C0  }
0x66: {  	[spmem:s2] =	stream.indirect.scatter.add.f32 [tilespmem:s20], [sflag:$0x6], $0x40, s24, s17, $0xb8;
	[tilespmem:$0x1ED40] =	vst v63  }
0x67: {  	_ =	swait.ge [sflag:s29], $0x1F40  }
0x68: {  	[sflag:s29] =	ssyncset.done $0x0  }
0x69: {  	s30 =	simm.s32 $0x400;
	[sflag:s29] =	ssyncadd.s32 $0xFFFFE0C0  }
0x6a: {  	[tilespmem:s18], [sflag:$0x1] =	stream.indirect.gather [hbm4b:s4+s17], $0x40, s30, s17, $0xb8;
	[tilespmem:$0x1ED40] =	vst v63  }
0x6b: {  	_ =	swait.ge [sflag:s31], $0x1F40  }
0x6c: {  	[sflag:s31] =	ssyncset.done $0x0  }
0x6d: {  	s24 =	simm.s32 $0x5300;
	[sflag:s31] =	ssyncadd.s32 $0xFFFFE0C0  }
0x6e: {  	[spmem:s2] =	stream.indirect.scatter.add.f32 [tilespmem:s22], [sflag:$0x7], $0x40, s24, s17, $0xb8;
	[tilespmem:$0x1ED40] =	vst v63  }
0x6f: {  	_ =	swait.ge [sflag:s19], $0x1F40  }
0x70: {  	[sflag:s19] =	ssyncset.done $0x0  }
0x71: {  	s30 =	simm.s32 $0x480;
	[sflag:s19] =	ssyncadd.s32 $0xFFFFE0C0  }
0x72: {  	[tilespmem:s20], [sflag:$0x2] =	stream.indirect.gather [hbm4b:s4+s17], $0x40, s30, s17, $0xb8;
	[tilespmem:$0x1ED40] =	vst v63  }
0x73: {  	_ =	swait.ge [sflag:s1], $0x1F40  }
0x74: {  	[sflag:s1] =	ssyncset.done $0x0  }
0x75: {  	s24 =	simm.s32 $0x5380;
	[sflag:s1] =	ssyncadd.s32 $0xFFFFE0C0  }
0x76: {  	[spmem:s2] =	stream.indirect.scatter.add.f32 [tilespmem:s25], [sflag:$0x8], $0x40, s24, s17, $0xb8;
	[tilespmem:$0x1ED40] =	vst v63  }
0x77: {  	_ =	swait.ge [sflag:s28], $0x1F40  }
0x78: {  	[sflag:s28] =	ssyncset.done $0x0  }
0x79: {  	s30 =	simm.s32 $0x500;
	[sflag:s28] =	ssyncadd.s32 $0xFFFFE0C0  }
0x7a: {  	[tilespmem:s22], [sflag:$0x3] =	stream.indirect.gather [hbm4b:s4+s17], $0x40, s30, s17, $0xb8;
	[tilespmem:$0x1ED40] =	vst v63  }
0x7b: {  	_ =	swait.ge [sflag:s23], $0x1F40  }
0x7c: {  	[sflag:s23] =	ssyncset.done $0x0  }
0x7d: {  	s24 =	simm.s32 $0x5400;
	[sflag:s23] =	ssyncadd.s32 $0xFFFFE0C0  }
0x7e: {  	[spmem:s2] =	stream.indirect.scatter.add.f32 [tilespmem:s18], [sflag:$0x5], $0x40, s24, s17, $0xb8;
	[tilespmem:$0x1ED40] =	vst v63  }
0x7f: {  	_ =	swait.ge [sflag:s21], $0x1F40  }
0x80: {  	[sflag:s21] =	ssyncset.done $0x0  }
0x81: {  	s30 =	simm.s32 $0x580;
	[sflag:s21] =	ssyncadd.s32 $0xFFFFE0C0  }
0x82: {  	[tilespmem:s25], [sflag:$0x4] =	stream.indirect.gather [hbm4b:s4+s17], $0x40, s30, s17, $0xb8;
	[tilespmem:$0x1ED40] =	vst v63  }
0x83: {  	_ =	swait.ge [sflag:s26], $0x1F40  }
0x84: {  	[sflag:s26] =	ssyncset.done $0x0  }
0x85: {  	s0 =	simm.s32 $0x800;
	s24 =	simm.s32 $0x5480;
	[sflag:s26] =	ssyncadd.s32 $0xFFFFE0C0  }
.LBB2_4:
0x86: {  	[spmem:s2] =	stream.indirect.scatter.add.f32 [tilespmem:s20], [sflag:$0x6], $0x40, s24, s17, $0xb8;
	[tilespmem:$0x1ED40] =	vst v63  }
0x87: {  	s24 =	smov.u32 s0;
	s0 =	sadd.s32 $0x800, s0;
	_ =	swait.ge [sflag:s29], $0x1F40  }
0x88: {  	s24 =	sshra.s32 s24, $0x2;
	p1 =	sne.s32 s0, $0x13000;
	[sflag:s29] =	ssyncset.done $0x0  }
0x89: {  	s30 =	sadd.s32 $0x400, s24;
	[sflag:s29] =	ssyncadd.s32 $0xFFFFE0C0  }
0x8a: {  	[tilespmem:s18], [sflag:$0x1] =	stream.indirect.gather [hbm4b:s4+s17], $0x40, s30, s17, $0xb8;
	[tilespmem:$0x1ED40] =	vst v63  }
0x8b: {  	_ =	swait.ge [sflag:s31], $0x1F40  }
0x8c: {  	[sflag:s31] =	ssyncset.done $0x0  }
0x8d: {  	s30 =	sadd.s32 $0x5300, s24;
	[sflag:s31] =	ssyncadd.s32 $0xFFFFE0C0  }
0x8e: {  	[spmem:s2] =	stream.indirect.scatter.add.f32 [tilespmem:s22], [sflag:$0x7], $0x40, s30, s17, $0xb8;
	[tilespmem:$0x1ED40] =	vst v63  }
0x8f: {  	_ =	swait.ge [sflag:s19], $0x1F40  }
0x90: {  	[sflag:s19] =	ssyncset.done $0x0  }
0x91: {  	s30 =	sadd.s32 $0x480, s24;
	[sflag:s19] =	ssyncadd.s32 $0xFFFFE0C0  }
0x92: {  	[tilespmem:s20], [sflag:$0x2] =	stream.indirect.gather [hbm4b:s4+s17], $0x40, s30, s17, $0xb8;
	[tilespmem:$0x1ED40] =	vst v63  }
0x93: {  	_ =	swait.ge [sflag:s1], $0x1F40  }
0x94: {  	[sflag:s1] =	ssyncset.done $0x0  }
0x95: {  	s30 =	sadd.s32 $0x5380, s24;
	[sflag:s1] =	ssyncadd.s32 $0xFFFFE0C0  }
0x96: {  	[spmem:s2] =	stream.indirect.scatter.add.f32 [tilespmem:s25], [sflag:$0x8], $0x40, s30, s17, $0xb8;
	[tilespmem:$0x1ED40] =	vst v63  }
0x97: {  	_ =	swait.ge [sflag:s28], $0x1F40  }
0x98: {  	[sflag:s28] =	ssyncset.done $0x0  }
0x99: {  	s30 =	sadd.s32 $0x500, s24;
	[sflag:s28] =	ssyncadd.s32 $0xFFFFE0C0  }
0x9a: {  	[tilespmem:s22], [sflag:$0x3] =	stream.indirect.gather [hbm4b:s4+s17], $0x40, s30, s17, $0xb8;
	[tilespmem:$0x1ED40] =	vst v63  }
0x9b: {  	_ =	swait.ge [sflag:s23], $0x1F40  }
0x9c: {  	[sflag:s23] =	ssyncset.done $0x0  }
0x9d: {  	s30 =	sadd.s32 $0x5400, s24;
	[sflag:s23] =	ssyncadd.s32 $0xFFFFE0C0  }
0x9e: {  	[spmem:s2] =	stream.indirect.scatter.add.f32 [tilespmem:s18], [sflag:$0x5], $0x40, s30, s17, $0xb8;
	[tilespmem:$0x1ED40] =	vst v63  }
0x9f: {  	_ =	swait.ge [sflag:s21], $0x1F40  }
0xa0: {  	[sflag:s21] =	ssyncset.done $0x0  }
.Ltmp1:
0xa1: {  	s30 =	sadd.s32 $0x580, s24;
	[sflag:s21] =	ssyncadd.s32 $0xFFFFE0C0;
	(pc) =	sbr.rel @p1 .LBB2_4-.Ltmp1, $4  }
0xa2: {  	[tilespmem:s25], [sflag:$0x4] =	stream.indirect.gather [hbm4b:s4+s17], $0x40, s30, s17, $0xb8;
	[tilespmem:$0x1ED40] =	vst v63  }
0xa3: {  	_ =	swait.ge [sflag:s26], $0x1F40  }
0xa4: {  	[sflag:s26] =	ssyncset.done $0x0  }
0xa5: {  	s24 =	sadd.s32 $0x5480, s24;
	[sflag:s26] =	ssyncadd.s32 $0xFFFFE0C0  }
0xa6: {  	[spmem:s2] =	stream.indirect.scatter.add.f32 [tilespmem:s20], [sflag:$0x6], $0x40, s24, s17, $0xb8;
	[tilespmem:$0x1ED40] =	vst v63  }
0xa7: {  	_ =	swait.ge [sflag:s31], $0x1F40  }
0xa8: {  	s0 =	sshra.s32 s0, $0x2;
	[sflag:s31] =	ssyncset.done $0x0  }
0xa9: {  	s30 =	sadd.s32 $0x5300, s0;
	[sflag:s31] =	ssyncadd.s32 $0xFFFFE0C0  }
0xaa: {  	[spmem:s2] =	stream.indirect.scatter.add.f32 [tilespmem:s22], [sflag:$0x7], $0x40, s30, s17, $0xb8;
	[tilespmem:$0x1ED40] =	vst v63  }
0xab: {  	_ =	swait.ge [sflag:s1], $0x1F40  }
0xac: {  	[sflag:s1] =	ssyncset.done $0x0  }
0xad: {  	s0 =	sadd.s32 $0x5380, s0;
	[sflag:s1] =	ssyncadd.s32 $0xFFFFE0C0  }
0xae: {  	[spmem:s2] =	stream.indirect.scatter.add.f32 [tilespmem:s25], [sflag:$0x8], $0x40, s0, s17, $0xb8;
	[tilespmem:$0x1ED40] =	vst v63  }
0xaf: {  	_ =	swait.ge [sflag:s29], $0x1F40  }
0xb0: {  	[sflag:s29] =	ssyncset.done $0x0  }
0xb1: {  	[sflag:s29] =	ssyncadd.s32 $0xFFFFE0C0  }
0xb2: {  	_ =	swait.ge [sflag:s19], $0x1F40  }
0xb3: {  	[sflag:s19] =	ssyncset.done $0x0  }
0xb4: {  	[sflag:s19] =	ssyncadd.s32 $0xFFFFE0C0  }
0xb5: {  	_ =	swait.ge [sflag:s28], $0x1F40  }
0xb6: {  	[sflag:s28] =	ssyncset.done $0x0  }
0xb7: {  	[sflag:s28] =	ssyncadd.s32 $0xFFFFE0C0  }
0xb8: {  	_ =	swait.ge [sflag:s21], $0x1F40  }
0xb9: {  	s24 =	stileid.u32;
	[sflag:s21] =	ssyncset.done $0x0  }
0xba: {  	s0 =	sshll.u32 s24, $0x6;
	[sflag:s21] =	ssyncadd.s32 $0xFFFFE0C0  }
0xbb: {  	s30 =	sshrl.u32 s5, $0x3;
	s0 =	sor.u32 $0x1C09, s0;
	[bflag:$0x0] =	sbarrier.arrive $0xFFFF  }
0xbc: {  	[hbm:s11], [sflag:s0] =	dma.local [spmem:s30], $0x1380  }
0xbd: {  	_ =	swait.ge [sflag:s15], $0x1380  }
0xbe: {  	s3 =	sadd.s32 $0x1, s3;
	[sflag:s15] =	ssyncset.done $0x0  }
0xbf: {  	p1 =	sne.s32 s3, s13;
	s24 =	sshrl.u32 @!p0 s8, $0x3;
	[sflag:s15] =	ssyncadd.s32 $0xFFFFEC80  }
0xc0: {  	[hbm:s12], [sflag:s0] =	dma.local @!p0 [spmem:s24], $0x80  }
.Ltmp2:
0xc1: {  	_ = 	snop;
	(pc) =	sbr.rel @p1 .LBB2_1-.Ltmp2, $4  }
0xc2: {  	s0 =	simm.s32 @!p0 $0x9  }
0xc3: {  	_ =	swait.ge @!p0 [sflag:s0], $0x80  }
0xc4: {  	[sflag:s0] =	ssyncset.done @!p0 $0x0  }
0xc5: {  	[sflag:s0] =	ssyncadd.s32 @!p0 $0xFFFFFF80  }
0xc6: {  	_ =	sfence.sel $0x180000  }
0xc7: {  	[bflag:$0x0] =	sbarrier.arrive $0xFFFF  }
0xc8: {  	_ =	strace $0x90000053  }
0xc9: {  	s0 =	stileid.u32;
	[bflag:$0x2] =	sbarrier.arrive $0xFFFF  }
0xca: {  	p0 =	sne.s32 s0, $0x0;
	s0 =	rddreg [dreg:$0x2]  }
0xcb: {  	s0 =	sadd.s32 @!p0 $0x100000, s0  }
0xcc: {  	[sflag:s0] =	ssyncadd.tile.s32 @!p0 $0x1;
	_ =	shalt  }
.Lfunc_end2:
_tile_overlayer_lowered:
.L_overlay_start_2:
0xcd: {  	(tag) =	ssettag $0x2  }
0xce: {  	s0 =	rddreg [dreg:$0x0];
	s2 =	stileid.u32  }
0xcf: {  	s1 =	rddreg [dreg:$0x1];
	p0 =	sne.s32 s2, $0x0  }
0xd0: {  	s3 =	rddreg [dreg:$0x2];
	[bflag:$0x3] =	sbarrier.arrive $0xFFFF;
	s2 =	simm.s32 @!p0 $0x1C09  }
0xd1: {  	[timem:s3], [sflag:s2] =	dma.local @!p0 [hbm:s0], s1  }
0xd2: {  	s0 =	simm.s32 @!p0 $0x9  }
0xd3: {  	_ =	swait.ge @!p0 [sflag:s0], s1  }
0xd4: {  	s1 =	ssub.s32 @!p0 $0x0, s1;
	[sflag:s0] =	ssyncset.done @!p0 $0x0  }
0xd5: {  	[sflag:s0] =	ssyncadd.s32 @!p0 s1  }
0xd6: {  	[bflag:$0x3] =	sbarrier.arrive $0xFFFF  }
0xd7: {  	_ =	shalt  }

</sc_bundles>
